<compile_context>
chip_gen: v7x
topology: tpu7x:2x2x1
jax: 0.10.2.dev20260603
libtpu: 0.0.44.dev20260713+nightly
codegen_flags: <defaults>
</compile_context>

<pallas_src>
import functools

import jax
import jax.numpy as jnp
from jax import lax
from jax.experimental import pallas as pl
from jax.experimental.pallas import tpu as pltpu
from jax.experimental.pallas import tpu_sc as plsc

N = 10000
E = 320000
NPAD = 10240
B = 80
ROWS = E // B
NC, NS = 2, 16
NW = NC * NS
CPT = ROWS // NW
NBUF = 5
SLICE = NPAD // NS
BN = 10240
GRID = NPAD // BN



def _sc_mesh():
    return plsc.VectorSubcoreMesh(core_axis_name="c", subcore_axis_name="s")


def _deg_call(e4, zeros1):

    @functools.partial(
        pl.kernel,
        out_type=jax.ShapeDtypeStruct((NC, NPAD), jnp.float32),
        mesh=_sc_mesh(),
        scratch_types=[
            pltpu.VMEM((CPT, B), jnp.int32),
            pltpu.VMEM((B,), jnp.float32),
            pltpu.VMEM_SHARED((NPAD,), jnp.float32),
        ],
    )
    def deg_kernel(e4_hbm, zeros_hbm, out_hbm, idx_v, ones_v, acc):
        c = lax.axis_index("c")
        sid = lax.axis_index("s")
        w = c * NS + sid
        pltpu.sync_copy(e4_hbm.at[1, w], idx_v)
        for j in range(B // 16):
            ones_v[pl.ds(j * 16, 16)] = jnp.ones((16,), jnp.float32)
        pltpu.sync_copy(zeros_hbm.at[pl.ds(sid * SLICE, SLICE)],
                        acc.at[pl.ds(sid * SLICE, SLICE)])
        plsc.subcore_barrier()

        def body(k, carry):
            pltpu.sync_copy(ones_v, acc.at[idx_v.at[k]], add=True)
            return carry

        lax.fori_loop(0, CPT, body, 0)
        plsc.subcore_barrier()
        pltpu.sync_copy(acc.at[pl.ds(sid * SLICE, SLICE)],
                        out_hbm.at[c, pl.ds(sid * SLICE, SLICE)])

    return deg_kernel(e4, zeros1)


def _agg_call(hp, e4, zeros2, F):

    @functools.partial(
        pl.kernel,
        out_type=jax.ShapeDtypeStruct((NC, NPAD, F), jnp.float32),
        mesh=_sc_mesh(),
        scratch_types=[
            pltpu.VMEM((CPT, B), jnp.int32),
            pltpu.VMEM((CPT, B), jnp.int32),
            pltpu.VMEM((NBUF, B, F), jnp.float32),
            pltpu.VMEM_SHARED((NPAD, F), jnp.float32),
        ] + [pltpu.SemaphoreType.DMA] * NBUF,
        compiler_params=pltpu.CompilerParams(use_tc_tiling_on_sc=False),
    )
    def agg_kernel(hp_hbm, e4_hbm, zeros_hbm, out_hbm,
                   srcv, dstv, rows_v, acc, s0, s1, s2, s3, s4):
        sems = (s0, s1, s2, s3, s4)
        c = lax.axis_index("c")
        sid = lax.axis_index("s")
        w = c * NS + sid
        pltpu.sync_copy(e4_hbm.at[0, w], srcv)
        pltpu.sync_copy(e4_hbm.at[1, w], dstv)
        pltpu.sync_copy(zeros_hbm.at[pl.ds(sid * SLICE, SLICE)],
                        acc.at[pl.ds(sid * SLICE, SLICE)])
        plsc.subcore_barrier()

        for b in range(NBUF):
            pltpu.async_copy(hp_hbm.at[srcv.at[b]], rows_v.at[b], sems[b])

        def group(g, carry):
            for b in range(NBUF):
                k = g * NBUF + b
                pltpu.make_async_copy(
                    hp_hbm.at[srcv.at[k]], rows_v.at[b], sems[b]).wait()
                pltpu.sync_copy(rows_v.at[b], acc.at[dstv.at[k]], add=True)
                pltpu.async_copy(
                    hp_hbm.at[srcv.at[k + NBUF]], rows_v.at[b], sems[b])
            return carry

        lax.fori_loop(0, CPT // NBUF - 1, group, 0)
        for b in range(NBUF):
            k = CPT - NBUF + b
            pltpu.make_async_copy(
                hp_hbm.at[srcv.at[k]], rows_v.at[b], sems[b]).wait()
            pltpu.sync_copy(rows_v.at[b], acc.at[dstv.at[k]], add=True)
        plsc.subcore_barrier()
        pltpu.sync_copy(acc.at[pl.ds(sid * SLICE, SLICE)],
                        out_hbm.at[c, pl.ds(sid * SLICE, SLICE)])

    return agg_kernel(hp, e4, zeros2)



def _tc1_body(x_ref, w_ref, deg_ref, hp_ref, dinv_ref):
    deg = deg_ref[0:1, :] + deg_ref[1:2, :] + 1.0
    dv = jnp.transpose(lax.rsqrt(deg))
    h = jnp.dot(x_ref[...], w_ref[...], preferred_element_type=jnp.float32)
    hp_ref[...] = h * dv
    dinv_ref[...] = dv


def _tc1_call(x, W1, deg2, Fin, F):
    return pl.pallas_call(
        _tc1_body,
        grid=(GRID,),
        in_specs=[
            pl.BlockSpec((BN, Fin), lambda i: (i, 0)),
            pl.BlockSpec((Fin, F), lambda i: (0, 0)),
            pl.BlockSpec((NC, BN), lambda i: (0, i)),
        ],
        out_specs=[
            pl.BlockSpec((BN, F), lambda i: (i, 0)),
            pl.BlockSpec((BN, 1), lambda i: (i, 0)),
        ],
        out_shape=[
            jax.ShapeDtypeStruct((NPAD, F), jnp.float32),
            jax.ShapeDtypeStruct((NPAD, 1), jnp.float32),
        ],
    )(x, W1, deg2)


def _tc_mid_body(agg_ref, hprev_ref, dinv_ref, w_ref, b_ref, hp_ref):
    dv = dinv_ref[...]
    a = agg_ref[0] + agg_ref[1] + hprev_ref[...]
    xl = jnp.maximum(dv * a + b_ref[...], 0.0)
    h = jnp.dot(xl, w_ref[...], preferred_element_type=jnp.float32)
    hp_ref[...] = h * dv


def _tc_mid_call(aggp, hprev, dinv, W, b, Fp, F):
    return pl.pallas_call(
        _tc_mid_body,
        grid=(GRID,),
        in_specs=[
            pl.BlockSpec((NC, BN, Fp), lambda i: (0, i, 0)),
            pl.BlockSpec((BN, Fp), lambda i: (i, 0)),
            pl.BlockSpec((BN, 1), lambda i: (i, 0)),
            pl.BlockSpec((Fp, F), lambda i: (0, 0)),
            pl.BlockSpec((1, Fp), lambda i: (0, 0)),
        ],
        out_specs=pl.BlockSpec((BN, F), lambda i: (i, 0)),
        out_shape=jax.ShapeDtypeStruct((NPAD, F), jnp.float32),
    )(aggp, hprev, dinv, W, b)


def _tc_fin_body(agg_ref, h4_ref, dinv_ref, b_ref, out_ref):
    dv = dinv_ref[...]
    a = agg_ref[0] + agg_ref[1] + h4_ref[...]
    o = dv * a + b_ref[...]
    v = o[:, 0:3]
    m = jnp.max(v, axis=1, keepdims=True)
    s = jnp.sum(jnp.exp(v - m), axis=1, keepdims=True)
    out_ref[...] = v - m - jnp.log(s)


def _tc_fin_call(aggp, h4, dinv, b4p, Fp):
    return pl.pallas_call(
        _tc_fin_body,
        grid=(GRID,),
        in_specs=[
            pl.BlockSpec((NC, BN, Fp), lambda i: (0, i, 0)),
            pl.BlockSpec((BN, Fp), lambda i: (i, 0)),
            pl.BlockSpec((BN, 1), lambda i: (i, 0)),
            pl.BlockSpec((1, Fp), lambda i: (0, 0)),
        ],
        out_specs=pl.BlockSpec((BN, 3), lambda i: (i, 0)),
        out_shape=jax.ShapeDtypeStruct((NPAD, 3), jnp.float32),
    )(aggp, h4, dinv, b4p)



def kernel(x, edge_index, W1, b1, W2, b2, W3, b3, W4, b4):
    f32 = jnp.float32
    e4 = edge_index.reshape(2, NW, CPT, B)
    xp = jnp.pad(x, ((0, NPAD - N), (0, 0)))

    W4p = jnp.zeros((64, 16), f32).at[:, 0:3].set(W4)
    b4p = jnp.zeros((1, 16), f32).at[0, 0:3].set(b4)

    zeros1 = jnp.zeros((NPAD,), f32)
    zf = {F: jnp.zeros((NPAD, F), f32) for F in (16, 32, 64)}

    deg2 = _deg_call(e4, zeros1)

    h1p, dinv = _tc1_call(xp, W1, deg2, 128, 16)
    a1 = _agg_call(h1p, e4, zf[16], 16)
    h2p = _tc_mid_call(a1, h1p, dinv, W2, b1.reshape(1, 16), 16, 32)
    a2 = _agg_call(h2p, e4, zf[32], 32)
    h3p = _tc_mid_call(a2, h2p, dinv, W3, b2.reshape(1, 32), 32, 64)
    a3 = _agg_call(h3p, e4, zf[64], 64)
    h4p = _tc_mid_call(a3, h3p, dinv, W4p, b3.reshape(1, 64), 64, 16)
    a4 = _agg_call(h4p, e4, zf[16], 16)
    out = _tc_fin_call(a4, h4p, dinv, b4p, 16)

    return out[:N]

# --- scband reference (transcript-rebuilt; emitter-appended) ---
"""Pipeline reference for scband-net-56968446214333 (READ-ONLY COPY).

The authoritative reference and input builder live on the scoring server;
editing this copy changes nothing except your own understanding.
"""

import jax, jax.numpy as jnp
import numpy as np

N = 10000
E = 320000
D_IN = 128


def gcn_conv(x, edge_index, W, b, n):
    # PyG GCNConv: add self-loops, symmetric normalization, linear transform, scatter-add aggregate
    src = edge_index[0]
    dst = edge_index[1]
    loop = jnp.arange(n, dtype=src.dtype)
    src = jnp.concatenate([src, loop])
    dst = jnp.concatenate([dst, loop])
    deg = jnp.zeros((n,), dtype=x.dtype).at[dst].add(1.0)
    dinv = jnp.where(deg > 0, jax.lax.rsqrt(deg), 0.0)
    norm = dinv[src] * dinv[dst]
    h = x @ W
    msg = h[src] * norm[:, None]
    out = jnp.zeros((n, W.shape[1]), dtype=x.dtype).at[dst].add(msg)
    return out + b


def setup_inputs(seed: int = 0):
    key = jax.random.key(seed)
    ks = jax.random.split(key, 10)
    x = jax.random.normal(ks[0], (N, D_IN), dtype=jnp.float32)
    edge_index = jax.random.randint(ks[1], (2, E), 0, N, dtype=jnp.int32)
    dims = [(D_IN, 16), (16, 32), (32, 64), (64, 3)]
    params = {}
    for i, (fi, fo) in enumerate(dims):
        params[f"W{i+1}"] = jax.random.normal(ks[2 + 2 * i], (fi, fo), dtype=jnp.float32) * (1.0 / np.sqrt(fi))
        params[f"b{i+1}"] = jnp.zeros((fo,), dtype=jnp.float32)
    return {"x": x, "edge_index": edge_index, **params}


def reference(x, edge_index, W1, b1, W2, b2, W3, b3, W4, b4):
    n = x.shape[0]
    h = jax.nn.relu(gcn_conv(x, edge_index, W1, b1, n))
    h = jax.nn.relu(gcn_conv(h, edge_index, W2, b2, n))
    h = jax.nn.relu(gcn_conv(h, edge_index, W3, b3, n))
    h = gcn_conv(h, edge_index, W4, b4, n)
    return jax.nn.log_softmax(h, axis=1)

if __name__ == "__main__":
    import jax
    _d = setup_inputs()
    print(jax.jit(kernel)(*tuple(_d.values())))

</pallas_src>

<mosaic_0001>
#map = affine_map<(d0, d1) -> (0, 0)>
#map1 = affine_map<(d0, d1) -> (0, 0, 0, 0)>
#map2 = affine_map<(d0, d1) -> (0, 0, 0)>
module attributes {stable_mosaic.version = 14 : i64} {
  func.func @agg_kernel(%arg0: i32, %arg1: i32, %arg2: memref<10240x16xf32, #tpu.memory_space<hbm>>, %arg3: memref<2x32x125x80xi32, #tpu.memory_space<hbm>>, %arg4: memref<10240x16xf32, #tpu.memory_space<hbm>>, %arg5: memref<2x10240x16xf32, #tpu.memory_space<hbm>>, %arg6: memref<125x80xi32, #tpu.memory_space<vmem>>, %arg7: memref<125x80xi32, #tpu.memory_space<vmem>>, %arg8: memref<5x80x16xf32, #tpu.memory_space<vmem>>, %arg9: memref<10240x16xf32, #tpu.memory_space<vmem_shared>>, %arg10: memref<!tpu.dma_semaphore, #tpu.memory_space<semaphore_mem>>, %arg11: memref<!tpu.dma_semaphore, #tpu.memory_space<semaphore_mem>>, %arg12: memref<!tpu.dma_semaphore, #tpu.memory_space<semaphore_mem>>, %arg13: memref<!tpu.dma_semaphore, #tpu.memory_space<semaphore_mem>>, %arg14: memref<!tpu.dma_semaphore, #tpu.memory_space<semaphore_mem>>) attributes {dimension_semantics = [#tpu.dimension_semantics<core_parallel>, #tpu.dimension_semantics<subcore_parallel>], iteration_bounds = array<i64: 2, 16>, scalar_prefetch = 0 : i64, scratch_operands = 9 : i64, tpu.core_type = #tpu.core_type<sc_vector_subcore>, window_params = [{transform_indices = #map}, {transform_indices = #map1}, {transform_indices = #map}, {transform_indices = #map2}]} {
    %mul3A = arith.constant 16 : i32
    %mul3A_0 = arith.muli %arg0, %mul3A : i32
    %add3A = arith.addi %mul3A_0, %arg1 : i32
    %run_scoped3A = arith.constant 0 : i32
    "tpu.region"() ({
      %run_scoped3A_144 = tpu.sem_alloc : memref<!tpu.dma_semaphore, #tpu.memory_space<semaphore_mem>>
      %dma_start3A_145 = arith.constant 0 : i32
      %dma_start3A_146 = arith.constant 0 : i32
      %dma_start3A_147 = tpu.memref_slice %arg3[%run_scoped3A, %add3A, %dma_start3A_145, %dma_start3A_146] : memref<2x32x125x80xi32, #tpu.memory_space<hbm>> -> memref<1x1x125x80xi32, #tpu.memory_space<hbm>>
      %dma_start3A_148 = tpu.memref_squeeze %dma_start3A_147 : memref<1x1x125x80xi32, #tpu.memory_space<hbm>> -> memref<125x80xi32, #tpu.memory_space<hbm>>
      %dma_start3A_149 = arith.constant 0 : i32
      %dma_start3A_150 = arith.constant 0 : i32
      %dma_start3A_151 = tpu.memref_slice %arg3[%run_scoped3A, %add3A, %dma_start3A_149, %dma_start3A_150] : memref<2x32x125x80xi32, #tpu.memory_space<hbm>> -> memref<1x1x125x80xi32, #tpu.memory_space<hbm>>
      %dma_start3A_152 = tpu.memref_squeeze %dma_start3A_151 : memref<1x1x125x80xi32, #tpu.memory_space<hbm>> -> memref<125x80xi32, #tpu.memory_space<hbm>>
      tpu.enqueue_dma source(%dma_start3A_152 : memref<125x80xi32, #tpu.memory_space<hbm>>) target(%arg6 : memref<125x80xi32, #tpu.memory_space<vmem>>) target_semaphore(%run_scoped3A_144 : memref<!tpu.dma_semaphore, #tpu.memory_space<semaphore_mem>>)
      %dma_wait3A_153 = arith.constant 0 : i32
      %dma_wait3A_154 = arith.constant 0 : i32
      %dma_wait3A_155 = tpu.memref_slice %arg3[%run_scoped3A, %add3A, %dma_wait3A_153, %dma_wait3A_154] : memref<2x32x125x80xi32, #tpu.memory_space<hbm>> -> memref<1x1x125x80xi32, #tpu.memory_space<hbm>>
      %dma_wait3A_156 = tpu.memref_squeeze %dma_wait3A_155 : memref<1x1x125x80xi32, #tpu.memory_space<hbm>> -> memref<125x80xi32, #tpu.memory_space<hbm>>
      %dma_wait3A_157 = arith.constant 0 : i32
      %dma_wait3A_158 = arith.constant 0 : i32
      %dma_wait3A_159 = tpu.memref_slice %arg3[%run_scoped3A, %add3A, %dma_wait3A_157, %dma_wait3A_158] : memref<2x32x125x80xi32, #tpu.memory_space<hbm>> -> memref<1x1x125x80xi32, #tpu.memory_space<hbm>>
      %dma_wait3A_160 = tpu.memref_squeeze %dma_wait3A_159 : memref<1x1x125x80xi32, #tpu.memory_space<hbm>> -> memref<125x80xi32, #tpu.memory_space<hbm>>
      tpu.wait_dma2 semaphore(%run_scoped3A_144 : memref<!tpu.dma_semaphore, #tpu.memory_space<semaphore_mem>>) src(%dma_wait3A_160 : memref<125x80xi32, #tpu.memory_space<hbm>>) dst(%arg6 : memref<125x80xi32, #tpu.memory_space<vmem>>)
      tpu.yield
    }) : () -> ()
    %run_scoped3A_1 = arith.constant 1 : i32
    "tpu.region"() ({
      %run_scoped3A_144 = tpu.sem_alloc : memref<!tpu.dma_semaphore, #tpu.memory_space<semaphore_mem>>
      %dma_start3A_145 = arith.constant 0 : i32
      %dma_start3A_146 = arith.constant 0 : i32
      %dma_start3A_147 = tpu.memref_slice %arg3[%run_scoped3A_1, %add3A, %dma_start3A_145, %dma_start3A_146] : memref<2x32x125x80xi32, #tpu.memory_space<hbm>> -> memref<1x1x125x80xi32, #tpu.memory_space<hbm>>
      %dma_start3A_148 = tpu.memref_squeeze %dma_start3A_147 : memref<1x1x125x80xi32, #tpu.memory_space<hbm>> -> memref<125x80xi32, #tpu.memory_space<hbm>>
      %dma_start3A_149 = arith.constant 0 : i32
      %dma_start3A_150 = arith.constant 0 : i32
      %dma_start3A_151 = tpu.memref_slice %arg3[%run_scoped3A_1, %add3A, %dma_start3A_149, %dma_start3A_150] : memref<2x32x125x80xi32, #tpu.memory_space<hbm>> -> memref<1x1x125x80xi32, #tpu.memory_space<hbm>>
      %dma_start3A_152 = tpu.memref_squeeze %dma_start3A_151 : memref<1x1x125x80xi32, #tpu.memory_space<hbm>> -> memref<125x80xi32, #tpu.memory_space<hbm>>
      tpu.enqueue_dma source(%dma_start3A_152 : memref<125x80xi32, #tpu.memory_space<hbm>>) target(%arg7 : memref<125x80xi32, #tpu.memory_space<vmem>>) target_semaphore(%run_scoped3A_144 : memref<!tpu.dma_semaphore, #tpu.memory_space<semaphore_mem>>)
      %dma_wait3A_153 = arith.constant 0 : i32
      %dma_wait3A_154 = arith.constant 0 : i32
      %dma_wait3A_155 = tpu.memref_slice %arg3[%run_scoped3A_1, %add3A, %dma_wait3A_153, %dma_wait3A_154] : memref<2x32x125x80xi32, #tpu.memory_space<hbm>> -> memref<1x1x125x80xi32, #tpu.memory_space<hbm>>
      %dma_wait3A_156 = tpu.memref_squeeze %dma_wait3A_155 : memref<1x1x125x80xi32, #tpu.memory_space<hbm>> -> memref<125x80xi32, #tpu.memory_space<hbm>>
      %dma_wait3A_157 = arith.constant 0 : i32
      %dma_wait3A_158 = arith.constant 0 : i32
      %dma_wait3A_159 = tpu.memref_slice %arg3[%run_scoped3A_1, %add3A, %dma_wait3A_157, %dma_wait3A_158] : memref<2x32x125x80xi32, #tpu.memory_space<hbm>> -> memref<1x1x125x80xi32, #tpu.memory_space<hbm>>
      %dma_wait3A_160 = tpu.memref_squeeze %dma_wait3A_159 : memref<1x1x125x80xi32, #tpu.memory_space<hbm>> -> memref<125x80xi32, #tpu.memory_space<hbm>>
      tpu.wait_dma2 semaphore(%run_scoped3A_144 : memref<!tpu.dma_semaphore, #tpu.memory_space<semaphore_mem>>) src(%dma_wait3A_160 : memref<125x80xi32, #tpu.memory_space<hbm>>) dst(%arg7 : memref<125x80xi32, #tpu.memory_space<vmem>>)
      tpu.yield
    }) : () -> ()
    %mul3A_2 = arith.constant 640 : i32
    %mul3A_3 = arith.muli %arg1, %mul3A_2 : i32
    %mul3A_4 = arith.constant 640 : i32
    %mul3A_5 = arith.muli %arg1, %mul3A_4 : i32
    "tpu.region"() ({
      %run_scoped3A_144 = tpu.sem_alloc : memref<!tpu.dma_semaphore, #tpu.memory_space<semaphore_mem>>
      %dma_start3A_145 = arith.constant 0 : i32
      %dma_start3A_146 = tpu.memref_slice %arg9[%mul3A_5, %dma_start3A_145] : memref<10240x16xf32, #tpu.memory_space<vmem_shared>> -> memref<640x16xf32, #tpu.memory_space<vmem_shared>>
      %dma_start3A_147 = arith.constant 0 : i32
      %dma_start3A_148 = tpu.memref_slice %arg4[%mul3A_3, %dma_start3A_147] : memref<10240x16xf32, #tpu.memory_space<hbm>> -> memref<640x16xf32, #tpu.memory_space<hbm>>
      tpu.enqueue_dma source(%dma_start3A_148 : memref<640x16xf32, #tpu.memory_space<hbm>>) target(%dma_start3A_146 : memref<640x16xf32, #tpu.memory_space<vmem_shared>>) target_semaphore(%run_scoped3A_144 : memref<!tpu.dma_semaphore, #tpu.memory_space<semaphore_mem>>)
      %dma_wait3A_149 = arith.constant 0 : i32
      %dma_wait3A_150 = tpu.memref_slice %arg9[%mul3A_5, %dma_wait3A_149] : memref<10240x16xf32, #tpu.memory_space<vmem_shared>> -> memref<640x16xf32, #tpu.memory_space<vmem_shared>>
      %dma_wait3A_151 = arith.constant 0 : i32
      %dma_wait3A_152 = tpu.memref_slice %arg4[%mul3A_3, %dma_wait3A_151] : memref<10240x16xf32, #tpu.memory_space<hbm>> -> memref<640x16xf32, #tpu.memory_space<hbm>>
      tpu.wait_dma2 semaphore(%run_scoped3A_144 : memref<!tpu.dma_semaphore, #tpu.memory_space<semaphore_mem>>) src(%dma_wait3A_152 : memref<640x16xf32, #tpu.memory_space<hbm>>) dst(%dma_wait3A_150 : memref<640x16xf32, #tpu.memory_space<vmem_shared>>)
      tpu.yield
    }) : () -> ()
    %barrier3A = arith.constant 0 : index
    tpu.barrier barrier_id(%barrier3A)
    %dma_start3A = arith.constant 0 : i32
    %dma_start3A_6 = arith.constant 0 : i32
    %dma_start3A_7 = arith.constant 0 : i32
    %dma_start3A_8 = arith.constant 0 : i32
    %dma_start3A_9 = tpu.memref_slice %arg8[%dma_start3A_6, %dma_start3A_7, %dma_start3A_8] : memref<5x80x16xf32, #tpu.memory_space<vmem>> -> memref<1x80x16xf32, #tpu.memory_space<vmem>>
    %dma_start3A_10 = tpu.memref_squeeze %dma_start3A_9 : memref<1x80x16xf32, #tpu.memory_space<vmem>> -> memref<80x16xf32, #tpu.memory_space<vmem>>
    %dma_start3A_11 = arith.constant 0 : i32
    %dma_start3A_12 = tpu.memref_slice %arg6[%dma_start3A, %dma_start3A_11] : memref<125x80xi32, #tpu.memory_space<vmem>> -> memref<1x80xi32, #tpu.memory_space<vmem>>
    %dma_start3A_13 = tpu.memref_squeeze %dma_start3A_12 : memref<1x80xi32, #tpu.memory_space<vmem>> -> memref<80xi32, #tpu.memory_space<vmem>>
    %dma_start3A_14 = arith.constant 0 : i32
    %dma_start3A_15 = arith.constant 0 : i32
    %dma_start3A_16 = tpu.memref_slice %arg2[%dma_start3A_14, %dma_start3A_15] : memref<10240x16xf32, #tpu.memory_space<hbm>> -> memref<10240x16xf32, #tpu.memory_space<hbm>>
    tpu.enqueue_indirect_dma source(%dma_start3A_16 : memref<10240x16xf32, #tpu.memory_space<hbm>>) target(%dma_start3A_10 : memref<80x16xf32, #tpu.memory_space<vmem>>) offsets(%dma_start3A_13 : memref<80xi32, #tpu.memory_space<vmem>>) semaphore(%arg10 : memref<!tpu.dma_semaphore, #tpu.memory_space<semaphore_mem>>)
    %dma_start3A_17 = arith.constant 1 : i32
    %dma_start3A_18 = arith.constant 1 : i32
    %dma_start3A_19 = arith.constant 0 : i32
    %dma_start3A_20 = arith.constant 0 : i32
    %dma_start3A_21 = tpu.memref_slice %arg8[%dma_start3A_18, %dma_start3A_19, %dma_start3A_20] : memref<5x80x16xf32, #tpu.memory_space<vmem>> -> memref<1x80x16xf32, #tpu.memory_space<vmem>>
    %dma_start3A_22 = tpu.memref_squeeze %dma_start3A_21 : memref<1x80x16xf32, #tpu.memory_space<vmem>> -> memref<80x16xf32, #tpu.memory_space<vmem>>
    %dma_start3A_23 = arith.constant 0 : i32
    %dma_start3A_24 = tpu.memref_slice %arg6[%dma_start3A_17, %dma_start3A_23] : memref<125x80xi32, #tpu.memory_space<vmem>> -> memref<1x80xi32, #tpu.memory_space<vmem>>
    %dma_start3A_25 = tpu.memref_squeeze %dma_start3A_24 : memref<1x80xi32, #tpu.memory_space<vmem>> -> memref<80xi32, #tpu.memory_space<vmem>>
    %dma_start3A_26 = arith.constant 0 : i32
    %dma_start3A_27 = arith.constant 0 : i32
    %dma_start3A_28 = tpu.memref_slice %arg2[%dma_start3A_26, %dma_start3A_27] : memref<10240x16xf32, #tpu.memory_space<hbm>> -> memref<10240x16xf32, #tpu.memory_space<hbm>>
    tpu.enqueue_indirect_dma source(%dma_start3A_28 : memref<10240x16xf32, #tpu.memory_space<hbm>>) target(%dma_start3A_22 : memref<80x16xf32, #tpu.memory_space<vmem>>) offsets(%dma_start3A_25 : memref<80xi32, #tpu.memory_space<vmem>>) semaphore(%arg11 : memref<!tpu.dma_semaphore, #tpu.memory_space<semaphore_mem>>)
    %dma_start3A_29 = arith.constant 2 : i32
    %dma_start3A_30 = arith.constant 2 : i32
    %dma_start3A_31 = arith.constant 0 : i32
    %dma_start3A_32 = arith.constant 0 : i32
    %dma_start3A_33 = tpu.memref_slice %arg8[%dma_start3A_30, %dma_start3A_31, %dma_start3A_32] : memref<5x80x16xf32, #tpu.memory_space<vmem>> -> memref<1x80x16xf32, #tpu.memory_space<vmem>>
    %dma_start3A_34 = tpu.memref_squeeze %dma_start3A_33 : memref<1x80x16xf32, #tpu.memory_space<vmem>> -> memref<80x16xf32, #tpu.memory_space<vmem>>
    %dma_start3A_35 = arith.constant 0 : i32
    %dma_start3A_36 = tpu.memref_slice %arg6[%dma_start3A_29, %dma_start3A_35] : memref<125x80xi32, #tpu.memory_space<vmem>> -> memref<1x80xi32, #tpu.memory_space<vmem>>
    %dma_start3A_37 = tpu.memref_squeeze %dma_start3A_36 : memref<1x80xi32, #tpu.memory_space<vmem>> -> memref<80xi32, #tpu.memory_space<vmem>>
    %dma_start3A_38 = arith.constant 0 : i32
    %dma_start3A_39 = arith.constant 0 : i32
    %dma_start3A_40 = tpu.memref_slice %arg2[%dma_start3A_38, %dma_start3A_39] : memref<10240x16xf32, #tpu.memory_space<hbm>> -> memref<10240x16xf32, #tpu.memory_space<hbm>>
    tpu.enqueue_indirect_dma source(%dma_start3A_40 : memref<10240x16xf32, #tpu.memory_space<hbm>>) target(%dma_start3A_34 : memref<80x16xf32, #tpu.memory_space<vmem>>) offsets(%dma_start3A_37 : memref<80xi32, #tpu.memory_space<vmem>>) semaphore(%arg12 : memref<!tpu.dma_semaphore, #tpu.memory_space<semaphore_mem>>)
    %dma_start3A_41 = arith.constant 3 : i32
    %dma_start3A_42 = arith.constant 3 : i32
    %dma_start3A_43 = arith.constant 0 : i32
    %dma_start3A_44 = arith.constant 0 : i32
    %dma_start3A_45 = tpu.memref_slice %arg8[%dma_start3A_42, %dma_start3A_43, %dma_start3A_44] : memref<5x80x16xf32, #tpu.memory_space<vmem>> -> memref<1x80x16xf32, #tpu.memory_space<vmem>>
    %dma_start3A_46 = tpu.memref_squeeze %dma_start3A_45 : memref<1x80x16xf32, #tpu.memory_space<vmem>> -> memref<80x16xf32, #tpu.memory_space<vmem>>
    %dma_start3A_47 = arith.constant 0 : i32
    %dma_start3A_48 = tpu.memref_slice %arg6[%dma_start3A_41, %dma_start3A_47] : memref<125x80xi32, #tpu.memory_space<vmem>> -> memref<1x80xi32, #tpu.memory_space<vmem>>
    %dma_start3A_49 = tpu.memref_squeeze %dma_start3A_48 : memref<1x80xi32, #tpu.memory_space<vmem>> -> memref<80xi32, #tpu.memory_space<vmem>>
    %dma_start3A_50 = arith.constant 0 : i32
    %dma_start3A_51 = arith.constant 0 : i32
    %dma_start3A_52 = tpu.memref_slice %arg2[%dma_start3A_50, %dma_start3A_51] : memref<10240x16xf32, #tpu.memory_space<hbm>> -> memref<10240x16xf32, #tpu.memory_space<hbm>>
    tpu.enqueue_indirect_dma source(%dma_start3A_52 : memref<10240x16xf32, #tpu.memory_space<hbm>>) target(%dma_start3A_46 : memref<80x16xf32, #tpu.memory_space<vmem>>) offsets(%dma_start3A_49 : memref<80xi32, #tpu.memory_space<vmem>>) semaphore(%arg13 : memref<!tpu.dma_semaphore, #tpu.memory_space<semaphore_mem>>)
    %dma_start3A_53 = arith.constant 4 : i32
    %dma_start3A_54 = arith.constant 4 : i32
    %dma_start3A_55 = arith.constant 0 : i32
    %dma_start3A_56 = arith.constant 0 : i32
    %dma_start3A_57 = tpu.memref_slice %arg8[%dma_start3A_54, %dma_start3A_55, %dma_start3A_56] : memref<5x80x16xf32, #tpu.memory_space<vmem>> -> memref<1x80x16xf32, #tpu.memory_space<vmem>>
    %dma_start3A_58 = tpu.memref_squeeze %dma_start3A_57 : memref<1x80x16xf32, #tpu.memory_space<vmem>> -> memref<80x16xf32, #tpu.memory_space<vmem>>
    %dma_start3A_59 = arith.constant 0 : i32
    %dma_start3A_60 = tpu.memref_slice %arg6[%dma_start3A_53, %dma_start3A_59] : memref<125x80xi32, #tpu.memory_space<vmem>> -> memref<1x80xi32, #tpu.memory_space<vmem>>
    %dma_start3A_61 = tpu.memref_squeeze %dma_start3A_60 : memref<1x80xi32, #tpu.memory_space<vmem>> -> memref<80xi32, #tpu.memory_space<vmem>>
    %dma_start3A_62 = arith.constant 0 : i32
    %dma_start3A_63 = arith.constant 0 : i32
    %dma_start3A_64 = tpu.memref_slice %arg2[%dma_start3A_62, %dma_start3A_63] : memref<10240x16xf32, #tpu.memory_space<hbm>> -> memref<10240x16xf32, #tpu.memory_space<hbm>>
    tpu.enqueue_indirect_dma source(%dma_start3A_64 : memref<10240x16xf32, #tpu.memory_space<hbm>>) target(%dma_start3A_58 : memref<80x16xf32, #tpu.memory_space<vmem>>) offsets(%dma_start3A_61 : memref<80xi32, #tpu.memory_space<vmem>>) semaphore(%arg14 : memref<!tpu.dma_semaphore, #tpu.memory_space<semaphore_mem>>)
    %scan3A = arith.constant 0 : i32
    %scan3A_65 = arith.constant 0 : i32
    %scan3A_66 = arith.constant 24 : i32
    %scan3A_67 = arith.addi %scan3A_65, %scan3A_66 : i32
    %scan3A_68 = arith.constant 1 : i32
    scf.for %scan3A_144 = %scan3A_65 to %scan3A_67 step %scan3A_68  : i32 {
      %mul3A_145 = arith.constant 5 : i32
      %mul3A_146 = arith.muli %scan3A_144, %mul3A_145 : i32
      %add3A_147 = arith.constant 0 : i32
      %add3A_148 = arith.addi %mul3A_146, %add3A_147 : i32
      %dma_wait3A_149 = arith.constant 0 : i32
      %dma_wait3A_150 = arith.constant 0 : i32
      %dma_wait3A_151 = arith.constant 0 : i32
      %dma_wait3A_152 = tpu.memref_slice %arg8[%dma_wait3A_149, %dma_wait3A_150, %dma_wait3A_151] : memref<5x80x16xf32, #tpu.memory_space<vmem>> -> memref<1x80x16xf32, #tpu.memory_space<vmem>>
      %dma_wait3A_153 = tpu.memref_squeeze %dma_wait3A_152 : memref<1x80x16xf32, #tpu.memory_space<vmem>> -> memref<80x16xf32, #tpu.memory_space<vmem>>
      %dma_wait3A_154 = arith.constant 0 : i32
      %dma_wait3A_155 = tpu.memref_slice %arg6[%add3A_148, %dma_wait3A_154] : memref<125x80xi32, #tpu.memory_space<vmem>> -> memref<1x80xi32, #tpu.memory_space<vmem>>
      %dma_wait3A_156 = tpu.memref_squeeze %dma_wait3A_155 : memref<1x80xi32, #tpu.memory_space<vmem>> -> memref<80xi32, #tpu.memory_space<vmem>>
      %dma_wait3A_157 = arith.constant 0 : i32
      %dma_wait3A_158 = arith.constant 0 : i32
      %dma_wait3A_159 = tpu.memref_slice %arg2[%dma_wait3A_157, %dma_wait3A_158] : memref<10240x16xf32, #tpu.memory_space<hbm>> -> memref<10240x16xf32, #tpu.memory_space<hbm>>
      tpu.wait_indirect_dma semaphore(%arg10 : memref<!tpu.dma_semaphore, #tpu.memory_space<semaphore_mem>>) src(%dma_wait3A_159 : memref<10240x16xf32, #tpu.memory_space<hbm>>) dst(%dma_wait3A_153 : memref<80x16xf32, #tpu.memory_space<vmem>>)
      %run_scoped3A_160 = arith.constant 0 : i32
      "tpu.region"() ({
        %run_scoped3A_290 = tpu.sem_alloc : memref<!tpu.dma_semaphore, #tpu.memory_space<semaphore_mem>>
        %dma_start3A_291 = arith.constant 0 : i32
        %dma_start3A_292 = arith.constant 0 : i32
        %dma_start3A_293 = tpu.memref_slice %arg8[%run_scoped3A_160, %dma_start3A_291, %dma_start3A_292] : memref<5x80x16xf32, #tpu.memory_space<vmem>> -> memref<1x80x16xf32, #tpu.memory_space<vmem>>
        %dma_start3A_294 = tpu.memref_squeeze %dma_start3A_293 : memref<1x80x16xf32, #tpu.memory_space<vmem>> -> memref<80x16xf32, #tpu.memory_space<vmem>>
        %dma_start3A_295 = arith.constant 0 : i32
        %dma_start3A_296 = tpu.memref_slice %arg7[%add3A_148, %dma_start3A_295] : memref<125x80xi32, #tpu.memory_space<vmem>> -> memref<1x80xi32, #tpu.memory_space<vmem>>
        %dma_start3A_297 = tpu.memref_squeeze %dma_start3A_296 : memref<1x80xi32, #tpu.memory_space<vmem>> -> memref<80xi32, #tpu.memory_space<vmem>>
        %dma_start3A_298 = arith.constant 0 : i32
        %dma_start3A_299 = arith.constant 0 : i32
        %dma_start3A_300 = tpu.memref_slice %arg9[%dma_start3A_298, %dma_start3A_299] : memref<10240x16xf32, #tpu.memory_space<vmem_shared>> -> memref<10240x16xf32, #tpu.memory_space<vmem_shared>>
        tpu.enqueue_indirect_dma source(%dma_start3A_294 : memref<80x16xf32, #tpu.memory_space<vmem>>) target(%dma_start3A_300 : memref<10240x16xf32, #tpu.memory_space<vmem_shared>>) offsets(%dma_start3A_297 : memref<80xi32, #tpu.memory_space<vmem>>) semaphore(%run_scoped3A_290 : memref<!tpu.dma_semaphore, #tpu.memory_space<semaphore_mem>>) {add = true}
        %dma_wait3A_301 = arith.constant 0 : i32
        %dma_wait3A_302 = arith.constant 0 : i32
        %dma_wait3A_303 = tpu.memref_slice %arg8[%run_scoped3A_160, %dma_wait3A_301, %dma_wait3A_302] : memref<5x80x16xf32, #tpu.memory_space<vmem>> -> memref<1x80x16xf32, #tpu.memory_space<vmem>>
        %dma_wait3A_304 = tpu.memref_squeeze %dma_wait3A_303 : memref<1x80x16xf32, #tpu.memory_space<vmem>> -> memref<80x16xf32, #tpu.memory_space<vmem>>
        %dma_wait3A_305 = arith.constant 0 : i32
        %dma_wait3A_306 = tpu.memref_slice %arg7[%add3A_148, %dma_wait3A_305] : memref<125x80xi32, #tpu.memory_space<vmem>> -> memref<1x80xi32, #tpu.memory_space<vmem>>
        %dma_wait3A_307 = tpu.memref_squeeze %dma_wait3A_306 : memref<1x80xi32, #tpu.memory_space<vmem>> -> memref<80xi32, #tpu.memory_space<vmem>>
        %dma_wait3A_308 = arith.constant 0 : i32
        %dma_wait3A_309 = arith.constant 0 : i32
        %dma_wait3A_310 = tpu.memref_slice %arg9[%dma_wait3A_308, %dma_wait3A_309] : memref<10240x16xf32, #tpu.memory_space<vmem_shared>> -> memref<10240x16xf32, #tpu.memory_space<vmem_shared>>
        tpu.wait_indirect_dma semaphore(%run_scoped3A_290 : memref<!tpu.dma_semaphore, #tpu.memory_space<semaphore_mem>>) src(%dma_wait3A_304 : memref<80x16xf32, #tpu.memory_space<vmem>>) dst(%dma_wait3A_310 : memref<10240x16xf32, #tpu.memory_space<vmem_shared>>)
        tpu.yield
      }) : () -> ()
      %add3A_161 = arith.constant 5 : i32
      %add3A_162 = arith.addi %add3A_148, %add3A_161 : i32
      %dma_start3A_163 = arith.constant 0 : i32
      %dma_start3A_164 = arith.constant 0 : i32
      %dma_start3A_165 = arith.constant 0 : i32
      %dma_start3A_166 = tpu.memref_slice %arg8[%dma_start3A_163, %dma_start3A_164, %dma_start3A_165] : memref<5x80x16xf32, #tpu.memory_space<vmem>> -> memref<1x80x16xf32, #tpu.memory_space<vmem>>
      %dma_start3A_167 = tpu.memref_squeeze %dma_start3A_166 : memref<1x80x16xf32, #tpu.memory_space<vmem>> -> memref<80x16xf32, #tpu.memory_space<vmem>>
      %dma_start3A_168 = arith.constant 0 : i32
      %dma_start3A_169 = tpu.memref_slice %arg6[%add3A_162, %dma_start3A_168] : memref<125x80xi32, #tpu.memory_space<vmem>> -> memref<1x80xi32, #tpu.memory_space<vmem>>
      %dma_start3A_170 = tpu.memref_squeeze %dma_start3A_169 : memref<1x80xi32, #tpu.memory_space<vmem>> -> memref<80xi32, #tpu.memory_space<vmem>>
      %dma_start3A_171 = arith.constant 0 : i32
      %dma_start3A_172 = arith.constant 0 : i32
      %dma_start3A_173 = tpu.memref_slice %arg2[%dma_start3A_171, %dma_start3A_172] : memref<10240x16xf32, #tpu.memory_space<hbm>> -> memref<10240x16xf32, #tpu.memory_space<hbm>>
      tpu.enqueue_indirect_dma source(%dma_start3A_173 : memref<10240x16xf32, #tpu.memory_space<hbm>>) target(%dma_start3A_167 : memref<80x16xf32, #tpu.memory_space<vmem>>) offsets(%dma_start3A_170 : memref<80xi32, #tpu.memory_space<vmem>>) semaphore(%arg10 : memref<!tpu.dma_semaphore, #tpu.memory_space<semaphore_mem>>)
      %mul3A_174 = arith.constant 5 : i32
      %mul3A_175 = arith.muli %scan3A_144, %mul3A_174 : i32
      %add3A_176 = arith.constant 1 : i32
      %add3A_177 = arith.addi %mul3A_175, %add3A_176 : i32
      %dma_wait3A_178 = arith.constant 1 : i32
      %dma_wait3A_179 = arith.constant 0 : i32
      %dma_wait3A_180 = arith.constant 0 : i32
      %dma_wait3A_181 = tpu.memref_slice %arg8[%dma_wait3A_178, %dma_wait3A_179, %dma_wait3A_180] : memref<5x80x16xf32, #tpu.memory_space<vmem>> -> memref<1x80x16xf32, #tpu.memory_space<vmem>>
      %dma_wait3A_182 = tpu.memref_squeeze %dma_wait3A_181 : memref<1x80x16xf32, #tpu.memory_space<vmem>> -> memref<80x16xf32, #tpu.memory_space<vmem>>
      %dma_wait3A_183 = arith.constant 0 : i32
      %dma_wait3A_184 = tpu.memref_slice %arg6[%add3A_177, %dma_wait3A_183] : memref<125x80xi32, #tpu.memory_space<vmem>> -> memref<1x80xi32, #tpu.memory_space<vmem>>
      %dma_wait3A_185 = tpu.memref_squeeze %dma_wait3A_184 : memref<1x80xi32, #tpu.memory_space<vmem>> -> memref<80xi32, #tpu.memory_space<vmem>>
      %dma_wait3A_186 = arith.constant 0 : i32
      %dma_wait3A_187 = arith.constant 0 : i32
      %dma_wait3A_188 = tpu.memref_slice %arg2[%dma_wait3A_186, %dma_wait3A_187] : memref<10240x16xf32, #tpu.memory_space<hbm>> -> memref<10240x16xf32, #tpu.memory_space<hbm>>
      tpu.wait_indirect_dma semaphore(%arg11 : memref<!tpu.dma_semaphore, #tpu.memory_space<semaphore_mem>>) src(%dma_wait3A_188 : memref<10240x16xf32, #tpu.memory_space<hbm>>) dst(%dma_wait3A_182 : memref<80x16xf32, #tpu.memory_space<vmem>>)
      %run_scoped3A_189 = arith.constant 1 : i32
      "tpu.region"() ({
        %run_scoped3A_290 = tpu.sem_alloc : memref<!tpu.dma_semaphore, #tpu.memory_space<semaphore_mem>>
        %dma_start3A_291 = arith.constant 0 : i32
        %dma_start3A_292 = arith.constant 0 : i32
        %dma_start3A_293 = tpu.memref_slice %arg8[%run_scoped3A_189, %dma_start3A_291, %dma_start3A_292] : memref<5x80x16xf32, #tpu.memory_space<vmem>> -> memref<1x80x16xf32, #tpu.memory_space<vmem>>
        %dma_start3A_294 = tpu.memref_squeeze %dma_start3A_293 : memref<1x80x16xf32, #tpu.memory_space<vmem>> -> memref<80x16xf32, #tpu.memory_space<vmem>>
        %dma_start3A_295 = arith.constant 0 : i32
        %dma_start3A_296 = tpu.memref_slice %arg7[%add3A_177, %dma_start3A_295] : memref<125x80xi32, #tpu.memory_space<vmem>> -> memref<1x80xi32, #tpu.memory_space<vmem>>
        %dma_start3A_297 = tpu.memref_squeeze %dma_start3A_296 : memref<1x80xi32, #tpu.memory_space<vmem>> -> memref<80xi32, #tpu.memory_space<vmem>>
        %dma_start3A_298 = arith.constant 0 : i32
        %dma_start3A_299 = arith.constant 0 : i32
        %dma_start3A_300 = tpu.memref_slice %arg9[%dma_start3A_298, %dma_start3A_299] : memref<10240x16xf32, #tpu.memory_space<vmem_shared>> -> memref<10240x16xf32, #tpu.memory_space<vmem_shared>>
        tpu.enqueue_indirect_dma source(%dma_start3A_294 : memref<80x16xf32, #tpu.memory_space<vmem>>) target(%dma_start3A_300 : memref<10240x16xf32, #tpu.memory_space<vmem_shared>>) offsets(%dma_start3A_297 : memref<80xi32, #tpu.memory_space<vmem>>) semaphore(%run_scoped3A_290 : memref<!tpu.dma_semaphore, #tpu.memory_space<semaphore_mem>>) {add = true}
        %dma_wait3A_301 = arith.constant 0 : i32
        %dma_wait3A_302 = arith.constant 0 : i32
        %dma_wait3A_303 = tpu.memref_slice %arg8[%run_scoped3A_189, %dma_wait3A_301, %dma_wait3A_302] : memref<5x80x16xf32, #tpu.memory_space<vmem>> -> memref<1x80x16xf32, #tpu.memory_space<vmem>>
        %dma_wait3A_304 = tpu.memref_squeeze %dma_wait3A_303 : memref<1x80x16xf32, #tpu.memory_space<vmem>> -> memref<80x16xf32, #tpu.memory_space<vmem>>
        %dma_wait3A_305 = arith.constant 0 : i32
        %dma_wait3A_306 = tpu.memref_slice %arg7[%add3A_177, %dma_wait3A_305] : memref<125x80xi32, #tpu.memory_space<vmem>> -> memref<1x80xi32, #tpu.memory_space<vmem>>
        %dma_wait3A_307 = tpu.memref_squeeze %dma_wait3A_306 : memref<1x80xi32, #tpu.memory_space<vmem>> -> memref<80xi32, #tpu.memory_space<vmem>>
        %dma_wait3A_308 = arith.constant 0 : i32
        %dma_wait3A_309 = arith.constant 0 : i32
        %dma_wait3A_310 = tpu.memref_slice %arg9[%dma_wait3A_308, %dma_wait3A_309] : memref<10240x16xf32, #tpu.memory_space<vmem_shared>> -> memref<10240x16xf32, #tpu.memory_space<vmem_shared>>
        tpu.wait_indirect_dma semaphore(%run_scoped3A_290 : memref<!tpu.dma_semaphore, #tpu.memory_space<semaphore_mem>>) src(%dma_wait3A_304 : memref<80x16xf32, #tpu.memory_space<vmem>>) dst(%dma_wait3A_310 : memref<10240x16xf32, #tpu.memory_space<vmem_shared>>)
        tpu.yield
      }) : () -> ()
      %add3A_190 = arith.constant 5 : i32
      %add3A_191 = arith.addi %add3A_177, %add3A_190 : i32
      %dma_start3A_192 = arith.constant 1 : i32
      %dma_start3A_193 = arith.constant 0 : i32
      %dma_start3A_194 = arith.constant 0 : i32
      %dma_start3A_195 = tpu.memref_slice %arg8[%dma_start3A_192, %dma_start3A_193, %dma_start3A_194] : memref<5x80x16xf32, #tpu.memory_space<vmem>> -> memref<1x80x16xf32, #tpu.memory_space<vmem>>
      %dma_start3A_196 = tpu.memref_squeeze %dma_start3A_195 : memref<1x80x16xf32, #tpu.memory_space<vmem>> -> memref<80x16xf32, #tpu.memory_space<vmem>>
      %dma_start3A_197 = arith.constant 0 : i32
      %dma_start3A_198 = tpu.memref_slice %arg6[%add3A_191, %dma_start3A_197] : memref<125x80xi32, #tpu.memory_space<vmem>> -> memref<1x80xi32, #tpu.memory_space<vmem>>
      %dma_start3A_199 = tpu.memref_squeeze %dma_start3A_198 : memref<1x80xi32, #tpu.memory_space<vmem>> -> memref<80xi32, #tpu.memory_space<vmem>>
      %dma_start3A_200 = arith.constant 0 : i32
      %dma_start3A_201 = arith.constant 0 : i32
      %dma_start3A_202 = tpu.memref_slice %arg2[%dma_start3A_200, %dma_start3A_201] : memref<10240x16xf32, #tpu.memory_space<hbm>> -> memref<10240x16xf32, #tpu.memory_space<hbm>>
      tpu.enqueue_indirect_dma source(%dma_start3A_202 : memref<10240x16xf32, #tpu.memory_space<hbm>>) target(%dma_start3A_196 : memref<80x16xf32, #tpu.memory_space<vmem>>) offsets(%dma_start3A_199 : memref<80xi32, #tpu.memory_space<vmem>>) semaphore(%arg11 : memref<!tpu.dma_semaphore, #tpu.memory_space<semaphore_mem>>)
      %mul3A_203 = arith.constant 5 : i32
      %mul3A_204 = arith.muli %scan3A_144, %mul3A_203 : i32
      %add3A_205 = arith.constant 2 : i32
      %add3A_206 = arith.addi %mul3A_204, %add3A_205 : i32
      %dma_wait3A_207 = arith.constant 2 : i32
      %dma_wait3A_208 = arith.constant 0 : i32
      %dma_wait3A_209 = arith.constant 0 : i32
      %dma_wait3A_210 = tpu.memref_slice %arg8[%dma_wait3A_207, %dma_wait3A_208, %dma_wait3A_209] : memref<5x80x16xf32, #tpu.memory_space<vmem>> -> memref<1x80x16xf32, #tpu.memory_space<vmem>>
      %dma_wait3A_211 = tpu.memref_squeeze %dma_wait3A_210 : memref<1x80x16xf32, #tpu.memory_space<vmem>> -> memref<80x16xf32, #tpu.memory_space<vmem>>
      %dma_wait3A_212 = arith.constant 0 : i32
      %dma_wait3A_213 = tpu.memref_slice %arg6[%add3A_206, %dma_wait3A_212] : memref<125x80xi32, #tpu.memory_space<vmem>> -> memref<1x80xi32, #tpu.memory_space<vmem>>
      %dma_wait3A_214 = tpu.memref_squeeze %dma_wait3A_213 : memref<1x80xi32, #tpu.memory_space<vmem>> -> memref<80xi32, #tpu.memory_space<vmem>>
      %dma_wait3A_215 = arith.constant 0 : i32
      %dma_wait3A_216 = arith.constant 0 : i32
      %dma_wait3A_217 = tpu.memref_slice %arg2[%dma_wait3A_215, %dma_wait3A_216] : memref<10240x16xf32, #tpu.memory_space<hbm>> -> memref<10240x16xf32, #tpu.memory_space<hbm>>
      tpu.wait_indirect_dma semaphore(%arg12 : memref<!tpu.dma_semaphore, #tpu.memory_space<semaphore_mem>>) src(%dma_wait3A_217 : memref<10240x16xf32, #tpu.memory_space<hbm>>) dst(%dma_wait3A_211 : memref<80x16xf32, #tpu.memory_space<vmem>>)
      %run_scoped3A_218 = arith.constant 2 : i32
      "tpu.region"() ({
        %run_scoped3A_290 = tpu.sem_alloc : memref<!tpu.dma_semaphore, #tpu.memory_space<semaphore_mem>>
        %dma_start3A_291 = arith.constant 0 : i32
        %dma_start3A_292 = arith.constant 0 : i32
        %dma_start3A_293 = tpu.memref_slice %arg8[%run_scoped3A_218, %dma_start3A_291, %dma_start3A_292] : memref<5x80x16xf32, #tpu.memory_space<vmem>> -> memref<1x80x16xf32, #tpu.memory_space<vmem>>
        %dma_start3A_294 = tpu.memref_squeeze %dma_start3A_293 : memref<1x80x16xf32, #tpu.memory_space<vmem>> -> memref<80x16xf32, #tpu.memory_space<vmem>>
        %dma_start3A_295 = arith.constant 0 : i32
        %dma_start3A_296 = tpu.memref_slice %arg7[%add3A_206, %dma_start3A_295] : memref<125x80xi32, #tpu.memory_space<vmem>> -> memref<1x80xi32, #tpu.memory_space<vmem>>
        %dma_start3A_297 = tpu.memref_squeeze %dma_start3A_296 : memref<1x80xi32, #tpu.memory_space<vmem>> -> memref<80xi32, #tpu.memory_space<vmem>>
        %dma_start3A_298 = arith.constant 0 : i32
        %dma_start3A_299 = arith.constant 0 : i32
        %dma_start3A_300 = tpu.memref_slice %arg9[%dma_start3A_298, %dma_start3A_299] : memref<10240x16xf32, #tpu.memory_space<vmem_shared>> -> memref<10240x16xf32, #tpu.memory_space<vmem_shared>>
        tpu.enqueue_indirect_dma source(%dma_start3A_294 : memref<80x16xf32, #tpu.memory_space<vmem>>) target(%dma_start3A_300 : memref<10240x16xf32, #tpu.memory_space<vmem_shared>>) offsets(%dma_start3A_297 : memref<80xi32, #tpu.memory_space<vmem>>) semaphore(%run_scoped3A_290 : memref<!tpu.dma_semaphore, #tpu.memory_space<semaphore_mem>>) {add = true}
        %dma_wait3A_301 = arith.constant 0 : i32
        %dma_wait3A_302 = arith.constant 0 : i32
        %dma_wait3A_303 = tpu.memref_slice %arg8[%run_scoped3A_218, %dma_wait3A_301, %dma_wait3A_302] : memref<5x80x16xf32, #tpu.memory_space<vmem>> -> memref<1x80x16xf32, #tpu.memory_space<vmem>>
        %dma_wait3A_304 = tpu.memref_squeeze %dma_wait3A_303 : memref<1x80x16xf32, #tpu.memory_space<vmem>> -> memref<80x16xf32, #tpu.memory_space<vmem>>
        %dma_wait3A_305 = arith.constant 0 : i32
        %dma_wait3A_306 = tpu.memref_slice %arg7[%add3A_206, %dma_wait3A_305] : memref<125x80xi32, #tpu.memory_space<vmem>> -> memref<1x80xi32, #tpu.memory_space<vmem>>
        %dma_wait3A_307 = tpu.memref_squeeze %dma_wait3A_306 : memref<1x80xi32, #tpu.memory_space<vmem>> -> memref<80xi32, #tpu.memory_space<vmem>>
        %dma_wait3A_308 = arith.constant 0 : i32
        %dma_wait3A_309 = arith.constant 0 : i32
        %dma_wait3A_310 = tpu.memref_slice %arg9[%dma_wait3A_308, %dma_wait3A_309] : memref<10240x16xf32, #tpu.memory_space<vmem_shared>> -> memref<10240x16xf32, #tpu.memory_space<vmem_shared>>
        tpu.wait_indirect_dma semaphore(%run_scoped3A_290 : memref<!tpu.dma_semaphore, #tpu.memory_space<semaphore_mem>>) src(%dma_wait3A_304 : memref<80x16xf32, #tpu.memory_space<vmem>>) dst(%dma_wait3A_310 : memref<10240x16xf32, #tpu.memory_space<vmem_shared>>)
        tpu.yield
      }) : () -> ()
      %add3A_219 = arith.constant 5 : i32
      %add3A_220 = arith.addi %add3A_206, %add3A_219 : i32
      %dma_start3A_221 = arith.constant 2 : i32
      %dma_start3A_222 = arith.constant 0 : i32
      %dma_start3A_223 = arith.constant 0 : i32
      %dma_start3A_224 = tpu.memref_slice %arg8[%dma_start3A_221, %dma_start3A_222, %dma_start3A_223] : memref<5x80x16xf32, #tpu.memory_space<vmem>> -> memref<1x80x16xf32, #tpu.memory_space<vmem>>
      %dma_start3A_225 = tpu.memref_squeeze %dma_start3A_224 : memref<1x80x16xf32, #tpu.memory_space<vmem>> -> memref<80x16xf32, #tpu.memory_space<vmem>>
      %dma_start3A_226 = arith.constant 0 : i32
      %dma_start3A_227 = tpu.memref_slice %arg6[%add3A_220, %dma_start3A_226] : memref<125x80xi32, #tpu.memory_space<vmem>> -> memref<1x80xi32, #tpu.memory_space<vmem>>
      %dma_start3A_228 = tpu.memref_squeeze %dma_start3A_227 : memref<1x80xi32, #tpu.memory_space<vmem>> -> memref<80xi32, #tpu.memory_space<vmem>>
      %dma_start3A_229 = arith.constant 0 : i32
      %dma_start3A_230 = arith.constant 0 : i32
      %dma_start3A_231 = tpu.memref_slice %arg2[%dma_start3A_229, %dma_start3A_230] : memref<10240x16xf32, #tpu.memory_space<hbm>> -> memref<10240x16xf32, #tpu.memory_space<hbm>>
      tpu.enqueue_indirect_dma source(%dma_start3A_231 : memref<10240x16xf32, #tpu.memory_space<hbm>>) target(%dma_start3A_225 : memref<80x16xf32, #tpu.memory_space<vmem>>) offsets(%dma_start3A_228 : memref<80xi32, #tpu.memory_space<vmem>>) semaphore(%arg12 : memref<!tpu.dma_semaphore, #tpu.memory_space<semaphore_mem>>)
      %mul3A_232 = arith.constant 5 : i32
      %mul3A_233 = arith.muli %scan3A_144, %mul3A_232 : i32
      %add3A_234 = arith.constant 3 : i32
      %add3A_235 = arith.addi %mul3A_233, %add3A_234 : i32
      %dma_wait3A_236 = arith.constant 3 : i32
      %dma_wait3A_237 = arith.constant 0 : i32
      %dma_wait3A_238 = arith.constant 0 : i32
      %dma_wait3A_239 = tpu.memref_slice %arg8[%dma_wait3A_236, %dma_wait3A_237, %dma_wait3A_238] : memref<5x80x16xf32, #tpu.memory_space<vmem>> -> memref<1x80x16xf32, #tpu.memory_space<vmem>>
      %dma_wait3A_240 = tpu.memref_squeeze %dma_wait3A_239 : memref<1x80x16xf32, #tpu.memory_space<vmem>> -> memref<80x16xf32, #tpu.memory_space<vmem>>
      %dma_wait3A_241 = arith.constant 0 : i32
      %dma_wait3A_242 = tpu.memref_slice %arg6[%add3A_235, %dma_wait3A_241] : memref<125x80xi32, #tpu.memory_space<vmem>> -> memref<1x80xi32, #tpu.memory_space<vmem>>
      %dma_wait3A_243 = tpu.memref_squeeze %dma_wait3A_242 : memref<1x80xi32, #tpu.memory_space<vmem>> -> memref<80xi32, #tpu.memory_space<vmem>>
      %dma_wait3A_244 = arith.constant 0 : i32
      %dma_wait3A_245 = arith.constant 0 : i32
      %dma_wait3A_246 = tpu.memref_slice %arg2[%dma_wait3A_244, %dma_wait3A_245] : memref<10240x16xf32, #tpu.memory_space<hbm>> -> memref<10240x16xf32, #tpu.memory_space<hbm>>
      tpu.wait_indirect_dma semaphore(%arg13 : memref<!tpu.dma_semaphore, #tpu.memory_space<semaphore_mem>>) src(%dma_wait3A_246 : memref<10240x16xf32, #tpu.memory_space<hbm>>) dst(%dma_wait3A_240 : memref<80x16xf32, #tpu.memory_space<vmem>>)
      %run_scoped3A_247 = arith.constant 3 : i32
      "tpu.region"() ({
        %run_scoped3A_290 = tpu.sem_alloc : memref<!tpu.dma_semaphore, #tpu.memory_space<semaphore_mem>>
        %dma_start3A_291 = arith.constant 0 : i32
        %dma_start3A_292 = arith.constant 0 : i32
        %dma_start3A_293 = tpu.memref_slice %arg8[%run_scoped3A_247, %dma_start3A_291, %dma_start3A_292] : memref<5x80x16xf32, #tpu.memory_space<vmem>> -> memref<1x80x16xf32, #tpu.memory_space<vmem>>
        %dma_start3A_294 = tpu.memref_squeeze %dma_start3A_293 : memref<1x80x16xf32, #tpu.memory_space<vmem>> -> memref<80x16xf32, #tpu.memory_space<vmem>>
        %dma_start3A_295 = arith.constant 0 : i32
        %dma_start3A_296 = tpu.memref_slice %arg7[%add3A_235, %dma_start3A_295] : memref<125x80xi32, #tpu.memory_space<vmem>> -> memref<1x80xi32, #tpu.memory_space<vmem>>
        %dma_start3A_297 = tpu.memref_squeeze %dma_start3A_296 : memref<1x80xi32, #tpu.memory_space<vmem>> -> memref<80xi32, #tpu.memory_space<vmem>>
        %dma_start3A_298 = arith.constant 0 : i32
        %dma_start3A_299 = arith.constant 0 : i32
        %dma_start3A_300 = tpu.memref_slice %arg9[%dma_start3A_298, %dma_start3A_299] : memref<10240x16xf32, #tpu.memory_space<vmem_shared>> -> memref<10240x16xf32, #tpu.memory_space<vmem_shared>>
        tpu.enqueue_indirect_dma source(%dma_start3A_294 : memref<80x16xf32, #tpu.memory_space<vmem>>) target(%dma_start3A_300 : memref<10240x16xf32, #tpu.memory_space<vmem_shared>>) offsets(%dma_start3A_297 : memref<80xi32, #tpu.memory_space<vmem>>) semaphore(%run_scoped3A_290 : memref<!tpu.dma_semaphore, #tpu.memory_space<semaphore_mem>>) {add = true}
        %dma_wait3A_301 = arith.constant 0 : i32
        %dma_wait3A_302 = arith.constant 0 : i32
        %dma_wait3A_303 = tpu.memref_slice %arg8[%run_scoped3A_247, %dma_wait3A_301, %dma_wait3A_302] : memref<5x80x16xf32, #tpu.memory_space<vmem>> -> memref<1x80x16xf32, #tpu.memory_space<vmem>>
        %dma_wait3A_304 = tpu.memref_squeeze %dma_wait3A_303 : memref<1x80x16xf32, #tpu.memory_space<vmem>> -> memref<80x16xf32, #tpu.memory_space<vmem>>
        %dma_wait3A_305 = arith.constant 0 : i32
        %dma_wait3A_306 = tpu.memref_slice %arg7[%add3A_235, %dma_wait3A_305] : memref<125x80xi32, #tpu.memory_space<vmem>> -> memref<1x80xi32, #tpu.memory_space<vmem>>
        %dma_wait3A_307 = tpu.memref_squeeze %dma_wait3A_306 : memref<1x80xi32, #tpu.memory_space<vmem>> -> memref<80xi32, #tpu.memory_space<vmem>>
        %dma_wait3A_308 = arith.constant 0 : i32
        %dma_wait3A_309 = arith.constant 0 : i32
        %dma_wait3A_310 = tpu.memref_slice %arg9[%dma_wait3A_308, %dma_wait3A_309] : memref<10240x16xf32, #tpu.memory_space<vmem_shared>> -> memref<10240x16xf32, #tpu.memory_space<vmem_shared>>
        tpu.wait_indirect_dma semaphore(%run_scoped3A_290 : memref<!tpu.dma_semaphore, #tpu.memory_space<semaphore_mem>>) src(%dma_wait3A_304 : memref<80x16xf32, #tpu.memory_space<vmem>>) dst(%dma_wait3A_310 : memref<10240x16xf32, #tpu.memory_space<vmem_shared>>)
        tpu.yield
      }) : () -> ()
      %add3A_248 = arith.constant 5 : i32
      %add3A_249 = arith.addi %add3A_235, %add3A_248 : i32
      %dma_start3A_250 = arith.constant 3 : i32
      %dma_start3A_251 = arith.constant 0 : i32
      %dma_start3A_252 = arith.constant 0 : i32
      %dma_start3A_253 = tpu.memref_slice %arg8[%dma_start3A_250, %dma_start3A_251, %dma_start3A_252] : memref<5x80x16xf32, #tpu.memory_space<vmem>> -> memref<1x80x16xf32, #tpu.memory_space<vmem>>
      %dma_start3A_254 = tpu.memref_squeeze %dma_start3A_253 : memref<1x80x16xf32, #tpu.memory_space<vmem>> -> memref<80x16xf32, #tpu.memory_space<vmem>>
      %dma_start3A_255 = arith.constant 0 : i32
      %dma_start3A_256 = tpu.memref_slice %arg6[%add3A_249, %dma_start3A_255] : memref<125x80xi32, #tpu.memory_space<vmem>> -> memref<1x80xi32, #tpu.memory_space<vmem>>
      %dma_start3A_257 = tpu.memref_squeeze %dma_start3A_256 : memref<1x80xi32, #tpu.memory_space<vmem>> -> memref<80xi32, #tpu.memory_space<vmem>>
      %dma_start3A_258 = arith.constant 0 : i32
      %dma_start3A_259 = arith.constant 0 : i32
      %dma_start3A_260 = tpu.memref_slice %arg2[%dma_start3A_258, %dma_start3A_259] : memref<10240x16xf32, #tpu.memory_space<hbm>> -> memref<10240x16xf32, #tpu.memory_space<hbm>>
      tpu.enqueue_indirect_dma source(%dma_start3A_260 : memref<10240x16xf32, #tpu.memory_space<hbm>>) target(%dma_start3A_254 : memref<80x16xf32, #tpu.memory_space<vmem>>) offsets(%dma_start3A_257 : memref<80xi32, #tpu.memory_space<vmem>>) semaphore(%arg13 : memref<!tpu.dma_semaphore, #tpu.memory_space<semaphore_mem>>)
      %mul3A_261 = arith.constant 5 : i32
      %mul3A_262 = arith.muli %scan3A_144, %mul3A_261 : i32
      %add3A_263 = arith.constant 4 : i32
      %add3A_264 = arith.addi %mul3A_262, %add3A_263 : i32
      %dma_wait3A_265 = arith.constant 4 : i32
      %dma_wait3A_266 = arith.constant 0 : i32
      %dma_wait3A_267 = arith.constant 0 : i32
      %dma_wait3A_268 = tpu.memref_slice %arg8[%dma_wait3A_265, %dma_wait3A_266, %dma_wait3A_267] : memref<5x80x16xf32, #tpu.memory_space<vmem>> -> memref<1x80x16xf32, #tpu.memory_space<vmem>>
      %dma_wait3A_269 = tpu.memref_squeeze %dma_wait3A_268 : memref<1x80x16xf32, #tpu.memory_space<vmem>> -> memref<80x16xf32, #tpu.memory_space<vmem>>
      %dma_wait3A_270 = arith.constant 0 : i32
      %dma_wait3A_271 = tpu.memref_slice %arg6[%add3A_264, %dma_wait3A_270] : memref<125x80xi32, #tpu.memory_space<vmem>> -> memref<1x80xi32, #tpu.memory_space<vmem>>
      %dma_wait3A_272 = tpu.memref_squeeze %dma_wait3A_271 : memref<1x80xi32, #tpu.memory_space<vmem>> -> memref<80xi32, #tpu.memory_space<vmem>>
      %dma_wait3A_273 = arith.constant 0 : i32
      %dma_wait3A_274 = arith.constant 0 : i32
      %dma_wait3A_275 = tpu.memref_slice %arg2[%dma_wait3A_273, %dma_wait3A_274] : memref<10240x16xf32, #tpu.memory_space<hbm>> -> memref<10240x16xf32, #tpu.memory_space<hbm>>
      tpu.wait_indirect_dma semaphore(%arg14 : memref<!tpu.dma_semaphore, #tpu.memory_space<semaphore_mem>>) src(%dma_wait3A_275 : memref<10240x16xf32, #tpu.memory_space<hbm>>) dst(%dma_wait3A_269 : memref<80x16xf32, #tpu.memory_space<vmem>>)
      %run_scoped3A_276 = arith.constant 4 : i32
      "tpu.region"() ({
        %run_scoped3A_290 = tpu.sem_alloc : memref<!tpu.dma_semaphore, #tpu.memory_space<semaphore_mem>>
        %dma_start3A_291 = arith.constant 0 : i32
        %dma_start3A_292 = arith.constant 0 : i32
        %dma_start3A_293 = tpu.memref_slice %arg8[%run_scoped3A_276, %dma_start3A_291, %dma_start3A_292] : memref<5x80x16xf32, #tpu.memory_space<vmem>> -> memref<1x80x16xf32, #tpu.memory_space<vmem>>
        %dma_start3A_294 = tpu.memref_squeeze %dma_start3A_293 : memref<1x80x16xf32, #tpu.memory_space<vmem>> -> memref<80x16xf32, #tpu.memory_space<vmem>>
        %dma_start3A_295 = arith.constant 0 : i32
        %dma_start3A_296 = tpu.memref_slice %arg7[%add3A_264, %dma_start3A_295] : memref<125x80xi32, #tpu.memory_space<vmem>> -> memref<1x80xi32, #tpu.memory_space<vmem>>
        %dma_start3A_297 = tpu.memref_squeeze %dma_start3A_296 : memref<1x80xi32, #tpu.memory_space<vmem>> -> memref<80xi32, #tpu.memory_space<vmem>>
        %dma_start3A_298 = arith.constant 0 : i32
        %dma_start3A_299 = arith.constant 0 : i32
        %dma_start3A_300 = tpu.memref_slice %arg9[%dma_start3A_298, %dma_start3A_299] : memref<10240x16xf32, #tpu.memory_space<vmem_shared>> -> memref<10240x16xf32, #tpu.memory_space<vmem_shared>>
        tpu.enqueue_indirect_dma source(%dma_start3A_294 : memref<80x16xf32, #tpu.memory_space<vmem>>) target(%dma_start3A_300 : memref<10240x16xf32, #tpu.memory_space<vmem_shared>>) offsets(%dma_start3A_297 : memref<80xi32, #tpu.memory_space<vmem>>) semaphore(%run_scoped3A_290 : memref<!tpu.dma_semaphore, #tpu.memory_space<semaphore_mem>>) {add = true}
        %dma_wait3A_301 = arith.constant 0 : i32
        %dma_wait3A_302 = arith.constant 0 : i32
        %dma_wait3A_303 = tpu.memref_slice %arg8[%run_scoped3A_276, %dma_wait3A_301, %dma_wait3A_302] : memref<5x80x16xf32, #tpu.memory_space<vmem>> -> memref<1x80x16xf32, #tpu.memory_space<vmem>>
        %dma_wait3A_304 = tpu.memref_squeeze %dma_wait3A_303 : memref<1x80x16xf32, #tpu.memory_space<vmem>> -> memref<80x16xf32, #tpu.memory_space<vmem>>
        %dma_wait3A_305 = arith.constant 0 : i32
        %dma_wait3A_306 = tpu.memref_slice %arg7[%add3A_264, %dma_wait3A_305] : memref<125x80xi32, #tpu.memory_space<vmem>> -> memref<1x80xi32, #tpu.memory_space<vmem>>
        %dma_wait3A_307 = tpu.memref_squeeze %dma_wait3A_306 : memref<1x80xi32, #tpu.memory_space<vmem>> -> memref<80xi32, #tpu.memory_space<vmem>>
        %dma_wait3A_308 = arith.constant 0 : i32
        %dma_wait3A_309 = arith.constant 0 : i32
        %dma_wait3A_310 = tpu.memref_slice %arg9[%dma_wait3A_308, %dma_wait3A_309] : memref<10240x16xf32, #tpu.memory_space<vmem_shared>> -> memref<10240x16xf32, #tpu.memory_space<vmem_shared>>
        tpu.wait_indirect_dma semaphore(%run_scoped3A_290 : memref<!tpu.dma_semaphore, #tpu.memory_space<semaphore_mem>>) src(%dma_wait3A_304 : memref<80x16xf32, #tpu.memory_space<vmem>>) dst(%dma_wait3A_310 : memref<10240x16xf32, #tpu.memory_space<vmem_shared>>)
        tpu.yield
      }) : () -> ()
      %add3A_277 = arith.constant 5 : i32
      %add3A_278 = arith.addi %add3A_264, %add3A_277 : i32
      %dma_start3A_279 = arith.constant 4 : i32
      %dma_start3A_280 = arith.constant 0 : i32
      %dma_start3A_281 = arith.constant 0 : i32
      %dma_start3A_282 = tpu.memref_slice %arg8[%dma_start3A_279, %dma_start3A_280, %dma_start3A_281] : memref<5x80x16xf32, #tpu.memory_space<vmem>> -> memref<1x80x16xf32, #tpu.memory_space<vmem>>
      %dma_start3A_283 = tpu.memref_squeeze %dma_start3A_282 : memref<1x80x16xf32, #tpu.memory_space<vmem>> -> memref<80x16xf32, #tpu.memory_space<vmem>>
      %dma_start3A_284 = arith.constant 0 : i32
      %dma_start3A_285 = tpu.memref_slice %arg6[%add3A_278, %dma_start3A_284] : memref<125x80xi32, #tpu.memory_space<vmem>> -> memref<1x80xi32, #tpu.memory_space<vmem>>
      %dma_start3A_286 = tpu.memref_squeeze %dma_start3A_285 : memref<1x80xi32, #tpu.memory_space<vmem>> -> memref<80xi32, #tpu.memory_space<vmem>>
      %dma_start3A_287 = arith.constant 0 : i32
      %dma_start3A_288 = arith.constant 0 : i32
      %dma_start3A_289 = tpu.memref_slice %arg2[%dma_start3A_287, %dma_start3A_288] : memref<10240x16xf32, #tpu.memory_space<hbm>> -> memref<10240x16xf32, #tpu.memory_space<hbm>>
      tpu.enqueue_indirect_dma source(%dma_start3A_289 : memref<10240x16xf32, #tpu.memory_space<hbm>>) target(%dma_start3A_283 : memref<80x16xf32, #tpu.memory_space<vmem>>) offsets(%dma_start3A_286 : memref<80xi32, #tpu.memory_space<vmem>>) semaphore(%arg14 : memref<!tpu.dma_semaphore, #tpu.memory_space<semaphore_mem>>)
    }
    %scan3A_69 = arith.constant 24 : i32
    %dma_wait3A = arith.constant 120 : i32
    %dma_wait3A_70 = arith.constant 0 : i32
    %dma_wait3A_71 = arith.constant 0 : i32
    %dma_wait3A_72 = arith.constant 0 : i32
    %dma_wait3A_73 = tpu.memref_slice %arg8[%dma_wait3A_70, %dma_wait3A_71, %dma_wait3A_72] : memref<5x80x16xf32, #tpu.memory_space<vmem>> -> memref<1x80x16xf32, #tpu.memory_space<vmem>>
    %dma_wait3A_74 = tpu.memref_squeeze %dma_wait3A_73 : memref<1x80x16xf32, #tpu.memory_space<vmem>> -> memref<80x16xf32, #tpu.memory_space<vmem>>
    %dma_wait3A_75 = arith.constant 0 : i32
    %dma_wait3A_76 = tpu.memref_slice %arg6[%dma_wait3A, %dma_wait3A_75] : memref<125x80xi32, #tpu.memory_space<vmem>> -> memref<1x80xi32, #tpu.memory_space<vmem>>
    %dma_wait3A_77 = tpu.memref_squeeze %dma_wait3A_76 : memref<1x80xi32, #tpu.memory_space<vmem>> -> memref<80xi32, #tpu.memory_space<vmem>>
    %dma_wait3A_78 = arith.constant 0 : i32
    %dma_wait3A_79 = arith.constant 0 : i32
    %dma_wait3A_80 = tpu.memref_slice %arg2[%dma_wait3A_78, %dma_wait3A_79] : memref<10240x16xf32, #tpu.memory_space<hbm>> -> memref<10240x16xf32, #tpu.memory_space<hbm>>
    tpu.wait_indirect_dma semaphore(%arg10 : memref<!tpu.dma_semaphore, #tpu.memory_space<semaphore_mem>>) src(%dma_wait3A_80 : memref<10240x16xf32, #tpu.memory_space<hbm>>) dst(%dma_wait3A_74 : memref<80x16xf32, #tpu.memory_space<vmem>>)
    %run_scoped3A_81 = arith.constant 0 : i32
    %run_scoped3A_82 = arith.constant 120 : i32
    "tpu.region"() ({
      %run_scoped3A_144 = tpu.sem_alloc : memref<!tpu.dma_semaphore, #tpu.memory_space<semaphore_mem>>
      %dma_start3A_145 = arith.constant 0 : i32
      %dma_start3A_146 = arith.constant 0 : i32
      %dma_start3A_147 = tpu.memref_slice %arg8[%run_scoped3A_81, %dma_start3A_145, %dma_start3A_146] : memref<5x80x16xf32, #tpu.memory_space<vmem>> -> memref<1x80x16xf32, #tpu.memory_space<vmem>>
      %dma_start3A_148 = tpu.memref_squeeze %dma_start3A_147 : memref<1x80x16xf32, #tpu.memory_space<vmem>> -> memref<80x16xf32, #tpu.memory_space<vmem>>
      %dma_start3A_149 = arith.constant 0 : i32
      %dma_start3A_150 = tpu.memref_slice %arg7[%run_scoped3A_82, %dma_start3A_149] : memref<125x80xi32, #tpu.memory_space<vmem>> -> memref<1x80xi32, #tpu.memory_space<vmem>>
      %dma_start3A_151 = tpu.memref_squeeze %dma_start3A_150 : memref<1x80xi32, #tpu.memory_space<vmem>> -> memref<80xi32, #tpu.memory_space<vmem>>
      %dma_start3A_152 = arith.constant 0 : i32
      %dma_start3A_153 = arith.constant 0 : i32
      %dma_start3A_154 = tpu.memref_slice %arg9[%dma_start3A_152, %dma_start3A_153] : memref<10240x16xf32, #tpu.memory_space<vmem_shared>> -> memref<10240x16xf32, #tpu.memory_space<vmem_shared>>
      tpu.enqueue_indirect_dma source(%dma_start3A_148 : memref<80x16xf32, #tpu.memory_space<vmem>>) target(%dma_start3A_154 : memref<10240x16xf32, #tpu.memory_space<vmem_shared>>) offsets(%dma_start3A_151 : memref<80xi32, #tpu.memory_space<vmem>>) semaphore(%run_scoped3A_144 : memref<!tpu.dma_semaphore, #tpu.memory_space<semaphore_mem>>) {add = true}
      %dma_wait3A_155 = arith.constant 0 : i32
      %dma_wait3A_156 = arith.constant 0 : i32
      %dma_wait3A_157 = tpu.memref_slice %arg8[%run_scoped3A_81, %dma_wait3A_155, %dma_wait3A_156] : memref<5x80x16xf32, #tpu.memory_space<vmem>> -> memref<1x80x16xf32, #tpu.memory_space<vmem>>
      %dma_wait3A_158 = tpu.memref_squeeze %dma_wait3A_157 : memref<1x80x16xf32, #tpu.memory_space<vmem>> -> memref<80x16xf32, #tpu.memory_space<vmem>>
      %dma_wait3A_159 = arith.constant 0 : i32
      %dma_wait3A_160 = tpu.memref_slice %arg7[%run_scoped3A_82, %dma_wait3A_159] : memref<125x80xi32, #tpu.memory_space<vmem>> -> memref<1x80xi32, #tpu.memory_space<vmem>>
      %dma_wait3A_161 = tpu.memref_squeeze %dma_wait3A_160 : memref<1x80xi32, #tpu.memory_space<vmem>> -> memref<80xi32, #tpu.memory_space<vmem>>
      %dma_wait3A_162 = arith.constant 0 : i32
      %dma_wait3A_163 = arith.constant 0 : i32
      %dma_wait3A_164 = tpu.memref_slice %arg9[%dma_wait3A_162, %dma_wait3A_163] : memref<10240x16xf32, #tpu.memory_space<vmem_shared>> -> memref<10240x16xf32, #tpu.memory_space<vmem_shared>>
      tpu.wait_indirect_dma semaphore(%run_scoped3A_144 : memref<!tpu.dma_semaphore, #tpu.memory_space<semaphore_mem>>) src(%dma_wait3A_158 : memref<80x16xf32, #tpu.memory_space<vmem>>) dst(%dma_wait3A_164 : memref<10240x16xf32, #tpu.memory_space<vmem_shared>>)
      tpu.yield
    }) : () -> ()
    %dma_wait3A_83 = arith.constant 121 : i32
    %dma_wait3A_84 = arith.constant 1 : i32
    %dma_wait3A_85 = arith.constant 0 : i32
    %dma_wait3A_86 = arith.constant 0 : i32
    %dma_wait3A_87 = tpu.memref_slice %arg8[%dma_wait3A_84, %dma_wait3A_85, %dma_wait3A_86] : memref<5x80x16xf32, #tpu.memory_space<vmem>> -> memref<1x80x16xf32, #tpu.memory_space<vmem>>
    %dma_wait3A_88 = tpu.memref_squeeze %dma_wait3A_87 : memref<1x80x16xf32, #tpu.memory_space<vmem>> -> memref<80x16xf32, #tpu.memory_space<vmem>>
    %dma_wait3A_89 = arith.constant 0 : i32
    %dma_wait3A_90 = tpu.memref_slice %arg6[%dma_wait3A_83, %dma_wait3A_89] : memref<125x80xi32, #tpu.memory_space<vmem>> -> memref<1x80xi32, #tpu.memory_space<vmem>>
    %dma_wait3A_91 = tpu.memref_squeeze %dma_wait3A_90 : memref<1x80xi32, #tpu.memory_space<vmem>> -> memref<80xi32, #tpu.memory_space<vmem>>
    %dma_wait3A_92 = arith.constant 0 : i32
    %dma_wait3A_93 = arith.constant 0 : i32
    %dma_wait3A_94 = tpu.memref_slice %arg2[%dma_wait3A_92, %dma_wait3A_93] : memref<10240x16xf32, #tpu.memory_space<hbm>> -> memref<10240x16xf32, #tpu.memory_space<hbm>>
    tpu.wait_indirect_dma semaphore(%arg11 : memref<!tpu.dma_semaphore, #tpu.memory_space<semaphore_mem>>) src(%dma_wait3A_94 : memref<10240x16xf32, #tpu.memory_space<hbm>>) dst(%dma_wait3A_88 : memref<80x16xf32, #tpu.memory_space<vmem>>)
    %run_scoped3A_95 = arith.constant 1 : i32
    %run_scoped3A_96 = arith.constant 121 : i32
    "tpu.region"() ({
      %run_scoped3A_144 = tpu.sem_alloc : memref<!tpu.dma_semaphore, #tpu.memory_space<semaphore_mem>>
      %dma_start3A_145 = arith.constant 0 : i32
      %dma_start3A_146 = arith.constant 0 : i32
      %dma_start3A_147 = tpu.memref_slice %arg8[%run_scoped3A_95, %dma_start3A_145, %dma_start3A_146] : memref<5x80x16xf32, #tpu.memory_space<vmem>> -> memref<1x80x16xf32, #tpu.memory_space<vmem>>
      %dma_start3A_148 = tpu.memref_squeeze %dma_start3A_147 : memref<1x80x16xf32, #tpu.memory_space<vmem>> -> memref<80x16xf32, #tpu.memory_space<vmem>>
      %dma_start3A_149 = arith.constant 0 : i32
      %dma_start3A_150 = tpu.memref_slice %arg7[%run_scoped3A_96, %dma_start3A_149] : memref<125x80xi32, #tpu.memory_space<vmem>> -> memref<1x80xi32, #tpu.memory_space<vmem>>
      %dma_start3A_151 = tpu.memref_squeeze %dma_start3A_150 : memref<1x80xi32, #tpu.memory_space<vmem>> -> memref<80xi32, #tpu.memory_space<vmem>>
      %dma_start3A_152 = arith.constant 0 : i32
      %dma_start3A_153 = arith.constant 0 : i32
      %dma_start3A_154 = tpu.memref_slice %arg9[%dma_start3A_152, %dma_start3A_153] : memref<10240x16xf32, #tpu.memory_space<vmem_shared>> -> memref<10240x16xf32, #tpu.memory_space<vmem_shared>>
      tpu.enqueue_indirect_dma source(%dma_start3A_148 : memref<80x16xf32, #tpu.memory_space<vmem>>) target(%dma_start3A_154 : memref<10240x16xf32, #tpu.memory_space<vmem_shared>>) offsets(%dma_start3A_151 : memref<80xi32, #tpu.memory_space<vmem>>) semaphore(%run_scoped3A_144 : memref<!tpu.dma_semaphore, #tpu.memory_space<semaphore_mem>>) {add = true}
      %dma_wait3A_155 = arith.constant 0 : i32
      %dma_wait3A_156 = arith.constant 0 : i32
      %dma_wait3A_157 = tpu.memref_slice %arg8[%run_scoped3A_95, %dma_wait3A_155, %dma_wait3A_156] : memref<5x80x16xf32, #tpu.memory_space<vmem>> -> memref<1x80x16xf32, #tpu.memory_space<vmem>>
      %dma_wait3A_158 = tpu.memref_squeeze %dma_wait3A_157 : memref<1x80x16xf32, #tpu.memory_space<vmem>> -> memref<80x16xf32, #tpu.memory_space<vmem>>
      %dma_wait3A_159 = arith.constant 0 : i32
      %dma_wait3A_160 = tpu.memref_slice %arg7[%run_scoped3A_96, %dma_wait3A_159] : memref<125x80xi32, #tpu.memory_space<vmem>> -> memref<1x80xi32, #tpu.memory_space<vmem>>
      %dma_wait3A_161 = tpu.memref_squeeze %dma_wait3A_160 : memref<1x80xi32, #tpu.memory_space<vmem>> -> memref<80xi32, #tpu.memory_space<vmem>>
      %dma_wait3A_162 = arith.constant 0 : i32
      %dma_wait3A_163 = arith.constant 0 : i32
      %dma_wait3A_164 = tpu.memref_slice %arg9[%dma_wait3A_162, %dma_wait3A_163] : memref<10240x16xf32, #tpu.memory_space<vmem_shared>> -> memref<10240x16xf32, #tpu.memory_space<vmem_shared>>
      tpu.wait_indirect_dma semaphore(%run_scoped3A_144 : memref<!tpu.dma_semaphore, #tpu.memory_space<semaphore_mem>>) src(%dma_wait3A_158 : memref<80x16xf32, #tpu.memory_space<vmem>>) dst(%dma_wait3A_164 : memref<10240x16xf32, #tpu.memory_space<vmem_shared>>)
      tpu.yield
    }) : () -> ()
    %dma_wait3A_97 = arith.constant 122 : i32
    %dma_wait3A_98 = arith.constant 2 : i32
    %dma_wait3A_99 = arith.constant 0 : i32
    %dma_wait3A_100 = arith.constant 0 : i32
    %dma_wait3A_101 = tpu.memref_slice %arg8[%dma_wait3A_98, %dma_wait3A_99, %dma_wait3A_100] : memref<5x80x16xf32, #tpu.memory_space<vmem>> -> memref<1x80x16xf32, #tpu.memory_space<vmem>>
    %dma_wait3A_102 = tpu.memref_squeeze %dma_wait3A_101 : memref<1x80x16xf32, #tpu.memory_space<vmem>> -> memref<80x16xf32, #tpu.memory_space<vmem>>
    %dma_wait3A_103 = arith.constant 0 : i32
    %dma_wait3A_104 = tpu.memref_slice %arg6[%dma_wait3A_97, %dma_wait3A_103] : memref<125x80xi32, #tpu.memory_space<vmem>> -> memref<1x80xi32, #tpu.memory_space<vmem>>
    %dma_wait3A_105 = tpu.memref_squeeze %dma_wait3A_104 : memref<1x80xi32, #tpu.memory_space<vmem>> -> memref<80xi32, #tpu.memory_space<vmem>>
    %dma_wait3A_106 = arith.constant 0 : i32
    %dma_wait3A_107 = arith.constant 0 : i32
    %dma_wait3A_108 = tpu.memref_slice %arg2[%dma_wait3A_106, %dma_wait3A_107] : memref<10240x16xf32, #tpu.memory_space<hbm>> -> memref<10240x16xf32, #tpu.memory_space<hbm>>
    tpu.wait_indirect_dma semaphore(%arg12 : memref<!tpu.dma_semaphore, #tpu.memory_space<semaphore_mem>>) src(%dma_wait3A_108 : memref<10240x16xf32, #tpu.memory_space<hbm>>) dst(%dma_wait3A_102 : memref<80x16xf32, #tpu.memory_space<vmem>>)
    %run_scoped3A_109 = arith.constant 2 : i32
    %run_scoped3A_110 = arith.constant 122 : i32
    "tpu.region"() ({
      %run_scoped3A_144 = tpu.sem_alloc : memref<!tpu.dma_semaphore, #tpu.memory_space<semaphore_mem>>
      %dma_start3A_145 = arith.constant 0 : i32
      %dma_start3A_146 = arith.constant 0 : i32
      %dma_start3A_147 = tpu.memref_slice %arg8[%run_scoped3A_109, %dma_start3A_145, %dma_start3A_146] : memref<5x80x16xf32, #tpu.memory_space<vmem>> -> memref<1x80x16xf32, #tpu.memory_space<vmem>>
      %dma_start3A_148 = tpu.memref_squeeze %dma_start3A_147 : memref<1x80x16xf32, #tpu.memory_space<vmem>> -> memref<80x16xf32, #tpu.memory_space<vmem>>
      %dma_start3A_149 = arith.constant 0 : i32
      %dma_start3A_150 = tpu.memref_slice %arg7[%run_scoped3A_110, %dma_start3A_149] : memref<125x80xi32, #tpu.memory_space<vmem>> -> memref<1x80xi32, #tpu.memory_space<vmem>>
      %dma_start3A_151 = tpu.memref_squeeze %dma_start3A_150 : memref<1x80xi32, #tpu.memory_space<vmem>> -> memref<80xi32, #tpu.memory_space<vmem>>
      %dma_start3A_152 = arith.constant 0 : i32
      %dma_start3A_153 = arith.constant 0 : i32
      %dma_start3A_154 = tpu.memref_slice %arg9[%dma_start3A_152, %dma_start3A_153] : memref<10240x16xf32, #tpu.memory_space<vmem_shared>> -> memref<10240x16xf32, #tpu.memory_space<vmem_shared>>
      tpu.enqueue_indirect_dma source(%dma_start3A_148 : memref<80x16xf32, #tpu.memory_space<vmem>>) target(%dma_start3A_154 : memref<10240x16xf32, #tpu.memory_space<vmem_shared>>) offsets(%dma_start3A_151 : memref<80xi32, #tpu.memory_space<vmem>>) semaphore(%run_scoped3A_144 : memref<!tpu.dma_semaphore, #tpu.memory_space<semaphore_mem>>) {add = true}
      %dma_wait3A_155 = arith.constant 0 : i32
      %dma_wait3A_156 = arith.constant 0 : i32
      %dma_wait3A_157 = tpu.memref_slice %arg8[%run_scoped3A_109, %dma_wait3A_155, %dma_wait3A_156] : memref<5x80x16xf32, #tpu.memory_space<vmem>> -> memref<1x80x16xf32, #tpu.memory_space<vmem>>
      %dma_wait3A_158 = tpu.memref_squeeze %dma_wait3A_157 : memref<1x80x16xf32, #tpu.memory_space<vmem>> -> memref<80x16xf32, #tpu.memory_space<vmem>>
      %dma_wait3A_159 = arith.constant 0 : i32
      %dma_wait3A_160 = tpu.memref_slice %arg7[%run_scoped3A_110, %dma_wait3A_159] : memref<125x80xi32, #tpu.memory_space<vmem>> -> memref<1x80xi32, #tpu.memory_space<vmem>>
      %dma_wait3A_161 = tpu.memref_squeeze %dma_wait3A_160 : memref<1x80xi32, #tpu.memory_space<vmem>> -> memref<80xi32, #tpu.memory_space<vmem>>
      %dma_wait3A_162 = arith.constant 0 : i32
      %dma_wait3A_163 = arith.constant 0 : i32
      %dma_wait3A_164 = tpu.memref_slice %arg9[%dma_wait3A_162, %dma_wait3A_163] : memref<10240x16xf32, #tpu.memory_space<vmem_shared>> -> memref<10240x16xf32, #tpu.memory_space<vmem_shared>>
      tpu.wait_indirect_dma semaphore(%run_scoped3A_144 : memref<!tpu.dma_semaphore, #tpu.memory_space<semaphore_mem>>) src(%dma_wait3A_158 : memref<80x16xf32, #tpu.memory_space<vmem>>) dst(%dma_wait3A_164 : memref<10240x16xf32, #tpu.memory_space<vmem_shared>>)
      tpu.yield
    }) : () -> ()
    %dma_wait3A_111 = arith.constant 123 : i32
    %dma_wait3A_112 = arith.constant 3 : i32
    %dma_wait3A_113 = arith.constant 0 : i32
    %dma_wait3A_114 = arith.constant 0 : i32
    %dma_wait3A_115 = tpu.memref_slice %arg8[%dma_wait3A_112, %dma_wait3A_113, %dma_wait3A_114] : memref<5x80x16xf32, #tpu.memory_space<vmem>> -> memref<1x80x16xf32, #tpu.memory_space<vmem>>
    %dma_wait3A_116 = tpu.memref_squeeze %dma_wait3A_115 : memref<1x80x16xf32, #tpu.memory_space<vmem>> -> memref<80x16xf32, #tpu.memory_space<vmem>>
    %dma_wait3A_117 = arith.constant 0 : i32
    %dma_wait3A_118 = tpu.memref_slice %arg6[%dma_wait3A_111, %dma_wait3A_117] : memref<125x80xi32, #tpu.memory_space<vmem>> -> memref<1x80xi32, #tpu.memory_space<vmem>>
    %dma_wait3A_119 = tpu.memref_squeeze %dma_wait3A_118 : memref<1x80xi32, #tpu.memory_space<vmem>> -> memref<80xi32, #tpu.memory_space<vmem>>
    %dma_wait3A_120 = arith.constant 0 : i32
    %dma_wait3A_121 = arith.constant 0 : i32
    %dma_wait3A_122 = tpu.memref_slice %arg2[%dma_wait3A_120, %dma_wait3A_121] : memref<10240x16xf32, #tpu.memory_space<hbm>> -> memref<10240x16xf32, #tpu.memory_space<hbm>>
    tpu.wait_indirect_dma semaphore(%arg13 : memref<!tpu.dma_semaphore, #tpu.memory_space<semaphore_mem>>) src(%dma_wait3A_122 : memref<10240x16xf32, #tpu.memory_space<hbm>>) dst(%dma_wait3A_116 : memref<80x16xf32, #tpu.memory_space<vmem>>)
    %run_scoped3A_123 = arith.constant 3 : i32
    %run_scoped3A_124 = arith.constant 123 : i32
    "tpu.region"() ({
      %run_scoped3A_144 = tpu.sem_alloc : memref<!tpu.dma_semaphore, #tpu.memory_space<semaphore_mem>>
      %dma_start3A_145 = arith.constant 0 : i32
      %dma_start3A_146 = arith.constant 0 : i32
      %dma_start3A_147 = tpu.memref_slice %arg8[%run_scoped3A_123, %dma_start3A_145, %dma_start3A_146] : memref<5x80x16xf32, #tpu.memory_space<vmem>> -> memref<1x80x16xf32, #tpu.memory_space<vmem>>
      %dma_start3A_148 = tpu.memref_squeeze %dma_start3A_147 : memref<1x80x16xf32, #tpu.memory_space<vmem>> -> memref<80x16xf32, #tpu.memory_space<vmem>>
      %dma_start3A_149 = arith.constant 0 : i32
      %dma_start3A_150 = tpu.memref_slice %arg7[%run_scoped3A_124, %dma_start3A_149] : memref<125x80xi32, #tpu.memory_space<vmem>> -> memref<1x80xi32, #tpu.memory_space<vmem>>
      %dma_start3A_151 = tpu.memref_squeeze %dma_start3A_150 : memref<1x80xi32, #tpu.memory_space<vmem>> -> memref<80xi32, #tpu.memory_space<vmem>>
      %dma_start3A_152 = arith.constant 0 : i32
      %dma_start3A_153 = arith.constant 0 : i32
      %dma_start3A_154 = tpu.memref_slice %arg9[%dma_start3A_152, %dma_start3A_153] : memref<10240x16xf32, #tpu.memory_space<vmem_shared>> -> memref<10240x16xf32, #tpu.memory_space<vmem_shared>>
      tpu.enqueue_indirect_dma source(%dma_start3A_148 : memref<80x16xf32, #tpu.memory_space<vmem>>) target(%dma_start3A_154 : memref<10240x16xf32, #tpu.memory_space<vmem_shared>>) offsets(%dma_start3A_151 : memref<80xi32, #tpu.memory_space<vmem>>) semaphore(%run_scoped3A_144 : memref<!tpu.dma_semaphore, #tpu.memory_space<semaphore_mem>>) {add = true}
      %dma_wait3A_155 = arith.constant 0 : i32
      %dma_wait3A_156 = arith.constant 0 : i32
      %dma_wait3A_157 = tpu.memref_slice %arg8[%run_scoped3A_123, %dma_wait3A_155, %dma_wait3A_156] : memref<5x80x16xf32, #tpu.memory_space<vmem>> -> memref<1x80x16xf32, #tpu.memory_space<vmem>>
      %dma_wait3A_158 = tpu.memref_squeeze %dma_wait3A_157 : memref<1x80x16xf32, #tpu.memory_space<vmem>> -> memref<80x16xf32, #tpu.memory_space<vmem>>
      %dma_wait3A_159 = arith.constant 0 : i32
      %dma_wait3A_160 = tpu.memref_slice %arg7[%run_scoped3A_124, %dma_wait3A_159] : memref<125x80xi32, #tpu.memory_space<vmem>> -> memref<1x80xi32, #tpu.memory_space<vmem>>
      %dma_wait3A_161 = tpu.memref_squeeze %dma_wait3A_160 : memref<1x80xi32, #tpu.memory_space<vmem>> -> memref<80xi32, #tpu.memory_space<vmem>>
      %dma_wait3A_162 = arith.constant 0 : i32
      %dma_wait3A_163 = arith.constant 0 : i32
      %dma_wait3A_164 = tpu.memref_slice %arg9[%dma_wait3A_162, %dma_wait3A_163] : memref<10240x16xf32, #tpu.memory_space<vmem_shared>> -> memref<10240x16xf32, #tpu.memory_space<vmem_shared>>
      tpu.wait_indirect_dma semaphore(%run_scoped3A_144 : memref<!tpu.dma_semaphore, #tpu.memory_space<semaphore_mem>>) src(%dma_wait3A_158 : memref<80x16xf32, #tpu.memory_space<vmem>>) dst(%dma_wait3A_164 : memref<10240x16xf32, #tpu.memory_space<vmem_shared>>)
      tpu.yield
    }) : () -> ()
    %dma_wait3A_125 = arith.constant 124 : i32
    %dma_wait3A_126 = arith.constant 4 : i32
    %dma_wait3A_127 = arith.constant 0 : i32
    %dma_wait3A_128 = arith.constant 0 : i32
    %dma_wait3A_129 = tpu.memref_slice %arg8[%dma_wait3A_126, %dma_wait3A_127, %dma_wait3A_128] : memref<5x80x16xf32, #tpu.memory_space<vmem>> -> memref<1x80x16xf32, #tpu.memory_space<vmem>>
    %dma_wait3A_130 = tpu.memref_squeeze %dma_wait3A_129 : memref<1x80x16xf32, #tpu.memory_space<vmem>> -> memref<80x16xf32, #tpu.memory_space<vmem>>
    %dma_wait3A_131 = arith.constant 0 : i32
    %dma_wait3A_132 = tpu.memref_slice %arg6[%dma_wait3A_125, %dma_wait3A_131] : memref<125x80xi32, #tpu.memory_space<vmem>> -> memref<1x80xi32, #tpu.memory_space<vmem>>
    %dma_wait3A_133 = tpu.memref_squeeze %dma_wait3A_132 : memref<1x80xi32, #tpu.memory_space<vmem>> -> memref<80xi32, #tpu.memory_space<vmem>>
    %dma_wait3A_134 = arith.constant 0 : i32
    %dma_wait3A_135 = arith.constant 0 : i32
    %dma_wait3A_136 = tpu.memref_slice %arg2[%dma_wait3A_134, %dma_wait3A_135] : memref<10240x16xf32, #tpu.memory_space<hbm>> -> memref<10240x16xf32, #tpu.memory_space<hbm>>
    tpu.wait_indirect_dma semaphore(%arg14 : memref<!tpu.dma_semaphore, #tpu.memory_space<semaphore_mem>>) src(%dma_wait3A_136 : memref<10240x16xf32, #tpu.memory_space<hbm>>) dst(%dma_wait3A_130 : memref<80x16xf32, #tpu.memory_space<vmem>>)
    %run_scoped3A_137 = arith.constant 4 : i32
    %run_scoped3A_138 = arith.constant 124 : i32
    "tpu.region"() ({
      %run_scoped3A_144 = tpu.sem_alloc : memref<!tpu.dma_semaphore, #tpu.memory_space<semaphore_mem>>
      %dma_start3A_145 = arith.constant 0 : i32
      %dma_start3A_146 = arith.constant 0 : i32
      %dma_start3A_147 = tpu.memref_slice %arg8[%run_scoped3A_137, %dma_start3A_145, %dma_start3A_146] : memref<5x80x16xf32, #tpu.memory_space<vmem>> -> memref<1x80x16xf32, #tpu.memory_space<vmem>>
      %dma_start3A_148 = tpu.memref_squeeze %dma_start3A_147 : memref<1x80x16xf32, #tpu.memory_space<vmem>> -> memref<80x16xf32, #tpu.memory_space<vmem>>
      %dma_start3A_149 = arith.constant 0 : i32
      %dma_start3A_150 = tpu.memref_slice %arg7[%run_scoped3A_138, %dma_start3A_149] : memref<125x80xi32, #tpu.memory_space<vmem>> -> memref<1x80xi32, #tpu.memory_space<vmem>>
      %dma_start3A_151 = tpu.memref_squeeze %dma_start3A_150 : memref<1x80xi32, #tpu.memory_space<vmem>> -> memref<80xi32, #tpu.memory_space<vmem>>
      %dma_start3A_152 = arith.constant 0 : i32
      %dma_start3A_153 = arith.constant 0 : i32
      %dma_start3A_154 = tpu.memref_slice %arg9[%dma_start3A_152, %dma_start3A_153] : memref<10240x16xf32, #tpu.memory_space<vmem_shared>> -> memref<10240x16xf32, #tpu.memory_space<vmem_shared>>
      tpu.enqueue_indirect_dma source(%dma_start3A_148 : memref<80x16xf32, #tpu.memory_space<vmem>>) target(%dma_start3A_154 : memref<10240x16xf32, #tpu.memory_space<vmem_shared>>) offsets(%dma_start3A_151 : memref<80xi32, #tpu.memory_space<vmem>>) semaphore(%run_scoped3A_144 : memref<!tpu.dma_semaphore, #tpu.memory_space<semaphore_mem>>) {add = true}
      %dma_wait3A_155 = arith.constant 0 : i32
      %dma_wait3A_156 = arith.constant 0 : i32
      %dma_wait3A_157 = tpu.memref_slice %arg8[%run_scoped3A_137, %dma_wait3A_155, %dma_wait3A_156] : memref<5x80x16xf32, #tpu.memory_space<vmem>> -> memref<1x80x16xf32, #tpu.memory_space<vmem>>
      %dma_wait3A_158 = tpu.memref_squeeze %dma_wait3A_157 : memref<1x80x16xf32, #tpu.memory_space<vmem>> -> memref<80x16xf32, #tpu.memory_space<vmem>>
      %dma_wait3A_159 = arith.constant 0 : i32
      %dma_wait3A_160 = tpu.memref_slice %arg7[%run_scoped3A_138, %dma_wait3A_159] : memref<125x80xi32, #tpu.memory_space<vmem>> -> memref<1x80xi32, #tpu.memory_space<vmem>>
      %dma_wait3A_161 = tpu.memref_squeeze %dma_wait3A_160 : memref<1x80xi32, #tpu.memory_space<vmem>> -> memref<80xi32, #tpu.memory_space<vmem>>
      %dma_wait3A_162 = arith.constant 0 : i32
      %dma_wait3A_163 = arith.constant 0 : i32
      %dma_wait3A_164 = tpu.memref_slice %arg9[%dma_wait3A_162, %dma_wait3A_163] : memref<10240x16xf32, #tpu.memory_space<vmem_shared>> -> memref<10240x16xf32, #tpu.memory_space<vmem_shared>>
      tpu.wait_indirect_dma semaphore(%run_scoped3A_144 : memref<!tpu.dma_semaphore, #tpu.memory_space<semaphore_mem>>) src(%dma_wait3A_158 : memref<80x16xf32, #tpu.memory_space<vmem>>) dst(%dma_wait3A_164 : memref<10240x16xf32, #tpu.memory_space<vmem_shared>>)
      tpu.yield
    }) : () -> ()
    %barrier3A_139 = arith.constant 0 : index
    tpu.barrier barrier_id(%barrier3A_139)
    %mul3A_140 = arith.constant 640 : i32
    %mul3A_141 = arith.muli %arg1, %mul3A_140 : i32
    %mul3A_142 = arith.constant 640 : i32
    %mul3A_143 = arith.muli %arg1, %mul3A_142 : i32
    "tpu.region"() ({
      %run_scoped3A_144 = tpu.sem_alloc : memref<!tpu.dma_semaphore, #tpu.memory_space<semaphore_mem>>
      %dma_start3A_145 = arith.constant 0 : i32
      %dma_start3A_146 = tpu.memref_slice %arg5[%arg0, %mul3A_143, %dma_start3A_145] : memref<2x10240x16xf32, #tpu.memory_space<hbm>> -> memref<1x640x16xf32, #tpu.memory_space<hbm>>
      %dma_start3A_147 = tpu.memref_squeeze %dma_start3A_146 : memref<1x640x16xf32, #tpu.memory_space<hbm>> -> memref<640x16xf32, #tpu.memory_space<hbm>>
      %dma_start3A_148 = arith.constant 0 : i32
      %dma_start3A_149 = tpu.memref_slice %arg9[%mul3A_141, %dma_start3A_148] : memref<10240x16xf32, #tpu.memory_space<vmem_shared>> -> memref<640x16xf32, #tpu.memory_space<vmem_shared>>
      tpu.enqueue_dma source(%dma_start3A_149 : memref<640x16xf32, #tpu.memory_space<vmem_shared>>) target(%dma_start3A_147 : memref<640x16xf32, #tpu.memory_space<hbm>>) target_semaphore(%run_scoped3A_144 : memref<!tpu.dma_semaphore, #tpu.memory_space<semaphore_mem>>)
      %dma_wait3A_150 = arith.constant 0 : i32
      %dma_wait3A_151 = tpu.memref_slice %arg5[%arg0, %mul3A_143, %dma_wait3A_150] : memref<2x10240x16xf32, #tpu.memory_space<hbm>> -> memref<1x640x16xf32, #tpu.memory_space<hbm>>
      %dma_wait3A_152 = tpu.memref_squeeze %dma_wait3A_151 : memref<1x640x16xf32, #tpu.memory_space<hbm>> -> memref<640x16xf32, #tpu.memory_space<hbm>>
      %dma_wait3A_153 = arith.constant 0 : i32
      %dma_wait3A_154 = tpu.memref_slice %arg9[%mul3A_141, %dma_wait3A_153] : memref<10240x16xf32, #tpu.memory_space<vmem_shared>> -> memref<640x16xf32, #tpu.memory_space<vmem_shared>>
      tpu.wait_dma2 semaphore(%run_scoped3A_144 : memref<!tpu.dma_semaphore, #tpu.memory_space<semaphore_mem>>) src(%dma_wait3A_154 : memref<640x16xf32, #tpu.memory_space<vmem_shared>>) dst(%dma_wait3A_152 : memref<640x16xf32, #tpu.memory_space<hbm>>)
      tpu.yield
    }) : () -> ()
    return
  }
}

#map = affine_map<(d0, d1) -> (0, 0, 0, 0)>
#map1 = affine_map<(d0, d1) -> (0)>
#map2 = affine_map<(d0, d1) -> (0, 0)>
module attributes {stable_mosaic.version = 14 : i64} {
  func.func @deg_kernel(%arg0: i32, %arg1: i32, %arg2: memref<2x32x125x80xi32, #tpu.memory_space<hbm>>, %arg3: memref<10240xf32, #tpu.memory_space<hbm>>, %arg4: memref<2x10240xf32, #tpu.memory_space<hbm>>, %arg5: memref<125x80xi32, #tpu.memory_space<vmem>>, %arg6: memref<80xf32, #tpu.memory_space<vmem>>, %arg7: memref<10240xf32, #tpu.memory_space<vmem_shared>>) attributes {dimension_semantics = [#tpu.dimension_semantics<core_parallel>, #tpu.dimension_semantics<subcore_parallel>], iteration_bounds = array<i64: 2, 16>, scalar_prefetch = 0 : i64, scratch_operands = 3 : i64, tpu.core_type = #tpu.core_type<sc_vector_subcore>, window_params = [{transform_indices = #map}, {transform_indices = #map1}, {transform_indices = #map2}]} {
    %mul3A = arith.constant 16 : i32
    %mul3A_0 = arith.muli %arg0, %mul3A : i32
    %add3A = arith.addi %mul3A_0, %arg1 : i32
    %run_scoped3A = arith.constant 1 : i32
    "tpu.region"() ({
      %run_scoped3A_43 = tpu.sem_alloc : memref<!tpu.dma_semaphore, #tpu.memory_space<semaphore_mem>>
      %dma_start3A = arith.constant 0 : i32
      %dma_start3A_44 = arith.constant 0 : i32
      %dma_start3A_45 = tpu.memref_slice %arg2[%run_scoped3A, %add3A, %dma_start3A, %dma_start3A_44] : memref<2x32x125x80xi32, #tpu.memory_space<hbm>> -> memref<1x1x125x80xi32, #tpu.memory_space<hbm>>
      %dma_start3A_46 = tpu.memref_squeeze %dma_start3A_45 : memref<1x1x125x80xi32, #tpu.memory_space<hbm>> -> memref<125x80xi32, #tpu.memory_space<hbm>>
      %dma_start3A_47 = arith.constant 0 : i32
      %dma_start3A_48 = arith.constant 0 : i32
      %dma_start3A_49 = tpu.memref_slice %arg2[%run_scoped3A, %add3A, %dma_start3A_47, %dma_start3A_48] : memref<2x32x125x80xi32, #tpu.memory_space<hbm>> -> memref<1x1x125x80xi32, #tpu.memory_space<hbm>>
      %dma_start3A_50 = tpu.memref_squeeze %dma_start3A_49 : memref<1x1x125x80xi32, #tpu.memory_space<hbm>> -> memref<125x80xi32, #tpu.memory_space<hbm>>
      tpu.enqueue_dma source(%dma_start3A_50 : memref<125x80xi32, #tpu.memory_space<hbm>>) target(%arg5 : memref<125x80xi32, #tpu.memory_space<vmem>>) target_semaphore(%run_scoped3A_43 : memref<!tpu.dma_semaphore, #tpu.memory_space<semaphore_mem>>)
      %dma_wait3A = arith.constant 0 : i32
      %dma_wait3A_51 = arith.constant 0 : i32
      %dma_wait3A_52 = tpu.memref_slice %arg2[%run_scoped3A, %add3A, %dma_wait3A, %dma_wait3A_51] : memref<2x32x125x80xi32, #tpu.memory_space<hbm>> -> memref<1x1x125x80xi32, #tpu.memory_space<hbm>>
      %dma_wait3A_53 = tpu.memref_squeeze %dma_wait3A_52 : memref<1x1x125x80xi32, #tpu.memory_space<hbm>> -> memref<125x80xi32, #tpu.memory_space<hbm>>
      %dma_wait3A_54 = arith.constant 0 : i32
      %dma_wait3A_55 = arith.constant 0 : i32
      %dma_wait3A_56 = tpu.memref_slice %arg2[%run_scoped3A, %add3A, %dma_wait3A_54, %dma_wait3A_55] : memref<2x32x125x80xi32, #tpu.memory_space<hbm>> -> memref<1x1x125x80xi32, #tpu.memory_space<hbm>>
      %dma_wait3A_57 = tpu.memref_squeeze %dma_wait3A_56 : memref<1x1x125x80xi32, #tpu.memory_space<hbm>> -> memref<125x80xi32, #tpu.memory_space<hbm>>
      tpu.wait_dma2 semaphore(%run_scoped3A_43 : memref<!tpu.dma_semaphore, #tpu.memory_space<semaphore_mem>>) src(%dma_wait3A_57 : memref<125x80xi32, #tpu.memory_space<hbm>>) dst(%arg5 : memref<125x80xi32, #tpu.memory_space<vmem>>)
      tpu.yield
    }) : () -> ()
    %broadcast_in_dim3A = arith.constant 1.000000e+00 : f32
    %broadcast_in_dim3A_1 = vector.broadcast %broadcast_in_dim3A : f32 to vector<16xf32>
    %swap3A = arith.constant 0 : index
    %swap3A_2 = tpu.vector_load %arg6[%swap3A] {strides = array<i32>} : memref<80xf32, #tpu.memory_space<vmem>>, vector<16xf32>,
    %swap3A_3 = vector.shape_cast %swap3A_2 : vector<16xf32> to vector<16xf32>
    %swap3A_4 = vector.shape_cast %broadcast_in_dim3A_1 : vector<16xf32> to vector<16xf32>
    tpu.vector_store %arg6[%swap3A], %swap3A_4 {strides = array<i32>} : memref<80xf32, #tpu.memory_space<vmem>>, vector<16xf32>,
    %broadcast_in_dim3A_5 = arith.constant 1.000000e+00 : f32
    %broadcast_in_dim3A_6 = vector.broadcast %broadcast_in_dim3A_5 : f32 to vector<16xf32>
    %swap3A_7 = arith.constant 16 : index
    %swap3A_8 = tpu.vector_load %arg6[%swap3A_7] {strides = array<i32>} : memref<80xf32, #tpu.memory_space<vmem>>, vector<16xf32>,
    %swap3A_9 = vector.shape_cast %swap3A_8 : vector<16xf32> to vector<16xf32>
    %swap3A_10 = vector.shape_cast %broadcast_in_dim3A_6 : vector<16xf32> to vector<16xf32>
    tpu.vector_store %arg6[%swap3A_7], %swap3A_10 {strides = array<i32>} : memref<80xf32, #tpu.memory_space<vmem>>, vector<16xf32>,
    %broadcast_in_dim3A_11 = arith.constant 1.000000e+00 : f32
    %broadcast_in_dim3A_12 = vector.broadcast %broadcast_in_dim3A_11 : f32 to vector<16xf32>
    %swap3A_13 = arith.constant 32 : index
    %swap3A_14 = tpu.vector_load %arg6[%swap3A_13] {strides = array<i32>} : memref<80xf32, #tpu.memory_space<vmem>>, vector<16xf32>,
    %swap3A_15 = vector.shape_cast %swap3A_14 : vector<16xf32> to vector<16xf32>
    %swap3A_16 = vector.shape_cast %broadcast_in_dim3A_12 : vector<16xf32> to vector<16xf32>
    tpu.vector_store %arg6[%swap3A_13], %swap3A_16 {strides = array<i32>} : memref<80xf32, #tpu.memory_space<vmem>>, vector<16xf32>,
    %broadcast_in_dim3A_17 = arith.constant 1.000000e+00 : f32
    %broadcast_in_dim3A_18 = vector.broadcast %broadcast_in_dim3A_17 : f32 to vector<16xf32>
    %swap3A_19 = arith.constant 48 : index
    %swap3A_20 = tpu.vector_load %arg6[%swap3A_19] {strides = array<i32>} : memref<80xf32, #tpu.memory_space<vmem>>, vector<16xf32>,
    %swap3A_21 = vector.shape_cast %swap3A_20 : vector<16xf32> to vector<16xf32>
    %swap3A_22 = vector.shape_cast %broadcast_in_dim3A_18 : vector<16xf32> to vector<16xf32>
    tpu.vector_store %arg6[%swap3A_19], %swap3A_22 {strides = array<i32>} : memref<80xf32, #tpu.memory_space<vmem>>, vector<16xf32>,
    %broadcast_in_dim3A_23 = arith.constant 1.000000e+00 : f32
    %broadcast_in_dim3A_24 = vector.broadcast %broadcast_in_dim3A_23 : f32 to vector<16xf32>
    %swap3A_25 = arith.constant 64 : index
    %swap3A_26 = tpu.vector_load %arg6[%swap3A_25] {strides = array<i32>} : memref<80xf32, #tpu.memory_space<vmem>>, vector<16xf32>,
    %swap3A_27 = vector.shape_cast %swap3A_26 : vector<16xf32> to vector<16xf32>
    %swap3A_28 = vector.shape_cast %broadcast_in_dim3A_24 : vector<16xf32> to vector<16xf32>
    tpu.vector_store %arg6[%swap3A_25], %swap3A_28 {strides = array<i32>} : memref<80xf32, #tpu.memory_space<vmem>>, vector<16xf32>,
    %mul3A_29 = arith.constant 640 : i32
    %mul3A_30 = arith.muli %arg1, %mul3A_29 : i32
    %mul3A_31 = arith.constant 640 : i32
    %mul3A_32 = arith.muli %arg1, %mul3A_31 : i32
    "tpu.region"() ({
      %run_scoped3A_43 = tpu.sem_alloc : memref<!tpu.dma_semaphore, #tpu.memory_space<semaphore_mem>>
      %dma_start3A = tpu.memref_slice %arg7[%mul3A_32] : memref<10240xf32, #tpu.memory_space<vmem_shared>> -> memref<640xf32, #tpu.memory_space<vmem_shared>>
      %dma_start3A_44 = tpu.memref_slice %arg3[%mul3A_30] : memref<10240xf32, #tpu.memory_space<hbm>> -> memref<640xf32, #tpu.memory_space<hbm>>
      tpu.enqueue_dma source(%dma_start3A_44 : memref<640xf32, #tpu.memory_space<hbm>>) target(%dma_start3A : memref<640xf32, #tpu.memory_space<vmem_shared>>) target_semaphore(%run_scoped3A_43 : memref<!tpu.dma_semaphore, #tpu.memory_space<semaphore_mem>>)
      %dma_wait3A = tpu.memref_slice %arg7[%mul3A_32] : memref<10240xf32, #tpu.memory_space<vmem_shared>> -> memref<640xf32, #tpu.memory_space<vmem_shared>>
      %dma_wait3A_45 = tpu.memref_slice %arg3[%mul3A_30] : memref<10240xf32, #tpu.memory_space<hbm>> -> memref<640xf32, #tpu.memory_space<hbm>>
      tpu.wait_dma2 semaphore(%run_scoped3A_43 : memref<!tpu.dma_semaphore, #tpu.memory_space<semaphore_mem>>) src(%dma_wait3A_45 : memref<640xf32, #tpu.memory_space<hbm>>) dst(%dma_wait3A : memref<640xf32, #tpu.memory_space<vmem_shared>>)
      tpu.yield
    }) : () -> ()
    %barrier3A = arith.constant 0 : index
    tpu.barrier barrier_id(%barrier3A)
    %scan3A = arith.constant 0 : i32
    %scan3A_33 = arith.constant 0 : i32
    %scan3A_34 = arith.constant 125 : i32
    %scan3A_35 = arith.addi %scan3A_33, %scan3A_34 : i32
    %scan3A_36 = arith.constant 1 : i32
    scf.for %scan3A_43 = %scan3A_33 to %scan3A_35 step %scan3A_36  : i32 {
      "tpu.region"() ({
        %run_scoped3A_44 = tpu.sem_alloc : memref<!tpu.dma_semaphore, #tpu.memory_space<semaphore_mem>>
        %dma_start3A = arith.constant 0 : i32
        %dma_start3A_45 = tpu.memref_slice %arg5[%scan3A_43, %dma_start3A] : memref<125x80xi32, #tpu.memory_space<vmem>> -> memref<1x80xi32, #tpu.memory_space<vmem>>
        %dma_start3A_46 = tpu.memref_squeeze %dma_start3A_45 : memref<1x80xi32, #tpu.memory_space<vmem>> -> memref<80xi32, #tpu.memory_space<vmem>>
        %dma_start3A_47 = arith.constant 0 : i32
        %dma_start3A_48 = tpu.memref_slice %arg7[%dma_start3A_47] : memref<10240xf32, #tpu.memory_space<vmem_shared>> -> memref<10240xf32, #tpu.memory_space<vmem_shared>>
        tpu.enqueue_indirect_dma source(%arg6 : memref<80xf32, #tpu.memory_space<vmem>>) target(%dma_start3A_48 : memref<10240xf32, #tpu.memory_space<vmem_shared>>) offsets(%dma_start3A_46 : memref<80xi32, #tpu.memory_space<vmem>>) semaphore(%run_scoped3A_44 : memref<!tpu.dma_semaphore, #tpu.memory_space<semaphore_mem>>) {add = true}
        %dma_wait3A = arith.constant 0 : i32
        %dma_wait3A_49 = tpu.memref_slice %arg5[%scan3A_43, %dma_wait3A] : memref<125x80xi32, #tpu.memory_space<vmem>> -> memref<1x80xi32, #tpu.memory_space<vmem>>
        %dma_wait3A_50 = tpu.memref_squeeze %dma_wait3A_49 : memref<1x80xi32, #tpu.memory_space<vmem>> -> memref<80xi32, #tpu.memory_space<vmem>>
        %dma_wait3A_51 = arith.constant 0 : i32
        %dma_wait3A_52 = tpu.memref_slice %arg7[%dma_wait3A_51] : memref<10240xf32, #tpu.memory_space<vmem_shared>> -> memref<10240xf32, #tpu.memory_space<vmem_shared>>
        tpu.wait_indirect_dma semaphore(%run_scoped3A_44 : memref<!tpu.dma_semaphore, #tpu.memory_space<semaphore_mem>>) src(%arg6 : memref<80xf32, #tpu.memory_space<vmem>>) dst(%dma_wait3A_52 : memref<10240xf32, #tpu.memory_space<vmem_shared>>)
        tpu.yield
      }) : () -> ()
    }
    %scan3A_37 = arith.constant 125 : i32
    %barrier3A_38 = arith.constant 0 : index
    tpu.barrier barrier_id(%barrier3A_38)
    %mul3A_39 = arith.constant 640 : i32
    %mul3A_40 = arith.muli %arg1, %mul3A_39 : i32
    %mul3A_41 = arith.constant 640 : i32
    %mul3A_42 = arith.muli %arg1, %mul3A_41 : i32
    "tpu.region"() ({
      %run_scoped3A_43 = tpu.sem_alloc : memref<!tpu.dma_semaphore, #tpu.memory_space<semaphore_mem>>
      %dma_start3A = tpu.memref_slice %arg4[%arg0, %mul3A_42] : memref<2x10240xf32, #tpu.memory_space<hbm>> -> memref<1x640xf32, #tpu.memory_space<hbm>>
      %dma_start3A_44 = tpu.memref_squeeze %dma_start3A : memref<1x640xf32, #tpu.memory_space<hbm>> -> memref<640xf32, #tpu.memory_space<hbm>>
      %dma_start3A_45 = tpu.memref_slice %arg7[%mul3A_40] : memref<10240xf32, #tpu.memory_space<vmem_shared>> -> memref<640xf32, #tpu.memory_space<vmem_shared>>
      tpu.enqueue_dma source(%dma_start3A_45 : memref<640xf32, #tpu.memory_space<vmem_shared>>) target(%dma_start3A_44 : memref<640xf32, #tpu.memory_space<hbm>>) target_semaphore(%run_scoped3A_43 : memref<!tpu.dma_semaphore, #tpu.memory_space<semaphore_mem>>)
      %dma_wait3A = tpu.memref_slice %arg4[%arg0, %mul3A_42] : memref<2x10240xf32, #tpu.memory_space<hbm>> -> memref<1x640xf32, #tpu.memory_space<hbm>>
      %dma_wait3A_46 = tpu.memref_squeeze %dma_wait3A : memref<1x640xf32, #tpu.memory_space<hbm>> -> memref<640xf32, #tpu.memory_space<hbm>>
      %dma_wait3A_47 = tpu.memref_slice %arg7[%mul3A_40] : memref<10240xf32, #tpu.memory_space<vmem_shared>> -> memref<640xf32, #tpu.memory_space<vmem_shared>>
      tpu.wait_dma2 semaphore(%run_scoped3A_43 : memref<!tpu.dma_semaphore, #tpu.memory_space<semaphore_mem>>) src(%dma_wait3A_47 : memref<640xf32, #tpu.memory_space<vmem_shared>>) dst(%dma_wait3A_46 : memref<640xf32, #tpu.memory_space<hbm>>)
      tpu.yield
    }) : () -> ()
    return
  }
}

#map = affine_map<(d0, d1) -> (0, 0)>
#map1 = affine_map<(d0, d1) -> (0, 0, 0, 0)>
#map2 = affine_map<(d0, d1) -> (0, 0, 0)>
module attributes {stable_mosaic.version = 14 : i64} {
  func.func @agg_kernel(%arg0: i32, %arg1: i32, %arg2: memref<10240x64xf32, #tpu.memory_space<hbm>>, %arg3: memref<2x32x125x80xi32, #tpu.memory_space<hbm>>, %arg4: memref<10240x64xf32, #tpu.memory_space<hbm>>, %arg5: memref<2x10240x64xf32, #tpu.memory_space<hbm>>, %arg6: memref<125x80xi32, #tpu.memory_space<vmem>>, %arg7: memref<125x80xi32, #tpu.memory_space<vmem>>, %arg8: memref<5x80x64xf32, #tpu.memory_space<vmem>>, %arg9: memref<10240x64xf32, #tpu.memory_space<vmem_shared>>, %arg10: memref<!tpu.dma_semaphore, #tpu.memory_space<semaphore_mem>>, %arg11: memref<!tpu.dma_semaphore, #tpu.memory_space<semaphore_mem>>, %arg12: memref<!tpu.dma_semaphore, #tpu.memory_space<semaphore_mem>>, %arg13: memref<!tpu.dma_semaphore, #tpu.memory_space<semaphore_mem>>, %arg14: memref<!tpu.dma_semaphore, #tpu.memory_space<semaphore_mem>>) attributes {dimension_semantics = [#tpu.dimension_semantics<core_parallel>, #tpu.dimension_semantics<subcore_parallel>], iteration_bounds = array<i64: 2, 16>, scalar_prefetch = 0 : i64, scratch_operands = 9 : i64, tpu.core_type = #tpu.core_type<sc_vector_subcore>, window_params = [{transform_indices = #map}, {transform_indices = #map1}, {transform_indices = #map}, {transform_indices = #map2}]} {
    %mul3A = arith.constant 16 : i32
    %mul3A_0 = arith.muli %arg0, %mul3A : i32
    %add3A = arith.addi %mul3A_0, %arg1 : i32
    %run_scoped3A = arith.constant 0 : i32
    "tpu.region"() ({
      %run_scoped3A_144 = tpu.sem_alloc : memref<!tpu.dma_semaphore, #tpu.memory_space<semaphore_mem>>
      %dma_start3A_145 = arith.constant 0 : i32
      %dma_start3A_146 = arith.constant 0 : i32
      %dma_start3A_147 = tpu.memref_slice %arg3[%run_scoped3A, %add3A, %dma_start3A_145, %dma_start3A_146] : memref<2x32x125x80xi32, #tpu.memory_space<hbm>> -> memref<1x1x125x80xi32, #tpu.memory_space<hbm>>
      %dma_start3A_148 = tpu.memref_squeeze %dma_start3A_147 : memref<1x1x125x80xi32, #tpu.memory_space<hbm>> -> memref<125x80xi32, #tpu.memory_space<hbm>>
      %dma_start3A_149 = arith.constant 0 : i32
      %dma_start3A_150 = arith.constant 0 : i32
      %dma_start3A_151 = tpu.memref_slice %arg3[%run_scoped3A, %add3A, %dma_start3A_149, %dma_start3A_150] : memref<2x32x125x80xi32, #tpu.memory_space<hbm>> -> memref<1x1x125x80xi32, #tpu.memory_space<hbm>>
      %dma_start3A_152 = tpu.memref_squeeze %dma_start3A_151 : memref<1x1x125x80xi32, #tpu.memory_space<hbm>> -> memref<125x80xi32, #tpu.memory_space<hbm>>
      tpu.enqueue_dma source(%dma_start3A_152 : memref<125x80xi32, #tpu.memory_space<hbm>>) target(%arg6 : memref<125x80xi32, #tpu.memory_space<vmem>>) target_semaphore(%run_scoped3A_144 : memref<!tpu.dma_semaphore, #tpu.memory_space<semaphore_mem>>)
      %dma_wait3A_153 = arith.constant 0 : i32
      %dma_wait3A_154 = arith.constant 0 : i32
      %dma_wait3A_155 = tpu.memref_slice %arg3[%run_scoped3A, %add3A, %dma_wait3A_153, %dma_wait3A_154] : memref<2x32x125x80xi32, #tpu.memory_space<hbm>> -> memref<1x1x125x80xi32, #tpu.memory_space<hbm>>
      %dma_wait3A_156 = tpu.memref_squeeze %dma_wait3A_155 : memref<1x1x125x80xi32, #tpu.memory_space<hbm>> -> memref<125x80xi32, #tpu.memory_space<hbm>>
      %dma_wait3A_157 = arith.constant 0 : i32
      %dma_wait3A_158 = arith.constant 0 : i32
      %dma_wait3A_159 = tpu.memref_slice %arg3[%run_scoped3A, %add3A, %dma_wait3A_157, %dma_wait3A_158] : memref<2x32x125x80xi32, #tpu.memory_space<hbm>> -> memref<1x1x125x80xi32, #tpu.memory_space<hbm>>
      %dma_wait3A_160 = tpu.memref_squeeze %dma_wait3A_159 : memref<1x1x125x80xi32, #tpu.memory_space<hbm>> -> memref<125x80xi32, #tpu.memory_space<hbm>>
      tpu.wait_dma2 semaphore(%run_scoped3A_144 : memref<!tpu.dma_semaphore, #tpu.memory_space<semaphore_mem>>) src(%dma_wait3A_160 : memref<125x80xi32, #tpu.memory_space<hbm>>) dst(%arg6 : memref<125x80xi32, #tpu.memory_space<vmem>>)
      tpu.yield
    }) : () -> ()
    %run_scoped3A_1 = arith.constant 1 : i32
    "tpu.region"() ({
      %run_scoped3A_144 = tpu.sem_alloc : memref<!tpu.dma_semaphore, #tpu.memory_space<semaphore_mem>>
      %dma_start3A_145 = arith.constant 0 : i32
      %dma_start3A_146 = arith.constant 0 : i32
      %dma_start3A_147 = tpu.memref_slice %arg3[%run_scoped3A_1, %add3A, %dma_start3A_145, %dma_start3A_146] : memref<2x32x125x80xi32, #tpu.memory_space<hbm>> -> memref<1x1x125x80xi32, #tpu.memory_space<hbm>>
      %dma_start3A_148 = tpu.memref_squeeze %dma_start3A_147 : memref<1x1x125x80xi32, #tpu.memory_space<hbm>> -> memref<125x80xi32, #tpu.memory_space<hbm>>
      %dma_start3A_149 = arith.constant 0 : i32
      %dma_start3A_150 = arith.constant 0 : i32
      %dma_start3A_151 = tpu.memref_slice %arg3[%run_scoped3A_1, %add3A, %dma_start3A_149, %dma_start3A_150] : memref<2x32x125x80xi32, #tpu.memory_space<hbm>> -> memref<1x1x125x80xi32, #tpu.memory_space<hbm>>
      %dma_start3A_152 = tpu.memref_squeeze %dma_start3A_151 : memref<1x1x125x80xi32, #tpu.memory_space<hbm>> -> memref<125x80xi32, #tpu.memory_space<hbm>>
      tpu.enqueue_dma source(%dma_start3A_152 : memref<125x80xi32, #tpu.memory_space<hbm>>) target(%arg7 : memref<125x80xi32, #tpu.memory_space<vmem>>) target_semaphore(%run_scoped3A_144 : memref<!tpu.dma_semaphore, #tpu.memory_space<semaphore_mem>>)
      %dma_wait3A_153 = arith.constant 0 : i32
      %dma_wait3A_154 = arith.constant 0 : i32
      %dma_wait3A_155 = tpu.memref_slice %arg3[%run_scoped3A_1, %add3A, %dma_wait3A_153, %dma_wait3A_154] : memref<2x32x125x80xi32, #tpu.memory_space<hbm>> -> memref<1x1x125x80xi32, #tpu.memory_space<hbm>>
      %dma_wait3A_156 = tpu.memref_squeeze %dma_wait3A_155 : memref<1x1x125x80xi32, #tpu.memory_space<hbm>> -> memref<125x80xi32, #tpu.memory_space<hbm>>
      %dma_wait3A_157 = arith.constant 0 : i32
      %dma_wait3A_158 = arith.constant 0 : i32
      %dma_wait3A_159 = tpu.memref_slice %arg3[%run_scoped3A_1, %add3A, %dma_wait3A_157, %dma_wait3A_158] : memref<2x32x125x80xi32, #tpu.memory_space<hbm>> -> memref<1x1x125x80xi32, #tpu.memory_space<hbm>>
      %dma_wait3A_160 = tpu.memref_squeeze %dma_wait3A_159 : memref<1x1x125x80xi32, #tpu.memory_space<hbm>> -> memref<125x80xi32, #tpu.memory_space<hbm>>
      tpu.wait_dma2 semaphore(%run_scoped3A_144 : memref<!tpu.dma_semaphore, #tpu.memory_space<semaphore_mem>>) src(%dma_wait3A_160 : memref<125x80xi32, #tpu.memory_space<hbm>>) dst(%arg7 : memref<125x80xi32, #tpu.memory_space<vmem>>)
      tpu.yield
    }) : () -> ()
    %mul3A_2 = arith.constant 640 : i32
    %mul3A_3 = arith.muli %arg1, %mul3A_2 : i32
    %mul3A_4 = arith.constant 640 : i32
    %mul3A_5 = arith.muli %arg1, %mul3A_4 : i32
    "tpu.region"() ({
      %run_scoped3A_144 = tpu.sem_alloc : memref<!tpu.dma_semaphore, #tpu.memory_space<semaphore_mem>>
      %dma_start3A_145 = arith.constant 0 : i32
      %dma_start3A_146 = tpu.memref_slice %arg9[%mul3A_5, %dma_start3A_145] : memref<10240x64xf32, #tpu.memory_space<vmem_shared>> -> memref<640x64xf32, #tpu.memory_space<vmem_shared>>
      %dma_start3A_147 = arith.constant 0 : i32
      %dma_start3A_148 = tpu.memref_slice %arg4[%mul3A_3, %dma_start3A_147] : memref<10240x64xf32, #tpu.memory_space<hbm>> -> memref<640x64xf32, #tpu.memory_space<hbm>>
      tpu.enqueue_dma source(%dma_start3A_148 : memref<640x64xf32, #tpu.memory_space<hbm>>) target(%dma_start3A_146 : memref<640x64xf32, #tpu.memory_space<vmem_shared>>) target_semaphore(%run_scoped3A_144 : memref<!tpu.dma_semaphore, #tpu.memory_space<semaphore_mem>>)
      %dma_wait3A_149 = arith.constant 0 : i32
      %dma_wait3A_150 = tpu.memref_slice %arg9[%mul3A_5, %dma_wait3A_149] : memref<10240x64xf32, #tpu.memory_space<vmem_shared>> -> memref<640x64xf32, #tpu.memory_space<vmem_shared>>
      %dma_wait3A_151 = arith.constant 0 : i32
      %dma_wait3A_152 = tpu.memref_slice %arg4[%mul3A_3, %dma_wait3A_151] : memref<10240x64xf32, #tpu.memory_space<hbm>> -> memref<640x64xf32, #tpu.memory_space<hbm>>
      tpu.wait_dma2 semaphore(%run_scoped3A_144 : memref<!tpu.dma_semaphore, #tpu.memory_space<semaphore_mem>>) src(%dma_wait3A_152 : memref<640x64xf32, #tpu.memory_space<hbm>>) dst(%dma_wait3A_150 : memref<640x64xf32, #tpu.memory_space<vmem_shared>>)
      tpu.yield
    }) : () -> ()
    %barrier3A = arith.constant 0 : index
    tpu.barrier barrier_id(%barrier3A)
    %dma_start3A = arith.constant 0 : i32
    %dma_start3A_6 = arith.constant 0 : i32
    %dma_start3A_7 = arith.constant 0 : i32
    %dma_start3A_8 = arith.constant 0 : i32
    %dma_start3A_9 = tpu.memref_slice %arg8[%dma_start3A_6, %dma_start3A_7, %dma_start3A_8] : memref<5x80x64xf32, #tpu.memory_space<vmem>> -> memref<1x80x64xf32, #tpu.memory_space<vmem>>
    %dma_start3A_10 = tpu.memref_squeeze %dma_start3A_9 : memref<1x80x64xf32, #tpu.memory_space<vmem>> -> memref<80x64xf32, #tpu.memory_space<vmem>>
    %dma_start3A_11 = arith.constant 0 : i32
    %dma_start3A_12 = tpu.memref_slice %arg6[%dma_start3A, %dma_start3A_11] : memref<125x80xi32, #tpu.memory_space<vmem>> -> memref<1x80xi32, #tpu.memory_space<vmem>>
    %dma_start3A_13 = tpu.memref_squeeze %dma_start3A_12 : memref<1x80xi32, #tpu.memory_space<vmem>> -> memref<80xi32, #tpu.memory_space<vmem>>
    %dma_start3A_14 = arith.constant 0 : i32
    %dma_start3A_15 = arith.constant 0 : i32
    %dma_start3A_16 = tpu.memref_slice %arg2[%dma_start3A_14, %dma_start3A_15] : memref<10240x64xf32, #tpu.memory_space<hbm>> -> memref<10240x64xf32, #tpu.memory_space<hbm>>
    tpu.enqueue_indirect_dma source(%dma_start3A_16 : memref<10240x64xf32, #tpu.memory_space<hbm>>) target(%dma_start3A_10 : memref<80x64xf32, #tpu.memory_space<vmem>>) offsets(%dma_start3A_13 : memref<80xi32, #tpu.memory_space<vmem>>) semaphore(%arg10 : memref<!tpu.dma_semaphore, #tpu.memory_space<semaphore_mem>>)
    %dma_start3A_17 = arith.constant 1 : i32
    %dma_start3A_18 = arith.constant 1 : i32
    %dma_start3A_19 = arith.constant 0 : i32
    %dma_start3A_20 = arith.constant 0 : i32
    %dma_start3A_21 = tpu.memref_slice %arg8[%dma_start3A_18, %dma_start3A_19, %dma_start3A_20] : memref<5x80x64xf32, #tpu.memory_space<vmem>> -> memref<1x80x64xf32, #tpu.memory_space<vmem>>
    %dma_start3A_22 = tpu.memref_squeeze %dma_start3A_21 : memref<1x80x64xf32, #tpu.memory_space<vmem>> -> memref<80x64xf32, #tpu.memory_space<vmem>>
    %dma_start3A_23 = arith.constant 0 : i32
    %dma_start3A_24 = tpu.memref_slice %arg6[%dma_start3A_17, %dma_start3A_23] : memref<125x80xi32, #tpu.memory_space<vmem>> -> memref<1x80xi32, #tpu.memory_space<vmem>>
    %dma_start3A_25 = tpu.memref_squeeze %dma_start3A_24 : memref<1x80xi32, #tpu.memory_space<vmem>> -> memref<80xi32, #tpu.memory_space<vmem>>
    %dma_start3A_26 = arith.constant 0 : i32
    %dma_start3A_27 = arith.constant 0 : i32
    %dma_start3A_28 = tpu.memref_slice %arg2[%dma_start3A_26, %dma_start3A_27] : memref<10240x64xf32, #tpu.memory_space<hbm>> -> memref<10240x64xf32, #tpu.memory_space<hbm>>
    tpu.enqueue_indirect_dma source(%dma_start3A_28 : memref<10240x64xf32, #tpu.memory_space<hbm>>) target(%dma_start3A_22 : memref<80x64xf32, #tpu.memory_space<vmem>>) offsets(%dma_start3A_25 : memref<80xi32, #tpu.memory_space<vmem>>) semaphore(%arg11 : memref<!tpu.dma_semaphore, #tpu.memory_space<semaphore_mem>>)
    %dma_start3A_29 = arith.constant 2 : i32
    %dma_start3A_30 = arith.constant 2 : i32
    %dma_start3A_31 = arith.constant 0 : i32
    %dma_start3A_32 = arith.constant 0 : i32
    %dma_start3A_33 = tpu.memref_slice %arg8[%dma_start3A_30, %dma_start3A_31, %dma_start3A_32] : memref<5x80x64xf32, #tpu.memory_space<vmem>> -> memref<1x80x64xf32, #tpu.memory_space<vmem>>
    %dma_start3A_34 = tpu.memref_squeeze %dma_start3A_33 : memref<1x80x64xf32, #tpu.memory_space<vmem>> -> memref<80x64xf32, #tpu.memory_space<vmem>>
    %dma_start3A_35 = arith.constant 0 : i32
    %dma_start3A_36 = tpu.memref_slice %arg6[%dma_start3A_29, %dma_start3A_35] : memref<125x80xi32, #tpu.memory_space<vmem>> -> memref<1x80xi32, #tpu.memory_space<vmem>>
    %dma_start3A_37 = tpu.memref_squeeze %dma_start3A_36 : memref<1x80xi32, #tpu.memory_space<vmem>> -> memref<80xi32, #tpu.memory_space<vmem>>
    %dma_start3A_38 = arith.constant 0 : i32
    %dma_start3A_39 = arith.constant 0 : i32
    %dma_start3A_40 = tpu.memref_slice %arg2[%dma_start3A_38, %dma_start3A_39] : memref<10240x64xf32, #tpu.memory_space<hbm>> -> memref<10240x64xf32, #tpu.memory_space<hbm>>
    tpu.enqueue_indirect_dma source(%dma_start3A_40 : memref<10240x64xf32, #tpu.memory_space<hbm>>) target(%dma_start3A_34 : memref<80x64xf32, #tpu.memory_space<vmem>>) offsets(%dma_start3A_37 : memref<80xi32, #tpu.memory_space<vmem>>) semaphore(%arg12 : memref<!tpu.dma_semaphore, #tpu.memory_space<semaphore_mem>>)
    %dma_start3A_41 = arith.constant 3 : i32
    %dma_start3A_42 = arith.constant 3 : i32
    %dma_start3A_43 = arith.constant 0 : i32
    %dma_start3A_44 = arith.constant 0 : i32
    %dma_start3A_45 = tpu.memref_slice %arg8[%dma_start3A_42, %dma_start3A_43, %dma_start3A_44] : memref<5x80x64xf32, #tpu.memory_space<vmem>> -> memref<1x80x64xf32, #tpu.memory_space<vmem>>
    %dma_start3A_46 = tpu.memref_squeeze %dma_start3A_45 : memref<1x80x64xf32, #tpu.memory_space<vmem>> -> memref<80x64xf32, #tpu.memory_space<vmem>>
    %dma_start3A_47 = arith.constant 0 : i32
    %dma_start3A_48 = tpu.memref_slice %arg6[%dma_start3A_41, %dma_start3A_47] : memref<125x80xi32, #tpu.memory_space<vmem>> -> memref<1x80xi32, #tpu.memory_space<vmem>>
    %dma_start3A_49 = tpu.memref_squeeze %dma_start3A_48 : memref<1x80xi32, #tpu.memory_space<vmem>> -> memref<80xi32, #tpu.memory_space<vmem>>
    %dma_start3A_50 = arith.constant 0 : i32
    %dma_start3A_51 = arith.constant 0 : i32
    %dma_start3A_52 = tpu.memref_slice %arg2[%dma_start3A_50, %dma_start3A_51] : memref<10240x64xf32, #tpu.memory_space<hbm>> -> memref<10240x64xf32, #tpu.memory_space<hbm>>
    tpu.enqueue_indirect_dma source(%dma_start3A_52 : memref<10240x64xf32, #tpu.memory_space<hbm>>) target(%dma_start3A_46 : memref<80x64xf32, #tpu.memory_space<vmem>>) offsets(%dma_start3A_49 : memref<80xi32, #tpu.memory_space<vmem>>) semaphore(%arg13 : memref<!tpu.dma_semaphore, #tpu.memory_space<semaphore_mem>>)
    %dma_start3A_53 = arith.constant 4 : i32
    %dma_start3A_54 = arith.constant 4 : i32
    %dma_start3A_55 = arith.constant 0 : i32
    %dma_start3A_56 = arith.constant 0 : i32
    %dma_start3A_57 = tpu.memref_slice %arg8[%dma_start3A_54, %dma_start3A_55, %dma_start3A_56] : memref<5x80x64xf32, #tpu.memory_space<vmem>> -> memref<1x80x64xf32, #tpu.memory_space<vmem>>
    %dma_start3A_58 = tpu.memref_squeeze %dma_start3A_57 : memref<1x80x64xf32, #tpu.memory_space<vmem>> -> memref<80x64xf32, #tpu.memory_space<vmem>>
    %dma_start3A_59 = arith.constant 0 : i32
    %dma_start3A_60 = tpu.memref_slice %arg6[%dma_start3A_53, %dma_start3A_59] : memref<125x80xi32, #tpu.memory_space<vmem>> -> memref<1x80xi32, #tpu.memory_space<vmem>>
    %dma_start3A_61 = tpu.memref_squeeze %dma_start3A_60 : memref<1x80xi32, #tpu.memory_space<vmem>> -> memref<80xi32, #tpu.memory_space<vmem>>
    %dma_start3A_62 = arith.constant 0 : i32
    %dma_start3A_63 = arith.constant 0 : i32
    %dma_start3A_64 = tpu.memref_slice %arg2[%dma_start3A_62, %dma_start3A_63] : memref<10240x64xf32, #tpu.memory_space<hbm>> -> memref<10240x64xf32, #tpu.memory_space<hbm>>
    tpu.enqueue_indirect_dma source(%dma_start3A_64 : memref<10240x64xf32, #tpu.memory_space<hbm>>) target(%dma_start3A_58 : memref<80x64xf32, #tpu.memory_space<vmem>>) offsets(%dma_start3A_61 : memref<80xi32, #tpu.memory_space<vmem>>) semaphore(%arg14 : memref<!tpu.dma_semaphore, #tpu.memory_space<semaphore_mem>>)
    %scan3A = arith.constant 0 : i32
    %scan3A_65 = arith.constant 0 : i32
    %scan3A_66 = arith.constant 24 : i32
    %scan3A_67 = arith.addi %scan3A_65, %scan3A_66 : i32
    %scan3A_68 = arith.constant 1 : i32
    scf.for %scan3A_144 = %scan3A_65 to %scan3A_67 step %scan3A_68  : i32 {
      %mul3A_145 = arith.constant 5 : i32
      %mul3A_146 = arith.muli %scan3A_144, %mul3A_145 : i32
      %add3A_147 = arith.constant 0 : i32
      %add3A_148 = arith.addi %mul3A_146, %add3A_147 : i32
      %dma_wait3A_149 = arith.constant 0 : i32
      %dma_wait3A_150 = arith.constant 0 : i32
      %dma_wait3A_151 = arith.constant 0 : i32
      %dma_wait3A_152 = tpu.memref_slice %arg8[%dma_wait3A_149, %dma_wait3A_150, %dma_wait3A_151] : memref<5x80x64xf32, #tpu.memory_space<vmem>> -> memref<1x80x64xf32, #tpu.memory_space<vmem>>
      %dma_wait3A_153 = tpu.memref_squeeze %dma_wait3A_152 : memref<1x80x64xf32, #tpu.memory_space<vmem>> -> memref<80x64xf32, #tpu.memory_space<vmem>>
      %dma_wait3A_154 = arith.constant 0 : i32
      %dma_wait3A_155 = tpu.memref_slice %arg6[%add3A_148, %dma_wait3A_154] : memref<125x80xi32, #tpu.memory_space<vmem>> -> memref<1x80xi32, #tpu.memory_space<vmem>>
      %dma_wait3A_156 = tpu.memref_squeeze %dma_wait3A_155 : memref<1x80xi32, #tpu.memory_space<vmem>> -> memref<80xi32, #tpu.memory_space<vmem>>
      %dma_wait3A_157 = arith.constant 0 : i32
      %dma_wait3A_158 = arith.constant 0 : i32
      %dma_wait3A_159 = tpu.memref_slice %arg2[%dma_wait3A_157, %dma_wait3A_158] : memref<10240x64xf32, #tpu.memory_space<hbm>> -> memref<10240x64xf32, #tpu.memory_space<hbm>>
      tpu.wait_indirect_dma semaphore(%arg10 : memref<!tpu.dma_semaphore, #tpu.memory_space<semaphore_mem>>) src(%dma_wait3A_159 : memref<10240x64xf32, #tpu.memory_space<hbm>>) dst(%dma_wait3A_153 : memref<80x64xf32, #tpu.memory_space<vmem>>)
      %run_scoped3A_160 = arith.constant 0 : i32
      "tpu.region"() ({
        %run_scoped3A_290 = tpu.sem_alloc : memref<!tpu.dma_semaphore, #tpu.memory_space<semaphore_mem>>
        %dma_start3A_291 = arith.constant 0 : i32
        %dma_start3A_292 = arith.constant 0 : i32
        %dma_start3A_293 = tpu.memref_slice %arg8[%run_scoped3A_160, %dma_start3A_291, %dma_start3A_292] : memref<5x80x64xf32, #tpu.memory_space<vmem>> -> memref<1x80x64xf32, #tpu.memory_space<vmem>>
        %dma_start3A_294 = tpu.memref_squeeze %dma_start3A_293 : memref<1x80x64xf32, #tpu.memory_space<vmem>> -> memref<80x64xf32, #tpu.memory_space<vmem>>
        %dma_start3A_295 = arith.constant 0 : i32
        %dma_start3A_296 = tpu.memref_slice %arg7[%add3A_148, %dma_start3A_295] : memref<125x80xi32, #tpu.memory_space<vmem>> -> memref<1x80xi32, #tpu.memory_space<vmem>>
        %dma_start3A_297 = tpu.memref_squeeze %dma_start3A_296 : memref<1x80xi32, #tpu.memory_space<vmem>> -> memref<80xi32, #tpu.memory_space<vmem>>
        %dma_start3A_298 = arith.constant 0 : i32
        %dma_start3A_299 = arith.constant 0 : i32
        %dma_start3A_300 = tpu.memref_slice %arg9[%dma_start3A_298, %dma_start3A_299] : memref<10240x64xf32, #tpu.memory_space<vmem_shared>> -> memref<10240x64xf32, #tpu.memory_space<vmem_shared>>
        tpu.enqueue_indirect_dma source(%dma_start3A_294 : memref<80x64xf32, #tpu.memory_space<vmem>>) target(%dma_start3A_300 : memref<10240x64xf32, #tpu.memory_space<vmem_shared>>) offsets(%dma_start3A_297 : memref<80xi32, #tpu.memory_space<vmem>>) semaphore(%run_scoped3A_290 : memref<!tpu.dma_semaphore, #tpu.memory_space<semaphore_mem>>) {add = true}
        %dma_wait3A_301 = arith.constant 0 : i32
        %dma_wait3A_302 = arith.constant 0 : i32
        %dma_wait3A_303 = tpu.memref_slice %arg8[%run_scoped3A_160, %dma_wait3A_301, %dma_wait3A_302] : memref<5x80x64xf32, #tpu.memory_space<vmem>> -> memref<1x80x64xf32, #tpu.memory_space<vmem>>
        %dma_wait3A_304 = tpu.memref_squeeze %dma_wait3A_303 : memref<1x80x64xf32, #tpu.memory_space<vmem>> -> memref<80x64xf32, #tpu.memory_space<vmem>>
        %dma_wait3A_305 = arith.constant 0 : i32
        %dma_wait3A_306 = tpu.memref_slice %arg7[%add3A_148, %dma_wait3A_305] : memref<125x80xi32, #tpu.memory_space<vmem>> -> memref<1x80xi32, #tpu.memory_space<vmem>>
        %dma_wait3A_307 = tpu.memref_squeeze %dma_wait3A_306 : memref<1x80xi32, #tpu.memory_space<vmem>> -> memref<80xi32, #tpu.memory_space<vmem>>
        %dma_wait3A_308 = arith.constant 0 : i32
        %dma_wait3A_309 = arith.constant 0 : i32
        %dma_wait3A_310 = tpu.memref_slice %arg9[%dma_wait3A_308, %dma_wait3A_309] : memref<10240x64xf32, #tpu.memory_space<vmem_shared>> -> memref<10240x64xf32, #tpu.memory_space<vmem_shared>>
        tpu.wait_indirect_dma semaphore(%run_scoped3A_290 : memref<!tpu.dma_semaphore, #tpu.memory_space<semaphore_mem>>) src(%dma_wait3A_304 : memref<80x64xf32, #tpu.memory_space<vmem>>) dst(%dma_wait3A_310 : memref<10240x64xf32, #tpu.memory_space<vmem_shared>>)
        tpu.yield
      }) : () -> ()
      %add3A_161 = arith.constant 5 : i32
      %add3A_162 = arith.addi %add3A_148, %add3A_161 : i32
      %dma_start3A_163 = arith.constant 0 : i32
      %dma_start3A_164 = arith.constant 0 : i32
      %dma_start3A_165 = arith.constant 0 : i32
      %dma_start3A_166 = tpu.memref_slice %arg8[%dma_start3A_163, %dma_start3A_164, %dma_start3A_165] : memref<5x80x64xf32, #tpu.memory_space<vmem>> -> memref<1x80x64xf32, #tpu.memory_space<vmem>>
      %dma_start3A_167 = tpu.memref_squeeze %dma_start3A_166 : memref<1x80x64xf32, #tpu.memory_space<vmem>> -> memref<80x64xf32, #tpu.memory_space<vmem>>
      %dma_start3A_168 = arith.constant 0 : i32
      %dma_start3A_169 = tpu.memref_slice %arg6[%add3A_162, %dma_start3A_168] : memref<125x80xi32, #tpu.memory_space<vmem>> -> memref<1x80xi32, #tpu.memory_space<vmem>>
      %dma_start3A_170 = tpu.memref_squeeze %dma_start3A_169 : memref<1x80xi32, #tpu.memory_space<vmem>> -> memref<80xi32, #tpu.memory_space<vmem>>
      %dma_start3A_171 = arith.constant 0 : i32
      %dma_start3A_172 = arith.constant 0 : i32
      %dma_start3A_173 = tpu.memref_slice %arg2[%dma_start3A_171, %dma_start3A_172] : memref<10240x64xf32, #tpu.memory_space<hbm>> -> memref<10240x64xf32, #tpu.memory_space<hbm>>
      tpu.enqueue_indirect_dma source(%dma_start3A_173 : memref<10240x64xf32, #tpu.memory_space<hbm>>) target(%dma_start3A_167 : memref<80x64xf32, #tpu.memory_space<vmem>>) offsets(%dma_start3A_170 : memref<80xi32, #tpu.memory_space<vmem>>) semaphore(%arg10 : memref<!tpu.dma_semaphore, #tpu.memory_space<semaphore_mem>>)
      %mul3A_174 = arith.constant 5 : i32
      %mul3A_175 = arith.muli %scan3A_144, %mul3A_174 : i32
      %add3A_176 = arith.constant 1 : i32
      %add3A_177 = arith.addi %mul3A_175, %add3A_176 : i32
      %dma_wait3A_178 = arith.constant 1 : i32
      %dma_wait3A_179 = arith.constant 0 : i32
      %dma_wait3A_180 = arith.constant 0 : i32
      %dma_wait3A_181 = tpu.memref_slice %arg8[%dma_wait3A_178, %dma_wait3A_179, %dma_wait3A_180] : memref<5x80x64xf32, #tpu.memory_space<vmem>> -> memref<1x80x64xf32, #tpu.memory_space<vmem>>
      %dma_wait3A_182 = tpu.memref_squeeze %dma_wait3A_181 : memref<1x80x64xf32, #tpu.memory_space<vmem>> -> memref<80x64xf32, #tpu.memory_space<vmem>>
      %dma_wait3A_183 = arith.constant 0 : i32
      %dma_wait3A_184 = tpu.memref_slice %arg6[%add3A_177, %dma_wait3A_183] : memref<125x80xi32, #tpu.memory_space<vmem>> -> memref<1x80xi32, #tpu.memory_space<vmem>>
      %dma_wait3A_185 = tpu.memref_squeeze %dma_wait3A_184 : memref<1x80xi32, #tpu.memory_space<vmem>> -> memref<80xi32, #tpu.memory_space<vmem>>
      %dma_wait3A_186 = arith.constant 0 : i32
      %dma_wait3A_187 = arith.constant 0 : i32
      %dma_wait3A_188 = tpu.memref_slice %arg2[%dma_wait3A_186, %dma_wait3A_187] : memref<10240x64xf32, #tpu.memory_space<hbm>> -> memref<10240x64xf32, #tpu.memory_space<hbm>>
      tpu.wait_indirect_dma semaphore(%arg11 : memref<!tpu.dma_semaphore, #tpu.memory_space<semaphore_mem>>) src(%dma_wait3A_188 : memref<10240x64xf32, #tpu.memory_space<hbm>>) dst(%dma_wait3A_182 : memref<80x64xf32, #tpu.memory_space<vmem>>)
      %run_scoped3A_189 = arith.constant 1 : i32
      "tpu.region"() ({
        %run_scoped3A_290 = tpu.sem_alloc : memref<!tpu.dma_semaphore, #tpu.memory_space<semaphore_mem>>
        %dma_start3A_291 = arith.constant 0 : i32
        %dma_start3A_292 = arith.constant 0 : i32
        %dma_start3A_293 = tpu.memref_slice %arg8[%run_scoped3A_189, %dma_start3A_291, %dma_start3A_292] : memref<5x80x64xf32, #tpu.memory_space<vmem>> -> memref<1x80x64xf32, #tpu.memory_space<vmem>>
        %dma_start3A_294 = tpu.memref_squeeze %dma_start3A_293 : memref<1x80x64xf32, #tpu.memory_space<vmem>> -> memref<80x64xf32, #tpu.memory_space<vmem>>
        %dma_start3A_295 = arith.constant 0 : i32
        %dma_start3A_296 = tpu.memref_slice %arg7[%add3A_177, %dma_start3A_295] : memref<125x80xi32, #tpu.memory_space<vmem>> -> memref<1x80xi32, #tpu.memory_space<vmem>>
        %dma_start3A_297 = tpu.memref_squeeze %dma_start3A_296 : memref<1x80xi32, #tpu.memory_space<vmem>> -> memref<80xi32, #tpu.memory_space<vmem>>
        %dma_start3A_298 = arith.constant 0 : i32
        %dma_start3A_299 = arith.constant 0 : i32
        %dma_start3A_300 = tpu.memref_slice %arg9[%dma_start3A_298, %dma_start3A_299] : memref<10240x64xf32, #tpu.memory_space<vmem_shared>> -> memref<10240x64xf32, #tpu.memory_space<vmem_shared>>
        tpu.enqueue_indirect_dma source(%dma_start3A_294 : memref<80x64xf32, #tpu.memory_space<vmem>>) target(%dma_start3A_300 : memref<10240x64xf32, #tpu.memory_space<vmem_shared>>) offsets(%dma_start3A_297 : memref<80xi32, #tpu.memory_space<vmem>>) semaphore(%run_scoped3A_290 : memref<!tpu.dma_semaphore, #tpu.memory_space<semaphore_mem>>) {add = true}
        %dma_wait3A_301 = arith.constant 0 : i32
        %dma_wait3A_302 = arith.constant 0 : i32
        %dma_wait3A_303 = tpu.memref_slice %arg8[%run_scoped3A_189, %dma_wait3A_301, %dma_wait3A_302] : memref<5x80x64xf32, #tpu.memory_space<vmem>> -> memref<1x80x64xf32, #tpu.memory_space<vmem>>
        %dma_wait3A_304 = tpu.memref_squeeze %dma_wait3A_303 : memref<1x80x64xf32, #tpu.memory_space<vmem>> -> memref<80x64xf32, #tpu.memory_space<vmem>>
        %dma_wait3A_305 = arith.constant 0 : i32
        %dma_wait3A_306 = tpu.memref_slice %arg7[%add3A_177, %dma_wait3A_305] : memref<125x80xi32, #tpu.memory_space<vmem>> -> memref<1x80xi32, #tpu.memory_space<vmem>>
        %dma_wait3A_307 = tpu.memref_squeeze %dma_wait3A_306 : memref<1x80xi32, #tpu.memory_space<vmem>> -> memref<80xi32, #tpu.memory_space<vmem>>
        %dma_wait3A_308 = arith.constant 0 : i32
        %dma_wait3A_309 = arith.constant 0 : i32
        %dma_wait3A_310 = tpu.memref_slice %arg9[%dma_wait3A_308, %dma_wait3A_309] : memref<10240x64xf32, #tpu.memory_space<vmem_shared>> -> memref<10240x64xf32, #tpu.memory_space<vmem_shared>>
        tpu.wait_indirect_dma semaphore(%run_scoped3A_290 : memref<!tpu.dma_semaphore, #tpu.memory_space<semaphore_mem>>) src(%dma_wait3A_304 : memref<80x64xf32, #tpu.memory_space<vmem>>) dst(%dma_wait3A_310 : memref<10240x64xf32, #tpu.memory_space<vmem_shared>>)
        tpu.yield
      }) : () -> ()
      %add3A_190 = arith.constant 5 : i32
      %add3A_191 = arith.addi %add3A_177, %add3A_190 : i32
      %dma_start3A_192 = arith.constant 1 : i32
      %dma_start3A_193 = arith.constant 0 : i32
      %dma_start3A_194 = arith.constant 0 : i32
      %dma_start3A_195 = tpu.memref_slice %arg8[%dma_start3A_192, %dma_start3A_193, %dma_start3A_194] : memref<5x80x64xf32, #tpu.memory_space<vmem>> -> memref<1x80x64xf32, #tpu.memory_space<vmem>>
      %dma_start3A_196 = tpu.memref_squeeze %dma_start3A_195 : memref<1x80x64xf32, #tpu.memory_space<vmem>> -> memref<80x64xf32, #tpu.memory_space<vmem>>
      %dma_start3A_197 = arith.constant 0 : i32
      %dma_start3A_198 = tpu.memref_slice %arg6[%add3A_191, %dma_start3A_197] : memref<125x80xi32, #tpu.memory_space<vmem>> -> memref<1x80xi32, #tpu.memory_space<vmem>>
      %dma_start3A_199 = tpu.memref_squeeze %dma_start3A_198 : memref<1x80xi32, #tpu.memory_space<vmem>> -> memref<80xi32, #tpu.memory_space<vmem>>
      %dma_start3A_200 = arith.constant 0 : i32
      %dma_start3A_201 = arith.constant 0 : i32
      %dma_start3A_202 = tpu.memref_slice %arg2[%dma_start3A_200, %dma_start3A_201] : memref<10240x64xf32, #tpu.memory_space<hbm>> -> memref<10240x64xf32, #tpu.memory_space<hbm>>
      tpu.enqueue_indirect_dma source(%dma_start3A_202 : memref<10240x64xf32, #tpu.memory_space<hbm>>) target(%dma_start3A_196 : memref<80x64xf32, #tpu.memory_space<vmem>>) offsets(%dma_start3A_199 : memref<80xi32, #tpu.memory_space<vmem>>) semaphore(%arg11 : memref<!tpu.dma_semaphore, #tpu.memory_space<semaphore_mem>>)
      %mul3A_203 = arith.constant 5 : i32
      %mul3A_204 = arith.muli %scan3A_144, %mul3A_203 : i32
      %add3A_205 = arith.constant 2 : i32
      %add3A_206 = arith.addi %mul3A_204, %add3A_205 : i32
      %dma_wait3A_207 = arith.constant 2 : i32
      %dma_wait3A_208 = arith.constant 0 : i32
      %dma_wait3A_209 = arith.constant 0 : i32
      %dma_wait3A_210 = tpu.memref_slice %arg8[%dma_wait3A_207, %dma_wait3A_208, %dma_wait3A_209] : memref<5x80x64xf32, #tpu.memory_space<vmem>> -> memref<1x80x64xf32, #tpu.memory_space<vmem>>
      %dma_wait3A_211 = tpu.memref_squeeze %dma_wait3A_210 : memref<1x80x64xf32, #tpu.memory_space<vmem>> -> memref<80x64xf32, #tpu.memory_space<vmem>>
      %dma_wait3A_212 = arith.constant 0 : i32
      %dma_wait3A_213 = tpu.memref_slice %arg6[%add3A_206, %dma_wait3A_212] : memref<125x80xi32, #tpu.memory_space<vmem>> -> memref<1x80xi32, #tpu.memory_space<vmem>>
      %dma_wait3A_214 = tpu.memref_squeeze %dma_wait3A_213 : memref<1x80xi32, #tpu.memory_space<vmem>> -> memref<80xi32, #tpu.memory_space<vmem>>
      %dma_wait3A_215 = arith.constant 0 : i32
      %dma_wait3A_216 = arith.constant 0 : i32
      %dma_wait3A_217 = tpu.memref_slice %arg2[%dma_wait3A_215, %dma_wait3A_216] : memref<10240x64xf32, #tpu.memory_space<hbm>> -> memref<10240x64xf32, #tpu.memory_space<hbm>>
      tpu.wait_indirect_dma semaphore(%arg12 : memref<!tpu.dma_semaphore, #tpu.memory_space<semaphore_mem>>) src(%dma_wait3A_217 : memref<10240x64xf32, #tpu.memory_space<hbm>>) dst(%dma_wait3A_211 : memref<80x64xf32, #tpu.memory_space<vmem>>)
      %run_scoped3A_218 = arith.constant 2 : i32
      "tpu.region"() ({
        %run_scoped3A_290 = tpu.sem_alloc : memref<!tpu.dma_semaphore, #tpu.memory_space<semaphore_mem>>
        %dma_start3A_291 = arith.constant 0 : i32
        %dma_start3A_292 = arith.constant 0 : i32
        %dma_start3A_293 = tpu.memref_slice %arg8[%run_scoped3A_218, %dma_start3A_291, %dma_start3A_292] : memref<5x80x64xf32, #tpu.memory_space<vmem>> -> memref<1x80x64xf32, #tpu.memory_space<vmem>>
        %dma_start3A_294 = tpu.memref_squeeze %dma_start3A_293 : memref<1x80x64xf32, #tpu.memory_space<vmem>> -> memref<80x64xf32, #tpu.memory_space<vmem>>
        %dma_start3A_295 = arith.constant 0 : i32
        %dma_start3A_296 = tpu.memref_slice %arg7[%add3A_206, %dma_start3A_295] : memref<125x80xi32, #tpu.memory_space<vmem>> -> memref<1x80xi32, #tpu.memory_space<vmem>>
        %dma_start3A_297 = tpu.memref_squeeze %dma_start3A_296 : memref<1x80xi32, #tpu.memory_space<vmem>> -> memref<80xi32, #tpu.memory_space<vmem>>
        %dma_start3A_298 = arith.constant 0 : i32
        %dma_start3A_299 = arith.constant 0 : i32
        %dma_start3A_300 = tpu.memref_slice %arg9[%dma_start3A_298, %dma_start3A_299] : memref<10240x64xf32, #tpu.memory_space<vmem_shared>> -> memref<10240x64xf32, #tpu.memory_space<vmem_shared>>
        tpu.enqueue_indirect_dma source(%dma_start3A_294 : memref<80x64xf32, #tpu.memory_space<vmem>>) target(%dma_start3A_300 : memref<10240x64xf32, #tpu.memory_space<vmem_shared>>) offsets(%dma_start3A_297 : memref<80xi32, #tpu.memory_space<vmem>>) semaphore(%run_scoped3A_290 : memref<!tpu.dma_semaphore, #tpu.memory_space<semaphore_mem>>) {add = true}
        %dma_wait3A_301 = arith.constant 0 : i32
        %dma_wait3A_302 = arith.constant 0 : i32
        %dma_wait3A_303 = tpu.memref_slice %arg8[%run_scoped3A_218, %dma_wait3A_301, %dma_wait3A_302] : memref<5x80x64xf32, #tpu.memory_space<vmem>> -> memref<1x80x64xf32, #tpu.memory_space<vmem>>
        %dma_wait3A_304 = tpu.memref_squeeze %dma_wait3A_303 : memref<1x80x64xf32, #tpu.memory_space<vmem>> -> memref<80x64xf32, #tpu.memory_space<vmem>>
        %dma_wait3A_305 = arith.constant 0 : i32
        %dma_wait3A_306 = tpu.memref_slice %arg7[%add3A_206, %dma_wait3A_305] : memref<125x80xi32, #tpu.memory_space<vmem>> -> memref<1x80xi32, #tpu.memory_space<vmem>>
        %dma_wait3A_307 = tpu.memref_squeeze %dma_wait3A_306 : memref<1x80xi32, #tpu.memory_space<vmem>> -> memref<80xi32, #tpu.memory_space<vmem>>
        %dma_wait3A_308 = arith.constant 0 : i32
        %dma_wait3A_309 = arith.constant 0 : i32
        %dma_wait3A_310 = tpu.memref_slice %arg9[%dma_wait3A_308, %dma_wait3A_309] : memref<10240x64xf32, #tpu.memory_space<vmem_shared>> -> memref<10240x64xf32, #tpu.memory_space<vmem_shared>>
        tpu.wait_indirect_dma semaphore(%run_scoped3A_290 : memref<!tpu.dma_semaphore, #tpu.memory_space<semaphore_mem>>) src(%dma_wait3A_304 : memref<80x64xf32, #tpu.memory_space<vmem>>) dst(%dma_wait3A_310 : memref<10240x64xf32, #tpu.memory_space<vmem_shared>>)
        tpu.yield
      }) : () -> ()
      %add3A_219 = arith.constant 5 : i32
      %add3A_220 = arith.addi %add3A_206, %add3A_219 : i32
      %dma_start3A_221 = arith.constant 2 : i32
      %dma_start3A_222 = arith.constant 0 : i32
      %dma_start3A_223 = arith.constant 0 : i32
      %dma_start3A_224 = tpu.memref_slice %arg8[%dma_start3A_221, %dma_start3A_222, %dma_start3A_223] : memref<5x80x64xf32, #tpu.memory_space<vmem>> -> memref<1x80x64xf32, #tpu.memory_space<vmem>>
      %dma_start3A_225 = tpu.memref_squeeze %dma_start3A_224 : memref<1x80x64xf32, #tpu.memory_space<vmem>> -> memref<80x64xf32, #tpu.memory_space<vmem>>
      %dma_start3A_226 = arith.constant 0 : i32
      %dma_start3A_227 = tpu.memref_slice %arg6[%add3A_220, %dma_start3A_226] : memref<125x80xi32, #tpu.memory_space<vmem>> -> memref<1x80xi32, #tpu.memory_space<vmem>>
      %dma_start3A_228 = tpu.memref_squeeze %dma_start3A_227 : memref<1x80xi32, #tpu.memory_space<vmem>> -> memref<80xi32, #tpu.memory_space<vmem>>
      %dma_start3A_229 = arith.constant 0 : i32
      %dma_start3A_230 = arith.constant 0 : i32
      %dma_start3A_231 = tpu.memref_slice %arg2[%dma_start3A_229, %dma_start3A_230] : memref<10240x64xf32, #tpu.memory_space<hbm>> -> memref<10240x64xf32, #tpu.memory_space<hbm>>
      tpu.enqueue_indirect_dma source(%dma_start3A_231 : memref<10240x64xf32, #tpu.memory_space<hbm>>) target(%dma_start3A_225 : memref<80x64xf32, #tpu.memory_space<vmem>>) offsets(%dma_start3A_228 : memref<80xi32, #tpu.memory_space<vmem>>) semaphore(%arg12 : memref<!tpu.dma_semaphore, #tpu.memory_space<semaphore_mem>>)
      %mul3A_232 = arith.constant 5 : i32
      %mul3A_233 = arith.muli %scan3A_144, %mul3A_232 : i32
      %add3A_234 = arith.constant 3 : i32
      %add3A_235 = arith.addi %mul3A_233, %add3A_234 : i32
      %dma_wait3A_236 = arith.constant 3 : i32
      %dma_wait3A_237 = arith.constant 0 : i32
      %dma_wait3A_238 = arith.constant 0 : i32
      %dma_wait3A_239 = tpu.memref_slice %arg8[%dma_wait3A_236, %dma_wait3A_237, %dma_wait3A_238] : memref<5x80x64xf32, #tpu.memory_space<vmem>> -> memref<1x80x64xf32, #tpu.memory_space<vmem>>
      %dma_wait3A_240 = tpu.memref_squeeze %dma_wait3A_239 : memref<1x80x64xf32, #tpu.memory_space<vmem>> -> memref<80x64xf32, #tpu.memory_space<vmem>>
      %dma_wait3A_241 = arith.constant 0 : i32
      %dma_wait3A_242 = tpu.memref_slice %arg6[%add3A_235, %dma_wait3A_241] : memref<125x80xi32, #tpu.memory_space<vmem>> -> memref<1x80xi32, #tpu.memory_space<vmem>>
      %dma_wait3A_243 = tpu.memref_squeeze %dma_wait3A_242 : memref<1x80xi32, #tpu.memory_space<vmem>> -> memref<80xi32, #tpu.memory_space<vmem>>
      %dma_wait3A_244 = arith.constant 0 : i32
      %dma_wait3A_245 = arith.constant 0 : i32
      %dma_wait3A_246 = tpu.memref_slice %arg2[%dma_wait3A_244, %dma_wait3A_245] : memref<10240x64xf32, #tpu.memory_space<hbm>> -> memref<10240x64xf32, #tpu.memory_space<hbm>>
      tpu.wait_indirect_dma semaphore(%arg13 : memref<!tpu.dma_semaphore, #tpu.memory_space<semaphore_mem>>) src(%dma_wait3A_246 : memref<10240x64xf32, #tpu.memory_space<hbm>>) dst(%dma_wait3A_240 : memref<80x64xf32, #tpu.memory_space<vmem>>)
      %run_scoped3A_247 = arith.constant 3 : i32
      "tpu.region"() ({
        %run_scoped3A_290 = tpu.sem_alloc : memref<!tpu.dma_semaphore, #tpu.memory_space<semaphore_mem>>
        %dma_start3A_291 = arith.constant 0 : i32
        %dma_start3A_292 = arith.constant 0 : i32
        %dma_start3A_293 = tpu.memref_slice %arg8[%run_scoped3A_247, %dma_start3A_291, %dma_start3A_292] : memref<5x80x64xf32, #tpu.memory_space<vmem>> -> memref<1x80x64xf32, #tpu.memory_space<vmem>>
        %dma_start3A_294 = tpu.memref_squeeze %dma_start3A_293 : memref<1x80x64xf32, #tpu.memory_space<vmem>> -> memref<80x64xf32, #tpu.memory_space<vmem>>
        %dma_start3A_295 = arith.constant 0 : i32
        %dma_start3A_296 = tpu.memref_slice %arg7[%add3A_235, %dma_start3A_295] : memref<125x80xi32, #tpu.memory_space<vmem>> -> memref<1x80xi32, #tpu.memory_space<vmem>>
        %dma_start3A_297 = tpu.memref_squeeze %dma_start3A_296 : memref<1x80xi32, #tpu.memory_space<vmem>> -> memref<80xi32, #tpu.memory_space<vmem>>
        %dma_start3A_298 = arith.constant 0 : i32
        %dma_start3A_299 = arith.constant 0 : i32
        %dma_start3A_300 = tpu.memref_slice %arg9[%dma_start3A_298, %dma_start3A_299] : memref<10240x64xf32, #tpu.memory_space<vmem_shared>> -> memref<10240x64xf32, #tpu.memory_space<vmem_shared>>
        tpu.enqueue_indirect_dma source(%dma_start3A_294 : memref<80x64xf32, #tpu.memory_space<vmem>>) target(%dma_start3A_300 : memref<10240x64xf32, #tpu.memory_space<vmem_shared>>) offsets(%dma_start3A_297 : memref<80xi32, #tpu.memory_space<vmem>>) semaphore(%run_scoped3A_290 : memref<!tpu.dma_semaphore, #tpu.memory_space<semaphore_mem>>) {add = true}
        %dma_wait3A_301 = arith.constant 0 : i32
        %dma_wait3A_302 = arith.constant 0 : i32
        %dma_wait3A_303 = tpu.memref_slice %arg8[%run_scoped3A_247, %dma_wait3A_301, %dma_wait3A_302] : memref<5x80x64xf32, #tpu.memory_space<vmem>> -> memref<1x80x64xf32, #tpu.memory_space<vmem>>
        %dma_wait3A_304 = tpu.memref_squeeze %dma_wait3A_303 : memref<1x80x64xf32, #tpu.memory_space<vmem>> -> memref<80x64xf32, #tpu.memory_space<vmem>>
        %dma_wait3A_305 = arith.constant 0 : i32
        %dma_wait3A_306 = tpu.memref_slice %arg7[%add3A_235, %dma_wait3A_305] : memref<125x80xi32, #tpu.memory_space<vmem>> -> memref<1x80xi32, #tpu.memory_space<vmem>>
        %dma_wait3A_307 = tpu.memref_squeeze %dma_wait3A_306 : memref<1x80xi32, #tpu.memory_space<vmem>> -> memref<80xi32, #tpu.memory_space<vmem>>
        %dma_wait3A_308 = arith.constant 0 : i32
        %dma_wait3A_309 = arith.constant 0 : i32
        %dma_wait3A_310 = tpu.memref_slice %arg9[%dma_wait3A_308, %dma_wait3A_309] : memref<10240x64xf32, #tpu.memory_space<vmem_shared>> -> memref<10240x64xf32, #tpu.memory_space<vmem_shared>>
        tpu.wait_indirect_dma semaphore(%run_scoped3A_290 : memref<!tpu.dma_semaphore, #tpu.memory_space<semaphore_mem>>) src(%dma_wait3A_304 : memref<80x64xf32, #tpu.memory_space<vmem>>) dst(%dma_wait3A_310 : memref<10240x64xf32, #tpu.memory_space<vmem_shared>>)
        tpu.yield
      }) : () -> ()
      %add3A_248 = arith.constant 5 : i32
      %add3A_249 = arith.addi %add3A_235, %add3A_248 : i32
      %dma_start3A_250 = arith.constant 3 : i32
      %dma_start3A_251 = arith.constant 0 : i32
      %dma_start3A_252 = arith.constant 0 : i32
      %dma_start3A_253 = tpu.memref_slice %arg8[%dma_start3A_250, %dma_start3A_251, %dma_start3A_252] : memref<5x80x64xf32, #tpu.memory_space<vmem>> -> memref<1x80x64xf32, #tpu.memory_space<vmem>>
      %dma_start3A_254 = tpu.memref_squeeze %dma_start3A_253 : memref<1x80x64xf32, #tpu.memory_space<vmem>> -> memref<80x64xf32, #tpu.memory_space<vmem>>
      %dma_start3A_255 = arith.constant 0 : i32
      %dma_start3A_256 = tpu.memref_slice %arg6[%add3A_249, %dma_start3A_255] : memref<125x80xi32, #tpu.memory_space<vmem>> -> memref<1x80xi32, #tpu.memory_space<vmem>>
      %dma_start3A_257 = tpu.memref_squeeze %dma_start3A_256 : memref<1x80xi32, #tpu.memory_space<vmem>> -> memref<80xi32, #tpu.memory_space<vmem>>
      %dma_start3A_258 = arith.constant 0 : i32
      %dma_start3A_259 = arith.constant 0 : i32
      %dma_start3A_260 = tpu.memref_slice %arg2[%dma_start3A_258, %dma_start3A_259] : memref<10240x64xf32, #tpu.memory_space<hbm>> -> memref<10240x64xf32, #tpu.memory_space<hbm>>
      tpu.enqueue_indirect_dma source(%dma_start3A_260 : memref<10240x64xf32, #tpu.memory_space<hbm>>) target(%dma_start3A_254 : memref<80x64xf32, #tpu.memory_space<vmem>>) offsets(%dma_start3A_257 : memref<80xi32, #tpu.memory_space<vmem>>) semaphore(%arg13 : memref<!tpu.dma_semaphore, #tpu.memory_space<semaphore_mem>>)
      %mul3A_261 = arith.constant 5 : i32
      %mul3A_262 = arith.muli %scan3A_144, %mul3A_261 : i32
      %add3A_263 = arith.constant 4 : i32
      %add3A_264 = arith.addi %mul3A_262, %add3A_263 : i32
      %dma_wait3A_265 = arith.constant 4 : i32
      %dma_wait3A_266 = arith.constant 0 : i32
      %dma_wait3A_267 = arith.constant 0 : i32
      %dma_wait3A_268 = tpu.memref_slice %arg8[%dma_wait3A_265, %dma_wait3A_266, %dma_wait3A_267] : memref<5x80x64xf32, #tpu.memory_space<vmem>> -> memref<1x80x64xf32, #tpu.memory_space<vmem>>
      %dma_wait3A_269 = tpu.memref_squeeze %dma_wait3A_268 : memref<1x80x64xf32, #tpu.memory_space<vmem>> -> memref<80x64xf32, #tpu.memory_space<vmem>>
      %dma_wait3A_270 = arith.constant 0 : i32
      %dma_wait3A_271 = tpu.memref_slice %arg6[%add3A_264, %dma_wait3A_270] : memref<125x80xi32, #tpu.memory_space<vmem>> -> memref<1x80xi32, #tpu.memory_space<vmem>>
      %dma_wait3A_272 = tpu.memref_squeeze %dma_wait3A_271 : memref<1x80xi32, #tpu.memory_space<vmem>> -> memref<80xi32, #tpu.memory_space<vmem>>
      %dma_wait3A_273 = arith.constant 0 : i32
      %dma_wait3A_274 = arith.constant 0 : i32
      %dma_wait3A_275 = tpu.memref_slice %arg2[%dma_wait3A_273, %dma_wait3A_274] : memref<10240x64xf32, #tpu.memory_space<hbm>> -> memref<10240x64xf32, #tpu.memory_space<hbm>>
      tpu.wait_indirect_dma semaphore(%arg14 : memref<!tpu.dma_semaphore, #tpu.memory_space<semaphore_mem>>) src(%dma_wait3A_275 : memref<10240x64xf32, #tpu.memory_space<hbm>>) dst(%dma_wait3A_269 : memref<80x64xf32, #tpu.memory_space<vmem>>)
      %run_scoped3A_276 = arith.constant 4 : i32
      "tpu.region"() ({
        %run_scoped3A_290 = tpu.sem_alloc : memref<!tpu.dma_semaphore, #tpu.memory_space<semaphore_mem>>
        %dma_start3A_291 = arith.constant 0 : i32
        %dma_start3A_292 = arith.constant 0 : i32
        %dma_start3A_293 = tpu.memref_slice %arg8[%run_scoped3A_276, %dma_start3A_291, %dma_start3A_292] : memref<5x80x64xf32, #tpu.memory_space<vmem>> -> memref<1x80x64xf32, #tpu.memory_space<vmem>>
        %dma_start3A_294 = tpu.memref_squeeze %dma_start3A_293 : memref<1x80x64xf32, #tpu.memory_space<vmem>> -> memref<80x64xf32, #tpu.memory_space<vmem>>
        %dma_start3A_295 = arith.constant 0 : i32
        %dma_start3A_296 = tpu.memref_slice %arg7[%add3A_264, %dma_start3A_295] : memref<125x80xi32, #tpu.memory_space<vmem>> -> memref<1x80xi32, #tpu.memory_space<vmem>>
        %dma_start3A_297 = tpu.memref_squeeze %dma_start3A_296 : memref<1x80xi32, #tpu.memory_space<vmem>> -> memref<80xi32, #tpu.memory_space<vmem>>
        %dma_start3A_298 = arith.constant 0 : i32
        %dma_start3A_299 = arith.constant 0 : i32
        %dma_start3A_300 = tpu.memref_slice %arg9[%dma_start3A_298, %dma_start3A_299] : memref<10240x64xf32, #tpu.memory_space<vmem_shared>> -> memref<10240x64xf32, #tpu.memory_space<vmem_shared>>
        tpu.enqueue_indirect_dma source(%dma_start3A_294 : memref<80x64xf32, #tpu.memory_space<vmem>>) target(%dma_start3A_300 : memref<10240x64xf32, #tpu.memory_space<vmem_shared>>) offsets(%dma_start3A_297 : memref<80xi32, #tpu.memory_space<vmem>>) semaphore(%run_scoped3A_290 : memref<!tpu.dma_semaphore, #tpu.memory_space<semaphore_mem>>) {add = true}
        %dma_wait3A_301 = arith.constant 0 : i32
        %dma_wait3A_302 = arith.constant 0 : i32
        %dma_wait3A_303 = tpu.memref_slice %arg8[%run_scoped3A_276, %dma_wait3A_301, %dma_wait3A_302] : memref<5x80x64xf32, #tpu.memory_space<vmem>> -> memref<1x80x64xf32, #tpu.memory_space<vmem>>
        %dma_wait3A_304 = tpu.memref_squeeze %dma_wait3A_303 : memref<1x80x64xf32, #tpu.memory_space<vmem>> -> memref<80x64xf32, #tpu.memory_space<vmem>>
        %dma_wait3A_305 = arith.constant 0 : i32
        %dma_wait3A_306 = tpu.memref_slice %arg7[%add3A_264, %dma_wait3A_305] : memref<125x80xi32, #tpu.memory_space<vmem>> -> memref<1x80xi32, #tpu.memory_space<vmem>>
        %dma_wait3A_307 = tpu.memref_squeeze %dma_wait3A_306 : memref<1x80xi32, #tpu.memory_space<vmem>> -> memref<80xi32, #tpu.memory_space<vmem>>
        %dma_wait3A_308 = arith.constant 0 : i32
        %dma_wait3A_309 = arith.constant 0 : i32
        %dma_wait3A_310 = tpu.memref_slice %arg9[%dma_wait3A_308, %dma_wait3A_309] : memref<10240x64xf32, #tpu.memory_space<vmem_shared>> -> memref<10240x64xf32, #tpu.memory_space<vmem_shared>>
        tpu.wait_indirect_dma semaphore(%run_scoped3A_290 : memref<!tpu.dma_semaphore, #tpu.memory_space<semaphore_mem>>) src(%dma_wait3A_304 : memref<80x64xf32, #tpu.memory_space<vmem>>) dst(%dma_wait3A_310 : memref<10240x64xf32, #tpu.memory_space<vmem_shared>>)
        tpu.yield
      }) : () -> ()
      %add3A_277 = arith.constant 5 : i32
      %add3A_278 = arith.addi %add3A_264, %add3A_277 : i32
      %dma_start3A_279 = arith.constant 4 : i32
      %dma_start3A_280 = arith.constant 0 : i32
      %dma_start3A_281 = arith.constant 0 : i32
      %dma_start3A_282 = tpu.memref_slice %arg8[%dma_start3A_279, %dma_start3A_280, %dma_start3A_281] : memref<5x80x64xf32, #tpu.memory_space<vmem>> -> memref<1x80x64xf32, #tpu.memory_space<vmem>>
      %dma_start3A_283 = tpu.memref_squeeze %dma_start3A_282 : memref<1x80x64xf32, #tpu.memory_space<vmem>> -> memref<80x64xf32, #tpu.memory_space<vmem>>
      %dma_start3A_284 = arith.constant 0 : i32
      %dma_start3A_285 = tpu.memref_slice %arg6[%add3A_278, %dma_start3A_284] : memref<125x80xi32, #tpu.memory_space<vmem>> -> memref<1x80xi32, #tpu.memory_space<vmem>>
      %dma_start3A_286 = tpu.memref_squeeze %dma_start3A_285 : memref<1x80xi32, #tpu.memory_space<vmem>> -> memref<80xi32, #tpu.memory_space<vmem>>
      %dma_start3A_287 = arith.constant 0 : i32
      %dma_start3A_288 = arith.constant 0 : i32
      %dma_start3A_289 = tpu.memref_slice %arg2[%dma_start3A_287, %dma_start3A_288] : memref<10240x64xf32, #tpu.memory_space<hbm>> -> memref<10240x64xf32, #tpu.memory_space<hbm>>
      tpu.enqueue_indirect_dma source(%dma_start3A_289 : memref<10240x64xf32, #tpu.memory_space<hbm>>) target(%dma_start3A_283 : memref<80x64xf32, #tpu.memory_space<vmem>>) offsets(%dma_start3A_286 : memref<80xi32, #tpu.memory_space<vmem>>) semaphore(%arg14 : memref<!tpu.dma_semaphore, #tpu.memory_space<semaphore_mem>>)
    }
    %scan3A_69 = arith.constant 24 : i32
    %dma_wait3A = arith.constant 120 : i32
    %dma_wait3A_70 = arith.constant 0 : i32
    %dma_wait3A_71 = arith.constant 0 : i32
    %dma_wait3A_72 = arith.constant 0 : i32
    %dma_wait3A_73 = tpu.memref_slice %arg8[%dma_wait3A_70, %dma_wait3A_71, %dma_wait3A_72] : memref<5x80x64xf32, #tpu.memory_space<vmem>> -> memref<1x80x64xf32, #tpu.memory_space<vmem>>
    %dma_wait3A_74 = tpu.memref_squeeze %dma_wait3A_73 : memref<1x80x64xf32, #tpu.memory_space<vmem>> -> memref<80x64xf32, #tpu.memory_space<vmem>>
    %dma_wait3A_75 = arith.constant 0 : i32
    %dma_wait3A_76 = tpu.memref_slice %arg6[%dma_wait3A, %dma_wait3A_75] : memref<125x80xi32, #tpu.memory_space<vmem>> -> memref<1x80xi32, #tpu.memory_space<vmem>>
    %dma_wait3A_77 = tpu.memref_squeeze %dma_wait3A_76 : memref<1x80xi32, #tpu.memory_space<vmem>> -> memref<80xi32, #tpu.memory_space<vmem>>
    %dma_wait3A_78 = arith.constant 0 : i32
    %dma_wait3A_79 = arith.constant 0 : i32
    %dma_wait3A_80 = tpu.memref_slice %arg2[%dma_wait3A_78, %dma_wait3A_79] : memref<10240x64xf32, #tpu.memory_space<hbm>> -> memref<10240x64xf32, #tpu.memory_space<hbm>>
    tpu.wait_indirect_dma semaphore(%arg10 : memref<!tpu.dma_semaphore, #tpu.memory_space<semaphore_mem>>) src(%dma_wait3A_80 : memref<10240x64xf32, #tpu.memory_space<hbm>>) dst(%dma_wait3A_74 : memref<80x64xf32, #tpu.memory_space<vmem>>)
    %run_scoped3A_81 = arith.constant 0 : i32
    %run_scoped3A_82 = arith.constant 120 : i32
    "tpu.region"() ({
      %run_scoped3A_144 = tpu.sem_alloc : memref<!tpu.dma_semaphore, #tpu.memory_space<semaphore_mem>>
      %dma_start3A_145 = arith.constant 0 : i32
      %dma_start3A_146 = arith.constant 0 : i32
      %dma_start3A_147 = tpu.memref_slice %arg8[%run_scoped3A_81, %dma_start3A_145, %dma_start3A_146] : memref<5x80x64xf32, #tpu.memory_space<vmem>> -> memref<1x80x64xf32, #tpu.memory_space<vmem>>
      %dma_start3A_148 = tpu.memref_squeeze %dma_start3A_147 : memref<1x80x64xf32, #tpu.memory_space<vmem>> -> memref<80x64xf32, #tpu.memory_space<vmem>>
      %dma_start3A_149 = arith.constant 0 : i32
      %dma_start3A_150 = tpu.memref_slice %arg7[%run_scoped3A_82, %dma_start3A_149] : memref<125x80xi32, #tpu.memory_space<vmem>> -> memref<1x80xi32, #tpu.memory_space<vmem>>
      %dma_start3A_151 = tpu.memref_squeeze %dma_start3A_150 : memref<1x80xi32, #tpu.memory_space<vmem>> -> memref<80xi32, #tpu.memory_space<vmem>>
      %dma_start3A_152 = arith.constant 0 : i32
      %dma_start3A_153 = arith.constant 0 : i32
      %dma_start3A_154 = tpu.memref_slice %arg9[%dma_start3A_152, %dma_start3A_153] : memref<10240x64xf32, #tpu.memory_space<vmem_shared>> -> memref<10240x64xf32, #tpu.memory_space<vmem_shared>>
      tpu.enqueue_indirect_dma source(%dma_start3A_148 : memref<80x64xf32, #tpu.memory_space<vmem>>) target(%dma_start3A_154 : memref<10240x64xf32, #tpu.memory_space<vmem_shared>>) offsets(%dma_start3A_151 : memref<80xi32, #tpu.memory_space<vmem>>) semaphore(%run_scoped3A_144 : memref<!tpu.dma_semaphore, #tpu.memory_space<semaphore_mem>>) {add = true}
      %dma_wait3A_155 = arith.constant 0 : i32
      %dma_wait3A_156 = arith.constant 0 : i32
      %dma_wait3A_157 = tpu.memref_slice %arg8[%run_scoped3A_81, %dma_wait3A_155, %dma_wait3A_156] : memref<5x80x64xf32, #tpu.memory_space<vmem>> -> memref<1x80x64xf32, #tpu.memory_space<vmem>>
      %dma_wait3A_158 = tpu.memref_squeeze %dma_wait3A_157 : memref<1x80x64xf32, #tpu.memory_space<vmem>> -> memref<80x64xf32, #tpu.memory_space<vmem>>
      %dma_wait3A_159 = arith.constant 0 : i32
      %dma_wait3A_160 = tpu.memref_slice %arg7[%run_scoped3A_82, %dma_wait3A_159] : memref<125x80xi32, #tpu.memory_space<vmem>> -> memref<1x80xi32, #tpu.memory_space<vmem>>
      %dma_wait3A_161 = tpu.memref_squeeze %dma_wait3A_160 : memref<1x80xi32, #tpu.memory_space<vmem>> -> memref<80xi32, #tpu.memory_space<vmem>>
      %dma_wait3A_162 = arith.constant 0 : i32
      %dma_wait3A_163 = arith.constant 0 : i32
      %dma_wait3A_164 = tpu.memref_slice %arg9[%dma_wait3A_162, %dma_wait3A_163] : memref<10240x64xf32, #tpu.memory_space<vmem_shared>> -> memref<10240x64xf32, #tpu.memory_space<vmem_shared>>
      tpu.wait_indirect_dma semaphore(%run_scoped3A_144 : memref<!tpu.dma_semaphore, #tpu.memory_space<semaphore_mem>>) src(%dma_wait3A_158 : memref<80x64xf32, #tpu.memory_space<vmem>>) dst(%dma_wait3A_164 : memref<10240x64xf32, #tpu.memory_space<vmem_shared>>)
      tpu.yield
    }) : () -> ()
    %dma_wait3A_83 = arith.constant 121 : i32
    %dma_wait3A_84 = arith.constant 1 : i32
    %dma_wait3A_85 = arith.constant 0 : i32
    %dma_wait3A_86 = arith.constant 0 : i32
    %dma_wait3A_87 = tpu.memref_slice %arg8[%dma_wait3A_84, %dma_wait3A_85, %dma_wait3A_86] : memref<5x80x64xf32, #tpu.memory_space<vmem>> -> memref<1x80x64xf32, #tpu.memory_space<vmem>>
    %dma_wait3A_88 = tpu.memref_squeeze %dma_wait3A_87 : memref<1x80x64xf32, #tpu.memory_space<vmem>> -> memref<80x64xf32, #tpu.memory_space<vmem>>
    %dma_wait3A_89 = arith.constant 0 : i32
    %dma_wait3A_90 = tpu.memref_slice %arg6[%dma_wait3A_83, %dma_wait3A_89] : memref<125x80xi32, #tpu.memory_space<vmem>> -> memref<1x80xi32, #tpu.memory_space<vmem>>
    %dma_wait3A_91 = tpu.memref_squeeze %dma_wait3A_90 : memref<1x80xi32, #tpu.memory_space<vmem>> -> memref<80xi32, #tpu.memory_space<vmem>>
    %dma_wait3A_92 = arith.constant 0 : i32
    %dma_wait3A_93 = arith.constant 0 : i32
    %dma_wait3A_94 = tpu.memref_slice %arg2[%dma_wait3A_92, %dma_wait3A_93] : memref<10240x64xf32, #tpu.memory_space<hbm>> -> memref<10240x64xf32, #tpu.memory_space<hbm>>
    tpu.wait_indirect_dma semaphore(%arg11 : memref<!tpu.dma_semaphore, #tpu.memory_space<semaphore_mem>>) src(%dma_wait3A_94 : memref<10240x64xf32, #tpu.memory_space<hbm>>) dst(%dma_wait3A_88 : memref<80x64xf32, #tpu.memory_space<vmem>>)
    %run_scoped3A_95 = arith.constant 1 : i32
    %run_scoped3A_96 = arith.constant 121 : i32
    "tpu.region"() ({
      %run_scoped3A_144 = tpu.sem_alloc : memref<!tpu.dma_semaphore, #tpu.memory_space<semaphore_mem>>
      %dma_start3A_145 = arith.constant 0 : i32
      %dma_start3A_146 = arith.constant 0 : i32
      %dma_start3A_147 = tpu.memref_slice %arg8[%run_scoped3A_95, %dma_start3A_145, %dma_start3A_146] : memref<5x80x64xf32, #tpu.memory_space<vmem>> -> memref<1x80x64xf32, #tpu.memory_space<vmem>>
      %dma_start3A_148 = tpu.memref_squeeze %dma_start3A_147 : memref<1x80x64xf32, #tpu.memory_space<vmem>> -> memref<80x64xf32, #tpu.memory_space<vmem>>
      %dma_start3A_149 = arith.constant 0 : i32
      %dma_start3A_150 = tpu.memref_slice %arg7[%run_scoped3A_96, %dma_start3A_149] : memref<125x80xi32, #tpu.memory_space<vmem>> -> memref<1x80xi32, #tpu.memory_space<vmem>>
      %dma_start3A_151 = tpu.memref_squeeze %dma_start3A_150 : memref<1x80xi32, #tpu.memory_space<vmem>> -> memref<80xi32, #tpu.memory_space<vmem>>
      %dma_start3A_152 = arith.constant 0 : i32
      %dma_start3A_153 = arith.constant 0 : i32
      %dma_start3A_154 = tpu.memref_slice %arg9[%dma_start3A_152, %dma_start3A_153] : memref<10240x64xf32, #tpu.memory_space<vmem_shared>> -> memref<10240x64xf32, #tpu.memory_space<vmem_shared>>
      tpu.enqueue_indirect_dma source(%dma_start3A_148 : memref<80x64xf32, #tpu.memory_space<vmem>>) target(%dma_start3A_154 : memref<10240x64xf32, #tpu.memory_space<vmem_shared>>) offsets(%dma_start3A_151 : memref<80xi32, #tpu.memory_space<vmem>>) semaphore(%run_scoped3A_144 : memref<!tpu.dma_semaphore, #tpu.memory_space<semaphore_mem>>) {add = true}
      %dma_wait3A_155 = arith.constant 0 : i32
      %dma_wait3A_156 = arith.constant 0 : i32
      %dma_wait3A_157 = tpu.memref_slice %arg8[%run_scoped3A_95, %dma_wait3A_155, %dma_wait3A_156] : memref<5x80x64xf32, #tpu.memory_space<vmem>> -> memref<1x80x64xf32, #tpu.memory_space<vmem>>
      %dma_wait3A_158 = tpu.memref_squeeze %dma_wait3A_157 : memref<1x80x64xf32, #tpu.memory_space<vmem>> -> memref<80x64xf32, #tpu.memory_space<vmem>>
      %dma_wait3A_159 = arith.constant 0 : i32
      %dma_wait3A_160 = tpu.memref_slice %arg7[%run_scoped3A_96, %dma_wait3A_159] : memref<125x80xi32, #tpu.memory_space<vmem>> -> memref<1x80xi32, #tpu.memory_space<vmem>>
      %dma_wait3A_161 = tpu.memref_squeeze %dma_wait3A_160 : memref<1x80xi32, #tpu.memory_space<vmem>> -> memref<80xi32, #tpu.memory_space<vmem>>
      %dma_wait3A_162 = arith.constant 0 : i32
      %dma_wait3A_163 = arith.constant 0 : i32
      %dma_wait3A_164 = tpu.memref_slice %arg9[%dma_wait3A_162, %dma_wait3A_163] : memref<10240x64xf32, #tpu.memory_space<vmem_shared>> -> memref<10240x64xf32, #tpu.memory_space<vmem_shared>>
      tpu.wait_indirect_dma semaphore(%run_scoped3A_144 : memref<!tpu.dma_semaphore, #tpu.memory_space<semaphore_mem>>) src(%dma_wait3A_158 : memref<80x64xf32, #tpu.memory_space<vmem>>) dst(%dma_wait3A_164 : memref<10240x64xf32, #tpu.memory_space<vmem_shared>>)
      tpu.yield
    }) : () -> ()
    %dma_wait3A_97 = arith.constant 122 : i32
    %dma_wait3A_98 = arith.constant 2 : i32
    %dma_wait3A_99 = arith.constant 0 : i32
    %dma_wait3A_100 = arith.constant 0 : i32
    %dma_wait3A_101 = tpu.memref_slice %arg8[%dma_wait3A_98, %dma_wait3A_99, %dma_wait3A_100] : memref<5x80x64xf32, #tpu.memory_space<vmem>> -> memref<1x80x64xf32, #tpu.memory_space<vmem>>
    %dma_wait3A_102 = tpu.memref_squeeze %dma_wait3A_101 : memref<1x80x64xf32, #tpu.memory_space<vmem>> -> memref<80x64xf32, #tpu.memory_space<vmem>>
    %dma_wait3A_103 = arith.constant 0 : i32
    %dma_wait3A_104 = tpu.memref_slice %arg6[%dma_wait3A_97, %dma_wait3A_103] : memref<125x80xi32, #tpu.memory_space<vmem>> -> memref<1x80xi32, #tpu.memory_space<vmem>>
    %dma_wait3A_105 = tpu.memref_squeeze %dma_wait3A_104 : memref<1x80xi32, #tpu.memory_space<vmem>> -> memref<80xi32, #tpu.memory_space<vmem>>
    %dma_wait3A_106 = arith.constant 0 : i32
    %dma_wait3A_107 = arith.constant 0 : i32
    %dma_wait3A_108 = tpu.memref_slice %arg2[%dma_wait3A_106, %dma_wait3A_107] : memref<10240x64xf32, #tpu.memory_space<hbm>> -> memref<10240x64xf32, #tpu.memory_space<hbm>>
    tpu.wait_indirect_dma semaphore(%arg12 : memref<!tpu.dma_semaphore, #tpu.memory_space<semaphore_mem>>) src(%dma_wait3A_108 : memref<10240x64xf32, #tpu.memory_space<hbm>>) dst(%dma_wait3A_102 : memref<80x64xf32, #tpu.memory_space<vmem>>)
    %run_scoped3A_109 = arith.constant 2 : i32
    %run_scoped3A_110 = arith.constant 122 : i32
    "tpu.region"() ({
      %run_scoped3A_144 = tpu.sem_alloc : memref<!tpu.dma_semaphore, #tpu.memory_space<semaphore_mem>>
      %dma_start3A_145 = arith.constant 0 : i32
      %dma_start3A_146 = arith.constant 0 : i32
      %dma_start3A_147 = tpu.memref_slice %arg8[%run_scoped3A_109, %dma_start3A_145, %dma_start3A_146] : memref<5x80x64xf32, #tpu.memory_space<vmem>> -> memref<1x80x64xf32, #tpu.memory_space<vmem>>
      %dma_start3A_148 = tpu.memref_squeeze %dma_start3A_147 : memref<1x80x64xf32, #tpu.memory_space<vmem>> -> memref<80x64xf32, #tpu.memory_space<vmem>>
      %dma_start3A_149 = arith.constant 0 : i32
      %dma_start3A_150 = tpu.memref_slice %arg7[%run_scoped3A_110, %dma_start3A_149] : memref<125x80xi32, #tpu.memory_space<vmem>> -> memref<1x80xi32, #tpu.memory_space<vmem>>
      %dma_start3A_151 = tpu.memref_squeeze %dma_start3A_150 : memref<1x80xi32, #tpu.memory_space<vmem>> -> memref<80xi32, #tpu.memory_space<vmem>>
      %dma_start3A_152 = arith.constant 0 : i32
      %dma_start3A_153 = arith.constant 0 : i32
      %dma_start3A_154 = tpu.memref_slice %arg9[%dma_start3A_152, %dma_start3A_153] : memref<10240x64xf32, #tpu.memory_space<vmem_shared>> -> memref<10240x64xf32, #tpu.memory_space<vmem_shared>>
      tpu.enqueue_indirect_dma source(%dma_start3A_148 : memref<80x64xf32, #tpu.memory_space<vmem>>) target(%dma_start3A_154 : memref<10240x64xf32, #tpu.memory_space<vmem_shared>>) offsets(%dma_start3A_151 : memref<80xi32, #tpu.memory_space<vmem>>) semaphore(%run_scoped3A_144 : memref<!tpu.dma_semaphore, #tpu.memory_space<semaphore_mem>>) {add = true}
      %dma_wait3A_155 = arith.constant 0 : i32
      %dma_wait3A_156 = arith.constant 0 : i32
      %dma_wait3A_157 = tpu.memref_slice %arg8[%run_scoped3A_109, %dma_wait3A_155, %dma_wait3A_156] : memref<5x80x64xf32, #tpu.memory_space<vmem>> -> memref<1x80x64xf32, #tpu.memory_space<vmem>>
      %dma_wait3A_158 = tpu.memref_squeeze %dma_wait3A_157 : memref<1x80x64xf32, #tpu.memory_space<vmem>> -> memref<80x64xf32, #tpu.memory_space<vmem>>
      %dma_wait3A_159 = arith.constant 0 : i32
      %dma_wait3A_160 = tpu.memref_slice %arg7[%run_scoped3A_110, %dma_wait3A_159] : memref<125x80xi32, #tpu.memory_space<vmem>> -> memref<1x80xi32, #tpu.memory_space<vmem>>
      %dma_wait3A_161 = tpu.memref_squeeze %dma_wait3A_160 : memref<1x80xi32, #tpu.memory_space<vmem>> -> memref<80xi32, #tpu.memory_space<vmem>>
      %dma_wait3A_162 = arith.constant 0 : i32
      %dma_wait3A_163 = arith.constant 0 : i32
      %dma_wait3A_164 = tpu.memref_slice %arg9[%dma_wait3A_162, %dma_wait3A_163] : memref<10240x64xf32, #tpu.memory_space<vmem_shared>> -> memref<10240x64xf32, #tpu.memory_space<vmem_shared>>
      tpu.wait_indirect_dma semaphore(%run_scoped3A_144 : memref<!tpu.dma_semaphore, #tpu.memory_space<semaphore_mem>>) src(%dma_wait3A_158 : memref<80x64xf32, #tpu.memory_space<vmem>>) dst(%dma_wait3A_164 : memref<10240x64xf32, #tpu.memory_space<vmem_shared>>)
      tpu.yield
    }) : () -> ()
    %dma_wait3A_111 = arith.constant 123 : i32
    %dma_wait3A_112 = arith.constant 3 : i32
    %dma_wait3A_113 = arith.constant 0 : i32
    %dma_wait3A_114 = arith.constant 0 : i32
    %dma_wait3A_115 = tpu.memref_slice %arg8[%dma_wait3A_112, %dma_wait3A_113, %dma_wait3A_114] : memref<5x80x64xf32, #tpu.memory_space<vmem>> -> memref<1x80x64xf32, #tpu.memory_space<vmem>>
    %dma_wait3A_116 = tpu.memref_squeeze %dma_wait3A_115 : memref<1x80x64xf32, #tpu.memory_space<vmem>> -> memref<80x64xf32, #tpu.memory_space<vmem>>
    %dma_wait3A_117 = arith.constant 0 : i32
    %dma_wait3A_118 = tpu.memref_slice %arg6[%dma_wait3A_111, %dma_wait3A_117] : memref<125x80xi32, #tpu.memory_space<vmem>> -> memref<1x80xi32, #tpu.memory_space<vmem>>
    %dma_wait3A_119 = tpu.memref_squeeze %dma_wait3A_118 : memref<1x80xi32, #tpu.memory_space<vmem>> -> memref<80xi32, #tpu.memory_space<vmem>>
    %dma_wait3A_120 = arith.constant 0 : i32
    %dma_wait3A_121 = arith.constant 0 : i32
    %dma_wait3A_122 = tpu.memref_slice %arg2[%dma_wait3A_120, %dma_wait3A_121] : memref<10240x64xf32, #tpu.memory_space<hbm>> -> memref<10240x64xf32, #tpu.memory_space<hbm>>
    tpu.wait_indirect_dma semaphore(%arg13 : memref<!tpu.dma_semaphore, #tpu.memory_space<semaphore_mem>>) src(%dma_wait3A_122 : memref<10240x64xf32, #tpu.memory_space<hbm>>) dst(%dma_wait3A_116 : memref<80x64xf32, #tpu.memory_space<vmem>>)
    %run_scoped3A_123 = arith.constant 3 : i32
    %run_scoped3A_124 = arith.constant 123 : i32
    "tpu.region"() ({
      %run_scoped3A_144 = tpu.sem_alloc : memref<!tpu.dma_semaphore, #tpu.memory_space<semaphore_mem>>
      %dma_start3A_145 = arith.constant 0 : i32
      %dma_start3A_146 = arith.constant 0 : i32
      %dma_start3A_147 = tpu.memref_slice %arg8[%run_scoped3A_123, %dma_start3A_145, %dma_start3A_146] : memref<5x80x64xf32, #tpu.memory_space<vmem>> -> memref<1x80x64xf32, #tpu.memory_space<vmem>>
      %dma_start3A_148 = tpu.memref_squeeze %dma_start3A_147 : memref<1x80x64xf32, #tpu.memory_space<vmem>> -> memref<80x64xf32, #tpu.memory_space<vmem>>
      %dma_start3A_149 = arith.constant 0 : i32
      %dma_start3A_150 = tpu.memref_slice %arg7[%run_scoped3A_124, %dma_start3A_149] : memref<125x80xi32, #tpu.memory_space<vmem>> -> memref<1x80xi32, #tpu.memory_space<vmem>>
      %dma_start3A_151 = tpu.memref_squeeze %dma_start3A_150 : memref<1x80xi32, #tpu.memory_space<vmem>> -> memref<80xi32, #tpu.memory_space<vmem>>
      %dma_start3A_152 = arith.constant 0 : i32
      %dma_start3A_153 = arith.constant 0 : i32
      %dma_start3A_154 = tpu.memref_slice %arg9[%dma_start3A_152, %dma_start3A_153] : memref<10240x64xf32, #tpu.memory_space<vmem_shared>> -> memref<10240x64xf32, #tpu.memory_space<vmem_shared>>
      tpu.enqueue_indirect_dma source(%dma_start3A_148 : memref<80x64xf32, #tpu.memory_space<vmem>>) target(%dma_start3A_154 : memref<10240x64xf32, #tpu.memory_space<vmem_shared>>) offsets(%dma_start3A_151 : memref<80xi32, #tpu.memory_space<vmem>>) semaphore(%run_scoped3A_144 : memref<!tpu.dma_semaphore, #tpu.memory_space<semaphore_mem>>) {add = true}
      %dma_wait3A_155 = arith.constant 0 : i32
      %dma_wait3A_156 = arith.constant 0 : i32
      %dma_wait3A_157 = tpu.memref_slice %arg8[%run_scoped3A_123, %dma_wait3A_155, %dma_wait3A_156] : memref<5x80x64xf32, #tpu.memory_space<vmem>> -> memref<1x80x64xf32, #tpu.memory_space<vmem>>
      %dma_wait3A_158 = tpu.memref_squeeze %dma_wait3A_157 : memref<1x80x64xf32, #tpu.memory_space<vmem>> -> memref<80x64xf32, #tpu.memory_space<vmem>>
      %dma_wait3A_159 = arith.constant 0 : i32
      %dma_wait3A_160 = tpu.memref_slice %arg7[%run_scoped3A_124, %dma_wait3A_159] : memref<125x80xi32, #tpu.memory_space<vmem>> -> memref<1x80xi32, #tpu.memory_space<vmem>>
      %dma_wait3A_161 = tpu.memref_squeeze %dma_wait3A_160 : memref<1x80xi32, #tpu.memory_space<vmem>> -> memref<80xi32, #tpu.memory_space<vmem>>
      %dma_wait3A_162 = arith.constant 0 : i32
      %dma_wait3A_163 = arith.constant 0 : i32
      %dma_wait3A_164 = tpu.memref_slice %arg9[%dma_wait3A_162, %dma_wait3A_163] : memref<10240x64xf32, #tpu.memory_space<vmem_shared>> -> memref<10240x64xf32, #tpu.memory_space<vmem_shared>>
      tpu.wait_indirect_dma semaphore(%run_scoped3A_144 : memref<!tpu.dma_semaphore, #tpu.memory_space<semaphore_mem>>) src(%dma_wait3A_158 : memref<80x64xf32, #tpu.memory_space<vmem>>) dst(%dma_wait3A_164 : memref<10240x64xf32, #tpu.memory_space<vmem_shared>>)
      tpu.yield
    }) : () -> ()
    %dma_wait3A_125 = arith.constant 124 : i32
    %dma_wait3A_126 = arith.constant 4 : i32
    %dma_wait3A_127 = arith.constant 0 : i32
    %dma_wait3A_128 = arith.constant 0 : i32
    %dma_wait3A_129 = tpu.memref_slice %arg8[%dma_wait3A_126, %dma_wait3A_127, %dma_wait3A_128] : memref<5x80x64xf32, #tpu.memory_space<vmem>> -> memref<1x80x64xf32, #tpu.memory_space<vmem>>
    %dma_wait3A_130 = tpu.memref_squeeze %dma_wait3A_129 : memref<1x80x64xf32, #tpu.memory_space<vmem>> -> memref<80x64xf32, #tpu.memory_space<vmem>>
    %dma_wait3A_131 = arith.constant 0 : i32
    %dma_wait3A_132 = tpu.memref_slice %arg6[%dma_wait3A_125, %dma_wait3A_131] : memref<125x80xi32, #tpu.memory_space<vmem>> -> memref<1x80xi32, #tpu.memory_space<vmem>>
    %dma_wait3A_133 = tpu.memref_squeeze %dma_wait3A_132 : memref<1x80xi32, #tpu.memory_space<vmem>> -> memref<80xi32, #tpu.memory_space<vmem>>
    %dma_wait3A_134 = arith.constant 0 : i32
    %dma_wait3A_135 = arith.constant 0 : i32
    %dma_wait3A_136 = tpu.memref_slice %arg2[%dma_wait3A_134, %dma_wait3A_135] : memref<10240x64xf32, #tpu.memory_space<hbm>> -> memref<10240x64xf32, #tpu.memory_space<hbm>>
    tpu.wait_indirect_dma semaphore(%arg14 : memref<!tpu.dma_semaphore, #tpu.memory_space<semaphore_mem>>) src(%dma_wait3A_136 : memref<10240x64xf32, #tpu.memory_space<hbm>>) dst(%dma_wait3A_130 : memref<80x64xf32, #tpu.memory_space<vmem>>)
    %run_scoped3A_137 = arith.constant 4 : i32
    %run_scoped3A_138 = arith.constant 124 : i32
    "tpu.region"() ({
      %run_scoped3A_144 = tpu.sem_alloc : memref<!tpu.dma_semaphore, #tpu.memory_space<semaphore_mem>>
      %dma_start3A_145 = arith.constant 0 : i32
      %dma_start3A_146 = arith.constant 0 : i32
      %dma_start3A_147 = tpu.memref_slice %arg8[%run_scoped3A_137, %dma_start3A_145, %dma_start3A_146] : memref<5x80x64xf32, #tpu.memory_space<vmem>> -> memref<1x80x64xf32, #tpu.memory_space<vmem>>
      %dma_start3A_148 = tpu.memref_squeeze %dma_start3A_147 : memref<1x80x64xf32, #tpu.memory_space<vmem>> -> memref<80x64xf32, #tpu.memory_space<vmem>>
      %dma_start3A_149 = arith.constant 0 : i32
      %dma_start3A_150 = tpu.memref_slice %arg7[%run_scoped3A_138, %dma_start3A_149] : memref<125x80xi32, #tpu.memory_space<vmem>> -> memref<1x80xi32, #tpu.memory_space<vmem>>
      %dma_start3A_151 = tpu.memref_squeeze %dma_start3A_150 : memref<1x80xi32, #tpu.memory_space<vmem>> -> memref<80xi32, #tpu.memory_space<vmem>>
      %dma_start3A_152 = arith.constant 0 : i32
      %dma_start3A_153 = arith.constant 0 : i32
      %dma_start3A_154 = tpu.memref_slice %arg9[%dma_start3A_152, %dma_start3A_153] : memref<10240x64xf32, #tpu.memory_space<vmem_shared>> -> memref<10240x64xf32, #tpu.memory_space<vmem_shared>>
      tpu.enqueue_indirect_dma source(%dma_start3A_148 : memref<80x64xf32, #tpu.memory_space<vmem>>) target(%dma_start3A_154 : memref<10240x64xf32, #tpu.memory_space<vmem_shared>>) offsets(%dma_start3A_151 : memref<80xi32, #tpu.memory_space<vmem>>) semaphore(%run_scoped3A_144 : memref<!tpu.dma_semaphore, #tpu.memory_space<semaphore_mem>>) {add = true}
      %dma_wait3A_155 = arith.constant 0 : i32
      %dma_wait3A_156 = arith.constant 0 : i32
      %dma_wait3A_157 = tpu.memref_slice %arg8[%run_scoped3A_137, %dma_wait3A_155, %dma_wait3A_156] : memref<5x80x64xf32, #tpu.memory_space<vmem>> -> memref<1x80x64xf32, #tpu.memory_space<vmem>>
      %dma_wait3A_158 = tpu.memref_squeeze %dma_wait3A_157 : memref<1x80x64xf32, #tpu.memory_space<vmem>> -> memref<80x64xf32, #tpu.memory_space<vmem>>
      %dma_wait3A_159 = arith.constant 0 : i32
      %dma_wait3A_160 = tpu.memref_slice %arg7[%run_scoped3A_138, %dma_wait3A_159] : memref<125x80xi32, #tpu.memory_space<vmem>> -> memref<1x80xi32, #tpu.memory_space<vmem>>
      %dma_wait3A_161 = tpu.memref_squeeze %dma_wait3A_160 : memref<1x80xi32, #tpu.memory_space<vmem>> -> memref<80xi32, #tpu.memory_space<vmem>>
      %dma_wait3A_162 = arith.constant 0 : i32
      %dma_wait3A_163 = arith.constant 0 : i32
      %dma_wait3A_164 = tpu.memref_slice %arg9[%dma_wait3A_162, %dma_wait3A_163] : memref<10240x64xf32, #tpu.memory_space<vmem_shared>> -> memref<10240x64xf32, #tpu.memory_space<vmem_shared>>
      tpu.wait_indirect_dma semaphore(%run_scoped3A_144 : memref<!tpu.dma_semaphore, #tpu.memory_space<semaphore_mem>>) src(%dma_wait3A_158 : memref<80x64xf32, #tpu.memory_space<vmem>>) dst(%dma_wait3A_164 : memref<10240x64xf32, #tpu.memory_space<vmem_shared>>)
      tpu.yield
    }) : () -> ()
    %barrier3A_139 = arith.constant 0 : index
    tpu.barrier barrier_id(%barrier3A_139)
    %mul3A_140 = arith.constant 640 : i32
    %mul3A_141 = arith.muli %arg1, %mul3A_140 : i32
    %mul3A_142 = arith.constant 640 : i32
    %mul3A_143 = arith.muli %arg1, %mul3A_142 : i32
    "tpu.region"() ({
      %run_scoped3A_144 = tpu.sem_alloc : memref<!tpu.dma_semaphore, #tpu.memory_space<semaphore_mem>>
      %dma_start3A_145 = arith.constant 0 : i32
      %dma_start3A_146 = tpu.memref_slice %arg5[%arg0, %mul3A_143, %dma_start3A_145] : memref<2x10240x64xf32, #tpu.memory_space<hbm>> -> memref<1x640x64xf32, #tpu.memory_space<hbm>>
      %dma_start3A_147 = tpu.memref_squeeze %dma_start3A_146 : memref<1x640x64xf32, #tpu.memory_space<hbm>> -> memref<640x64xf32, #tpu.memory_space<hbm>>
      %dma_start3A_148 = arith.constant 0 : i32
      %dma_start3A_149 = tpu.memref_slice %arg9[%mul3A_141, %dma_start3A_148] : memref<10240x64xf32, #tpu.memory_space<vmem_shared>> -> memref<640x64xf32, #tpu.memory_space<vmem_shared>>
      tpu.enqueue_dma source(%dma_start3A_149 : memref<640x64xf32, #tpu.memory_space<vmem_shared>>) target(%dma_start3A_147 : memref<640x64xf32, #tpu.memory_space<hbm>>) target_semaphore(%run_scoped3A_144 : memref<!tpu.dma_semaphore, #tpu.memory_space<semaphore_mem>>)
      %dma_wait3A_150 = arith.constant 0 : i32
      %dma_wait3A_151 = tpu.memref_slice %arg5[%arg0, %mul3A_143, %dma_wait3A_150] : memref<2x10240x64xf32, #tpu.memory_space<hbm>> -> memref<1x640x64xf32, #tpu.memory_space<hbm>>
      %dma_wait3A_152 = tpu.memref_squeeze %dma_wait3A_151 : memref<1x640x64xf32, #tpu.memory_space<hbm>> -> memref<640x64xf32, #tpu.memory_space<hbm>>
      %dma_wait3A_153 = arith.constant 0 : i32
      %dma_wait3A_154 = tpu.memref_slice %arg9[%mul3A_141, %dma_wait3A_153] : memref<10240x64xf32, #tpu.memory_space<vmem_shared>> -> memref<640x64xf32, #tpu.memory_space<vmem_shared>>
      tpu.wait_dma2 semaphore(%run_scoped3A_144 : memref<!tpu.dma_semaphore, #tpu.memory_space<semaphore_mem>>) src(%dma_wait3A_154 : memref<640x64xf32, #tpu.memory_space<vmem_shared>>) dst(%dma_wait3A_152 : memref<640x64xf32, #tpu.memory_space<hbm>>)
      tpu.yield
    }) : () -> ()
    return
  }
}

#map = affine_map<(d0, d1) -> (0, 0)>
#map1 = affine_map<(d0, d1) -> (0, 0, 0, 0)>
#map2 = affine_map<(d0, d1) -> (0, 0, 0)>
module attributes {stable_mosaic.version = 14 : i64} {
  func.func @agg_kernel(%arg0: i32, %arg1: i32, %arg2: memref<10240x32xf32, #tpu.memory_space<hbm>>, %arg3: memref<2x32x125x80xi32, #tpu.memory_space<hbm>>, %arg4: memref<10240x32xf32, #tpu.memory_space<hbm>>, %arg5: memref<2x10240x32xf32, #tpu.memory_space<hbm>>, %arg6: memref<125x80xi32, #tpu.memory_space<vmem>>, %arg7: memref<125x80xi32, #tpu.memory_space<vmem>>, %arg8: memref<5x80x32xf32, #tpu.memory_space<vmem>>, %arg9: memref<10240x32xf32, #tpu.memory_space<vmem_shared>>, %arg10: memref<!tpu.dma_semaphore, #tpu.memory_space<semaphore_mem>>, %arg11: memref<!tpu.dma_semaphore, #tpu.memory_space<semaphore_mem>>, %arg12: memref<!tpu.dma_semaphore, #tpu.memory_space<semaphore_mem>>, %arg13: memref<!tpu.dma_semaphore, #tpu.memory_space<semaphore_mem>>, %arg14: memref<!tpu.dma_semaphore, #tpu.memory_space<semaphore_mem>>) attributes {dimension_semantics = [#tpu.dimension_semantics<core_parallel>, #tpu.dimension_semantics<subcore_parallel>], iteration_bounds = array<i64: 2, 16>, scalar_prefetch = 0 : i64, scratch_operands = 9 : i64, tpu.core_type = #tpu.core_type<sc_vector_subcore>, window_params = [{transform_indices = #map}, {transform_indices = #map1}, {transform_indices = #map}, {transform_indices = #map2}]} {
    %mul3A = arith.constant 16 : i32
    %mul3A_0 = arith.muli %arg0, %mul3A : i32
    %add3A = arith.addi %mul3A_0, %arg1 : i32
    %run_scoped3A = arith.constant 0 : i32
    "tpu.region"() ({
      %run_scoped3A_144 = tpu.sem_alloc : memref<!tpu.dma_semaphore, #tpu.memory_space<semaphore_mem>>
      %dma_start3A_145 = arith.constant 0 : i32
      %dma_start3A_146 = arith.constant 0 : i32
      %dma_start3A_147 = tpu.memref_slice %arg3[%run_scoped3A, %add3A, %dma_start3A_145, %dma_start3A_146] : memref<2x32x125x80xi32, #tpu.memory_space<hbm>> -> memref<1x1x125x80xi32, #tpu.memory_space<hbm>>
      %dma_start3A_148 = tpu.memref_squeeze %dma_start3A_147 : memref<1x1x125x80xi32, #tpu.memory_space<hbm>> -> memref<125x80xi32, #tpu.memory_space<hbm>>
      %dma_start3A_149 = arith.constant 0 : i32
      %dma_start3A_150 = arith.constant 0 : i32
      %dma_start3A_151 = tpu.memref_slice %arg3[%run_scoped3A, %add3A, %dma_start3A_149, %dma_start3A_150] : memref<2x32x125x80xi32, #tpu.memory_space<hbm>> -> memref<1x1x125x80xi32, #tpu.memory_space<hbm>>
      %dma_start3A_152 = tpu.memref_squeeze %dma_start3A_151 : memref<1x1x125x80xi32, #tpu.memory_space<hbm>> -> memref<125x80xi32, #tpu.memory_space<hbm>>
      tpu.enqueue_dma source(%dma_start3A_152 : memref<125x80xi32, #tpu.memory_space<hbm>>) target(%arg6 : memref<125x80xi32, #tpu.memory_space<vmem>>) target_semaphore(%run_scoped3A_144 : memref<!tpu.dma_semaphore, #tpu.memory_space<semaphore_mem>>)
      %dma_wait3A_153 = arith.constant 0 : i32
      %dma_wait3A_154 = arith.constant 0 : i32
      %dma_wait3A_155 = tpu.memref_slice %arg3[%run_scoped3A, %add3A, %dma_wait3A_153, %dma_wait3A_154] : memref<2x32x125x80xi32, #tpu.memory_space<hbm>> -> memref<1x1x125x80xi32, #tpu.memory_space<hbm>>
      %dma_wait3A_156 = tpu.memref_squeeze %dma_wait3A_155 : memref<1x1x125x80xi32, #tpu.memory_space<hbm>> -> memref<125x80xi32, #tpu.memory_space<hbm>>
      %dma_wait3A_157 = arith.constant 0 : i32
      %dma_wait3A_158 = arith.constant 0 : i32
      %dma_wait3A_159 = tpu.memref_slice %arg3[%run_scoped3A, %add3A, %dma_wait3A_157, %dma_wait3A_158] : memref<2x32x125x80xi32, #tpu.memory_space<hbm>> -> memref<1x1x125x80xi32, #tpu.memory_space<hbm>>
      %dma_wait3A_160 = tpu.memref_squeeze %dma_wait3A_159 : memref<1x1x125x80xi32, #tpu.memory_space<hbm>> -> memref<125x80xi32, #tpu.memory_space<hbm>>
      tpu.wait_dma2 semaphore(%run_scoped3A_144 : memref<!tpu.dma_semaphore, #tpu.memory_space<semaphore_mem>>) src(%dma_wait3A_160 : memref<125x80xi32, #tpu.memory_space<hbm>>) dst(%arg6 : memref<125x80xi32, #tpu.memory_space<vmem>>)
      tpu.yield
    }) : () -> ()
    %run_scoped3A_1 = arith.constant 1 : i32
    "tpu.region"() ({
      %run_scoped3A_144 = tpu.sem_alloc : memref<!tpu.dma_semaphore, #tpu.memory_space<semaphore_mem>>
      %dma_start3A_145 = arith.constant 0 : i32
      %dma_start3A_146 = arith.constant 0 : i32
      %dma_start3A_147 = tpu.memref_slice %arg3[%run_scoped3A_1, %add3A, %dma_start3A_145, %dma_start3A_146] : memref<2x32x125x80xi32, #tpu.memory_space<hbm>> -> memref<1x1x125x80xi32, #tpu.memory_space<hbm>>
      %dma_start3A_148 = tpu.memref_squeeze %dma_start3A_147 : memref<1x1x125x80xi32, #tpu.memory_space<hbm>> -> memref<125x80xi32, #tpu.memory_space<hbm>>
      %dma_start3A_149 = arith.constant 0 : i32
      %dma_start3A_150 = arith.constant 0 : i32
      %dma_start3A_151 = tpu.memref_slice %arg3[%run_scoped3A_1, %add3A, %dma_start3A_149, %dma_start3A_150] : memref<2x32x125x80xi32, #tpu.memory_space<hbm>> -> memref<1x1x125x80xi32, #tpu.memory_space<hbm>>
      %dma_start3A_152 = tpu.memref_squeeze %dma_start3A_151 : memref<1x1x125x80xi32, #tpu.memory_space<hbm>> -> memref<125x80xi32, #tpu.memory_space<hbm>>
      tpu.enqueue_dma source(%dma_start3A_152 : memref<125x80xi32, #tpu.memory_space<hbm>>) target(%arg7 : memref<125x80xi32, #tpu.memory_space<vmem>>) target_semaphore(%run_scoped3A_144 : memref<!tpu.dma_semaphore, #tpu.memory_space<semaphore_mem>>)
      %dma_wait3A_153 = arith.constant 0 : i32
      %dma_wait3A_154 = arith.constant 0 : i32
      %dma_wait3A_155 = tpu.memref_slice %arg3[%run_scoped3A_1, %add3A, %dma_wait3A_153, %dma_wait3A_154] : memref<2x32x125x80xi32, #tpu.memory_space<hbm>> -> memref<1x1x125x80xi32, #tpu.memory_space<hbm>>
      %dma_wait3A_156 = tpu.memref_squeeze %dma_wait3A_155 : memref<1x1x125x80xi32, #tpu.memory_space<hbm>> -> memref<125x80xi32, #tpu.memory_space<hbm>>
      %dma_wait3A_157 = arith.constant 0 : i32
      %dma_wait3A_158 = arith.constant 0 : i32
      %dma_wait3A_159 = tpu.memref_slice %arg3[%run_scoped3A_1, %add3A, %dma_wait3A_157, %dma_wait3A_158] : memref<2x32x125x80xi32, #tpu.memory_space<hbm>> -> memref<1x1x125x80xi32, #tpu.memory_space<hbm>>
      %dma_wait3A_160 = tpu.memref_squeeze %dma_wait3A_159 : memref<1x1x125x80xi32, #tpu.memory_space<hbm>> -> memref<125x80xi32, #tpu.memory_space<hbm>>
      tpu.wait_dma2 semaphore(%run_scoped3A_144 : memref<!tpu.dma_semaphore, #tpu.memory_space<semaphore_mem>>) src(%dma_wait3A_160 : memref<125x80xi32, #tpu.memory_space<hbm>>) dst(%arg7 : memref<125x80xi32, #tpu.memory_space<vmem>>)
      tpu.yield
    }) : () -> ()
    %mul3A_2 = arith.constant 640 : i32
    %mul3A_3 = arith.muli %arg1, %mul3A_2 : i32
    %mul3A_4 = arith.constant 640 : i32
    %mul3A_5 = arith.muli %arg1, %mul3A_4 : i32
    "tpu.region"() ({
      %run_scoped3A_144 = tpu.sem_alloc : memref<!tpu.dma_semaphore, #tpu.memory_space<semaphore_mem>>
      %dma_start3A_145 = arith.constant 0 : i32
      %dma_start3A_146 = tpu.memref_slice %arg9[%mul3A_5, %dma_start3A_145] : memref<10240x32xf32, #tpu.memory_space<vmem_shared>> -> memref<640x32xf32, #tpu.memory_space<vmem_shared>>
      %dma_start3A_147 = arith.constant 0 : i32
      %dma_start3A_148 = tpu.memref_slice %arg4[%mul3A_3, %dma_start3A_147] : memref<10240x32xf32, #tpu.memory_space<hbm>> -> memref<640x32xf32, #tpu.memory_space<hbm>>
      tpu.enqueue_dma source(%dma_start3A_148 : memref<640x32xf32, #tpu.memory_space<hbm>>) target(%dma_start3A_146 : memref<640x32xf32, #tpu.memory_space<vmem_shared>>) target_semaphore(%run_scoped3A_144 : memref<!tpu.dma_semaphore, #tpu.memory_space<semaphore_mem>>)
      %dma_wait3A_149 = arith.constant 0 : i32
      %dma_wait3A_150 = tpu.memref_slice %arg9[%mul3A_5, %dma_wait3A_149] : memref<10240x32xf32, #tpu.memory_space<vmem_shared>> -> memref<640x32xf32, #tpu.memory_space<vmem_shared>>
      %dma_wait3A_151 = arith.constant 0 : i32
      %dma_wait3A_152 = tpu.memref_slice %arg4[%mul3A_3, %dma_wait3A_151] : memref<10240x32xf32, #tpu.memory_space<hbm>> -> memref<640x32xf32, #tpu.memory_space<hbm>>
      tpu.wait_dma2 semaphore(%run_scoped3A_144 : memref<!tpu.dma_semaphore, #tpu.memory_space<semaphore_mem>>) src(%dma_wait3A_152 : memref<640x32xf32, #tpu.memory_space<hbm>>) dst(%dma_wait3A_150 : memref<640x32xf32, #tpu.memory_space<vmem_shared>>)
      tpu.yield
    }) : () -> ()
    %barrier3A = arith.constant 0 : index
    tpu.barrier barrier_id(%barrier3A)
    %dma_start3A = arith.constant 0 : i32
    %dma_start3A_6 = arith.constant 0 : i32
    %dma_start3A_7 = arith.constant 0 : i32
    %dma_start3A_8 = arith.constant 0 : i32
    %dma_start3A_9 = tpu.memref_slice %arg8[%dma_start3A_6, %dma_start3A_7, %dma_start3A_8] : memref<5x80x32xf32, #tpu.memory_space<vmem>> -> memref<1x80x32xf32, #tpu.memory_space<vmem>>
    %dma_start3A_10 = tpu.memref_squeeze %dma_start3A_9 : memref<1x80x32xf32, #tpu.memory_space<vmem>> -> memref<80x32xf32, #tpu.memory_space<vmem>>
    %dma_start3A_11 = arith.constant 0 : i32
    %dma_start3A_12 = tpu.memref_slice %arg6[%dma_start3A, %dma_start3A_11] : memref<125x80xi32, #tpu.memory_space<vmem>> -> memref<1x80xi32, #tpu.memory_space<vmem>>
    %dma_start3A_13 = tpu.memref_squeeze %dma_start3A_12 : memref<1x80xi32, #tpu.memory_space<vmem>> -> memref<80xi32, #tpu.memory_space<vmem>>
    %dma_start3A_14 = arith.constant 0 : i32
    %dma_start3A_15 = arith.constant 0 : i32
    %dma_start3A_16 = tpu.memref_slice %arg2[%dma_start3A_14, %dma_start3A_15] : memref<10240x32xf32, #tpu.memory_space<hbm>> -> memref<10240x32xf32, #tpu.memory_space<hbm>>
    tpu.enqueue_indirect_dma source(%dma_start3A_16 : memref<10240x32xf32, #tpu.memory_space<hbm>>) target(%dma_start3A_10 : memref<80x32xf32, #tpu.memory_space<vmem>>) offsets(%dma_start3A_13 : memref<80xi32, #tpu.memory_space<vmem>>) semaphore(%arg10 : memref<!tpu.dma_semaphore, #tpu.memory_space<semaphore_mem>>)
    %dma_start3A_17 = arith.constant 1 : i32
    %dma_start3A_18 = arith.constant 1 : i32
    %dma_start3A_19 = arith.constant 0 : i32
    %dma_start3A_20 = arith.constant 0 : i32
    %dma_start3A_21 = tpu.memref_slice %arg8[%dma_start3A_18, %dma_start3A_19, %dma_start3A_20] : memref<5x80x32xf32, #tpu.memory_space<vmem>> -> memref<1x80x32xf32, #tpu.memory_space<vmem>>
    %dma_start3A_22 = tpu.memref_squeeze %dma_start3A_21 : memref<1x80x32xf32, #tpu.memory_space<vmem>> -> memref<80x32xf32, #tpu.memory_space<vmem>>
    %dma_start3A_23 = arith.constant 0 : i32
    %dma_start3A_24 = tpu.memref_slice %arg6[%dma_start3A_17, %dma_start3A_23] : memref<125x80xi32, #tpu.memory_space<vmem>> -> memref<1x80xi32, #tpu.memory_space<vmem>>
    %dma_start3A_25 = tpu.memref_squeeze %dma_start3A_24 : memref<1x80xi32, #tpu.memory_space<vmem>> -> memref<80xi32, #tpu.memory_space<vmem>>
    %dma_start3A_26 = arith.constant 0 : i32
    %dma_start3A_27 = arith.constant 0 : i32
    %dma_start3A_28 = tpu.memref_slice %arg2[%dma_start3A_26, %dma_start3A_27] : memref<10240x32xf32, #tpu.memory_space<hbm>> -> memref<10240x32xf32, #tpu.memory_space<hbm>>
    tpu.enqueue_indirect_dma source(%dma_start3A_28 : memref<10240x32xf32, #tpu.memory_space<hbm>>) target(%dma_start3A_22 : memref<80x32xf32, #tpu.memory_space<vmem>>) offsets(%dma_start3A_25 : memref<80xi32, #tpu.memory_space<vmem>>) semaphore(%arg11 : memref<!tpu.dma_semaphore, #tpu.memory_space<semaphore_mem>>)
    %dma_start3A_29 = arith.constant 2 : i32
    %dma_start3A_30 = arith.constant 2 : i32
    %dma_start3A_31 = arith.constant 0 : i32
    %dma_start3A_32 = arith.constant 0 : i32
    %dma_start3A_33 = tpu.memref_slice %arg8[%dma_start3A_30, %dma_start3A_31, %dma_start3A_32] : memref<5x80x32xf32, #tpu.memory_space<vmem>> -> memref<1x80x32xf32, #tpu.memory_space<vmem>>
    %dma_start3A_34 = tpu.memref_squeeze %dma_start3A_33 : memref<1x80x32xf32, #tpu.memory_space<vmem>> -> memref<80x32xf32, #tpu.memory_space<vmem>>
    %dma_start3A_35 = arith.constant 0 : i32
    %dma_start3A_36 = tpu.memref_slice %arg6[%dma_start3A_29, %dma_start3A_35] : memref<125x80xi32, #tpu.memory_space<vmem>> -> memref<1x80xi32, #tpu.memory_space<vmem>>
    %dma_start3A_37 = tpu.memref_squeeze %dma_start3A_36 : memref<1x80xi32, #tpu.memory_space<vmem>> -> memref<80xi32, #tpu.memory_space<vmem>>
    %dma_start3A_38 = arith.constant 0 : i32
    %dma_start3A_39 = arith.constant 0 : i32
    %dma_start3A_40 = tpu.memref_slice %arg2[%dma_start3A_38, %dma_start3A_39] : memref<10240x32xf32, #tpu.memory_space<hbm>> -> memref<10240x32xf32, #tpu.memory_space<hbm>>
    tpu.enqueue_indirect_dma source(%dma_start3A_40 : memref<10240x32xf32, #tpu.memory_space<hbm>>) target(%dma_start3A_34 : memref<80x32xf32, #tpu.memory_space<vmem>>) offsets(%dma_start3A_37 : memref<80xi32, #tpu.memory_space<vmem>>) semaphore(%arg12 : memref<!tpu.dma_semaphore, #tpu.memory_space<semaphore_mem>>)
    %dma_start3A_41 = arith.constant 3 : i32
    %dma_start3A_42 = arith.constant 3 : i32
    %dma_start3A_43 = arith.constant 0 : i32
    %dma_start3A_44 = arith.constant 0 : i32
    %dma_start3A_45 = tpu.memref_slice %arg8[%dma_start3A_42, %dma_start3A_43, %dma_start3A_44] : memref<5x80x32xf32, #tpu.memory_space<vmem>> -> memref<1x80x32xf32, #tpu.memory_space<vmem>>
    %dma_start3A_46 = tpu.memref_squeeze %dma_start3A_45 : memref<1x80x32xf32, #tpu.memory_space<vmem>> -> memref<80x32xf32, #tpu.memory_space<vmem>>
    %dma_start3A_47 = arith.constant 0 : i32
    %dma_start3A_48 = tpu.memref_slice %arg6[%dma_start3A_41, %dma_start3A_47] : memref<125x80xi32, #tpu.memory_space<vmem>> -> memref<1x80xi32, #tpu.memory_space<vmem>>
    %dma_start3A_49 = tpu.memref_squeeze %dma_start3A_48 : memref<1x80xi32, #tpu.memory_space<vmem>> -> memref<80xi32, #tpu.memory_space<vmem>>
    %dma_start3A_50 = arith.constant 0 : i32
    %dma_start3A_51 = arith.constant 0 : i32
    %dma_start3A_52 = tpu.memref_slice %arg2[%dma_start3A_50, %dma_start3A_51] : memref<10240x32xf32, #tpu.memory_space<hbm>> -> memref<10240x32xf32, #tpu.memory_space<hbm>>
    tpu.enqueue_indirect_dma source(%dma_start3A_52 : memref<10240x32xf32, #tpu.memory_space<hbm>>) target(%dma_start3A_46 : memref<80x32xf32, #tpu.memory_space<vmem>>) offsets(%dma_start3A_49 : memref<80xi32, #tpu.memory_space<vmem>>) semaphore(%arg13 : memref<!tpu.dma_semaphore, #tpu.memory_space<semaphore_mem>>)
    %dma_start3A_53 = arith.constant 4 : i32
    %dma_start3A_54 = arith.constant 4 : i32
    %dma_start3A_55 = arith.constant 0 : i32
    %dma_start3A_56 = arith.constant 0 : i32
    %dma_start3A_57 = tpu.memref_slice %arg8[%dma_start3A_54, %dma_start3A_55, %dma_start3A_56] : memref<5x80x32xf32, #tpu.memory_space<vmem>> -> memref<1x80x32xf32, #tpu.memory_space<vmem>>
    %dma_start3A_58 = tpu.memref_squeeze %dma_start3A_57 : memref<1x80x32xf32, #tpu.memory_space<vmem>> -> memref<80x32xf32, #tpu.memory_space<vmem>>
    %dma_start3A_59 = arith.constant 0 : i32
    %dma_start3A_60 = tpu.memref_slice %arg6[%dma_start3A_53, %dma_start3A_59] : memref<125x80xi32, #tpu.memory_space<vmem>> -> memref<1x80xi32, #tpu.memory_space<vmem>>
    %dma_start3A_61 = tpu.memref_squeeze %dma_start3A_60 : memref<1x80xi32, #tpu.memory_space<vmem>> -> memref<80xi32, #tpu.memory_space<vmem>>
    %dma_start3A_62 = arith.constant 0 : i32
    %dma_start3A_63 = arith.constant 0 : i32
    %dma_start3A_64 = tpu.memref_slice %arg2[%dma_start3A_62, %dma_start3A_63] : memref<10240x32xf32, #tpu.memory_space<hbm>> -> memref<10240x32xf32, #tpu.memory_space<hbm>>
    tpu.enqueue_indirect_dma source(%dma_start3A_64 : memref<10240x32xf32, #tpu.memory_space<hbm>>) target(%dma_start3A_58 : memref<80x32xf32, #tpu.memory_space<vmem>>) offsets(%dma_start3A_61 : memref<80xi32, #tpu.memory_space<vmem>>) semaphore(%arg14 : memref<!tpu.dma_semaphore, #tpu.memory_space<semaphore_mem>>)
    %scan3A = arith.constant 0 : i32
    %scan3A_65 = arith.constant 0 : i32
    %scan3A_66 = arith.constant 24 : i32
    %scan3A_67 = arith.addi %scan3A_65, %scan3A_66 : i32
    %scan3A_68 = arith.constant 1 : i32
    scf.for %scan3A_144 = %scan3A_65 to %scan3A_67 step %scan3A_68  : i32 {
      %mul3A_145 = arith.constant 5 : i32
      %mul3A_146 = arith.muli %scan3A_144, %mul3A_145 : i32
      %add3A_147 = arith.constant 0 : i32
      %add3A_148 = arith.addi %mul3A_146, %add3A_147 : i32
      %dma_wait3A_149 = arith.constant 0 : i32
      %dma_wait3A_150 = arith.constant 0 : i32
      %dma_wait3A_151 = arith.constant 0 : i32
      %dma_wait3A_152 = tpu.memref_slice %arg8[%dma_wait3A_149, %dma_wait3A_150, %dma_wait3A_151] : memref<5x80x32xf32, #tpu.memory_space<vmem>> -> memref<1x80x32xf32, #tpu.memory_space<vmem>>
      %dma_wait3A_153 = tpu.memref_squeeze %dma_wait3A_152 : memref<1x80x32xf32, #tpu.memory_space<vmem>> -> memref<80x32xf32, #tpu.memory_space<vmem>>
      %dma_wait3A_154 = arith.constant 0 : i32
      %dma_wait3A_155 = tpu.memref_slice %arg6[%add3A_148, %dma_wait3A_154] : memref<125x80xi32, #tpu.memory_space<vmem>> -> memref<1x80xi32, #tpu.memory_space<vmem>>
      %dma_wait3A_156 = tpu.memref_squeeze %dma_wait3A_155 : memref<1x80xi32, #tpu.memory_space<vmem>> -> memref<80xi32, #tpu.memory_space<vmem>>
      %dma_wait3A_157 = arith.constant 0 : i32
      %dma_wait3A_158 = arith.constant 0 : i32
      %dma_wait3A_159 = tpu.memref_slice %arg2[%dma_wait3A_157, %dma_wait3A_158] : memref<10240x32xf32, #tpu.memory_space<hbm>> -> memref<10240x32xf32, #tpu.memory_space<hbm>>
      tpu.wait_indirect_dma semaphore(%arg10 : memref<!tpu.dma_semaphore, #tpu.memory_space<semaphore_mem>>) src(%dma_wait3A_159 : memref<10240x32xf32, #tpu.memory_space<hbm>>) dst(%dma_wait3A_153 : memref<80x32xf32, #tpu.memory_space<vmem>>)
      %run_scoped3A_160 = arith.constant 0 : i32
      "tpu.region"() ({
        %run_scoped3A_290 = tpu.sem_alloc : memref<!tpu.dma_semaphore, #tpu.memory_space<semaphore_mem>>
        %dma_start3A_291 = arith.constant 0 : i32
        %dma_start3A_292 = arith.constant 0 : i32
        %dma_start3A_293 = tpu.memref_slice %arg8[%run_scoped3A_160, %dma_start3A_291, %dma_start3A_292] : memref<5x80x32xf32, #tpu.memory_space<vmem>> -> memref<1x80x32xf32, #tpu.memory_space<vmem>>
        %dma_start3A_294 = tpu.memref_squeeze %dma_start3A_293 : memref<1x80x32xf32, #tpu.memory_space<vmem>> -> memref<80x32xf32, #tpu.memory_space<vmem>>
        %dma_start3A_295 = arith.constant 0 : i32
        %dma_start3A_296 = tpu.memref_slice %arg7[%add3A_148, %dma_start3A_295] : memref<125x80xi32, #tpu.memory_space<vmem>> -> memref<1x80xi32, #tpu.memory_space<vmem>>
        %dma_start3A_297 = tpu.memref_squeeze %dma_start3A_296 : memref<1x80xi32, #tpu.memory_space<vmem>> -> memref<80xi32, #tpu.memory_space<vmem>>
        %dma_start3A_298 = arith.constant 0 : i32
        %dma_start3A_299 = arith.constant 0 : i32
        %dma_start3A_300 = tpu.memref_slice %arg9[%dma_start3A_298, %dma_start3A_299] : memref<10240x32xf32, #tpu.memory_space<vmem_shared>> -> memref<10240x32xf32, #tpu.memory_space<vmem_shared>>
        tpu.enqueue_indirect_dma source(%dma_start3A_294 : memref<80x32xf32, #tpu.memory_space<vmem>>) target(%dma_start3A_300 : memref<10240x32xf32, #tpu.memory_space<vmem_shared>>) offsets(%dma_start3A_297 : memref<80xi32, #tpu.memory_space<vmem>>) semaphore(%run_scoped3A_290 : memref<!tpu.dma_semaphore, #tpu.memory_space<semaphore_mem>>) {add = true}
        %dma_wait3A_301 = arith.constant 0 : i32
        %dma_wait3A_302 = arith.constant 0 : i32
        %dma_wait3A_303 = tpu.memref_slice %arg8[%run_scoped3A_160, %dma_wait3A_301, %dma_wait3A_302] : memref<5x80x32xf32, #tpu.memory_space<vmem>> -> memref<1x80x32xf32, #tpu.memory_space<vmem>>
        %dma_wait3A_304 = tpu.memref_squeeze %dma_wait3A_303 : memref<1x80x32xf32, #tpu.memory_space<vmem>> -> memref<80x32xf32, #tpu.memory_space<vmem>>
        %dma_wait3A_305 = arith.constant 0 : i32
        %dma_wait3A_306 = tpu.memref_slice %arg7[%add3A_148, %dma_wait3A_305] : memref<125x80xi32, #tpu.memory_space<vmem>> -> memref<1x80xi32, #tpu.memory_space<vmem>>
        %dma_wait3A_307 = tpu.memref_squeeze %dma_wait3A_306 : memref<1x80xi32, #tpu.memory_space<vmem>> -> memref<80xi32, #tpu.memory_space<vmem>>
        %dma_wait3A_308 = arith.constant 0 : i32
        %dma_wait3A_309 = arith.constant 0 : i32
        %dma_wait3A_310 = tpu.memref_slice %arg9[%dma_wait3A_308, %dma_wait3A_309] : memref<10240x32xf32, #tpu.memory_space<vmem_shared>> -> memref<10240x32xf32, #tpu.memory_space<vmem_shared>>
        tpu.wait_indirect_dma semaphore(%run_scoped3A_290 : memref<!tpu.dma_semaphore, #tpu.memory_space<semaphore_mem>>) src(%dma_wait3A_304 : memref<80x32xf32, #tpu.memory_space<vmem>>) dst(%dma_wait3A_310 : memref<10240x32xf32, #tpu.memory_space<vmem_shared>>)
        tpu.yield
      }) : () -> ()
      %add3A_161 = arith.constant 5 : i32
      %add3A_162 = arith.addi %add3A_148, %add3A_161 : i32
      %dma_start3A_163 = arith.constant 0 : i32
      %dma_start3A_164 = arith.constant 0 : i32
      %dma_start3A_165 = arith.constant 0 : i32
      %dma_start3A_166 = tpu.memref_slice %arg8[%dma_start3A_163, %dma_start3A_164, %dma_start3A_165] : memref<5x80x32xf32, #tpu.memory_space<vmem>> -> memref<1x80x32xf32, #tpu.memory_space<vmem>>
      %dma_start3A_167 = tpu.memref_squeeze %dma_start3A_166 : memref<1x80x32xf32, #tpu.memory_space<vmem>> -> memref<80x32xf32, #tpu.memory_space<vmem>>
      %dma_start3A_168 = arith.constant 0 : i32
      %dma_start3A_169 = tpu.memref_slice %arg6[%add3A_162, %dma_start3A_168] : memref<125x80xi32, #tpu.memory_space<vmem>> -> memref<1x80xi32, #tpu.memory_space<vmem>>
      %dma_start3A_170 = tpu.memref_squeeze %dma_start3A_169 : memref<1x80xi32, #tpu.memory_space<vmem>> -> memref<80xi32, #tpu.memory_space<vmem>>
      %dma_start3A_171 = arith.constant 0 : i32
      %dma_start3A_172 = arith.constant 0 : i32
      %dma_start3A_173 = tpu.memref_slice %arg2[%dma_start3A_171, %dma_start3A_172] : memref<10240x32xf32, #tpu.memory_space<hbm>> -> memref<10240x32xf32, #tpu.memory_space<hbm>>
      tpu.enqueue_indirect_dma source(%dma_start3A_173 : memref<10240x32xf32, #tpu.memory_space<hbm>>) target(%dma_start3A_167 : memref<80x32xf32, #tpu.memory_space<vmem>>) offsets(%dma_start3A_170 : memref<80xi32, #tpu.memory_space<vmem>>) semaphore(%arg10 : memref<!tpu.dma_semaphore, #tpu.memory_space<semaphore_mem>>)
      %mul3A_174 = arith.constant 5 : i32
      %mul3A_175 = arith.muli %scan3A_144, %mul3A_174 : i32
      %add3A_176 = arith.constant 1 : i32
      %add3A_177 = arith.addi %mul3A_175, %add3A_176 : i32
      %dma_wait3A_178 = arith.constant 1 : i32
      %dma_wait3A_179 = arith.constant 0 : i32
      %dma_wait3A_180 = arith.constant 0 : i32
      %dma_wait3A_181 = tpu.memref_slice %arg8[%dma_wait3A_178, %dma_wait3A_179, %dma_wait3A_180] : memref<5x80x32xf32, #tpu.memory_space<vmem>> -> memref<1x80x32xf32, #tpu.memory_space<vmem>>
      %dma_wait3A_182 = tpu.memref_squeeze %dma_wait3A_181 : memref<1x80x32xf32, #tpu.memory_space<vmem>> -> memref<80x32xf32, #tpu.memory_space<vmem>>
      %dma_wait3A_183 = arith.constant 0 : i32
      %dma_wait3A_184 = tpu.memref_slice %arg6[%add3A_177, %dma_wait3A_183] : memref<125x80xi32, #tpu.memory_space<vmem>> -> memref<1x80xi32, #tpu.memory_space<vmem>>
      %dma_wait3A_185 = tpu.memref_squeeze %dma_wait3A_184 : memref<1x80xi32, #tpu.memory_space<vmem>> -> memref<80xi32, #tpu.memory_space<vmem>>
      %dma_wait3A_186 = arith.constant 0 : i32
      %dma_wait3A_187 = arith.constant 0 : i32
      %dma_wait3A_188 = tpu.memref_slice %arg2[%dma_wait3A_186, %dma_wait3A_187] : memref<10240x32xf32, #tpu.memory_space<hbm>> -> memref<10240x32xf32, #tpu.memory_space<hbm>>
      tpu.wait_indirect_dma semaphore(%arg11 : memref<!tpu.dma_semaphore, #tpu.memory_space<semaphore_mem>>) src(%dma_wait3A_188 : memref<10240x32xf32, #tpu.memory_space<hbm>>) dst(%dma_wait3A_182 : memref<80x32xf32, #tpu.memory_space<vmem>>)
      %run_scoped3A_189 = arith.constant 1 : i32
      "tpu.region"() ({
        %run_scoped3A_290 = tpu.sem_alloc : memref<!tpu.dma_semaphore, #tpu.memory_space<semaphore_mem>>
        %dma_start3A_291 = arith.constant 0 : i32
        %dma_start3A_292 = arith.constant 0 : i32
        %dma_start3A_293 = tpu.memref_slice %arg8[%run_scoped3A_189, %dma_start3A_291, %dma_start3A_292] : memref<5x80x32xf32, #tpu.memory_space<vmem>> -> memref<1x80x32xf32, #tpu.memory_space<vmem>>
        %dma_start3A_294 = tpu.memref_squeeze %dma_start3A_293 : memref<1x80x32xf32, #tpu.memory_space<vmem>> -> memref<80x32xf32, #tpu.memory_space<vmem>>
        %dma_start3A_295 = arith.constant 0 : i32
        %dma_start3A_296 = tpu.memref_slice %arg7[%add3A_177, %dma_start3A_295] : memref<125x80xi32, #tpu.memory_space<vmem>> -> memref<1x80xi32, #tpu.memory_space<vmem>>
        %dma_start3A_297 = tpu.memref_squeeze %dma_start3A_296 : memref<1x80xi32, #tpu.memory_space<vmem>> -> memref<80xi32, #tpu.memory_space<vmem>>
        %dma_start3A_298 = arith.constant 0 : i32
        %dma_start3A_299 = arith.constant 0 : i32
        %dma_start3A_300 = tpu.memref_slice %arg9[%dma_start3A_298, %dma_start3A_299] : memref<10240x32xf32, #tpu.memory_space<vmem_shared>> -> memref<10240x32xf32, #tpu.memory_space<vmem_shared>>
        tpu.enqueue_indirect_dma source(%dma_start3A_294 : memref<80x32xf32, #tpu.memory_space<vmem>>) target(%dma_start3A_300 : memref<10240x32xf32, #tpu.memory_space<vmem_shared>>) offsets(%dma_start3A_297 : memref<80xi32, #tpu.memory_space<vmem>>) semaphore(%run_scoped3A_290 : memref<!tpu.dma_semaphore, #tpu.memory_space<semaphore_mem>>) {add = true}
        %dma_wait3A_301 = arith.constant 0 : i32
        %dma_wait3A_302 = arith.constant 0 : i32
        %dma_wait3A_303 = tpu.memref_slice %arg8[%run_scoped3A_189, %dma_wait3A_301, %dma_wait3A_302] : memref<5x80x32xf32, #tpu.memory_space<vmem>> -> memref<1x80x32xf32, #tpu.memory_space<vmem>>
        %dma_wait3A_304 = tpu.memref_squeeze %dma_wait3A_303 : memref<1x80x32xf32, #tpu.memory_space<vmem>> -> memref<80x32xf32, #tpu.memory_space<vmem>>
        %dma_wait3A_305 = arith.constant 0 : i32
        %dma_wait3A_306 = tpu.memref_slice %arg7[%add3A_177, %dma_wait3A_305] : memref<125x80xi32, #tpu.memory_space<vmem>> -> memref<1x80xi32, #tpu.memory_space<vmem>>
        %dma_wait3A_307 = tpu.memref_squeeze %dma_wait3A_306 : memref<1x80xi32, #tpu.memory_space<vmem>> -> memref<80xi32, #tpu.memory_space<vmem>>
        %dma_wait3A_308 = arith.constant 0 : i32
        %dma_wait3A_309 = arith.constant 0 : i32
        %dma_wait3A_310 = tpu.memref_slice %arg9[%dma_wait3A_308, %dma_wait3A_309] : memref<10240x32xf32, #tpu.memory_space<vmem_shared>> -> memref<10240x32xf32, #tpu.memory_space<vmem_shared>>
        tpu.wait_indirect_dma semaphore(%run_scoped3A_290 : memref<!tpu.dma_semaphore, #tpu.memory_space<semaphore_mem>>) src(%dma_wait3A_304 : memref<80x32xf32, #tpu.memory_space<vmem>>) dst(%dma_wait3A_310 : memref<10240x32xf32, #tpu.memory_space<vmem_shared>>)
        tpu.yield
      }) : () -> ()
      %add3A_190 = arith.constant 5 : i32
      %add3A_191 = arith.addi %add3A_177, %add3A_190 : i32
      %dma_start3A_192 = arith.constant 1 : i32
      %dma_start3A_193 = arith.constant 0 : i32
      %dma_start3A_194 = arith.constant 0 : i32
      %dma_start3A_195 = tpu.memref_slice %arg8[%dma_start3A_192, %dma_start3A_193, %dma_start3A_194] : memref<5x80x32xf32, #tpu.memory_space<vmem>> -> memref<1x80x32xf32, #tpu.memory_space<vmem>>
      %dma_start3A_196 = tpu.memref_squeeze %dma_start3A_195 : memref<1x80x32xf32, #tpu.memory_space<vmem>> -> memref<80x32xf32, #tpu.memory_space<vmem>>
      %dma_start3A_197 = arith.constant 0 : i32
      %dma_start3A_198 = tpu.memref_slice %arg6[%add3A_191, %dma_start3A_197] : memref<125x80xi32, #tpu.memory_space<vmem>> -> memref<1x80xi32, #tpu.memory_space<vmem>>
      %dma_start3A_199 = tpu.memref_squeeze %dma_start3A_198 : memref<1x80xi32, #tpu.memory_space<vmem>> -> memref<80xi32, #tpu.memory_space<vmem>>
      %dma_start3A_200 = arith.constant 0 : i32
      %dma_start3A_201 = arith.constant 0 : i32
      %dma_start3A_202 = tpu.memref_slice %arg2[%dma_start3A_200, %dma_start3A_201] : memref<10240x32xf32, #tpu.memory_space<hbm>> -> memref<10240x32xf32, #tpu.memory_space<hbm>>
      tpu.enqueue_indirect_dma source(%dma_start3A_202 : memref<10240x32xf32, #tpu.memory_space<hbm>>) target(%dma_start3A_196 : memref<80x32xf32, #tpu.memory_space<vmem>>) offsets(%dma_start3A_199 : memref<80xi32, #tpu.memory_space<vmem>>) semaphore(%arg11 : memref<!tpu.dma_semaphore, #tpu.memory_space<semaphore_mem>>)
      %mul3A_203 = arith.constant 5 : i32
      %mul3A_204 = arith.muli %scan3A_144, %mul3A_203 : i32
      %add3A_205 = arith.constant 2 : i32
      %add3A_206 = arith.addi %mul3A_204, %add3A_205 : i32
      %dma_wait3A_207 = arith.constant 2 : i32
      %dma_wait3A_208 = arith.constant 0 : i32
      %dma_wait3A_209 = arith.constant 0 : i32
      %dma_wait3A_210 = tpu.memref_slice %arg8[%dma_wait3A_207, %dma_wait3A_208, %dma_wait3A_209] : memref<5x80x32xf32, #tpu.memory_space<vmem>> -> memref<1x80x32xf32, #tpu.memory_space<vmem>>
      %dma_wait3A_211 = tpu.memref_squeeze %dma_wait3A_210 : memref<1x80x32xf32, #tpu.memory_space<vmem>> -> memref<80x32xf32, #tpu.memory_space<vmem>>
      %dma_wait3A_212 = arith.constant 0 : i32
      %dma_wait3A_213 = tpu.memref_slice %arg6[%add3A_206, %dma_wait3A_212] : memref<125x80xi32, #tpu.memory_space<vmem>> -> memref<1x80xi32, #tpu.memory_space<vmem>>
      %dma_wait3A_214 = tpu.memref_squeeze %dma_wait3A_213 : memref<1x80xi32, #tpu.memory_space<vmem>> -> memref<80xi32, #tpu.memory_space<vmem>>
      %dma_wait3A_215 = arith.constant 0 : i32
      %dma_wait3A_216 = arith.constant 0 : i32
      %dma_wait3A_217 = tpu.memref_slice %arg2[%dma_wait3A_215, %dma_wait3A_216] : memref<10240x32xf32, #tpu.memory_space<hbm>> -> memref<10240x32xf32, #tpu.memory_space<hbm>>
      tpu.wait_indirect_dma semaphore(%arg12 : memref<!tpu.dma_semaphore, #tpu.memory_space<semaphore_mem>>) src(%dma_wait3A_217 : memref<10240x32xf32, #tpu.memory_space<hbm>>) dst(%dma_wait3A_211 : memref<80x32xf32, #tpu.memory_space<vmem>>)
      %run_scoped3A_218 = arith.constant 2 : i32
      "tpu.region"() ({
        %run_scoped3A_290 = tpu.sem_alloc : memref<!tpu.dma_semaphore, #tpu.memory_space<semaphore_mem>>
        %dma_start3A_291 = arith.constant 0 : i32
        %dma_start3A_292 = arith.constant 0 : i32
        %dma_start3A_293 = tpu.memref_slice %arg8[%run_scoped3A_218, %dma_start3A_291, %dma_start3A_292] : memref<5x80x32xf32, #tpu.memory_space<vmem>> -> memref<1x80x32xf32, #tpu.memory_space<vmem>>
        %dma_start3A_294 = tpu.memref_squeeze %dma_start3A_293 : memref<1x80x32xf32, #tpu.memory_space<vmem>> -> memref<80x32xf32, #tpu.memory_space<vmem>>
        %dma_start3A_295 = arith.constant 0 : i32
        %dma_start3A_296 = tpu.memref_slice %arg7[%add3A_206, %dma_start3A_295] : memref<125x80xi32, #tpu.memory_space<vmem>> -> memref<1x80xi32, #tpu.memory_space<vmem>>
        %dma_start3A_297 = tpu.memref_squeeze %dma_start3A_296 : memref<1x80xi32, #tpu.memory_space<vmem>> -> memref<80xi32, #tpu.memory_space<vmem>>
        %dma_start3A_298 = arith.constant 0 : i32
        %dma_start3A_299 = arith.constant 0 : i32
        %dma_start3A_300 = tpu.memref_slice %arg9[%dma_start3A_298, %dma_start3A_299] : memref<10240x32xf32, #tpu.memory_space<vmem_shared>> -> memref<10240x32xf32, #tpu.memory_space<vmem_shared>>
        tpu.enqueue_indirect_dma source(%dma_start3A_294 : memref<80x32xf32, #tpu.memory_space<vmem>>) target(%dma_start3A_300 : memref<10240x32xf32, #tpu.memory_space<vmem_shared>>) offsets(%dma_start3A_297 : memref<80xi32, #tpu.memory_space<vmem>>) semaphore(%run_scoped3A_290 : memref<!tpu.dma_semaphore, #tpu.memory_space<semaphore_mem>>) {add = true}
        %dma_wait3A_301 = arith.constant 0 : i32
        %dma_wait3A_302 = arith.constant 0 : i32
        %dma_wait3A_303 = tpu.memref_slice %arg8[%run_scoped3A_218, %dma_wait3A_301, %dma_wait3A_302] : memref<5x80x32xf32, #tpu.memory_space<vmem>> -> memref<1x80x32xf32, #tpu.memory_space<vmem>>
        %dma_wait3A_304 = tpu.memref_squeeze %dma_wait3A_303 : memref<1x80x32xf32, #tpu.memory_space<vmem>> -> memref<80x32xf32, #tpu.memory_space<vmem>>
        %dma_wait3A_305 = arith.constant 0 : i32
        %dma_wait3A_306 = tpu.memref_slice %arg7[%add3A_206, %dma_wait3A_305] : memref<125x80xi32, #tpu.memory_space<vmem>> -> memref<1x80xi32, #tpu.memory_space<vmem>>
        %dma_wait3A_307 = tpu.memref_squeeze %dma_wait3A_306 : memref<1x80xi32, #tpu.memory_space<vmem>> -> memref<80xi32, #tpu.memory_space<vmem>>
        %dma_wait3A_308 = arith.constant 0 : i32
        %dma_wait3A_309 = arith.constant 0 : i32
        %dma_wait3A_310 = tpu.memref_slice %arg9[%dma_wait3A_308, %dma_wait3A_309] : memref<10240x32xf32, #tpu.memory_space<vmem_shared>> -> memref<10240x32xf32, #tpu.memory_space<vmem_shared>>
        tpu.wait_indirect_dma semaphore(%run_scoped3A_290 : memref<!tpu.dma_semaphore, #tpu.memory_space<semaphore_mem>>) src(%dma_wait3A_304 : memref<80x32xf32, #tpu.memory_space<vmem>>) dst(%dma_wait3A_310 : memref<10240x32xf32, #tpu.memory_space<vmem_shared>>)
        tpu.yield
      }) : () -> ()
      %add3A_219 = arith.constant 5 : i32
      %add3A_220 = arith.addi %add3A_206, %add3A_219 : i32
      %dma_start3A_221 = arith.constant 2 : i32
      %dma_start3A_222 = arith.constant 0 : i32
      %dma_start3A_223 = arith.constant 0 : i32
      %dma_start3A_224 = tpu.memref_slice %arg8[%dma_start3A_221, %dma_start3A_222, %dma_start3A_223] : memref<5x80x32xf32, #tpu.memory_space<vmem>> -> memref<1x80x32xf32, #tpu.memory_space<vmem>>
      %dma_start3A_225 = tpu.memref_squeeze %dma_start3A_224 : memref<1x80x32xf32, #tpu.memory_space<vmem>> -> memref<80x32xf32, #tpu.memory_space<vmem>>
      %dma_start3A_226 = arith.constant 0 : i32
      %dma_start3A_227 = tpu.memref_slice %arg6[%add3A_220, %dma_start3A_226] : memref<125x80xi32, #tpu.memory_space<vmem>> -> memref<1x80xi32, #tpu.memory_space<vmem>>
      %dma_start3A_228 = tpu.memref_squeeze %dma_start3A_227 : memref<1x80xi32, #tpu.memory_space<vmem>> -> memref<80xi32, #tpu.memory_space<vmem>>
      %dma_start3A_229 = arith.constant 0 : i32
      %dma_start3A_230 = arith.constant 0 : i32
      %dma_start3A_231 = tpu.memref_slice %arg2[%dma_start3A_229, %dma_start3A_230] : memref<10240x32xf32, #tpu.memory_space<hbm>> -> memref<10240x32xf32, #tpu.memory_space<hbm>>
      tpu.enqueue_indirect_dma source(%dma_start3A_231 : memref<10240x32xf32, #tpu.memory_space<hbm>>) target(%dma_start3A_225 : memref<80x32xf32, #tpu.memory_space<vmem>>) offsets(%dma_start3A_228 : memref<80xi32, #tpu.memory_space<vmem>>) semaphore(%arg12 : memref<!tpu.dma_semaphore, #tpu.memory_space<semaphore_mem>>)
      %mul3A_232 = arith.constant 5 : i32
      %mul3A_233 = arith.muli %scan3A_144, %mul3A_232 : i32
      %add3A_234 = arith.constant 3 : i32
      %add3A_235 = arith.addi %mul3A_233, %add3A_234 : i32
      %dma_wait3A_236 = arith.constant 3 : i32
      %dma_wait3A_237 = arith.constant 0 : i32
      %dma_wait3A_238 = arith.constant 0 : i32
      %dma_wait3A_239 = tpu.memref_slice %arg8[%dma_wait3A_236, %dma_wait3A_237, %dma_wait3A_238] : memref<5x80x32xf32, #tpu.memory_space<vmem>> -> memref<1x80x32xf32, #tpu.memory_space<vmem>>
      %dma_wait3A_240 = tpu.memref_squeeze %dma_wait3A_239 : memref<1x80x32xf32, #tpu.memory_space<vmem>> -> memref<80x32xf32, #tpu.memory_space<vmem>>
      %dma_wait3A_241 = arith.constant 0 : i32
      %dma_wait3A_242 = tpu.memref_slice %arg6[%add3A_235, %dma_wait3A_241] : memref<125x80xi32, #tpu.memory_space<vmem>> -> memref<1x80xi32, #tpu.memory_space<vmem>>
      %dma_wait3A_243 = tpu.memref_squeeze %dma_wait3A_242 : memref<1x80xi32, #tpu.memory_space<vmem>> -> memref<80xi32, #tpu.memory_space<vmem>>
      %dma_wait3A_244 = arith.constant 0 : i32
      %dma_wait3A_245 = arith.constant 0 : i32
      %dma_wait3A_246 = tpu.memref_slice %arg2[%dma_wait3A_244, %dma_wait3A_245] : memref<10240x32xf32, #tpu.memory_space<hbm>> -> memref<10240x32xf32, #tpu.memory_space<hbm>>
      tpu.wait_indirect_dma semaphore(%arg13 : memref<!tpu.dma_semaphore, #tpu.memory_space<semaphore_mem>>) src(%dma_wait3A_246 : memref<10240x32xf32, #tpu.memory_space<hbm>>) dst(%dma_wait3A_240 : memref<80x32xf32, #tpu.memory_space<vmem>>)
      %run_scoped3A_247 = arith.constant 3 : i32
      "tpu.region"() ({
        %run_scoped3A_290 = tpu.sem_alloc : memref<!tpu.dma_semaphore, #tpu.memory_space<semaphore_mem>>
        %dma_start3A_291 = arith.constant 0 : i32
        %dma_start3A_292 = arith.constant 0 : i32
        %dma_start3A_293 = tpu.memref_slice %arg8[%run_scoped3A_247, %dma_start3A_291, %dma_start3A_292] : memref<5x80x32xf32, #tpu.memory_space<vmem>> -> memref<1x80x32xf32, #tpu.memory_space<vmem>>
        %dma_start3A_294 = tpu.memref_squeeze %dma_start3A_293 : memref<1x80x32xf32, #tpu.memory_space<vmem>> -> memref<80x32xf32, #tpu.memory_space<vmem>>
        %dma_start3A_295 = arith.constant 0 : i32
        %dma_start3A_296 = tpu.memref_slice %arg7[%add3A_235, %dma_start3A_295] : memref<125x80xi32, #tpu.memory_space<vmem>> -> memref<1x80xi32, #tpu.memory_space<vmem>>
        %dma_start3A_297 = tpu.memref_squeeze %dma_start3A_296 : memref<1x80xi32, #tpu.memory_space<vmem>> -> memref<80xi32, #tpu.memory_space<vmem>>
        %dma_start3A_298 = arith.constant 0 : i32
        %dma_start3A_299 = arith.constant 0 : i32
        %dma_start3A_300 = tpu.memref_slice %arg9[%dma_start3A_298, %dma_start3A_299] : memref<10240x32xf32, #tpu.memory_space<vmem_shared>> -> memref<10240x32xf32, #tpu.memory_space<vmem_shared>>
        tpu.enqueue_indirect_dma source(%dma_start3A_294 : memref<80x32xf32, #tpu.memory_space<vmem>>) target(%dma_start3A_300 : memref<10240x32xf32, #tpu.memory_space<vmem_shared>>) offsets(%dma_start3A_297 : memref<80xi32, #tpu.memory_space<vmem>>) semaphore(%run_scoped3A_290 : memref<!tpu.dma_semaphore, #tpu.memory_space<semaphore_mem>>) {add = true}
        %dma_wait3A_301 = arith.constant 0 : i32
        %dma_wait3A_302 = arith.constant 0 : i32
        %dma_wait3A_303 = tpu.memref_slice %arg8[%run_scoped3A_247, %dma_wait3A_301, %dma_wait3A_302] : memref<5x80x32xf32, #tpu.memory_space<vmem>> -> memref<1x80x32xf32, #tpu.memory_space<vmem>>
        %dma_wait3A_304 = tpu.memref_squeeze %dma_wait3A_303 : memref<1x80x32xf32, #tpu.memory_space<vmem>> -> memref<80x32xf32, #tpu.memory_space<vmem>>
        %dma_wait3A_305 = arith.constant 0 : i32
        %dma_wait3A_306 = tpu.memref_slice %arg7[%add3A_235, %dma_wait3A_305] : memref<125x80xi32, #tpu.memory_space<vmem>> -> memref<1x80xi32, #tpu.memory_space<vmem>>
        %dma_wait3A_307 = tpu.memref_squeeze %dma_wait3A_306 : memref<1x80xi32, #tpu.memory_space<vmem>> -> memref<80xi32, #tpu.memory_space<vmem>>
        %dma_wait3A_308 = arith.constant 0 : i32
        %dma_wait3A_309 = arith.constant 0 : i32
        %dma_wait3A_310 = tpu.memref_slice %arg9[%dma_wait3A_308, %dma_wait3A_309] : memref<10240x32xf32, #tpu.memory_space<vmem_shared>> -> memref<10240x32xf32, #tpu.memory_space<vmem_shared>>
        tpu.wait_indirect_dma semaphore(%run_scoped3A_290 : memref<!tpu.dma_semaphore, #tpu.memory_space<semaphore_mem>>) src(%dma_wait3A_304 : memref<80x32xf32, #tpu.memory_space<vmem>>) dst(%dma_wait3A_310 : memref<10240x32xf32, #tpu.memory_space<vmem_shared>>)
        tpu.yield
      }) : () -> ()
      %add3A_248 = arith.constant 5 : i32
      %add3A_249 = arith.addi %add3A_235, %add3A_248 : i32
      %dma_start3A_250 = arith.constant 3 : i32
      %dma_start3A_251 = arith.constant 0 : i32
      %dma_start3A_252 = arith.constant 0 : i32
      %dma_start3A_253 = tpu.memref_slice %arg8[%dma_start3A_250, %dma_start3A_251, %dma_start3A_252] : memref<5x80x32xf32, #tpu.memory_space<vmem>> -> memref<1x80x32xf32, #tpu.memory_space<vmem>>
      %dma_start3A_254 = tpu.memref_squeeze %dma_start3A_253 : memref<1x80x32xf32, #tpu.memory_space<vmem>> -> memref<80x32xf32, #tpu.memory_space<vmem>>
      %dma_start3A_255 = arith.constant 0 : i32
      %dma_start3A_256 = tpu.memref_slice %arg6[%add3A_249, %dma_start3A_255] : memref<125x80xi32, #tpu.memory_space<vmem>> -> memref<1x80xi32, #tpu.memory_space<vmem>>
      %dma_start3A_257 = tpu.memref_squeeze %dma_start3A_256 : memref<1x80xi32, #tpu.memory_space<vmem>> -> memref<80xi32, #tpu.memory_space<vmem>>
      %dma_start3A_258 = arith.constant 0 : i32
      %dma_start3A_259 = arith.constant 0 : i32
      %dma_start3A_260 = tpu.memref_slice %arg2[%dma_start3A_258, %dma_start3A_259] : memref<10240x32xf32, #tpu.memory_space<hbm>> -> memref<10240x32xf32, #tpu.memory_space<hbm>>
      tpu.enqueue_indirect_dma source(%dma_start3A_260 : memref<10240x32xf32, #tpu.memory_space<hbm>>) target(%dma_start3A_254 : memref<80x32xf32, #tpu.memory_space<vmem>>) offsets(%dma_start3A_257 : memref<80xi32, #tpu.memory_space<vmem>>) semaphore(%arg13 : memref<!tpu.dma_semaphore, #tpu.memory_space<semaphore_mem>>)
      %mul3A_261 = arith.constant 5 : i32
      %mul3A_262 = arith.muli %scan3A_144, %mul3A_261 : i32
      %add3A_263 = arith.constant 4 : i32
      %add3A_264 = arith.addi %mul3A_262, %add3A_263 : i32
      %dma_wait3A_265 = arith.constant 4 : i32
      %dma_wait3A_266 = arith.constant 0 : i32
      %dma_wait3A_267 = arith.constant 0 : i32
      %dma_wait3A_268 = tpu.memref_slice %arg8[%dma_wait3A_265, %dma_wait3A_266, %dma_wait3A_267] : memref<5x80x32xf32, #tpu.memory_space<vmem>> -> memref<1x80x32xf32, #tpu.memory_space<vmem>>
      %dma_wait3A_269 = tpu.memref_squeeze %dma_wait3A_268 : memref<1x80x32xf32, #tpu.memory_space<vmem>> -> memref<80x32xf32, #tpu.memory_space<vmem>>
      %dma_wait3A_270 = arith.constant 0 : i32
      %dma_wait3A_271 = tpu.memref_slice %arg6[%add3A_264, %dma_wait3A_270] : memref<125x80xi32, #tpu.memory_space<vmem>> -> memref<1x80xi32, #tpu.memory_space<vmem>>
      %dma_wait3A_272 = tpu.memref_squeeze %dma_wait3A_271 : memref<1x80xi32, #tpu.memory_space<vmem>> -> memref<80xi32, #tpu.memory_space<vmem>>
      %dma_wait3A_273 = arith.constant 0 : i32
      %dma_wait3A_274 = arith.constant 0 : i32
      %dma_wait3A_275 = tpu.memref_slice %arg2[%dma_wait3A_273, %dma_wait3A_274] : memref<10240x32xf32, #tpu.memory_space<hbm>> -> memref<10240x32xf32, #tpu.memory_space<hbm>>
      tpu.wait_indirect_dma semaphore(%arg14 : memref<!tpu.dma_semaphore, #tpu.memory_space<semaphore_mem>>) src(%dma_wait3A_275 : memref<10240x32xf32, #tpu.memory_space<hbm>>) dst(%dma_wait3A_269 : memref<80x32xf32, #tpu.memory_space<vmem>>)
      %run_scoped3A_276 = arith.constant 4 : i32
      "tpu.region"() ({
        %run_scoped3A_290 = tpu.sem_alloc : memref<!tpu.dma_semaphore, #tpu.memory_space<semaphore_mem>>
        %dma_start3A_291 = arith.constant 0 : i32
        %dma_start3A_292 = arith.constant 0 : i32
        %dma_start3A_293 = tpu.memref_slice %arg8[%run_scoped3A_276, %dma_start3A_291, %dma_start3A_292] : memref<5x80x32xf32, #tpu.memory_space<vmem>> -> memref<1x80x32xf32, #tpu.memory_space<vmem>>
        %dma_start3A_294 = tpu.memref_squeeze %dma_start3A_293 : memref<1x80x32xf32, #tpu.memory_space<vmem>> -> memref<80x32xf32, #tpu.memory_space<vmem>>
        %dma_start3A_295 = arith.constant 0 : i32
        %dma_start3A_296 = tpu.memref_slice %arg7[%add3A_264, %dma_start3A_295] : memref<125x80xi32, #tpu.memory_space<vmem>> -> memref<1x80xi32, #tpu.memory_space<vmem>>
        %dma_start3A_297 = tpu.memref_squeeze %dma_start3A_296 : memref<1x80xi32, #tpu.memory_space<vmem>> -> memref<80xi32, #tpu.memory_space<vmem>>
        %dma_start3A_298 = arith.constant 0 : i32
        %dma_start3A_299 = arith.constant 0 : i32
        %dma_start3A_300 = tpu.memref_slice %arg9[%dma_start3A_298, %dma_start3A_299] : memref<10240x32xf32, #tpu.memory_space<vmem_shared>> -> memref<10240x32xf32, #tpu.memory_space<vmem_shared>>
        tpu.enqueue_indirect_dma source(%dma_start3A_294 : memref<80x32xf32, #tpu.memory_space<vmem>>) target(%dma_start3A_300 : memref<10240x32xf32, #tpu.memory_space<vmem_shared>>) offsets(%dma_start3A_297 : memref<80xi32, #tpu.memory_space<vmem>>) semaphore(%run_scoped3A_290 : memref<!tpu.dma_semaphore, #tpu.memory_space<semaphore_mem>>) {add = true}
        %dma_wait3A_301 = arith.constant 0 : i32
        %dma_wait3A_302 = arith.constant 0 : i32
        %dma_wait3A_303 = tpu.memref_slice %arg8[%run_scoped3A_276, %dma_wait3A_301, %dma_wait3A_302] : memref<5x80x32xf32, #tpu.memory_space<vmem>> -> memref<1x80x32xf32, #tpu.memory_space<vmem>>
        %dma_wait3A_304 = tpu.memref_squeeze %dma_wait3A_303 : memref<1x80x32xf32, #tpu.memory_space<vmem>> -> memref<80x32xf32, #tpu.memory_space<vmem>>
        %dma_wait3A_305 = arith.constant 0 : i32
        %dma_wait3A_306 = tpu.memref_slice %arg7[%add3A_264, %dma_wait3A_305] : memref<125x80xi32, #tpu.memory_space<vmem>> -> memref<1x80xi32, #tpu.memory_space<vmem>>
        %dma_wait3A_307 = tpu.memref_squeeze %dma_wait3A_306 : memref<1x80xi32, #tpu.memory_space<vmem>> -> memref<80xi32, #tpu.memory_space<vmem>>
        %dma_wait3A_308 = arith.constant 0 : i32
        %dma_wait3A_309 = arith.constant 0 : i32
        %dma_wait3A_310 = tpu.memref_slice %arg9[%dma_wait3A_308, %dma_wait3A_309] : memref<10240x32xf32, #tpu.memory_space<vmem_shared>> -> memref<10240x32xf32, #tpu.memory_space<vmem_shared>>
        tpu.wait_indirect_dma semaphore(%run_scoped3A_290 : memref<!tpu.dma_semaphore, #tpu.memory_space<semaphore_mem>>) src(%dma_wait3A_304 : memref<80x32xf32, #tpu.memory_space<vmem>>) dst(%dma_wait3A_310 : memref<10240x32xf32, #tpu.memory_space<vmem_shared>>)
        tpu.yield
      }) : () -> ()
      %add3A_277 = arith.constant 5 : i32
      %add3A_278 = arith.addi %add3A_264, %add3A_277 : i32
      %dma_start3A_279 = arith.constant 4 : i32
      %dma_start3A_280 = arith.constant 0 : i32
      %dma_start3A_281 = arith.constant 0 : i32
      %dma_start3A_282 = tpu.memref_slice %arg8[%dma_start3A_279, %dma_start3A_280, %dma_start3A_281] : memref<5x80x32xf32, #tpu.memory_space<vmem>> -> memref<1x80x32xf32, #tpu.memory_space<vmem>>
      %dma_start3A_283 = tpu.memref_squeeze %dma_start3A_282 : memref<1x80x32xf32, #tpu.memory_space<vmem>> -> memref<80x32xf32, #tpu.memory_space<vmem>>
      %dma_start3A_284 = arith.constant 0 : i32
      %dma_start3A_285 = tpu.memref_slice %arg6[%add3A_278, %dma_start3A_284] : memref<125x80xi32, #tpu.memory_space<vmem>> -> memref<1x80xi32, #tpu.memory_space<vmem>>
      %dma_start3A_286 = tpu.memref_squeeze %dma_start3A_285 : memref<1x80xi32, #tpu.memory_space<vmem>> -> memref<80xi32, #tpu.memory_space<vmem>>
      %dma_start3A_287 = arith.constant 0 : i32
      %dma_start3A_288 = arith.constant 0 : i32
      %dma_start3A_289 = tpu.memref_slice %arg2[%dma_start3A_287, %dma_start3A_288] : memref<10240x32xf32, #tpu.memory_space<hbm>> -> memref<10240x32xf32, #tpu.memory_space<hbm>>
      tpu.enqueue_indirect_dma source(%dma_start3A_289 : memref<10240x32xf32, #tpu.memory_space<hbm>>) target(%dma_start3A_283 : memref<80x32xf32, #tpu.memory_space<vmem>>) offsets(%dma_start3A_286 : memref<80xi32, #tpu.memory_space<vmem>>) semaphore(%arg14 : memref<!tpu.dma_semaphore, #tpu.memory_space<semaphore_mem>>)
    }
    %scan3A_69 = arith.constant 24 : i32
    %dma_wait3A = arith.constant 120 : i32
    %dma_wait3A_70 = arith.constant 0 : i32
    %dma_wait3A_71 = arith.constant 0 : i32
    %dma_wait3A_72 = arith.constant 0 : i32
    %dma_wait3A_73 = tpu.memref_slice %arg8[%dma_wait3A_70, %dma_wait3A_71, %dma_wait3A_72] : memref<5x80x32xf32, #tpu.memory_space<vmem>> -> memref<1x80x32xf32, #tpu.memory_space<vmem>>
    %dma_wait3A_74 = tpu.memref_squeeze %dma_wait3A_73 : memref<1x80x32xf32, #tpu.memory_space<vmem>> -> memref<80x32xf32, #tpu.memory_space<vmem>>
    %dma_wait3A_75 = arith.constant 0 : i32
    %dma_wait3A_76 = tpu.memref_slice %arg6[%dma_wait3A, %dma_wait3A_75] : memref<125x80xi32, #tpu.memory_space<vmem>> -> memref<1x80xi32, #tpu.memory_space<vmem>>
    %dma_wait3A_77 = tpu.memref_squeeze %dma_wait3A_76 : memref<1x80xi32, #tpu.memory_space<vmem>> -> memref<80xi32, #tpu.memory_space<vmem>>
    %dma_wait3A_78 = arith.constant 0 : i32
    %dma_wait3A_79 = arith.constant 0 : i32
    %dma_wait3A_80 = tpu.memref_slice %arg2[%dma_wait3A_78, %dma_wait3A_79] : memref<10240x32xf32, #tpu.memory_space<hbm>> -> memref<10240x32xf32, #tpu.memory_space<hbm>>
    tpu.wait_indirect_dma semaphore(%arg10 : memref<!tpu.dma_semaphore, #tpu.memory_space<semaphore_mem>>) src(%dma_wait3A_80 : memref<10240x32xf32, #tpu.memory_space<hbm>>) dst(%dma_wait3A_74 : memref<80x32xf32, #tpu.memory_space<vmem>>)
    %run_scoped3A_81 = arith.constant 0 : i32
    %run_scoped3A_82 = arith.constant 120 : i32
    "tpu.region"() ({
      %run_scoped3A_144 = tpu.sem_alloc : memref<!tpu.dma_semaphore, #tpu.memory_space<semaphore_mem>>
      %dma_start3A_145 = arith.constant 0 : i32
      %dma_start3A_146 = arith.constant 0 : i32
      %dma_start3A_147 = tpu.memref_slice %arg8[%run_scoped3A_81, %dma_start3A_145, %dma_start3A_146] : memref<5x80x32xf32, #tpu.memory_space<vmem>> -> memref<1x80x32xf32, #tpu.memory_space<vmem>>
      %dma_start3A_148 = tpu.memref_squeeze %dma_start3A_147 : memref<1x80x32xf32, #tpu.memory_space<vmem>> -> memref<80x32xf32, #tpu.memory_space<vmem>>
      %dma_start3A_149 = arith.constant 0 : i32
      %dma_start3A_150 = tpu.memref_slice %arg7[%run_scoped3A_82, %dma_start3A_149] : memref<125x80xi32, #tpu.memory_space<vmem>> -> memref<1x80xi32, #tpu.memory_space<vmem>>
      %dma_start3A_151 = tpu.memref_squeeze %dma_start3A_150 : memref<1x80xi32, #tpu.memory_space<vmem>> -> memref<80xi32, #tpu.memory_space<vmem>>
      %dma_start3A_152 = arith.constant 0 : i32
      %dma_start3A_153 = arith.constant 0 : i32
      %dma_start3A_154 = tpu.memref_slice %arg9[%dma_start3A_152, %dma_start3A_153] : memref<10240x32xf32, #tpu.memory_space<vmem_shared>> -> memref<10240x32xf32, #tpu.memory_space<vmem_shared>>
      tpu.enqueue_indirect_dma source(%dma_start3A_148 : memref<80x32xf32, #tpu.memory_space<vmem>>) target(%dma_start3A_154 : memref<10240x32xf32, #tpu.memory_space<vmem_shared>>) offsets(%dma_start3A_151 : memref<80xi32, #tpu.memory_space<vmem>>) semaphore(%run_scoped3A_144 : memref<!tpu.dma_semaphore, #tpu.memory_space<semaphore_mem>>) {add = true}
      %dma_wait3A_155 = arith.constant 0 : i32
      %dma_wait3A_156 = arith.constant 0 : i32
      %dma_wait3A_157 = tpu.memref_slice %arg8[%run_scoped3A_81, %dma_wait3A_155, %dma_wait3A_156] : memref<5x80x32xf32, #tpu.memory_space<vmem>> -> memref<1x80x32xf32, #tpu.memory_space<vmem>>
      %dma_wait3A_158 = tpu.memref_squeeze %dma_wait3A_157 : memref<1x80x32xf32, #tpu.memory_space<vmem>> -> memref<80x32xf32, #tpu.memory_space<vmem>>
      %dma_wait3A_159 = arith.constant 0 : i32
      %dma_wait3A_160 = tpu.memref_slice %arg7[%run_scoped3A_82, %dma_wait3A_159] : memref<125x80xi32, #tpu.memory_space<vmem>> -> memref<1x80xi32, #tpu.memory_space<vmem>>
      %dma_wait3A_161 = tpu.memref_squeeze %dma_wait3A_160 : memref<1x80xi32, #tpu.memory_space<vmem>> -> memref<80xi32, #tpu.memory_space<vmem>>
      %dma_wait3A_162 = arith.constant 0 : i32
      %dma_wait3A_163 = arith.constant 0 : i32
      %dma_wait3A_164 = tpu.memref_slice %arg9[%dma_wait3A_162, %dma_wait3A_163] : memref<10240x32xf32, #tpu.memory_space<vmem_shared>> -> memref<10240x32xf32, #tpu.memory_space<vmem_shared>>
      tpu.wait_indirect_dma semaphore(%run_scoped3A_144 : memref<!tpu.dma_semaphore, #tpu.memory_space<semaphore_mem>>) src(%dma_wait3A_158 : memref<80x32xf32, #tpu.memory_space<vmem>>) dst(%dma_wait3A_164 : memref<10240x32xf32, #tpu.memory_space<vmem_shared>>)
      tpu.yield
    }) : () -> ()
    %dma_wait3A_83 = arith.constant 121 : i32
    %dma_wait3A_84 = arith.constant 1 : i32
    %dma_wait3A_85 = arith.constant 0 : i32
    %dma_wait3A_86 = arith.constant 0 : i32
    %dma_wait3A_87 = tpu.memref_slice %arg8[%dma_wait3A_84, %dma_wait3A_85, %dma_wait3A_86] : memref<5x80x32xf32, #tpu.memory_space<vmem>> -> memref<1x80x32xf32, #tpu.memory_space<vmem>>
    %dma_wait3A_88 = tpu.memref_squeeze %dma_wait3A_87 : memref<1x80x32xf32, #tpu.memory_space<vmem>> -> memref<80x32xf32, #tpu.memory_space<vmem>>
    %dma_wait3A_89 = arith.constant 0 : i32
    %dma_wait3A_90 = tpu.memref_slice %arg6[%dma_wait3A_83, %dma_wait3A_89] : memref<125x80xi32, #tpu.memory_space<vmem>> -> memref<1x80xi32, #tpu.memory_space<vmem>>
    %dma_wait3A_91 = tpu.memref_squeeze %dma_wait3A_90 : memref<1x80xi32, #tpu.memory_space<vmem>> -> memref<80xi32, #tpu.memory_space<vmem>>
    %dma_wait3A_92 = arith.constant 0 : i32
    %dma_wait3A_93 = arith.constant 0 : i32
    %dma_wait3A_94 = tpu.memref_slice %arg2[%dma_wait3A_92, %dma_wait3A_93] : memref<10240x32xf32, #tpu.memory_space<hbm>> -> memref<10240x32xf32, #tpu.memory_space<hbm>>
    tpu.wait_indirect_dma semaphore(%arg11 : memref<!tpu.dma_semaphore, #tpu.memory_space<semaphore_mem>>) src(%dma_wait3A_94 : memref<10240x32xf32, #tpu.memory_space<hbm>>) dst(%dma_wait3A_88 : memref<80x32xf32, #tpu.memory_space<vmem>>)
    %run_scoped3A_95 = arith.constant 1 : i32
    %run_scoped3A_96 = arith.constant 121 : i32
    "tpu.region"() ({
      %run_scoped3A_144 = tpu.sem_alloc : memref<!tpu.dma_semaphore, #tpu.memory_space<semaphore_mem>>
      %dma_start3A_145 = arith.constant 0 : i32
      %dma_start3A_146 = arith.constant 0 : i32
      %dma_start3A_147 = tpu.memref_slice %arg8[%run_scoped3A_95, %dma_start3A_145, %dma_start3A_146] : memref<5x80x32xf32, #tpu.memory_space<vmem>> -> memref<1x80x32xf32, #tpu.memory_space<vmem>>
      %dma_start3A_148 = tpu.memref_squeeze %dma_start3A_147 : memref<1x80x32xf32, #tpu.memory_space<vmem>> -> memref<80x32xf32, #tpu.memory_space<vmem>>
      %dma_start3A_149 = arith.constant 0 : i32
      %dma_start3A_150 = tpu.memref_slice %arg7[%run_scoped3A_96, %dma_start3A_149] : memref<125x80xi32, #tpu.memory_space<vmem>> -> memref<1x80xi32, #tpu.memory_space<vmem>>
      %dma_start3A_151 = tpu.memref_squeeze %dma_start3A_150 : memref<1x80xi32, #tpu.memory_space<vmem>> -> memref<80xi32, #tpu.memory_space<vmem>>
      %dma_start3A_152 = arith.constant 0 : i32
      %dma_start3A_153 = arith.constant 0 : i32
      %dma_start3A_154 = tpu.memref_slice %arg9[%dma_start3A_152, %dma_start3A_153] : memref<10240x32xf32, #tpu.memory_space<vmem_shared>> -> memref<10240x32xf32, #tpu.memory_space<vmem_shared>>
      tpu.enqueue_indirect_dma source(%dma_start3A_148 : memref<80x32xf32, #tpu.memory_space<vmem>>) target(%dma_start3A_154 : memref<10240x32xf32, #tpu.memory_space<vmem_shared>>) offsets(%dma_start3A_151 : memref<80xi32, #tpu.memory_space<vmem>>) semaphore(%run_scoped3A_144 : memref<!tpu.dma_semaphore, #tpu.memory_space<semaphore_mem>>) {add = true}
      %dma_wait3A_155 = arith.constant 0 : i32
      %dma_wait3A_156 = arith.constant 0 : i32
      %dma_wait3A_157 = tpu.memref_slice %arg8[%run_scoped3A_95, %dma_wait3A_155, %dma_wait3A_156] : memref<5x80x32xf32, #tpu.memory_space<vmem>> -> memref<1x80x32xf32, #tpu.memory_space<vmem>>
      %dma_wait3A_158 = tpu.memref_squeeze %dma_wait3A_157 : memref<1x80x32xf32, #tpu.memory_space<vmem>> -> memref<80x32xf32, #tpu.memory_space<vmem>>
      %dma_wait3A_159 = arith.constant 0 : i32
      %dma_wait3A_160 = tpu.memref_slice %arg7[%run_scoped3A_96, %dma_wait3A_159] : memref<125x80xi32, #tpu.memory_space<vmem>> -> memref<1x80xi32, #tpu.memory_space<vmem>>
      %dma_wait3A_161 = tpu.memref_squeeze %dma_wait3A_160 : memref<1x80xi32, #tpu.memory_space<vmem>> -> memref<80xi32, #tpu.memory_space<vmem>>
      %dma_wait3A_162 = arith.constant 0 : i32
      %dma_wait3A_163 = arith.constant 0 : i32
      %dma_wait3A_164 = tpu.memref_slice %arg9[%dma_wait3A_162, %dma_wait3A_163] : memref<10240x32xf32, #tpu.memory_space<vmem_shared>> -> memref<10240x32xf32, #tpu.memory_space<vmem_shared>>
      tpu.wait_indirect_dma semaphore(%run_scoped3A_144 : memref<!tpu.dma_semaphore, #tpu.memory_space<semaphore_mem>>) src(%dma_wait3A_158 : memref<80x32xf32, #tpu.memory_space<vmem>>) dst(%dma_wait3A_164 : memref<10240x32xf32, #tpu.memory_space<vmem_shared>>)
      tpu.yield
    }) : () -> ()
    %dma_wait3A_97 = arith.constant 122 : i32
    %dma_wait3A_98 = arith.constant 2 : i32
    %dma_wait3A_99 = arith.constant 0 : i32
    %dma_wait3A_100 = arith.constant 0 : i32
    %dma_wait3A_101 = tpu.memref_slice %arg8[%dma_wait3A_98, %dma_wait3A_99, %dma_wait3A_100] : memref<5x80x32xf32, #tpu.memory_space<vmem>> -> memref<1x80x32xf32, #tpu.memory_space<vmem>>
    %dma_wait3A_102 = tpu.memref_squeeze %dma_wait3A_101 : memref<1x80x32xf32, #tpu.memory_space<vmem>> -> memref<80x32xf32, #tpu.memory_space<vmem>>
    %dma_wait3A_103 = arith.constant 0 : i32
    %dma_wait3A_104 = tpu.memref_slice %arg6[%dma_wait3A_97, %dma_wait3A_103] : memref<125x80xi32, #tpu.memory_space<vmem>> -> memref<1x80xi32, #tpu.memory_space<vmem>>
    %dma_wait3A_105 = tpu.memref_squeeze %dma_wait3A_104 : memref<1x80xi32, #tpu.memory_space<vmem>> -> memref<80xi32, #tpu.memory_space<vmem>>
    %dma_wait3A_106 = arith.constant 0 : i32
    %dma_wait3A_107 = arith.constant 0 : i32
    %dma_wait3A_108 = tpu.memref_slice %arg2[%dma_wait3A_106, %dma_wait3A_107] : memref<10240x32xf32, #tpu.memory_space<hbm>> -> memref<10240x32xf32, #tpu.memory_space<hbm>>
    tpu.wait_indirect_dma semaphore(%arg12 : memref<!tpu.dma_semaphore, #tpu.memory_space<semaphore_mem>>) src(%dma_wait3A_108 : memref<10240x32xf32, #tpu.memory_space<hbm>>) dst(%dma_wait3A_102 : memref<80x32xf32, #tpu.memory_space<vmem>>)
    %run_scoped3A_109 = arith.constant 2 : i32
    %run_scoped3A_110 = arith.constant 122 : i32
    "tpu.region"() ({
      %run_scoped3A_144 = tpu.sem_alloc : memref<!tpu.dma_semaphore, #tpu.memory_space<semaphore_mem>>
      %dma_start3A_145 = arith.constant 0 : i32
      %dma_start3A_146 = arith.constant 0 : i32
      %dma_start3A_147 = tpu.memref_slice %arg8[%run_scoped3A_109, %dma_start3A_145, %dma_start3A_146] : memref<5x80x32xf32, #tpu.memory_space<vmem>> -> memref<1x80x32xf32, #tpu.memory_space<vmem>>
      %dma_start3A_148 = tpu.memref_squeeze %dma_start3A_147 : memref<1x80x32xf32, #tpu.memory_space<vmem>> -> memref<80x32xf32, #tpu.memory_space<vmem>>
      %dma_start3A_149 = arith.constant 0 : i32
      %dma_start3A_150 = tpu.memref_slice %arg7[%run_scoped3A_110, %dma_start3A_149] : memref<125x80xi32, #tpu.memory_space<vmem>> -> memref<1x80xi32, #tpu.memory_space<vmem>>
      %dma_start3A_151 = tpu.memref_squeeze %dma_start3A_150 : memref<1x80xi32, #tpu.memory_space<vmem>> -> memref<80xi32, #tpu.memory_space<vmem>>
      %dma_start3A_152 = arith.constant 0 : i32
      %dma_start3A_153 = arith.constant 0 : i32
      %dma_start3A_154 = tpu.memref_slice %arg9[%dma_start3A_152, %dma_start3A_153] : memref<10240x32xf32, #tpu.memory_space<vmem_shared>> -> memref<10240x32xf32, #tpu.memory_space<vmem_shared>>
      tpu.enqueue_indirect_dma source(%dma_start3A_148 : memref<80x32xf32, #tpu.memory_space<vmem>>) target(%dma_start3A_154 : memref<10240x32xf32, #tpu.memory_space<vmem_shared>>) offsets(%dma_start3A_151 : memref<80xi32, #tpu.memory_space<vmem>>) semaphore(%run_scoped3A_144 : memref<!tpu.dma_semaphore, #tpu.memory_space<semaphore_mem>>) {add = true}
      %dma_wait3A_155 = arith.constant 0 : i32
      %dma_wait3A_156 = arith.constant 0 : i32
      %dma_wait3A_157 = tpu.memref_slice %arg8[%run_scoped3A_109, %dma_wait3A_155, %dma_wait3A_156] : memref<5x80x32xf32, #tpu.memory_space<vmem>> -> memref<1x80x32xf32, #tpu.memory_space<vmem>>
      %dma_wait3A_158 = tpu.memref_squeeze %dma_wait3A_157 : memref<1x80x32xf32, #tpu.memory_space<vmem>> -> memref<80x32xf32, #tpu.memory_space<vmem>>
      %dma_wait3A_159 = arith.constant 0 : i32
      %dma_wait3A_160 = tpu.memref_slice %arg7[%run_scoped3A_110, %dma_wait3A_159] : memref<125x80xi32, #tpu.memory_space<vmem>> -> memref<1x80xi32, #tpu.memory_space<vmem>>
      %dma_wait3A_161 = tpu.memref_squeeze %dma_wait3A_160 : memref<1x80xi32, #tpu.memory_space<vmem>> -> memref<80xi32, #tpu.memory_space<vmem>>
      %dma_wait3A_162 = arith.constant 0 : i32
      %dma_wait3A_163 = arith.constant 0 : i32
      %dma_wait3A_164 = tpu.memref_slice %arg9[%dma_wait3A_162, %dma_wait3A_163] : memref<10240x32xf32, #tpu.memory_space<vmem_shared>> -> memref<10240x32xf32, #tpu.memory_space<vmem_shared>>
      tpu.wait_indirect_dma semaphore(%run_scoped3A_144 : memref<!tpu.dma_semaphore, #tpu.memory_space<semaphore_mem>>) src(%dma_wait3A_158 : memref<80x32xf32, #tpu.memory_space<vmem>>) dst(%dma_wait3A_164 : memref<10240x32xf32, #tpu.memory_space<vmem_shared>>)
      tpu.yield
    }) : () -> ()
    %dma_wait3A_111 = arith.constant 123 : i32
    %dma_wait3A_112 = arith.constant 3 : i32
    %dma_wait3A_113 = arith.constant 0 : i32
    %dma_wait3A_114 = arith.constant 0 : i32
    %dma_wait3A_115 = tpu.memref_slice %arg8[%dma_wait3A_112, %dma_wait3A_113, %dma_wait3A_114] : memref<5x80x32xf32, #tpu.memory_space<vmem>> -> memref<1x80x32xf32, #tpu.memory_space<vmem>>
    %dma_wait3A_116 = tpu.memref_squeeze %dma_wait3A_115 : memref<1x80x32xf32, #tpu.memory_space<vmem>> -> memref<80x32xf32, #tpu.memory_space<vmem>>
    %dma_wait3A_117 = arith.constant 0 : i32
    %dma_wait3A_118 = tpu.memref_slice %arg6[%dma_wait3A_111, %dma_wait3A_117] : memref<125x80xi32, #tpu.memory_space<vmem>> -> memref<1x80xi32, #tpu.memory_space<vmem>>
    %dma_wait3A_119 = tpu.memref_squeeze %dma_wait3A_118 : memref<1x80xi32, #tpu.memory_space<vmem>> -> memref<80xi32, #tpu.memory_space<vmem>>
    %dma_wait3A_120 = arith.constant 0 : i32
    %dma_wait3A_121 = arith.constant 0 : i32
    %dma_wait3A_122 = tpu.memref_slice %arg2[%dma_wait3A_120, %dma_wait3A_121] : memref<10240x32xf32, #tpu.memory_space<hbm>> -> memref<10240x32xf32, #tpu.memory_space<hbm>>
    tpu.wait_indirect_dma semaphore(%arg13 : memref<!tpu.dma_semaphore, #tpu.memory_space<semaphore_mem>>) src(%dma_wait3A_122 : memref<10240x32xf32, #tpu.memory_space<hbm>>) dst(%dma_wait3A_116 : memref<80x32xf32, #tpu.memory_space<vmem>>)
    %run_scoped3A_123 = arith.constant 3 : i32
    %run_scoped3A_124 = arith.constant 123 : i32
    "tpu.region"() ({
      %run_scoped3A_144 = tpu.sem_alloc : memref<!tpu.dma_semaphore, #tpu.memory_space<semaphore_mem>>
      %dma_start3A_145 = arith.constant 0 : i32
      %dma_start3A_146 = arith.constant 0 : i32
      %dma_start3A_147 = tpu.memref_slice %arg8[%run_scoped3A_123, %dma_start3A_145, %dma_start3A_146] : memref<5x80x32xf32, #tpu.memory_space<vmem>> -> memref<1x80x32xf32, #tpu.memory_space<vmem>>
      %dma_start3A_148 = tpu.memref_squeeze %dma_start3A_147 : memref<1x80x32xf32, #tpu.memory_space<vmem>> -> memref<80x32xf32, #tpu.memory_space<vmem>>
      %dma_start3A_149 = arith.constant 0 : i32
      %dma_start3A_150 = tpu.memref_slice %arg7[%run_scoped3A_124, %dma_start3A_149] : memref<125x80xi32, #tpu.memory_space<vmem>> -> memref<1x80xi32, #tpu.memory_space<vmem>>
      %dma_start3A_151 = tpu.memref_squeeze %dma_start3A_150 : memref<1x80xi32, #tpu.memory_space<vmem>> -> memref<80xi32, #tpu.memory_space<vmem>>
      %dma_start3A_152 = arith.constant 0 : i32
      %dma_start3A_153 = arith.constant 0 : i32
      %dma_start3A_154 = tpu.memref_slice %arg9[%dma_start3A_152, %dma_start3A_153] : memref<10240x32xf32, #tpu.memory_space<vmem_shared>> -> memref<10240x32xf32, #tpu.memory_space<vmem_shared>>
      tpu.enqueue_indirect_dma source(%dma_start3A_148 : memref<80x32xf32, #tpu.memory_space<vmem>>) target(%dma_start3A_154 : memref<10240x32xf32, #tpu.memory_space<vmem_shared>>) offsets(%dma_start3A_151 : memref<80xi32, #tpu.memory_space<vmem>>) semaphore(%run_scoped3A_144 : memref<!tpu.dma_semaphore, #tpu.memory_space<semaphore_mem>>) {add = true}
      %dma_wait3A_155 = arith.constant 0 : i32
      %dma_wait3A_156 = arith.constant 0 : i32
      %dma_wait3A_157 = tpu.memref_slice %arg8[%run_scoped3A_123, %dma_wait3A_155, %dma_wait3A_156] : memref<5x80x32xf32, #tpu.memory_space<vmem>> -> memref<1x80x32xf32, #tpu.memory_space<vmem>>
      %dma_wait3A_158 = tpu.memref_squeeze %dma_wait3A_157 : memref<1x80x32xf32, #tpu.memory_space<vmem>> -> memref<80x32xf32, #tpu.memory_space<vmem>>
      %dma_wait3A_159 = arith.constant 0 : i32
      %dma_wait3A_160 = tpu.memref_slice %arg7[%run_scoped3A_124, %dma_wait3A_159] : memref<125x80xi32, #tpu.memory_space<vmem>> -> memref<1x80xi32, #tpu.memory_space<vmem>>
      %dma_wait3A_161 = tpu.memref_squeeze %dma_wait3A_160 : memref<1x80xi32, #tpu.memory_space<vmem>> -> memref<80xi32, #tpu.memory_space<vmem>>
      %dma_wait3A_162 = arith.constant 0 : i32
      %dma_wait3A_163 = arith.constant 0 : i32
      %dma_wait3A_164 = tpu.memref_slice %arg9[%dma_wait3A_162, %dma_wait3A_163] : memref<10240x32xf32, #tpu.memory_space<vmem_shared>> -> memref<10240x32xf32, #tpu.memory_space<vmem_shared>>
      tpu.wait_indirect_dma semaphore(%run_scoped3A_144 : memref<!tpu.dma_semaphore, #tpu.memory_space<semaphore_mem>>) src(%dma_wait3A_158 : memref<80x32xf32, #tpu.memory_space<vmem>>) dst(%dma_wait3A_164 : memref<10240x32xf32, #tpu.memory_space<vmem_shared>>)
      tpu.yield
    }) : () -> ()
    %dma_wait3A_125 = arith.constant 124 : i32
    %dma_wait3A_126 = arith.constant 4 : i32
    %dma_wait3A_127 = arith.constant 0 : i32
    %dma_wait3A_128 = arith.constant 0 : i32
    %dma_wait3A_129 = tpu.memref_slice %arg8[%dma_wait3A_126, %dma_wait3A_127, %dma_wait3A_128] : memref<5x80x32xf32, #tpu.memory_space<vmem>> -> memref<1x80x32xf32, #tpu.memory_space<vmem>>
    %dma_wait3A_130 = tpu.memref_squeeze %dma_wait3A_129 : memref<1x80x32xf32, #tpu.memory_space<vmem>> -> memref<80x32xf32, #tpu.memory_space<vmem>>
    %dma_wait3A_131 = arith.constant 0 : i32
    %dma_wait3A_132 = tpu.memref_slice %arg6[%dma_wait3A_125, %dma_wait3A_131] : memref<125x80xi32, #tpu.memory_space<vmem>> -> memref<1x80xi32, #tpu.memory_space<vmem>>
    %dma_wait3A_133 = tpu.memref_squeeze %dma_wait3A_132 : memref<1x80xi32, #tpu.memory_space<vmem>> -> memref<80xi32, #tpu.memory_space<vmem>>
    %dma_wait3A_134 = arith.constant 0 : i32
    %dma_wait3A_135 = arith.constant 0 : i32
    %dma_wait3A_136 = tpu.memref_slice %arg2[%dma_wait3A_134, %dma_wait3A_135] : memref<10240x32xf32, #tpu.memory_space<hbm>> -> memref<10240x32xf32, #tpu.memory_space<hbm>>
    tpu.wait_indirect_dma semaphore(%arg14 : memref<!tpu.dma_semaphore, #tpu.memory_space<semaphore_mem>>) src(%dma_wait3A_136 : memref<10240x32xf32, #tpu.memory_space<hbm>>) dst(%dma_wait3A_130 : memref<80x32xf32, #tpu.memory_space<vmem>>)
    %run_scoped3A_137 = arith.constant 4 : i32
    %run_scoped3A_138 = arith.constant 124 : i32
    "tpu.region"() ({
      %run_scoped3A_144 = tpu.sem_alloc : memref<!tpu.dma_semaphore, #tpu.memory_space<semaphore_mem>>
      %dma_start3A_145 = arith.constant 0 : i32
      %dma_start3A_146 = arith.constant 0 : i32
      %dma_start3A_147 = tpu.memref_slice %arg8[%run_scoped3A_137, %dma_start3A_145, %dma_start3A_146] : memref<5x80x32xf32, #tpu.memory_space<vmem>> -> memref<1x80x32xf32, #tpu.memory_space<vmem>>
      %dma_start3A_148 = tpu.memref_squeeze %dma_start3A_147 : memref<1x80x32xf32, #tpu.memory_space<vmem>> -> memref<80x32xf32, #tpu.memory_space<vmem>>
      %dma_start3A_149 = arith.constant 0 : i32
      %dma_start3A_150 = tpu.memref_slice %arg7[%run_scoped3A_138, %dma_start3A_149] : memref<125x80xi32, #tpu.memory_space<vmem>> -> memref<1x80xi32, #tpu.memory_space<vmem>>
      %dma_start3A_151 = tpu.memref_squeeze %dma_start3A_150 : memref<1x80xi32, #tpu.memory_space<vmem>> -> memref<80xi32, #tpu.memory_space<vmem>>
      %dma_start3A_152 = arith.constant 0 : i32
      %dma_start3A_153 = arith.constant 0 : i32
      %dma_start3A_154 = tpu.memref_slice %arg9[%dma_start3A_152, %dma_start3A_153] : memref<10240x32xf32, #tpu.memory_space<vmem_shared>> -> memref<10240x32xf32, #tpu.memory_space<vmem_shared>>
      tpu.enqueue_indirect_dma source(%dma_start3A_148 : memref<80x32xf32, #tpu.memory_space<vmem>>) target(%dma_start3A_154 : memref<10240x32xf32, #tpu.memory_space<vmem_shared>>) offsets(%dma_start3A_151 : memref<80xi32, #tpu.memory_space<vmem>>) semaphore(%run_scoped3A_144 : memref<!tpu.dma_semaphore, #tpu.memory_space<semaphore_mem>>) {add = true}
      %dma_wait3A_155 = arith.constant 0 : i32
      %dma_wait3A_156 = arith.constant 0 : i32
      %dma_wait3A_157 = tpu.memref_slice %arg8[%run_scoped3A_137, %dma_wait3A_155, %dma_wait3A_156] : memref<5x80x32xf32, #tpu.memory_space<vmem>> -> memref<1x80x32xf32, #tpu.memory_space<vmem>>
      %dma_wait3A_158 = tpu.memref_squeeze %dma_wait3A_157 : memref<1x80x32xf32, #tpu.memory_space<vmem>> -> memref<80x32xf32, #tpu.memory_space<vmem>>
      %dma_wait3A_159 = arith.constant 0 : i32
      %dma_wait3A_160 = tpu.memref_slice %arg7[%run_scoped3A_138, %dma_wait3A_159] : memref<125x80xi32, #tpu.memory_space<vmem>> -> memref<1x80xi32, #tpu.memory_space<vmem>>
      %dma_wait3A_161 = tpu.memref_squeeze %dma_wait3A_160 : memref<1x80xi32, #tpu.memory_space<vmem>> -> memref<80xi32, #tpu.memory_space<vmem>>
      %dma_wait3A_162 = arith.constant 0 : i32
      %dma_wait3A_163 = arith.constant 0 : i32
      %dma_wait3A_164 = tpu.memref_slice %arg9[%dma_wait3A_162, %dma_wait3A_163] : memref<10240x32xf32, #tpu.memory_space<vmem_shared>> -> memref<10240x32xf32, #tpu.memory_space<vmem_shared>>
      tpu.wait_indirect_dma semaphore(%run_scoped3A_144 : memref<!tpu.dma_semaphore, #tpu.memory_space<semaphore_mem>>) src(%dma_wait3A_158 : memref<80x32xf32, #tpu.memory_space<vmem>>) dst(%dma_wait3A_164 : memref<10240x32xf32, #tpu.memory_space<vmem_shared>>)
      tpu.yield
    }) : () -> ()
    %barrier3A_139 = arith.constant 0 : index
    tpu.barrier barrier_id(%barrier3A_139)
    %mul3A_140 = arith.constant 640 : i32
    %mul3A_141 = arith.muli %arg1, %mul3A_140 : i32
    %mul3A_142 = arith.constant 640 : i32
    %mul3A_143 = arith.muli %arg1, %mul3A_142 : i32
    "tpu.region"() ({
      %run_scoped3A_144 = tpu.sem_alloc : memref<!tpu.dma_semaphore, #tpu.memory_space<semaphore_mem>>
      %dma_start3A_145 = arith.constant 0 : i32
      %dma_start3A_146 = tpu.memref_slice %arg5[%arg0, %mul3A_143, %dma_start3A_145] : memref<2x10240x32xf32, #tpu.memory_space<hbm>> -> memref<1x640x32xf32, #tpu.memory_space<hbm>>
      %dma_start3A_147 = tpu.memref_squeeze %dma_start3A_146 : memref<1x640x32xf32, #tpu.memory_space<hbm>> -> memref<640x32xf32, #tpu.memory_space<hbm>>
      %dma_start3A_148 = arith.constant 0 : i32
      %dma_start3A_149 = tpu.memref_slice %arg9[%mul3A_141, %dma_start3A_148] : memref<10240x32xf32, #tpu.memory_space<vmem_shared>> -> memref<640x32xf32, #tpu.memory_space<vmem_shared>>
      tpu.enqueue_dma source(%dma_start3A_149 : memref<640x32xf32, #tpu.memory_space<vmem_shared>>) target(%dma_start3A_147 : memref<640x32xf32, #tpu.memory_space<hbm>>) target_semaphore(%run_scoped3A_144 : memref<!tpu.dma_semaphore, #tpu.memory_space<semaphore_mem>>)
      %dma_wait3A_150 = arith.constant 0 : i32
      %dma_wait3A_151 = tpu.memref_slice %arg5[%arg0, %mul3A_143, %dma_wait3A_150] : memref<2x10240x32xf32, #tpu.memory_space<hbm>> -> memref<1x640x32xf32, #tpu.memory_space<hbm>>
      %dma_wait3A_152 = tpu.memref_squeeze %dma_wait3A_151 : memref<1x640x32xf32, #tpu.memory_space<hbm>> -> memref<640x32xf32, #tpu.memory_space<hbm>>
      %dma_wait3A_153 = arith.constant 0 : i32
      %dma_wait3A_154 = tpu.memref_slice %arg9[%mul3A_141, %dma_wait3A_153] : memref<10240x32xf32, #tpu.memory_space<vmem_shared>> -> memref<640x32xf32, #tpu.memory_space<vmem_shared>>
      tpu.wait_dma2 semaphore(%run_scoped3A_144 : memref<!tpu.dma_semaphore, #tpu.memory_space<semaphore_mem>>) src(%dma_wait3A_154 : memref<640x32xf32, #tpu.memory_space<vmem_shared>>) dst(%dma_wait3A_152 : memref<640x32xf32, #tpu.memory_space<hbm>>)
      tpu.yield
    }) : () -> ()
    return
  }
}

#map = affine_map<(d0, d1) -> (0, 0)>
#map1 = affine_map<(d0, d1) -> (0, 0, 0, 0)>
#map2 = affine_map<(d0, d1) -> (0, 0, 0)>
module attributes {stable_mosaic.version = 14 : i64} {
  func.func @agg_kernel(%arg0: i32, %arg1: i32, %arg2: memref<10240x16xf32, #tpu.memory_space<hbm>>, %arg3: memref<2x32x125x80xi32, #tpu.memory_space<hbm>>, %arg4: memref<10240x16xf32, #tpu.memory_space<hbm>>, %arg5: memref<2x10240x16xf32, #tpu.memory_space<hbm>>, %arg6: memref<125x80xi32, #tpu.memory_space<vmem>>, %arg7: memref<125x80xi32, #tpu.memory_space<vmem>>, %arg8: memref<5x80x16xf32, #tpu.memory_space<vmem>>, %arg9: memref<10240x16xf32, #tpu.memory_space<vmem_shared>>, %arg10: memref<!tpu.dma_semaphore, #tpu.memory_space<semaphore_mem>>, %arg11: memref<!tpu.dma_semaphore, #tpu.memory_space<semaphore_mem>>, %arg12: memref<!tpu.dma_semaphore, #tpu.memory_space<semaphore_mem>>, %arg13: memref<!tpu.dma_semaphore, #tpu.memory_space<semaphore_mem>>, %arg14: memref<!tpu.dma_semaphore, #tpu.memory_space<semaphore_mem>>) attributes {dimension_semantics = [#tpu.dimension_semantics<core_parallel>, #tpu.dimension_semantics<subcore_parallel>], iteration_bounds = array<i64: 2, 16>, scalar_prefetch = 0 : i64, scratch_operands = 9 : i64, tpu.core_type = #tpu.core_type<sc_vector_subcore>, window_params = [{transform_indices = #map}, {transform_indices = #map1}, {transform_indices = #map}, {transform_indices = #map2}]} {
    %mul3A = arith.constant 16 : i32
    %mul3A_0 = arith.muli %arg0, %mul3A : i32
    %add3A = arith.addi %mul3A_0, %arg1 : i32
    %run_scoped3A = arith.constant 0 : i32
    "tpu.region"() ({
      %run_scoped3A_144 = tpu.sem_alloc : memref<!tpu.dma_semaphore, #tpu.memory_space<semaphore_mem>>
      %dma_start3A_145 = arith.constant 0 : i32
      %dma_start3A_146 = arith.constant 0 : i32
      %dma_start3A_147 = tpu.memref_slice %arg3[%run_scoped3A, %add3A, %dma_start3A_145, %dma_start3A_146] : memref<2x32x125x80xi32, #tpu.memory_space<hbm>> -> memref<1x1x125x80xi32, #tpu.memory_space<hbm>>
      %dma_start3A_148 = tpu.memref_squeeze %dma_start3A_147 : memref<1x1x125x80xi32, #tpu.memory_space<hbm>> -> memref<125x80xi32, #tpu.memory_space<hbm>>
      %dma_start3A_149 = arith.constant 0 : i32
      %dma_start3A_150 = arith.constant 0 : i32
      %dma_start3A_151 = tpu.memref_slice %arg3[%run_scoped3A, %add3A, %dma_start3A_149, %dma_start3A_150] : memref<2x32x125x80xi32, #tpu.memory_space<hbm>> -> memref<1x1x125x80xi32, #tpu.memory_space<hbm>>
      %dma_start3A_152 = tpu.memref_squeeze %dma_start3A_151 : memref<1x1x125x80xi32, #tpu.memory_space<hbm>> -> memref<125x80xi32, #tpu.memory_space<hbm>>
      tpu.enqueue_dma source(%dma_start3A_152 : memref<125x80xi32, #tpu.memory_space<hbm>>) target(%arg6 : memref<125x80xi32, #tpu.memory_space<vmem>>) target_semaphore(%run_scoped3A_144 : memref<!tpu.dma_semaphore, #tpu.memory_space<semaphore_mem>>)
      %dma_wait3A_153 = arith.constant 0 : i32
      %dma_wait3A_154 = arith.constant 0 : i32
      %dma_wait3A_155 = tpu.memref_slice %arg3[%run_scoped3A, %add3A, %dma_wait3A_153, %dma_wait3A_154] : memref<2x32x125x80xi32, #tpu.memory_space<hbm>> -> memref<1x1x125x80xi32, #tpu.memory_space<hbm>>
      %dma_wait3A_156 = tpu.memref_squeeze %dma_wait3A_155 : memref<1x1x125x80xi32, #tpu.memory_space<hbm>> -> memref<125x80xi32, #tpu.memory_space<hbm>>
      %dma_wait3A_157 = arith.constant 0 : i32
      %dma_wait3A_158 = arith.constant 0 : i32
      %dma_wait3A_159 = tpu.memref_slice %arg3[%run_scoped3A, %add3A, %dma_wait3A_157, %dma_wait3A_158] : memref<2x32x125x80xi32, #tpu.memory_space<hbm>> -> memref<1x1x125x80xi32, #tpu.memory_space<hbm>>
      %dma_wait3A_160 = tpu.memref_squeeze %dma_wait3A_159 : memref<1x1x125x80xi32, #tpu.memory_space<hbm>> -> memref<125x80xi32, #tpu.memory_space<hbm>>
      tpu.wait_dma2 semaphore(%run_scoped3A_144 : memref<!tpu.dma_semaphore, #tpu.memory_space<semaphore_mem>>) src(%dma_wait3A_160 : memref<125x80xi32, #tpu.memory_space<hbm>>) dst(%arg6 : memref<125x80xi32, #tpu.memory_space<vmem>>)
      tpu.yield
    }) : () -> ()
    %run_scoped3A_1 = arith.constant 1 : i32
    "tpu.region"() ({
      %run_scoped3A_144 = tpu.sem_alloc : memref<!tpu.dma_semaphore, #tpu.memory_space<semaphore_mem>>
      %dma_start3A_145 = arith.constant 0 : i32
      %dma_start3A_146 = arith.constant 0 : i32
      %dma_start3A_147 = tpu.memref_slice %arg3[%run_scoped3A_1, %add3A, %dma_start3A_145, %dma_start3A_146] : memref<2x32x125x80xi32, #tpu.memory_space<hbm>> -> memref<1x1x125x80xi32, #tpu.memory_space<hbm>>
      %dma_start3A_148 = tpu.memref_squeeze %dma_start3A_147 : memref<1x1x125x80xi32, #tpu.memory_space<hbm>> -> memref<125x80xi32, #tpu.memory_space<hbm>>
      %dma_start3A_149 = arith.constant 0 : i32
      %dma_start3A_150 = arith.constant 0 : i32
      %dma_start3A_151 = tpu.memref_slice %arg3[%run_scoped3A_1, %add3A, %dma_start3A_149, %dma_start3A_150] : memref<2x32x125x80xi32, #tpu.memory_space<hbm>> -> memref<1x1x125x80xi32, #tpu.memory_space<hbm>>
      %dma_start3A_152 = tpu.memref_squeeze %dma_start3A_151 : memref<1x1x125x80xi32, #tpu.memory_space<hbm>> -> memref<125x80xi32, #tpu.memory_space<hbm>>
      tpu.enqueue_dma source(%dma_start3A_152 : memref<125x80xi32, #tpu.memory_space<hbm>>) target(%arg7 : memref<125x80xi32, #tpu.memory_space<vmem>>) target_semaphore(%run_scoped3A_144 : memref<!tpu.dma_semaphore, #tpu.memory_space<semaphore_mem>>)
      %dma_wait3A_153 = arith.constant 0 : i32
      %dma_wait3A_154 = arith.constant 0 : i32
      %dma_wait3A_155 = tpu.memref_slice %arg3[%run_scoped3A_1, %add3A, %dma_wait3A_153, %dma_wait3A_154] : memref<2x32x125x80xi32, #tpu.memory_space<hbm>> -> memref<1x1x125x80xi32, #tpu.memory_space<hbm>>
      %dma_wait3A_156 = tpu.memref_squeeze %dma_wait3A_155 : memref<1x1x125x80xi32, #tpu.memory_space<hbm>> -> memref<125x80xi32, #tpu.memory_space<hbm>>
      %dma_wait3A_157 = arith.constant 0 : i32
      %dma_wait3A_158 = arith.constant 0 : i32
      %dma_wait3A_159 = tpu.memref_slice %arg3[%run_scoped3A_1, %add3A, %dma_wait3A_157, %dma_wait3A_158] : memref<2x32x125x80xi32, #tpu.memory_space<hbm>> -> memref<1x1x125x80xi32, #tpu.memory_space<hbm>>
      %dma_wait3A_160 = tpu.memref_squeeze %dma_wait3A_159 : memref<1x1x125x80xi32, #tpu.memory_space<hbm>> -> memref<125x80xi32, #tpu.memory_space<hbm>>
      tpu.wait_dma2 semaphore(%run_scoped3A_144 : memref<!tpu.dma_semaphore, #tpu.memory_space<semaphore_mem>>) src(%dma_wait3A_160 : memref<125x80xi32, #tpu.memory_space<hbm>>) dst(%arg7 : memref<125x80xi32, #tpu.memory_space<vmem>>)
      tpu.yield
    }) : () -> ()
    %mul3A_2 = arith.constant 640 : i32
    %mul3A_3 = arith.muli %arg1, %mul3A_2 : i32
    %mul3A_4 = arith.constant 640 : i32
    %mul3A_5 = arith.muli %arg1, %mul3A_4 : i32
    "tpu.region"() ({
      %run_scoped3A_144 = tpu.sem_alloc : memref<!tpu.dma_semaphore, #tpu.memory_space<semaphore_mem>>
      %dma_start3A_145 = arith.constant 0 : i32
      %dma_start3A_146 = tpu.memref_slice %arg9[%mul3A_5, %dma_start3A_145] : memref<10240x16xf32, #tpu.memory_space<vmem_shared>> -> memref<640x16xf32, #tpu.memory_space<vmem_shared>>
      %dma_start3A_147 = arith.constant 0 : i32
      %dma_start3A_148 = tpu.memref_slice %arg4[%mul3A_3, %dma_start3A_147] : memref<10240x16xf32, #tpu.memory_space<hbm>> -> memref<640x16xf32, #tpu.memory_space<hbm>>
      tpu.enqueue_dma source(%dma_start3A_148 : memref<640x16xf32, #tpu.memory_space<hbm>>) target(%dma_start3A_146 : memref<640x16xf32, #tpu.memory_space<vmem_shared>>) target_semaphore(%run_scoped3A_144 : memref<!tpu.dma_semaphore, #tpu.memory_space<semaphore_mem>>)
      %dma_wait3A_149 = arith.constant 0 : i32
      %dma_wait3A_150 = tpu.memref_slice %arg9[%mul3A_5, %dma_wait3A_149] : memref<10240x16xf32, #tpu.memory_space<vmem_shared>> -> memref<640x16xf32, #tpu.memory_space<vmem_shared>>
      %dma_wait3A_151 = arith.constant 0 : i32
      %dma_wait3A_152 = tpu.memref_slice %arg4[%mul3A_3, %dma_wait3A_151] : memref<10240x16xf32, #tpu.memory_space<hbm>> -> memref<640x16xf32, #tpu.memory_space<hbm>>
      tpu.wait_dma2 semaphore(%run_scoped3A_144 : memref<!tpu.dma_semaphore, #tpu.memory_space<semaphore_mem>>) src(%dma_wait3A_152 : memref<640x16xf32, #tpu.memory_space<hbm>>) dst(%dma_wait3A_150 : memref<640x16xf32, #tpu.memory_space<vmem_shared>>)
      tpu.yield
    }) : () -> ()
    %barrier3A = arith.constant 0 : index
    tpu.barrier barrier_id(%barrier3A)
    %dma_start3A = arith.constant 0 : i32
    %dma_start3A_6 = arith.constant 0 : i32
    %dma_start3A_7 = arith.constant 0 : i32
    %dma_start3A_8 = arith.constant 0 : i32
    %dma_start3A_9 = tpu.memref_slice %arg8[%dma_start3A_6, %dma_start3A_7, %dma_start3A_8] : memref<5x80x16xf32, #tpu.memory_space<vmem>> -> memref<1x80x16xf32, #tpu.memory_space<vmem>>
    %dma_start3A_10 = tpu.memref_squeeze %dma_start3A_9 : memref<1x80x16xf32, #tpu.memory_space<vmem>> -> memref<80x16xf32, #tpu.memory_space<vmem>>
    %dma_start3A_11 = arith.constant 0 : i32
    %dma_start3A_12 = tpu.memref_slice %arg6[%dma_start3A, %dma_start3A_11] : memref<125x80xi32, #tpu.memory_space<vmem>> -> memref<1x80xi32, #tpu.memory_space<vmem>>
    %dma_start3A_13 = tpu.memref_squeeze %dma_start3A_12 : memref<1x80xi32, #tpu.memory_space<vmem>> -> memref<80xi32, #tpu.memory_space<vmem>>
    %dma_start3A_14 = arith.constant 0 : i32
    %dma_start3A_15 = arith.constant 0 : i32
    %dma_start3A_16 = tpu.memref_slice %arg2[%dma_start3A_14, %dma_start3A_15] : memref<10240x16xf32, #tpu.memory_space<hbm>> -> memref<10240x16xf32, #tpu.memory_space<hbm>>
    tpu.enqueue_indirect_dma source(%dma_start3A_16 : memref<10240x16xf32, #tpu.memory_space<hbm>>) target(%dma_start3A_10 : memref<80x16xf32, #tpu.memory_space<vmem>>) offsets(%dma_start3A_13 : memref<80xi32, #tpu.memory_space<vmem>>) semaphore(%arg10 : memref<!tpu.dma_semaphore, #tpu.memory_space<semaphore_mem>>)
    %dma_start3A_17 = arith.constant 1 : i32
    %dma_start3A_18 = arith.constant 1 : i32
    %dma_start3A_19 = arith.constant 0 : i32
    %dma_start3A_20 = arith.constant 0 : i32
    %dma_start3A_21 = tpu.memref_slice %arg8[%dma_start3A_18, %dma_start3A_19, %dma_start3A_20] : memref<5x80x16xf32, #tpu.memory_space<vmem>> -> memref<1x80x16xf32, #tpu.memory_space<vmem>>
    %dma_start3A_22 = tpu.memref_squeeze %dma_start3A_21 : memref<1x80x16xf32, #tpu.memory_space<vmem>> -> memref<80x16xf32, #tpu.memory_space<vmem>>
    %dma_start3A_23 = arith.constant 0 : i32
    %dma_start3A_24 = tpu.memref_slice %arg6[%dma_start3A_17, %dma_start3A_23] : memref<125x80xi32, #tpu.memory_space<vmem>> -> memref<1x80xi32, #tpu.memory_space<vmem>>
    %dma_start3A_25 = tpu.memref_squeeze %dma_start3A_24 : memref<1x80xi32, #tpu.memory_space<vmem>> -> memref<80xi32, #tpu.memory_space<vmem>>
    %dma_start3A_26 = arith.constant 0 : i32
    %dma_start3A_27 = arith.constant 0 : i32
    %dma_start3A_28 = tpu.memref_slice %arg2[%dma_start3A_26, %dma_start3A_27] : memref<10240x16xf32, #tpu.memory_space<hbm>> -> memref<10240x16xf32, #tpu.memory_space<hbm>>
    tpu.enqueue_indirect_dma source(%dma_start3A_28 : memref<10240x16xf32, #tpu.memory_space<hbm>>) target(%dma_start3A_22 : memref<80x16xf32, #tpu.memory_space<vmem>>) offsets(%dma_start3A_25 : memref<80xi32, #tpu.memory_space<vmem>>) semaphore(%arg11 : memref<!tpu.dma_semaphore, #tpu.memory_space<semaphore_mem>>)
    %dma_start3A_29 = arith.constant 2 : i32
    %dma_start3A_30 = arith.constant 2 : i32
    %dma_start3A_31 = arith.constant 0 : i32
    %dma_start3A_32 = arith.constant 0 : i32
    %dma_start3A_33 = tpu.memref_slice %arg8[%dma_start3A_30, %dma_start3A_31, %dma_start3A_32] : memref<5x80x16xf32, #tpu.memory_space<vmem>> -> memref<1x80x16xf32, #tpu.memory_space<vmem>>
    %dma_start3A_34 = tpu.memref_squeeze %dma_start3A_33 : memref<1x80x16xf32, #tpu.memory_space<vmem>> -> memref<80x16xf32, #tpu.memory_space<vmem>>
    %dma_start3A_35 = arith.constant 0 : i32
    %dma_start3A_36 = tpu.memref_slice %arg6[%dma_start3A_29, %dma_start3A_35] : memref<125x80xi32, #tpu.memory_space<vmem>> -> memref<1x80xi32, #tpu.memory_space<vmem>>
    %dma_start3A_37 = tpu.memref_squeeze %dma_start3A_36 : memref<1x80xi32, #tpu.memory_space<vmem>> -> memref<80xi32, #tpu.memory_space<vmem>>
    %dma_start3A_38 = arith.constant 0 : i32
    %dma_start3A_39 = arith.constant 0 : i32
    %dma_start3A_40 = tpu.memref_slice %arg2[%dma_start3A_38, %dma_start3A_39] : memref<10240x16xf32, #tpu.memory_space<hbm>> -> memref<10240x16xf32, #tpu.memory_space<hbm>>
    tpu.enqueue_indirect_dma source(%dma_start3A_40 : memref<10240x16xf32, #tpu.memory_space<hbm>>) target(%dma_start3A_34 : memref<80x16xf32, #tpu.memory_space<vmem>>) offsets(%dma_start3A_37 : memref<80xi32, #tpu.memory_space<vmem>>) semaphore(%arg12 : memref<!tpu.dma_semaphore, #tpu.memory_space<semaphore_mem>>)
    %dma_start3A_41 = arith.constant 3 : i32
    %dma_start3A_42 = arith.constant 3 : i32
    %dma_start3A_43 = arith.constant 0 : i32
    %dma_start3A_44 = arith.constant 0 : i32
    %dma_start3A_45 = tpu.memref_slice %arg8[%dma_start3A_42, %dma_start3A_43, %dma_start3A_44] : memref<5x80x16xf32, #tpu.memory_space<vmem>> -> memref<1x80x16xf32, #tpu.memory_space<vmem>>
    %dma_start3A_46 = tpu.memref_squeeze %dma_start3A_45 : memref<1x80x16xf32, #tpu.memory_space<vmem>> -> memref<80x16xf32, #tpu.memory_space<vmem>>
    %dma_start3A_47 = arith.constant 0 : i32
    %dma_start3A_48 = tpu.memref_slice %arg6[%dma_start3A_41, %dma_start3A_47] : memref<125x80xi32, #tpu.memory_space<vmem>> -> memref<1x80xi32, #tpu.memory_space<vmem>>
    %dma_start3A_49 = tpu.memref_squeeze %dma_start3A_48 : memref<1x80xi32, #tpu.memory_space<vmem>> -> memref<80xi32, #tpu.memory_space<vmem>>
    %dma_start3A_50 = arith.constant 0 : i32
    %dma_start3A_51 = arith.constant 0 : i32
    %dma_start3A_52 = tpu.memref_slice %arg2[%dma_start3A_50, %dma_start3A_51] : memref<10240x16xf32, #tpu.memory_space<hbm>> -> memref<10240x16xf32, #tpu.memory_space<hbm>>
    tpu.enqueue_indirect_dma source(%dma_start3A_52 : memref<10240x16xf32, #tpu.memory_space<hbm>>) target(%dma_start3A_46 : memref<80x16xf32, #tpu.memory_space<vmem>>) offsets(%dma_start3A_49 : memref<80xi32, #tpu.memory_space<vmem>>) semaphore(%arg13 : memref<!tpu.dma_semaphore, #tpu.memory_space<semaphore_mem>>)
    %dma_start3A_53 = arith.constant 4 : i32
    %dma_start3A_54 = arith.constant 4 : i32
    %dma_start3A_55 = arith.constant 0 : i32
    %dma_start3A_56 = arith.constant 0 : i32
    %dma_start3A_57 = tpu.memref_slice %arg8[%dma_start3A_54, %dma_start3A_55, %dma_start3A_56] : memref<5x80x16xf32, #tpu.memory_space<vmem>> -> memref<1x80x16xf32, #tpu.memory_space<vmem>>
    %dma_start3A_58 = tpu.memref_squeeze %dma_start3A_57 : memref<1x80x16xf32, #tpu.memory_space<vmem>> -> memref<80x16xf32, #tpu.memory_space<vmem>>
    %dma_start3A_59 = arith.constant 0 : i32
    %dma_start3A_60 = tpu.memref_slice %arg6[%dma_start3A_53, %dma_start3A_59] : memref<125x80xi32, #tpu.memory_space<vmem>> -> memref<1x80xi32, #tpu.memory_space<vmem>>
    %dma_start3A_61 = tpu.memref_squeeze %dma_start3A_60 : memref<1x80xi32, #tpu.memory_space<vmem>> -> memref<80xi32, #tpu.memory_space<vmem>>
    %dma_start3A_62 = arith.constant 0 : i32
    %dma_start3A_63 = arith.constant 0 : i32
    %dma_start3A_64 = tpu.memref_slice %arg2[%dma_start3A_62, %dma_start3A_63] : memref<10240x16xf32, #tpu.memory_space<hbm>> -> memref<10240x16xf32, #tpu.memory_space<hbm>>
    tpu.enqueue_indirect_dma source(%dma_start3A_64 : memref<10240x16xf32, #tpu.memory_space<hbm>>) target(%dma_start3A_58 : memref<80x16xf32, #tpu.memory_space<vmem>>) offsets(%dma_start3A_61 : memref<80xi32, #tpu.memory_space<vmem>>) semaphore(%arg14 : memref<!tpu.dma_semaphore, #tpu.memory_space<semaphore_mem>>)
    %scan3A = arith.constant 0 : i32
    %scan3A_65 = arith.constant 0 : i32
    %scan3A_66 = arith.constant 24 : i32
    %scan3A_67 = arith.addi %scan3A_65, %scan3A_66 : i32
    %scan3A_68 = arith.constant 1 : i32
    scf.for %scan3A_144 = %scan3A_65 to %scan3A_67 step %scan3A_68  : i32 {
      %mul3A_145 = arith.constant 5 : i32
      %mul3A_146 = arith.muli %scan3A_144, %mul3A_145 : i32
      %add3A_147 = arith.constant 0 : i32
      %add3A_148 = arith.addi %mul3A_146, %add3A_147 : i32
      %dma_wait3A_149 = arith.constant 0 : i32
      %dma_wait3A_150 = arith.constant 0 : i32
      %dma_wait3A_151 = arith.constant 0 : i32
      %dma_wait3A_152 = tpu.memref_slice %arg8[%dma_wait3A_149, %dma_wait3A_150, %dma_wait3A_151] : memref<5x80x16xf32, #tpu.memory_space<vmem>> -> memref<1x80x16xf32, #tpu.memory_space<vmem>>
      %dma_wait3A_153 = tpu.memref_squeeze %dma_wait3A_152 : memref<1x80x16xf32, #tpu.memory_space<vmem>> -> memref<80x16xf32, #tpu.memory_space<vmem>>
      %dma_wait3A_154 = arith.constant 0 : i32
      %dma_wait3A_155 = tpu.memref_slice %arg6[%add3A_148, %dma_wait3A_154] : memref<125x80xi32, #tpu.memory_space<vmem>> -> memref<1x80xi32, #tpu.memory_space<vmem>>
      %dma_wait3A_156 = tpu.memref_squeeze %dma_wait3A_155 : memref<1x80xi32, #tpu.memory_space<vmem>> -> memref<80xi32, #tpu.memory_space<vmem>>
      %dma_wait3A_157 = arith.constant 0 : i32
      %dma_wait3A_158 = arith.constant 0 : i32
      %dma_wait3A_159 = tpu.memref_slice %arg2[%dma_wait3A_157, %dma_wait3A_158] : memref<10240x16xf32, #tpu.memory_space<hbm>> -> memref<10240x16xf32, #tpu.memory_space<hbm>>
      tpu.wait_indirect_dma semaphore(%arg10 : memref<!tpu.dma_semaphore, #tpu.memory_space<semaphore_mem>>) src(%dma_wait3A_159 : memref<10240x16xf32, #tpu.memory_space<hbm>>) dst(%dma_wait3A_153 : memref<80x16xf32, #tpu.memory_space<vmem>>)
      %run_scoped3A_160 = arith.constant 0 : i32
      "tpu.region"() ({
        %run_scoped3A_290 = tpu.sem_alloc : memref<!tpu.dma_semaphore, #tpu.memory_space<semaphore_mem>>
        %dma_start3A_291 = arith.constant 0 : i32
        %dma_start3A_292 = arith.constant 0 : i32
        %dma_start3A_293 = tpu.memref_slice %arg8[%run_scoped3A_160, %dma_start3A_291, %dma_start3A_292] : memref<5x80x16xf32, #tpu.memory_space<vmem>> -> memref<1x80x16xf32, #tpu.memory_space<vmem>>
        %dma_start3A_294 = tpu.memref_squeeze %dma_start3A_293 : memref<1x80x16xf32, #tpu.memory_space<vmem>> -> memref<80x16xf32, #tpu.memory_space<vmem>>
        %dma_start3A_295 = arith.constant 0 : i32
        %dma_start3A_296 = tpu.memref_slice %arg7[%add3A_148, %dma_start3A_295] : memref<125x80xi32, #tpu.memory_space<vmem>> -> memref<1x80xi32, #tpu.memory_space<vmem>>
        %dma_start3A_297 = tpu.memref_squeeze %dma_start3A_296 : memref<1x80xi32, #tpu.memory_space<vmem>> -> memref<80xi32, #tpu.memory_space<vmem>>
        %dma_start3A_298 = arith.constant 0 : i32
        %dma_start3A_299 = arith.constant 0 : i32
        %dma_start3A_300 = tpu.memref_slice %arg9[%dma_start3A_298, %dma_start3A_299] : memref<10240x16xf32, #tpu.memory_space<vmem_shared>> -> memref<10240x16xf32, #tpu.memory_space<vmem_shared>>
        tpu.enqueue_indirect_dma source(%dma_start3A_294 : memref<80x16xf32, #tpu.memory_space<vmem>>) target(%dma_start3A_300 : memref<10240x16xf32, #tpu.memory_space<vmem_shared>>) offsets(%dma_start3A_297 : memref<80xi32, #tpu.memory_space<vmem>>) semaphore(%run_scoped3A_290 : memref<!tpu.dma_semaphore, #tpu.memory_space<semaphore_mem>>) {add = true}
        %dma_wait3A_301 = arith.constant 0 : i32
        %dma_wait3A_302 = arith.constant 0 : i32
        %dma_wait3A_303 = tpu.memref_slice %arg8[%run_scoped3A_160, %dma_wait3A_301, %dma_wait3A_302] : memref<5x80x16xf32, #tpu.memory_space<vmem>> -> memref<1x80x16xf32, #tpu.memory_space<vmem>>
        %dma_wait3A_304 = tpu.memref_squeeze %dma_wait3A_303 : memref<1x80x16xf32, #tpu.memory_space<vmem>> -> memref<80x16xf32, #tpu.memory_space<vmem>>
        %dma_wait3A_305 = arith.constant 0 : i32
        %dma_wait3A_306 = tpu.memref_slice %arg7[%add3A_148, %dma_wait3A_305] : memref<125x80xi32, #tpu.memory_space<vmem>> -> memref<1x80xi32, #tpu.memory_space<vmem>>
        %dma_wait3A_307 = tpu.memref_squeeze %dma_wait3A_306 : memref<1x80xi32, #tpu.memory_space<vmem>> -> memref<80xi32, #tpu.memory_space<vmem>>
        %dma_wait3A_308 = arith.constant 0 : i32
        %dma_wait3A_309 = arith.constant 0 : i32
        %dma_wait3A_310 = tpu.memref_slice %arg9[%dma_wait3A_308, %dma_wait3A_309] : memref<10240x16xf32, #tpu.memory_space<vmem_shared>> -> memref<10240x16xf32, #tpu.memory_space<vmem_shared>>
        tpu.wait_indirect_dma semaphore(%run_scoped3A_290 : memref<!tpu.dma_semaphore, #tpu.memory_space<semaphore_mem>>) src(%dma_wait3A_304 : memref<80x16xf32, #tpu.memory_space<vmem>>) dst(%dma_wait3A_310 : memref<10240x16xf32, #tpu.memory_space<vmem_shared>>)
        tpu.yield
      }) : () -> ()
      %add3A_161 = arith.constant 5 : i32
      %add3A_162 = arith.addi %add3A_148, %add3A_161 : i32
      %dma_start3A_163 = arith.constant 0 : i32
      %dma_start3A_164 = arith.constant 0 : i32
      %dma_start3A_165 = arith.constant 0 : i32
      %dma_start3A_166 = tpu.memref_slice %arg8[%dma_start3A_163, %dma_start3A_164, %dma_start3A_165] : memref<5x80x16xf32, #tpu.memory_space<vmem>> -> memref<1x80x16xf32, #tpu.memory_space<vmem>>
      %dma_start3A_167 = tpu.memref_squeeze %dma_start3A_166 : memref<1x80x16xf32, #tpu.memory_space<vmem>> -> memref<80x16xf32, #tpu.memory_space<vmem>>
      %dma_start3A_168 = arith.constant 0 : i32
      %dma_start3A_169 = tpu.memref_slice %arg6[%add3A_162, %dma_start3A_168] : memref<125x80xi32, #tpu.memory_space<vmem>> -> memref<1x80xi32, #tpu.memory_space<vmem>>
      %dma_start3A_170 = tpu.memref_squeeze %dma_start3A_169 : memref<1x80xi32, #tpu.memory_space<vmem>> -> memref<80xi32, #tpu.memory_space<vmem>>
      %dma_start3A_171 = arith.constant 0 : i32
      %dma_start3A_172 = arith.constant 0 : i32
      %dma_start3A_173 = tpu.memref_slice %arg2[%dma_start3A_171, %dma_start3A_172] : memref<10240x16xf32, #tpu.memory_space<hbm>> -> memref<10240x16xf32, #tpu.memory_space<hbm>>
      tpu.enqueue_indirect_dma source(%dma_start3A_173 : memref<10240x16xf32, #tpu.memory_space<hbm>>) target(%dma_start3A_167 : memref<80x16xf32, #tpu.memory_space<vmem>>) offsets(%dma_start3A_170 : memref<80xi32, #tpu.memory_space<vmem>>) semaphore(%arg10 : memref<!tpu.dma_semaphore, #tpu.memory_space<semaphore_mem>>)
      %mul3A_174 = arith.constant 5 : i32
      %mul3A_175 = arith.muli %scan3A_144, %mul3A_174 : i32
      %add3A_176 = arith.constant 1 : i32
      %add3A_177 = arith.addi %mul3A_175, %add3A_176 : i32
      %dma_wait3A_178 = arith.constant 1 : i32
      %dma_wait3A_179 = arith.constant 0 : i32
      %dma_wait3A_180 = arith.constant 0 : i32
      %dma_wait3A_181 = tpu.memref_slice %arg8[%dma_wait3A_178, %dma_wait3A_179, %dma_wait3A_180] : memref<5x80x16xf32, #tpu.memory_space<vmem>> -> memref<1x80x16xf32, #tpu.memory_space<vmem>>
      %dma_wait3A_182 = tpu.memref_squeeze %dma_wait3A_181 : memref<1x80x16xf32, #tpu.memory_space<vmem>> -> memref<80x16xf32, #tpu.memory_space<vmem>>
      %dma_wait3A_183 = arith.constant 0 : i32
      %dma_wait3A_184 = tpu.memref_slice %arg6[%add3A_177, %dma_wait3A_183] : memref<125x80xi32, #tpu.memory_space<vmem>> -> memref<1x80xi32, #tpu.memory_space<vmem>>
      %dma_wait3A_185 = tpu.memref_squeeze %dma_wait3A_184 : memref<1x80xi32, #tpu.memory_space<vmem>> -> memref<80xi32, #tpu.memory_space<vmem>>
      %dma_wait3A_186 = arith.constant 0 : i32
      %dma_wait3A_187 = arith.constant 0 : i32
      %dma_wait3A_188 = tpu.memref_slice %arg2[%dma_wait3A_186, %dma_wait3A_187] : memref<10240x16xf32, #tpu.memory_space<hbm>> -> memref<10240x16xf32, #tpu.memory_space<hbm>>
      tpu.wait_indirect_dma semaphore(%arg11 : memref<!tpu.dma_semaphore, #tpu.memory_space<semaphore_mem>>) src(%dma_wait3A_188 : memref<10240x16xf32, #tpu.memory_space<hbm>>) dst(%dma_wait3A_182 : memref<80x16xf32, #tpu.memory_space<vmem>>)
      %run_scoped3A_189 = arith.constant 1 : i32
      "tpu.region"() ({
        %run_scoped3A_290 = tpu.sem_alloc : memref<!tpu.dma_semaphore, #tpu.memory_space<semaphore_mem>>
        %dma_start3A_291 = arith.constant 0 : i32
        %dma_start3A_292 = arith.constant 0 : i32
        %dma_start3A_293 = tpu.memref_slice %arg8[%run_scoped3A_189, %dma_start3A_291, %dma_start3A_292] : memref<5x80x16xf32, #tpu.memory_space<vmem>> -> memref<1x80x16xf32, #tpu.memory_space<vmem>>
        %dma_start3A_294 = tpu.memref_squeeze %dma_start3A_293 : memref<1x80x16xf32, #tpu.memory_space<vmem>> -> memref<80x16xf32, #tpu.memory_space<vmem>>
        %dma_start3A_295 = arith.constant 0 : i32
        %dma_start3A_296 = tpu.memref_slice %arg7[%add3A_177, %dma_start3A_295] : memref<125x80xi32, #tpu.memory_space<vmem>> -> memref<1x80xi32, #tpu.memory_space<vmem>>
        %dma_start3A_297 = tpu.memref_squeeze %dma_start3A_296 : memref<1x80xi32, #tpu.memory_space<vmem>> -> memref<80xi32, #tpu.memory_space<vmem>>
        %dma_start3A_298 = arith.constant 0 : i32
        %dma_start3A_299 = arith.constant 0 : i32
        %dma_start3A_300 = tpu.memref_slice %arg9[%dma_start3A_298, %dma_start3A_299] : memref<10240x16xf32, #tpu.memory_space<vmem_shared>> -> memref<10240x16xf32, #tpu.memory_space<vmem_shared>>
        tpu.enqueue_indirect_dma source(%dma_start3A_294 : memref<80x16xf32, #tpu.memory_space<vmem>>) target(%dma_start3A_300 : memref<10240x16xf32, #tpu.memory_space<vmem_shared>>) offsets(%dma_start3A_297 : memref<80xi32, #tpu.memory_space<vmem>>) semaphore(%run_scoped3A_290 : memref<!tpu.dma_semaphore, #tpu.memory_space<semaphore_mem>>) {add = true}
        %dma_wait3A_301 = arith.constant 0 : i32
        %dma_wait3A_302 = arith.constant 0 : i32
        %dma_wait3A_303 = tpu.memref_slice %arg8[%run_scoped3A_189, %dma_wait3A_301, %dma_wait3A_302] : memref<5x80x16xf32, #tpu.memory_space<vmem>> -> memref<1x80x16xf32, #tpu.memory_space<vmem>>
        %dma_wait3A_304 = tpu.memref_squeeze %dma_wait3A_303 : memref<1x80x16xf32, #tpu.memory_space<vmem>> -> memref<80x16xf32, #tpu.memory_space<vmem>>
        %dma_wait3A_305 = arith.constant 0 : i32
        %dma_wait3A_306 = tpu.memref_slice %arg7[%add3A_177, %dma_wait3A_305] : memref<125x80xi32, #tpu.memory_space<vmem>> -> memref<1x80xi32, #tpu.memory_space<vmem>>
        %dma_wait3A_307 = tpu.memref_squeeze %dma_wait3A_306 : memref<1x80xi32, #tpu.memory_space<vmem>> -> memref<80xi32, #tpu.memory_space<vmem>>
        %dma_wait3A_308 = arith.constant 0 : i32
        %dma_wait3A_309 = arith.constant 0 : i32
        %dma_wait3A_310 = tpu.memref_slice %arg9[%dma_wait3A_308, %dma_wait3A_309] : memref<10240x16xf32, #tpu.memory_space<vmem_shared>> -> memref<10240x16xf32, #tpu.memory_space<vmem_shared>>
        tpu.wait_indirect_dma semaphore(%run_scoped3A_290 : memref<!tpu.dma_semaphore, #tpu.memory_space<semaphore_mem>>) src(%dma_wait3A_304 : memref<80x16xf32, #tpu.memory_space<vmem>>) dst(%dma_wait3A_310 : memref<10240x16xf32, #tpu.memory_space<vmem_shared>>)
        tpu.yield
      }) : () -> ()
      %add3A_190 = arith.constant 5 : i32
      %add3A_191 = arith.addi %add3A_177, %add3A_190 : i32
      %dma_start3A_192 = arith.constant 1 : i32
      %dma_start3A_193 = arith.constant 0 : i32
      %dma_start3A_194 = arith.constant 0 : i32
      %dma_start3A_195 = tpu.memref_slice %arg8[%dma_start3A_192, %dma_start3A_193, %dma_start3A_194] : memref<5x80x16xf32, #tpu.memory_space<vmem>> -> memref<1x80x16xf32, #tpu.memory_space<vmem>>
      %dma_start3A_196 = tpu.memref_squeeze %dma_start3A_195 : memref<1x80x16xf32, #tpu.memory_space<vmem>> -> memref<80x16xf32, #tpu.memory_space<vmem>>
      %dma_start3A_197 = arith.constant 0 : i32
      %dma_start3A_198 = tpu.memref_slice %arg6[%add3A_191, %dma_start3A_197] : memref<125x80xi32, #tpu.memory_space<vmem>> -> memref<1x80xi32, #tpu.memory_space<vmem>>
      %dma_start3A_199 = tpu.memref_squeeze %dma_start3A_198 : memref<1x80xi32, #tpu.memory_space<vmem>> -> memref<80xi32, #tpu.memory_space<vmem>>
      %dma_start3A_200 = arith.constant 0 : i32
      %dma_start3A_201 = arith.constant 0 : i32
      %dma_start3A_202 = tpu.memref_slice %arg2[%dma_start3A_200, %dma_start3A_201] : memref<10240x16xf32, #tpu.memory_space<hbm>> -> memref<10240x16xf32, #tpu.memory_space<hbm>>
      tpu.enqueue_indirect_dma source(%dma_start3A_202 : memref<10240x16xf32, #tpu.memory_space<hbm>>) target(%dma_start3A_196 : memref<80x16xf32, #tpu.memory_space<vmem>>) offsets(%dma_start3A_199 : memref<80xi32, #tpu.memory_space<vmem>>) semaphore(%arg11 : memref<!tpu.dma_semaphore, #tpu.memory_space<semaphore_mem>>)
      %mul3A_203 = arith.constant 5 : i32
      %mul3A_204 = arith.muli %scan3A_144, %mul3A_203 : i32
      %add3A_205 = arith.constant 2 : i32
      %add3A_206 = arith.addi %mul3A_204, %add3A_205 : i32
      %dma_wait3A_207 = arith.constant 2 : i32
      %dma_wait3A_208 = arith.constant 0 : i32
      %dma_wait3A_209 = arith.constant 0 : i32
      %dma_wait3A_210 = tpu.memref_slice %arg8[%dma_wait3A_207, %dma_wait3A_208, %dma_wait3A_209] : memref<5x80x16xf32, #tpu.memory_space<vmem>> -> memref<1x80x16xf32, #tpu.memory_space<vmem>>
      %dma_wait3A_211 = tpu.memref_squeeze %dma_wait3A_210 : memref<1x80x16xf32, #tpu.memory_space<vmem>> -> memref<80x16xf32, #tpu.memory_space<vmem>>
      %dma_wait3A_212 = arith.constant 0 : i32
      %dma_wait3A_213 = tpu.memref_slice %arg6[%add3A_206, %dma_wait3A_212] : memref<125x80xi32, #tpu.memory_space<vmem>> -> memref<1x80xi32, #tpu.memory_space<vmem>>
      %dma_wait3A_214 = tpu.memref_squeeze %dma_wait3A_213 : memref<1x80xi32, #tpu.memory_space<vmem>> -> memref<80xi32, #tpu.memory_space<vmem>>
      %dma_wait3A_215 = arith.constant 0 : i32
      %dma_wait3A_216 = arith.constant 0 : i32
      %dma_wait3A_217 = tpu.memref_slice %arg2[%dma_wait3A_215, %dma_wait3A_216] : memref<10240x16xf32, #tpu.memory_space<hbm>> -> memref<10240x16xf32, #tpu.memory_space<hbm>>
      tpu.wait_indirect_dma semaphore(%arg12 : memref<!tpu.dma_semaphore, #tpu.memory_space<semaphore_mem>>) src(%dma_wait3A_217 : memref<10240x16xf32, #tpu.memory_space<hbm>>) dst(%dma_wait3A_211 : memref<80x16xf32, #tpu.memory_space<vmem>>)
      %run_scoped3A_218 = arith.constant 2 : i32
      "tpu.region"() ({
        %run_scoped3A_290 = tpu.sem_alloc : memref<!tpu.dma_semaphore, #tpu.memory_space<semaphore_mem>>
        %dma_start3A_291 = arith.constant 0 : i32
        %dma_start3A_292 = arith.constant 0 : i32
        %dma_start3A_293 = tpu.memref_slice %arg8[%run_scoped3A_218, %dma_start3A_291, %dma_start3A_292] : memref<5x80x16xf32, #tpu.memory_space<vmem>> -> memref<1x80x16xf32, #tpu.memory_space<vmem>>
        %dma_start3A_294 = tpu.memref_squeeze %dma_start3A_293 : memref<1x80x16xf32, #tpu.memory_space<vmem>> -> memref<80x16xf32, #tpu.memory_space<vmem>>
        %dma_start3A_295 = arith.constant 0 : i32
        %dma_start3A_296 = tpu.memref_slice %arg7[%add3A_206, %dma_start3A_295] : memref<125x80xi32, #tpu.memory_space<vmem>> -> memref<1x80xi32, #tpu.memory_space<vmem>>
        %dma_start3A_297 = tpu.memref_squeeze %dma_start3A_296 : memref<1x80xi32, #tpu.memory_space<vmem>> -> memref<80xi32, #tpu.memory_space<vmem>>
        %dma_start3A_298 = arith.constant 0 : i32
        %dma_start3A_299 = arith.constant 0 : i32
        %dma_start3A_300 = tpu.memref_slice %arg9[%dma_start3A_298, %dma_start3A_299] : memref<10240x16xf32, #tpu.memory_space<vmem_shared>> -> memref<10240x16xf32, #tpu.memory_space<vmem_shared>>
        tpu.enqueue_indirect_dma source(%dma_start3A_294 : memref<80x16xf32, #tpu.memory_space<vmem>>) target(%dma_start3A_300 : memref<10240x16xf32, #tpu.memory_space<vmem_shared>>) offsets(%dma_start3A_297 : memref<80xi32, #tpu.memory_space<vmem>>) semaphore(%run_scoped3A_290 : memref<!tpu.dma_semaphore, #tpu.memory_space<semaphore_mem>>) {add = true}
        %dma_wait3A_301 = arith.constant 0 : i32
        %dma_wait3A_302 = arith.constant 0 : i32
        %dma_wait3A_303 = tpu.memref_slice %arg8[%run_scoped3A_218, %dma_wait3A_301, %dma_wait3A_302] : memref<5x80x16xf32, #tpu.memory_space<vmem>> -> memref<1x80x16xf32, #tpu.memory_space<vmem>>
        %dma_wait3A_304 = tpu.memref_squeeze %dma_wait3A_303 : memref<1x80x16xf32, #tpu.memory_space<vmem>> -> memref<80x16xf32, #tpu.memory_space<vmem>>
        %dma_wait3A_305 = arith.constant 0 : i32
        %dma_wait3A_306 = tpu.memref_slice %arg7[%add3A_206, %dma_wait3A_305] : memref<125x80xi32, #tpu.memory_space<vmem>> -> memref<1x80xi32, #tpu.memory_space<vmem>>
        %dma_wait3A_307 = tpu.memref_squeeze %dma_wait3A_306 : memref<1x80xi32, #tpu.memory_space<vmem>> -> memref<80xi32, #tpu.memory_space<vmem>>
        %dma_wait3A_308 = arith.constant 0 : i32
        %dma_wait3A_309 = arith.constant 0 : i32
        %dma_wait3A_310 = tpu.memref_slice %arg9[%dma_wait3A_308, %dma_wait3A_309] : memref<10240x16xf32, #tpu.memory_space<vmem_shared>> -> memref<10240x16xf32, #tpu.memory_space<vmem_shared>>
        tpu.wait_indirect_dma semaphore(%run_scoped3A_290 : memref<!tpu.dma_semaphore, #tpu.memory_space<semaphore_mem>>) src(%dma_wait3A_304 : memref<80x16xf32, #tpu.memory_space<vmem>>) dst(%dma_wait3A_310 : memref<10240x16xf32, #tpu.memory_space<vmem_shared>>)
        tpu.yield
      }) : () -> ()
      %add3A_219 = arith.constant 5 : i32
      %add3A_220 = arith.addi %add3A_206, %add3A_219 : i32
      %dma_start3A_221 = arith.constant 2 : i32
      %dma_start3A_222 = arith.constant 0 : i32
      %dma_start3A_223 = arith.constant 0 : i32
      %dma_start3A_224 = tpu.memref_slice %arg8[%dma_start3A_221, %dma_start3A_222, %dma_start3A_223] : memref<5x80x16xf32, #tpu.memory_space<vmem>> -> memref<1x80x16xf32, #tpu.memory_space<vmem>>
      %dma_start3A_225 = tpu.memref_squeeze %dma_start3A_224 : memref<1x80x16xf32, #tpu.memory_space<vmem>> -> memref<80x16xf32, #tpu.memory_space<vmem>>
      %dma_start3A_226 = arith.constant 0 : i32
      %dma_start3A_227 = tpu.memref_slice %arg6[%add3A_220, %dma_start3A_226] : memref<125x80xi32, #tpu.memory_space<vmem>> -> memref<1x80xi32, #tpu.memory_space<vmem>>
      %dma_start3A_228 = tpu.memref_squeeze %dma_start3A_227 : memref<1x80xi32, #tpu.memory_space<vmem>> -> memref<80xi32, #tpu.memory_space<vmem>>
      %dma_start3A_229 = arith.constant 0 : i32
      %dma_start3A_230 = arith.constant 0 : i32
      %dma_start3A_231 = tpu.memref_slice %arg2[%dma_start3A_229, %dma_start3A_230] : memref<10240x16xf32, #tpu.memory_space<hbm>> -> memref<10240x16xf32, #tpu.memory_space<hbm>>
      tpu.enqueue_indirect_dma source(%dma_start3A_231 : memref<10240x16xf32, #tpu.memory_space<hbm>>) target(%dma_start3A_225 : memref<80x16xf32, #tpu.memory_space<vmem>>) offsets(%dma_start3A_228 : memref<80xi32, #tpu.memory_space<vmem>>) semaphore(%arg12 : memref<!tpu.dma_semaphore, #tpu.memory_space<semaphore_mem>>)
      %mul3A_232 = arith.constant 5 : i32
      %mul3A_233 = arith.muli %scan3A_144, %mul3A_232 : i32
      %add3A_234 = arith.constant 3 : i32
      %add3A_235 = arith.addi %mul3A_233, %add3A_234 : i32
      %dma_wait3A_236 = arith.constant 3 : i32
      %dma_wait3A_237 = arith.constant 0 : i32
      %dma_wait3A_238 = arith.constant 0 : i32
      %dma_wait3A_239 = tpu.memref_slice %arg8[%dma_wait3A_236, %dma_wait3A_237, %dma_wait3A_238] : memref<5x80x16xf32, #tpu.memory_space<vmem>> -> memref<1x80x16xf32, #tpu.memory_space<vmem>>
      %dma_wait3A_240 = tpu.memref_squeeze %dma_wait3A_239 : memref<1x80x16xf32, #tpu.memory_space<vmem>> -> memref<80x16xf32, #tpu.memory_space<vmem>>
      %dma_wait3A_241 = arith.constant 0 : i32
      %dma_wait3A_242 = tpu.memref_slice %arg6[%add3A_235, %dma_wait3A_241] : memref<125x80xi32, #tpu.memory_space<vmem>> -> memref<1x80xi32, #tpu.memory_space<vmem>>
      %dma_wait3A_243 = tpu.memref_squeeze %dma_wait3A_242 : memref<1x80xi32, #tpu.memory_space<vmem>> -> memref<80xi32, #tpu.memory_space<vmem>>
      %dma_wait3A_244 = arith.constant 0 : i32
      %dma_wait3A_245 = arith.constant 0 : i32
      %dma_wait3A_246 = tpu.memref_slice %arg2[%dma_wait3A_244, %dma_wait3A_245] : memref<10240x16xf32, #tpu.memory_space<hbm>> -> memref<10240x16xf32, #tpu.memory_space<hbm>>
      tpu.wait_indirect_dma semaphore(%arg13 : memref<!tpu.dma_semaphore, #tpu.memory_space<semaphore_mem>>) src(%dma_wait3A_246 : memref<10240x16xf32, #tpu.memory_space<hbm>>) dst(%dma_wait3A_240 : memref<80x16xf32, #tpu.memory_space<vmem>>)
      %run_scoped3A_247 = arith.constant 3 : i32
      "tpu.region"() ({
        %run_scoped3A_290 = tpu.sem_alloc : memref<!tpu.dma_semaphore, #tpu.memory_space<semaphore_mem>>
        %dma_start3A_291 = arith.constant 0 : i32
        %dma_start3A_292 = arith.constant 0 : i32
        %dma_start3A_293 = tpu.memref_slice %arg8[%run_scoped3A_247, %dma_start3A_291, %dma_start3A_292] : memref<5x80x16xf32, #tpu.memory_space<vmem>> -> memref<1x80x16xf32, #tpu.memory_space<vmem>>
        %dma_start3A_294 = tpu.memref_squeeze %dma_start3A_293 : memref<1x80x16xf32, #tpu.memory_space<vmem>> -> memref<80x16xf32, #tpu.memory_space<vmem>>
        %dma_start3A_295 = arith.constant 0 : i32
        %dma_start3A_296 = tpu.memref_slice %arg7[%add3A_235, %dma_start3A_295] : memref<125x80xi32, #tpu.memory_space<vmem>> -> memref<1x80xi32, #tpu.memory_space<vmem>>
        %dma_start3A_297 = tpu.memref_squeeze %dma_start3A_296 : memref<1x80xi32, #tpu.memory_space<vmem>> -> memref<80xi32, #tpu.memory_space<vmem>>
        %dma_start3A_298 = arith.constant 0 : i32
        %dma_start3A_299 = arith.constant 0 : i32
        %dma_start3A_300 = tpu.memref_slice %arg9[%dma_start3A_298, %dma_start3A_299] : memref<10240x16xf32, #tpu.memory_space<vmem_shared>> -> memref<10240x16xf32, #tpu.memory_space<vmem_shared>>
        tpu.enqueue_indirect_dma source(%dma_start3A_294 : memref<80x16xf32, #tpu.memory_space<vmem>>) target(%dma_start3A_300 : memref<10240x16xf32, #tpu.memory_space<vmem_shared>>) offsets(%dma_start3A_297 : memref<80xi32, #tpu.memory_space<vmem>>) semaphore(%run_scoped3A_290 : memref<!tpu.dma_semaphore, #tpu.memory_space<semaphore_mem>>) {add = true}
        %dma_wait3A_301 = arith.constant 0 : i32
        %dma_wait3A_302 = arith.constant 0 : i32
        %dma_wait3A_303 = tpu.memref_slice %arg8[%run_scoped3A_247, %dma_wait3A_301, %dma_wait3A_302] : memref<5x80x16xf32, #tpu.memory_space<vmem>> -> memref<1x80x16xf32, #tpu.memory_space<vmem>>
        %dma_wait3A_304 = tpu.memref_squeeze %dma_wait3A_303 : memref<1x80x16xf32, #tpu.memory_space<vmem>> -> memref<80x16xf32, #tpu.memory_space<vmem>>
        %dma_wait3A_305 = arith.constant 0 : i32
        %dma_wait3A_306 = tpu.memref_slice %arg7[%add3A_235, %dma_wait3A_305] : memref<125x80xi32, #tpu.memory_space<vmem>> -> memref<1x80xi32, #tpu.memory_space<vmem>>
        %dma_wait3A_307 = tpu.memref_squeeze %dma_wait3A_306 : memref<1x80xi32, #tpu.memory_space<vmem>> -> memref<80xi32, #tpu.memory_space<vmem>>
        %dma_wait3A_308 = arith.constant 0 : i32
        %dma_wait3A_309 = arith.constant 0 : i32
        %dma_wait3A_310 = tpu.memref_slice %arg9[%dma_wait3A_308, %dma_wait3A_309] : memref<10240x16xf32, #tpu.memory_space<vmem_shared>> -> memref<10240x16xf32, #tpu.memory_space<vmem_shared>>
        tpu.wait_indirect_dma semaphore(%run_scoped3A_290 : memref<!tpu.dma_semaphore, #tpu.memory_space<semaphore_mem>>) src(%dma_wait3A_304 : memref<80x16xf32, #tpu.memory_space<vmem>>) dst(%dma_wait3A_310 : memref<10240x16xf32, #tpu.memory_space<vmem_shared>>)
        tpu.yield
      }) : () -> ()
      %add3A_248 = arith.constant 5 : i32
      %add3A_249 = arith.addi %add3A_235, %add3A_248 : i32
      %dma_start3A_250 = arith.constant 3 : i32
      %dma_start3A_251 = arith.constant 0 : i32
      %dma_start3A_252 = arith.constant 0 : i32
      %dma_start3A_253 = tpu.memref_slice %arg8[%dma_start3A_250, %dma_start3A_251, %dma_start3A_252] : memref<5x80x16xf32, #tpu.memory_space<vmem>> -> memref<1x80x16xf32, #tpu.memory_space<vmem>>
      %dma_start3A_254 = tpu.memref_squeeze %dma_start3A_253 : memref<1x80x16xf32, #tpu.memory_space<vmem>> -> memref<80x16xf32, #tpu.memory_space<vmem>>
      %dma_start3A_255 = arith.constant 0 : i32
      %dma_start3A_256 = tpu.memref_slice %arg6[%add3A_249, %dma_start3A_255] : memref<125x80xi32, #tpu.memory_space<vmem>> -> memref<1x80xi32, #tpu.memory_space<vmem>>
      %dma_start3A_257 = tpu.memref_squeeze %dma_start3A_256 : memref<1x80xi32, #tpu.memory_space<vmem>> -> memref<80xi32, #tpu.memory_space<vmem>>
      %dma_start3A_258 = arith.constant 0 : i32
      %dma_start3A_259 = arith.constant 0 : i32
      %dma_start3A_260 = tpu.memref_slice %arg2[%dma_start3A_258, %dma_start3A_259] : memref<10240x16xf32, #tpu.memory_space<hbm>> -> memref<10240x16xf32, #tpu.memory_space<hbm>>
      tpu.enqueue_indirect_dma source(%dma_start3A_260 : memref<10240x16xf32, #tpu.memory_space<hbm>>) target(%dma_start3A_254 : memref<80x16xf32, #tpu.memory_space<vmem>>) offsets(%dma_start3A_257 : memref<80xi32, #tpu.memory_space<vmem>>) semaphore(%arg13 : memref<!tpu.dma_semaphore, #tpu.memory_space<semaphore_mem>>)
      %mul3A_261 = arith.constant 5 : i32
      %mul3A_262 = arith.muli %scan3A_144, %mul3A_261 : i32
      %add3A_263 = arith.constant 4 : i32
      %add3A_264 = arith.addi %mul3A_262, %add3A_263 : i32
      %dma_wait3A_265 = arith.constant 4 : i32
      %dma_wait3A_266 = arith.constant 0 : i32
      %dma_wait3A_267 = arith.constant 0 : i32
      %dma_wait3A_268 = tpu.memref_slice %arg8[%dma_wait3A_265, %dma_wait3A_266, %dma_wait3A_267] : memref<5x80x16xf32, #tpu.memory_space<vmem>> -> memref<1x80x16xf32, #tpu.memory_space<vmem>>
      %dma_wait3A_269 = tpu.memref_squeeze %dma_wait3A_268 : memref<1x80x16xf32, #tpu.memory_space<vmem>> -> memref<80x16xf32, #tpu.memory_space<vmem>>
      %dma_wait3A_270 = arith.constant 0 : i32
      %dma_wait3A_271 = tpu.memref_slice %arg6[%add3A_264, %dma_wait3A_270] : memref<125x80xi32, #tpu.memory_space<vmem>> -> memref<1x80xi32, #tpu.memory_space<vmem>>
      %dma_wait3A_272 = tpu.memref_squeeze %dma_wait3A_271 : memref<1x80xi32, #tpu.memory_space<vmem>> -> memref<80xi32, #tpu.memory_space<vmem>>
      %dma_wait3A_273 = arith.constant 0 : i32
      %dma_wait3A_274 = arith.constant 0 : i32
      %dma_wait3A_275 = tpu.memref_slice %arg2[%dma_wait3A_273, %dma_wait3A_274] : memref<10240x16xf32, #tpu.memory_space<hbm>> -> memref<10240x16xf32, #tpu.memory_space<hbm>>
      tpu.wait_indirect_dma semaphore(%arg14 : memref<!tpu.dma_semaphore, #tpu.memory_space<semaphore_mem>>) src(%dma_wait3A_275 : memref<10240x16xf32, #tpu.memory_space<hbm>>) dst(%dma_wait3A_269 : memref<80x16xf32, #tpu.memory_space<vmem>>)
      %run_scoped3A_276 = arith.constant 4 : i32
      "tpu.region"() ({
        %run_scoped3A_290 = tpu.sem_alloc : memref<!tpu.dma_semaphore, #tpu.memory_space<semaphore_mem>>
        %dma_start3A_291 = arith.constant 0 : i32
        %dma_start3A_292 = arith.constant 0 : i32
        %dma_start3A_293 = tpu.memref_slice %arg8[%run_scoped3A_276, %dma_start3A_291, %dma_start3A_292] : memref<5x80x16xf32, #tpu.memory_space<vmem>> -> memref<1x80x16xf32, #tpu.memory_space<vmem>>
        %dma_start3A_294 = tpu.memref_squeeze %dma_start3A_293 : memref<1x80x16xf32, #tpu.memory_space<vmem>> -> memref<80x16xf32, #tpu.memory_space<vmem>>
        %dma_start3A_295 = arith.constant 0 : i32
        %dma_start3A_296 = tpu.memref_slice %arg7[%add3A_264, %dma_start3A_295] : memref<125x80xi32, #tpu.memory_space<vmem>> -> memref<1x80xi32, #tpu.memory_space<vmem>>
        %dma_start3A_297 = tpu.memref_squeeze %dma_start3A_296 : memref<1x80xi32, #tpu.memory_space<vmem>> -> memref<80xi32, #tpu.memory_space<vmem>>
        %dma_start3A_298 = arith.constant 0 : i32
        %dma_start3A_299 = arith.constant 0 : i32
        %dma_start3A_300 = tpu.memref_slice %arg9[%dma_start3A_298, %dma_start3A_299] : memref<10240x16xf32, #tpu.memory_space<vmem_shared>> -> memref<10240x16xf32, #tpu.memory_space<vmem_shared>>
        tpu.enqueue_indirect_dma source(%dma_start3A_294 : memref<80x16xf32, #tpu.memory_space<vmem>>) target(%dma_start3A_300 : memref<10240x16xf32, #tpu.memory_space<vmem_shared>>) offsets(%dma_start3A_297 : memref<80xi32, #tpu.memory_space<vmem>>) semaphore(%run_scoped3A_290 : memref<!tpu.dma_semaphore, #tpu.memory_space<semaphore_mem>>) {add = true}
        %dma_wait3A_301 = arith.constant 0 : i32
        %dma_wait3A_302 = arith.constant 0 : i32
        %dma_wait3A_303 = tpu.memref_slice %arg8[%run_scoped3A_276, %dma_wait3A_301, %dma_wait3A_302] : memref<5x80x16xf32, #tpu.memory_space<vmem>> -> memref<1x80x16xf32, #tpu.memory_space<vmem>>
        %dma_wait3A_304 = tpu.memref_squeeze %dma_wait3A_303 : memref<1x80x16xf32, #tpu.memory_space<vmem>> -> memref<80x16xf32, #tpu.memory_space<vmem>>
        %dma_wait3A_305 = arith.constant 0 : i32
        %dma_wait3A_306 = tpu.memref_slice %arg7[%add3A_264, %dma_wait3A_305] : memref<125x80xi32, #tpu.memory_space<vmem>> -> memref<1x80xi32, #tpu.memory_space<vmem>>
        %dma_wait3A_307 = tpu.memref_squeeze %dma_wait3A_306 : memref<1x80xi32, #tpu.memory_space<vmem>> -> memref<80xi32, #tpu.memory_space<vmem>>
        %dma_wait3A_308 = arith.constant 0 : i32
        %dma_wait3A_309 = arith.constant 0 : i32
        %dma_wait3A_310 = tpu.memref_slice %arg9[%dma_wait3A_308, %dma_wait3A_309] : memref<10240x16xf32, #tpu.memory_space<vmem_shared>> -> memref<10240x16xf32, #tpu.memory_space<vmem_shared>>
        tpu.wait_indirect_dma semaphore(%run_scoped3A_290 : memref<!tpu.dma_semaphore, #tpu.memory_space<semaphore_mem>>) src(%dma_wait3A_304 : memref<80x16xf32, #tpu.memory_space<vmem>>) dst(%dma_wait3A_310 : memref<10240x16xf32, #tpu.memory_space<vmem_shared>>)
        tpu.yield
      }) : () -> ()
      %add3A_277 = arith.constant 5 : i32
      %add3A_278 = arith.addi %add3A_264, %add3A_277 : i32
      %dma_start3A_279 = arith.constant 4 : i32
      %dma_start3A_280 = arith.constant 0 : i32
      %dma_start3A_281 = arith.constant 0 : i32
      %dma_start3A_282 = tpu.memref_slice %arg8[%dma_start3A_279, %dma_start3A_280, %dma_start3A_281] : memref<5x80x16xf32, #tpu.memory_space<vmem>> -> memref<1x80x16xf32, #tpu.memory_space<vmem>>
      %dma_start3A_283 = tpu.memref_squeeze %dma_start3A_282 : memref<1x80x16xf32, #tpu.memory_space<vmem>> -> memref<80x16xf32, #tpu.memory_space<vmem>>
      %dma_start3A_284 = arith.constant 0 : i32
      %dma_start3A_285 = tpu.memref_slice %arg6[%add3A_278, %dma_start3A_284] : memref<125x80xi32, #tpu.memory_space<vmem>> -> memref<1x80xi32, #tpu.memory_space<vmem>>
      %dma_start3A_286 = tpu.memref_squeeze %dma_start3A_285 : memref<1x80xi32, #tpu.memory_space<vmem>> -> memref<80xi32, #tpu.memory_space<vmem>>
      %dma_start3A_287 = arith.constant 0 : i32
      %dma_start3A_288 = arith.constant 0 : i32
      %dma_start3A_289 = tpu.memref_slice %arg2[%dma_start3A_287, %dma_start3A_288] : memref<10240x16xf32, #tpu.memory_space<hbm>> -> memref<10240x16xf32, #tpu.memory_space<hbm>>
      tpu.enqueue_indirect_dma source(%dma_start3A_289 : memref<10240x16xf32, #tpu.memory_space<hbm>>) target(%dma_start3A_283 : memref<80x16xf32, #tpu.memory_space<vmem>>) offsets(%dma_start3A_286 : memref<80xi32, #tpu.memory_space<vmem>>) semaphore(%arg14 : memref<!tpu.dma_semaphore, #tpu.memory_space<semaphore_mem>>)
    }
    %scan3A_69 = arith.constant 24 : i32
    %dma_wait3A = arith.constant 120 : i32
    %dma_wait3A_70 = arith.constant 0 : i32
    %dma_wait3A_71 = arith.constant 0 : i32
    %dma_wait3A_72 = arith.constant 0 : i32
    %dma_wait3A_73 = tpu.memref_slice %arg8[%dma_wait3A_70, %dma_wait3A_71, %dma_wait3A_72] : memref<5x80x16xf32, #tpu.memory_space<vmem>> -> memref<1x80x16xf32, #tpu.memory_space<vmem>>
    %dma_wait3A_74 = tpu.memref_squeeze %dma_wait3A_73 : memref<1x80x16xf32, #tpu.memory_space<vmem>> -> memref<80x16xf32, #tpu.memory_space<vmem>>
    %dma_wait3A_75 = arith.constant 0 : i32
    %dma_wait3A_76 = tpu.memref_slice %arg6[%dma_wait3A, %dma_wait3A_75] : memref<125x80xi32, #tpu.memory_space<vmem>> -> memref<1x80xi32, #tpu.memory_space<vmem>>
    %dma_wait3A_77 = tpu.memref_squeeze %dma_wait3A_76 : memref<1x80xi32, #tpu.memory_space<vmem>> -> memref<80xi32, #tpu.memory_space<vmem>>
    %dma_wait3A_78 = arith.constant 0 : i32
    %dma_wait3A_79 = arith.constant 0 : i32
    %dma_wait3A_80 = tpu.memref_slice %arg2[%dma_wait3A_78, %dma_wait3A_79] : memref<10240x16xf32, #tpu.memory_space<hbm>> -> memref<10240x16xf32, #tpu.memory_space<hbm>>
    tpu.wait_indirect_dma semaphore(%arg10 : memref<!tpu.dma_semaphore, #tpu.memory_space<semaphore_mem>>) src(%dma_wait3A_80 : memref<10240x16xf32, #tpu.memory_space<hbm>>) dst(%dma_wait3A_74 : memref<80x16xf32, #tpu.memory_space<vmem>>)
    %run_scoped3A_81 = arith.constant 0 : i32
    %run_scoped3A_82 = arith.constant 120 : i32
    "tpu.region"() ({
      %run_scoped3A_144 = tpu.sem_alloc : memref<!tpu.dma_semaphore, #tpu.memory_space<semaphore_mem>>
      %dma_start3A_145 = arith.constant 0 : i32
      %dma_start3A_146 = arith.constant 0 : i32
      %dma_start3A_147 = tpu.memref_slice %arg8[%run_scoped3A_81, %dma_start3A_145, %dma_start3A_146] : memref<5x80x16xf32, #tpu.memory_space<vmem>> -> memref<1x80x16xf32, #tpu.memory_space<vmem>>
      %dma_start3A_148 = tpu.memref_squeeze %dma_start3A_147 : memref<1x80x16xf32, #tpu.memory_space<vmem>> -> memref<80x16xf32, #tpu.memory_space<vmem>>
      %dma_start3A_149 = arith.constant 0 : i32
      %dma_start3A_150 = tpu.memref_slice %arg7[%run_scoped3A_82, %dma_start3A_149] : memref<125x80xi32, #tpu.memory_space<vmem>> -> memref<1x80xi32, #tpu.memory_space<vmem>>
      %dma_start3A_151 = tpu.memref_squeeze %dma_start3A_150 : memref<1x80xi32, #tpu.memory_space<vmem>> -> memref<80xi32, #tpu.memory_space<vmem>>
      %dma_start3A_152 = arith.constant 0 : i32
      %dma_start3A_153 = arith.constant 0 : i32
      %dma_start3A_154 = tpu.memref_slice %arg9[%dma_start3A_152, %dma_start3A_153] : memref<10240x16xf32, #tpu.memory_space<vmem_shared>> -> memref<10240x16xf32, #tpu.memory_space<vmem_shared>>
      tpu.enqueue_indirect_dma source(%dma_start3A_148 : memref<80x16xf32, #tpu.memory_space<vmem>>) target(%dma_start3A_154 : memref<10240x16xf32, #tpu.memory_space<vmem_shared>>) offsets(%dma_start3A_151 : memref<80xi32, #tpu.memory_space<vmem>>) semaphore(%run_scoped3A_144 : memref<!tpu.dma_semaphore, #tpu.memory_space<semaphore_mem>>) {add = true}
      %dma_wait3A_155 = arith.constant 0 : i32
      %dma_wait3A_156 = arith.constant 0 : i32
      %dma_wait3A_157 = tpu.memref_slice %arg8[%run_scoped3A_81, %dma_wait3A_155, %dma_wait3A_156] : memref<5x80x16xf32, #tpu.memory_space<vmem>> -> memref<1x80x16xf32, #tpu.memory_space<vmem>>
      %dma_wait3A_158 = tpu.memref_squeeze %dma_wait3A_157 : memref<1x80x16xf32, #tpu.memory_space<vmem>> -> memref<80x16xf32, #tpu.memory_space<vmem>>
      %dma_wait3A_159 = arith.constant 0 : i32
      %dma_wait3A_160 = tpu.memref_slice %arg7[%run_scoped3A_82, %dma_wait3A_159] : memref<125x80xi32, #tpu.memory_space<vmem>> -> memref<1x80xi32, #tpu.memory_space<vmem>>
      %dma_wait3A_161 = tpu.memref_squeeze %dma_wait3A_160 : memref<1x80xi32, #tpu.memory_space<vmem>> -> memref<80xi32, #tpu.memory_space<vmem>>
      %dma_wait3A_162 = arith.constant 0 : i32
      %dma_wait3A_163 = arith.constant 0 : i32
      %dma_wait3A_164 = tpu.memref_slice %arg9[%dma_wait3A_162, %dma_wait3A_163] : memref<10240x16xf32, #tpu.memory_space<vmem_shared>> -> memref<10240x16xf32, #tpu.memory_space<vmem_shared>>
      tpu.wait_indirect_dma semaphore(%run_scoped3A_144 : memref<!tpu.dma_semaphore, #tpu.memory_space<semaphore_mem>>) src(%dma_wait3A_158 : memref<80x16xf32, #tpu.memory_space<vmem>>) dst(%dma_wait3A_164 : memref<10240x16xf32, #tpu.memory_space<vmem_shared>>)
      tpu.yield
    }) : () -> ()
    %dma_wait3A_83 = arith.constant 121 : i32
    %dma_wait3A_84 = arith.constant 1 : i32
    %dma_wait3A_85 = arith.constant 0 : i32
    %dma_wait3A_86 = arith.constant 0 : i32
    %dma_wait3A_87 = tpu.memref_slice %arg8[%dma_wait3A_84, %dma_wait3A_85, %dma_wait3A_86] : memref<5x80x16xf32, #tpu.memory_space<vmem>> -> memref<1x80x16xf32, #tpu.memory_space<vmem>>
    %dma_wait3A_88 = tpu.memref_squeeze %dma_wait3A_87 : memref<1x80x16xf32, #tpu.memory_space<vmem>> -> memref<80x16xf32, #tpu.memory_space<vmem>>
    %dma_wait3A_89 = arith.constant 0 : i32
    %dma_wait3A_90 = tpu.memref_slice %arg6[%dma_wait3A_83, %dma_wait3A_89] : memref<125x80xi32, #tpu.memory_space<vmem>> -> memref<1x80xi32, #tpu.memory_space<vmem>>
    %dma_wait3A_91 = tpu.memref_squeeze %dma_wait3A_90 : memref<1x80xi32, #tpu.memory_space<vmem>> -> memref<80xi32, #tpu.memory_space<vmem>>
    %dma_wait3A_92 = arith.constant 0 : i32
    %dma_wait3A_93 = arith.constant 0 : i32
    %dma_wait3A_94 = tpu.memref_slice %arg2[%dma_wait3A_92, %dma_wait3A_93] : memref<10240x16xf32, #tpu.memory_space<hbm>> -> memref<10240x16xf32, #tpu.memory_space<hbm>>
    tpu.wait_indirect_dma semaphore(%arg11 : memref<!tpu.dma_semaphore, #tpu.memory_space<semaphore_mem>>) src(%dma_wait3A_94 : memref<10240x16xf32, #tpu.memory_space<hbm>>) dst(%dma_wait3A_88 : memref<80x16xf32, #tpu.memory_space<vmem>>)
    %run_scoped3A_95 = arith.constant 1 : i32
    %run_scoped3A_96 = arith.constant 121 : i32
    "tpu.region"() ({
      %run_scoped3A_144 = tpu.sem_alloc : memref<!tpu.dma_semaphore, #tpu.memory_space<semaphore_mem>>
      %dma_start3A_145 = arith.constant 0 : i32
      %dma_start3A_146 = arith.constant 0 : i32
      %dma_start3A_147 = tpu.memref_slice %arg8[%run_scoped3A_95, %dma_start3A_145, %dma_start3A_146] : memref<5x80x16xf32, #tpu.memory_space<vmem>> -> memref<1x80x16xf32, #tpu.memory_space<vmem>>
      %dma_start3A_148 = tpu.memref_squeeze %dma_start3A_147 : memref<1x80x16xf32, #tpu.memory_space<vmem>> -> memref<80x16xf32, #tpu.memory_space<vmem>>
      %dma_start3A_149 = arith.constant 0 : i32
      %dma_start3A_150 = tpu.memref_slice %arg7[%run_scoped3A_96, %dma_start3A_149] : memref<125x80xi32, #tpu.memory_space<vmem>> -> memref<1x80xi32, #tpu.memory_space<vmem>>
      %dma_start3A_151 = tpu.memref_squeeze %dma_start3A_150 : memref<1x80xi32, #tpu.memory_space<vmem>> -> memref<80xi32, #tpu.memory_space<vmem>>
      %dma_start3A_152 = arith.constant 0 : i32
      %dma_start3A_153 = arith.constant 0 : i32
      %dma_start3A_154 = tpu.memref_slice %arg9[%dma_start3A_152, %dma_start3A_153] : memref<10240x16xf32, #tpu.memory_space<vmem_shared>> -> memref<10240x16xf32, #tpu.memory_space<vmem_shared>>
      tpu.enqueue_indirect_dma source(%dma_start3A_148 : memref<80x16xf32, #tpu.memory_space<vmem>>) target(%dma_start3A_154 : memref<10240x16xf32, #tpu.memory_space<vmem_shared>>) offsets(%dma_start3A_151 : memref<80xi32, #tpu.memory_space<vmem>>) semaphore(%run_scoped3A_144 : memref<!tpu.dma_semaphore, #tpu.memory_space<semaphore_mem>>) {add = true}
      %dma_wait3A_155 = arith.constant 0 : i32
      %dma_wait3A_156 = arith.constant 0 : i32
      %dma_wait3A_157 = tpu.memref_slice %arg8[%run_scoped3A_95, %dma_wait3A_155, %dma_wait3A_156] : memref<5x80x16xf32, #tpu.memory_space<vmem>> -> memref<1x80x16xf32, #tpu.memory_space<vmem>>
      %dma_wait3A_158 = tpu.memref_squeeze %dma_wait3A_157 : memref<1x80x16xf32, #tpu.memory_space<vmem>> -> memref<80x16xf32, #tpu.memory_space<vmem>>
      %dma_wait3A_159 = arith.constant 0 : i32
      %dma_wait3A_160 = tpu.memref_slice %arg7[%run_scoped3A_96, %dma_wait3A_159] : memref<125x80xi32, #tpu.memory_space<vmem>> -> memref<1x80xi32, #tpu.memory_space<vmem>>
      %dma_wait3A_161 = tpu.memref_squeeze %dma_wait3A_160 : memref<1x80xi32, #tpu.memory_space<vmem>> -> memref<80xi32, #tpu.memory_space<vmem>>
      %dma_wait3A_162 = arith.constant 0 : i32
      %dma_wait3A_163 = arith.constant 0 : i32
      %dma_wait3A_164 = tpu.memref_slice %arg9[%dma_wait3A_162, %dma_wait3A_163] : memref<10240x16xf32, #tpu.memory_space<vmem_shared>> -> memref<10240x16xf32, #tpu.memory_space<vmem_shared>>
      tpu.wait_indirect_dma semaphore(%run_scoped3A_144 : memref<!tpu.dma_semaphore, #tpu.memory_space<semaphore_mem>>) src(%dma_wait3A_158 : memref<80x16xf32, #tpu.memory_space<vmem>>) dst(%dma_wait3A_164 : memref<10240x16xf32, #tpu.memory_space<vmem_shared>>)
      tpu.yield
    }) : () -> ()
    %dma_wait3A_97 = arith.constant 122 : i32
    %dma_wait3A_98 = arith.constant 2 : i32
    %dma_wait3A_99 = arith.constant 0 : i32
    %dma_wait3A_100 = arith.constant 0 : i32
    %dma_wait3A_101 = tpu.memref_slice %arg8[%dma_wait3A_98, %dma_wait3A_99, %dma_wait3A_100] : memref<5x80x16xf32, #tpu.memory_space<vmem>> -> memref<1x80x16xf32, #tpu.memory_space<vmem>>
    %dma_wait3A_102 = tpu.memref_squeeze %dma_wait3A_101 : memref<1x80x16xf32, #tpu.memory_space<vmem>> -> memref<80x16xf32, #tpu.memory_space<vmem>>
    %dma_wait3A_103 = arith.constant 0 : i32
    %dma_wait3A_104 = tpu.memref_slice %arg6[%dma_wait3A_97, %dma_wait3A_103] : memref<125x80xi32, #tpu.memory_space<vmem>> -> memref<1x80xi32, #tpu.memory_space<vmem>>
    %dma_wait3A_105 = tpu.memref_squeeze %dma_wait3A_104 : memref<1x80xi32, #tpu.memory_space<vmem>> -> memref<80xi32, #tpu.memory_space<vmem>>
    %dma_wait3A_106 = arith.constant 0 : i32
    %dma_wait3A_107 = arith.constant 0 : i32
    %dma_wait3A_108 = tpu.memref_slice %arg2[%dma_wait3A_106, %dma_wait3A_107] : memref<10240x16xf32, #tpu.memory_space<hbm>> -> memref<10240x16xf32, #tpu.memory_space<hbm>>
    tpu.wait_indirect_dma semaphore(%arg12 : memref<!tpu.dma_semaphore, #tpu.memory_space<semaphore_mem>>) src(%dma_wait3A_108 : memref<10240x16xf32, #tpu.memory_space<hbm>>) dst(%dma_wait3A_102 : memref<80x16xf32, #tpu.memory_space<vmem>>)
    %run_scoped3A_109 = arith.constant 2 : i32
    %run_scoped3A_110 = arith.constant 122 : i32
    "tpu.region"() ({
      %run_scoped3A_144 = tpu.sem_alloc : memref<!tpu.dma_semaphore, #tpu.memory_space<semaphore_mem>>
      %dma_start3A_145 = arith.constant 0 : i32
      %dma_start3A_146 = arith.constant 0 : i32
      %dma_start3A_147 = tpu.memref_slice %arg8[%run_scoped3A_109, %dma_start3A_145, %dma_start3A_146] : memref<5x80x16xf32, #tpu.memory_space<vmem>> -> memref<1x80x16xf32, #tpu.memory_space<vmem>>
      %dma_start3A_148 = tpu.memref_squeeze %dma_start3A_147 : memref<1x80x16xf32, #tpu.memory_space<vmem>> -> memref<80x16xf32, #tpu.memory_space<vmem>>
      %dma_start3A_149 = arith.constant 0 : i32
      %dma_start3A_150 = tpu.memref_slice %arg7[%run_scoped3A_110, %dma_start3A_149] : memref<125x80xi32, #tpu.memory_space<vmem>> -> memref<1x80xi32, #tpu.memory_space<vmem>>
      %dma_start3A_151 = tpu.memref_squeeze %dma_start3A_150 : memref<1x80xi32, #tpu.memory_space<vmem>> -> memref<80xi32, #tpu.memory_space<vmem>>
      %dma_start3A_152 = arith.constant 0 : i32
      %dma_start3A_153 = arith.constant 0 : i32
      %dma_start3A_154 = tpu.memref_slice %arg9[%dma_start3A_152, %dma_start3A_153] : memref<10240x16xf32, #tpu.memory_space<vmem_shared>> -> memref<10240x16xf32, #tpu.memory_space<vmem_shared>>
      tpu.enqueue_indirect_dma source(%dma_start3A_148 : memref<80x16xf32, #tpu.memory_space<vmem>>) target(%dma_start3A_154 : memref<10240x16xf32, #tpu.memory_space<vmem_shared>>) offsets(%dma_start3A_151 : memref<80xi32, #tpu.memory_space<vmem>>) semaphore(%run_scoped3A_144 : memref<!tpu.dma_semaphore, #tpu.memory_space<semaphore_mem>>) {add = true}
      %dma_wait3A_155 = arith.constant 0 : i32
      %dma_wait3A_156 = arith.constant 0 : i32
      %dma_wait3A_157 = tpu.memref_slice %arg8[%run_scoped3A_109, %dma_wait3A_155, %dma_wait3A_156] : memref<5x80x16xf32, #tpu.memory_space<vmem>> -> memref<1x80x16xf32, #tpu.memory_space<vmem>>
      %dma_wait3A_158 = tpu.memref_squeeze %dma_wait3A_157 : memref<1x80x16xf32, #tpu.memory_space<vmem>> -> memref<80x16xf32, #tpu.memory_space<vmem>>
      %dma_wait3A_159 = arith.constant 0 : i32
      %dma_wait3A_160 = tpu.memref_slice %arg7[%run_scoped3A_110, %dma_wait3A_159] : memref<125x80xi32, #tpu.memory_space<vmem>> -> memref<1x80xi32, #tpu.memory_space<vmem>>
      %dma_wait3A_161 = tpu.memref_squeeze %dma_wait3A_160 : memref<1x80xi32, #tpu.memory_space<vmem>> -> memref<80xi32, #tpu.memory_space<vmem>>
      %dma_wait3A_162 = arith.constant 0 : i32
      %dma_wait3A_163 = arith.constant 0 : i32
      %dma_wait3A_164 = tpu.memref_slice %arg9[%dma_wait3A_162, %dma_wait3A_163] : memref<10240x16xf32, #tpu.memory_space<vmem_shared>> -> memref<10240x16xf32, #tpu.memory_space<vmem_shared>>
      tpu.wait_indirect_dma semaphore(%run_scoped3A_144 : memref<!tpu.dma_semaphore, #tpu.memory_space<semaphore_mem>>) src(%dma_wait3A_158 : memref<80x16xf32, #tpu.memory_space<vmem>>) dst(%dma_wait3A_164 : memref<10240x16xf32, #tpu.memory_space<vmem_shared>>)
      tpu.yield
    }) : () -> ()
    %dma_wait3A_111 = arith.constant 123 : i32
    %dma_wait3A_112 = arith.constant 3 : i32
    %dma_wait3A_113 = arith.constant 0 : i32
    %dma_wait3A_114 = arith.constant 0 : i32
    %dma_wait3A_115 = tpu.memref_slice %arg8[%dma_wait3A_112, %dma_wait3A_113, %dma_wait3A_114] : memref<5x80x16xf32, #tpu.memory_space<vmem>> -> memref<1x80x16xf32, #tpu.memory_space<vmem>>
    %dma_wait3A_116 = tpu.memref_squeeze %dma_wait3A_115 : memref<1x80x16xf32, #tpu.memory_space<vmem>> -> memref<80x16xf32, #tpu.memory_space<vmem>>
    %dma_wait3A_117 = arith.constant 0 : i32
    %dma_wait3A_118 = tpu.memref_slice %arg6[%dma_wait3A_111, %dma_wait3A_117] : memref<125x80xi32, #tpu.memory_space<vmem>> -> memref<1x80xi32, #tpu.memory_space<vmem>>
    %dma_wait3A_119 = tpu.memref_squeeze %dma_wait3A_118 : memref<1x80xi32, #tpu.memory_space<vmem>> -> memref<80xi32, #tpu.memory_space<vmem>>
    %dma_wait3A_120 = arith.constant 0 : i32
    %dma_wait3A_121 = arith.constant 0 : i32
    %dma_wait3A_122 = tpu.memref_slice %arg2[%dma_wait3A_120, %dma_wait3A_121] : memref<10240x16xf32, #tpu.memory_space<hbm>> -> memref<10240x16xf32, #tpu.memory_space<hbm>>
    tpu.wait_indirect_dma semaphore(%arg13 : memref<!tpu.dma_semaphore, #tpu.memory_space<semaphore_mem>>) src(%dma_wait3A_122 : memref<10240x16xf32, #tpu.memory_space<hbm>>) dst(%dma_wait3A_116 : memref<80x16xf32, #tpu.memory_space<vmem>>)
    %run_scoped3A_123 = arith.constant 3 : i32
    %run_scoped3A_124 = arith.constant 123 : i32
    "tpu.region"() ({
      %run_scoped3A_144 = tpu.sem_alloc : memref<!tpu.dma_semaphore, #tpu.memory_space<semaphore_mem>>
      %dma_start3A_145 = arith.constant 0 : i32
      %dma_start3A_146 = arith.constant 0 : i32
      %dma_start3A_147 = tpu.memref_slice %arg8[%run_scoped3A_123, %dma_start3A_145, %dma_start3A_146] : memref<5x80x16xf32, #tpu.memory_space<vmem>> -> memref<1x80x16xf32, #tpu.memory_space<vmem>>
      %dma_start3A_148 = tpu.memref_squeeze %dma_start3A_147 : memref<1x80x16xf32, #tpu.memory_space<vmem>> -> memref<80x16xf32, #tpu.memory_space<vmem>>
      %dma_start3A_149 = arith.constant 0 : i32
      %dma_start3A_150 = tpu.memref_slice %arg7[%run_scoped3A_124, %dma_start3A_149] : memref<125x80xi32, #tpu.memory_space<vmem>> -> memref<1x80xi32, #tpu.memory_space<vmem>>
      %dma_start3A_151 = tpu.memref_squeeze %dma_start3A_150 : memref<1x80xi32, #tpu.memory_space<vmem>> -> memref<80xi32, #tpu.memory_space<vmem>>
      %dma_start3A_152 = arith.constant 0 : i32
      %dma_start3A_153 = arith.constant 0 : i32
      %dma_start3A_154 = tpu.memref_slice %arg9[%dma_start3A_152, %dma_start3A_153] : memref<10240x16xf32, #tpu.memory_space<vmem_shared>> -> memref<10240x16xf32, #tpu.memory_space<vmem_shared>>
      tpu.enqueue_indirect_dma source(%dma_start3A_148 : memref<80x16xf32, #tpu.memory_space<vmem>>) target(%dma_start3A_154 : memref<10240x16xf32, #tpu.memory_space<vmem_shared>>) offsets(%dma_start3A_151 : memref<80xi32, #tpu.memory_space<vmem>>) semaphore(%run_scoped3A_144 : memref<!tpu.dma_semaphore, #tpu.memory_space<semaphore_mem>>) {add = true}
      %dma_wait3A_155 = arith.constant 0 : i32
      %dma_wait3A_156 = arith.constant 0 : i32
      %dma_wait3A_157 = tpu.memref_slice %arg8[%run_scoped3A_123, %dma_wait3A_155, %dma_wait3A_156] : memref<5x80x16xf32, #tpu.memory_space<vmem>> -> memref<1x80x16xf32, #tpu.memory_space<vmem>>
      %dma_wait3A_158 = tpu.memref_squeeze %dma_wait3A_157 : memref<1x80x16xf32, #tpu.memory_space<vmem>> -> memref<80x16xf32, #tpu.memory_space<vmem>>
      %dma_wait3A_159 = arith.constant 0 : i32
      %dma_wait3A_160 = tpu.memref_slice %arg7[%run_scoped3A_124, %dma_wait3A_159] : memref<125x80xi32, #tpu.memory_space<vmem>> -> memref<1x80xi32, #tpu.memory_space<vmem>>
      %dma_wait3A_161 = tpu.memref_squeeze %dma_wait3A_160 : memref<1x80xi32, #tpu.memory_space<vmem>> -> memref<80xi32, #tpu.memory_space<vmem>>
      %dma_wait3A_162 = arith.constant 0 : i32
      %dma_wait3A_163 = arith.constant 0 : i32
      %dma_wait3A_164 = tpu.memref_slice %arg9[%dma_wait3A_162, %dma_wait3A_163] : memref<10240x16xf32, #tpu.memory_space<vmem_shared>> -> memref<10240x16xf32, #tpu.memory_space<vmem_shared>>
      tpu.wait_indirect_dma semaphore(%run_scoped3A_144 : memref<!tpu.dma_semaphore, #tpu.memory_space<semaphore_mem>>) src(%dma_wait3A_158 : memref<80x16xf32, #tpu.memory_space<vmem>>) dst(%dma_wait3A_164 : memref<10240x16xf32, #tpu.memory_space<vmem_shared>>)
      tpu.yield
    }) : () -> ()
    %dma_wait3A_125 = arith.constant 124 : i32
    %dma_wait3A_126 = arith.constant 4 : i32
    %dma_wait3A_127 = arith.constant 0 : i32
    %dma_wait3A_128 = arith.constant 0 : i32
    %dma_wait3A_129 = tpu.memref_slice %arg8[%dma_wait3A_126, %dma_wait3A_127, %dma_wait3A_128] : memref<5x80x16xf32, #tpu.memory_space<vmem>> -> memref<1x80x16xf32, #tpu.memory_space<vmem>>
    %dma_wait3A_130 = tpu.memref_squeeze %dma_wait3A_129 : memref<1x80x16xf32, #tpu.memory_space<vmem>> -> memref<80x16xf32, #tpu.memory_space<vmem>>
    %dma_wait3A_131 = arith.constant 0 : i32
    %dma_wait3A_132 = tpu.memref_slice %arg6[%dma_wait3A_125, %dma_wait3A_131] : memref<125x80xi32, #tpu.memory_space<vmem>> -> memref<1x80xi32, #tpu.memory_space<vmem>>
    %dma_wait3A_133 = tpu.memref_squeeze %dma_wait3A_132 : memref<1x80xi32, #tpu.memory_space<vmem>> -> memref<80xi32, #tpu.memory_space<vmem>>
    %dma_wait3A_134 = arith.constant 0 : i32
    %dma_wait3A_135 = arith.constant 0 : i32
    %dma_wait3A_136 = tpu.memref_slice %arg2[%dma_wait3A_134, %dma_wait3A_135] : memref<10240x16xf32, #tpu.memory_space<hbm>> -> memref<10240x16xf32, #tpu.memory_space<hbm>>
    tpu.wait_indirect_dma semaphore(%arg14 : memref<!tpu.dma_semaphore, #tpu.memory_space<semaphore_mem>>) src(%dma_wait3A_136 : memref<10240x16xf32, #tpu.memory_space<hbm>>) dst(%dma_wait3A_130 : memref<80x16xf32, #tpu.memory_space<vmem>>)
    %run_scoped3A_137 = arith.constant 4 : i32
    %run_scoped3A_138 = arith.constant 124 : i32
    "tpu.region"() ({
      %run_scoped3A_144 = tpu.sem_alloc : memref<!tpu.dma_semaphore, #tpu.memory_space<semaphore_mem>>
      %dma_start3A_145 = arith.constant 0 : i32
      %dma_start3A_146 = arith.constant 0 : i32
      %dma_start3A_147 = tpu.memref_slice %arg8[%run_scoped3A_137, %dma_start3A_145, %dma_start3A_146] : memref<5x80x16xf32, #tpu.memory_space<vmem>> -> memref<1x80x16xf32, #tpu.memory_space<vmem>>
      %dma_start3A_148 = tpu.memref_squeeze %dma_start3A_147 : memref<1x80x16xf32, #tpu.memory_space<vmem>> -> memref<80x16xf32, #tpu.memory_space<vmem>>
      %dma_start3A_149 = arith.constant 0 : i32
      %dma_start3A_150 = tpu.memref_slice %arg7[%run_scoped3A_138, %dma_start3A_149] : memref<125x80xi32, #tpu.memory_space<vmem>> -> memref<1x80xi32, #tpu.memory_space<vmem>>
      %dma_start3A_151 = tpu.memref_squeeze %dma_start3A_150 : memref<1x80xi32, #tpu.memory_space<vmem>> -> memref<80xi32, #tpu.memory_space<vmem>>
      %dma_start3A_152 = arith.constant 0 : i32
      %dma_start3A_153 = arith.constant 0 : i32
      %dma_start3A_154 = tpu.memref_slice %arg9[%dma_start3A_152, %dma_start3A_153] : memref<10240x16xf32, #tpu.memory_space<vmem_shared>> -> memref<10240x16xf32, #tpu.memory_space<vmem_shared>>
      tpu.enqueue_indirect_dma source(%dma_start3A_148 : memref<80x16xf32, #tpu.memory_space<vmem>>) target(%dma_start3A_154 : memref<10240x16xf32, #tpu.memory_space<vmem_shared>>) offsets(%dma_start3A_151 : memref<80xi32, #tpu.memory_space<vmem>>) semaphore(%run_scoped3A_144 : memref<!tpu.dma_semaphore, #tpu.memory_space<semaphore_mem>>) {add = true}
      %dma_wait3A_155 = arith.constant 0 : i32
      %dma_wait3A_156 = arith.constant 0 : i32
      %dma_wait3A_157 = tpu.memref_slice %arg8[%run_scoped3A_137, %dma_wait3A_155, %dma_wait3A_156] : memref<5x80x16xf32, #tpu.memory_space<vmem>> -> memref<1x80x16xf32, #tpu.memory_space<vmem>>
      %dma_wait3A_158 = tpu.memref_squeeze %dma_wait3A_157 : memref<1x80x16xf32, #tpu.memory_space<vmem>> -> memref<80x16xf32, #tpu.memory_space<vmem>>
      %dma_wait3A_159 = arith.constant 0 : i32
      %dma_wait3A_160 = tpu.memref_slice %arg7[%run_scoped3A_138, %dma_wait3A_159] : memref<125x80xi32, #tpu.memory_space<vmem>> -> memref<1x80xi32, #tpu.memory_space<vmem>>
      %dma_wait3A_161 = tpu.memref_squeeze %dma_wait3A_160 : memref<1x80xi32, #tpu.memory_space<vmem>> -> memref<80xi32, #tpu.memory_space<vmem>>
      %dma_wait3A_162 = arith.constant 0 : i32
      %dma_wait3A_163 = arith.constant 0 : i32
      %dma_wait3A_164 = tpu.memref_slice %arg9[%dma_wait3A_162, %dma_wait3A_163] : memref<10240x16xf32, #tpu.memory_space<vmem_shared>> -> memref<10240x16xf32, #tpu.memory_space<vmem_shared>>
      tpu.wait_indirect_dma semaphore(%run_scoped3A_144 : memref<!tpu.dma_semaphore, #tpu.memory_space<semaphore_mem>>) src(%dma_wait3A_158 : memref<80x16xf32, #tpu.memory_space<vmem>>) dst(%dma_wait3A_164 : memref<10240x16xf32, #tpu.memory_space<vmem_shared>>)
      tpu.yield
    }) : () -> ()
    %barrier3A_139 = arith.constant 0 : index
    tpu.barrier barrier_id(%barrier3A_139)
    %mul3A_140 = arith.constant 640 : i32
    %mul3A_141 = arith.muli %arg1, %mul3A_140 : i32
    %mul3A_142 = arith.constant 640 : i32
    %mul3A_143 = arith.muli %arg1, %mul3A_142 : i32
    "tpu.region"() ({
      %run_scoped3A_144 = tpu.sem_alloc : memref<!tpu.dma_semaphore, #tpu.memory_space<semaphore_mem>>
      %dma_start3A_145 = arith.constant 0 : i32
      %dma_start3A_146 = tpu.memref_slice %arg5[%arg0, %mul3A_143, %dma_start3A_145] : memref<2x10240x16xf32, #tpu.memory_space<hbm>> -> memref<1x640x16xf32, #tpu.memory_space<hbm>>
      %dma_start3A_147 = tpu.memref_squeeze %dma_start3A_146 : memref<1x640x16xf32, #tpu.memory_space<hbm>> -> memref<640x16xf32, #tpu.memory_space<hbm>>
      %dma_start3A_148 = arith.constant 0 : i32
      %dma_start3A_149 = tpu.memref_slice %arg9[%mul3A_141, %dma_start3A_148] : memref<10240x16xf32, #tpu.memory_space<vmem_shared>> -> memref<640x16xf32, #tpu.memory_space<vmem_shared>>
      tpu.enqueue_dma source(%dma_start3A_149 : memref<640x16xf32, #tpu.memory_space<vmem_shared>>) target(%dma_start3A_147 : memref<640x16xf32, #tpu.memory_space<hbm>>) target_semaphore(%run_scoped3A_144 : memref<!tpu.dma_semaphore, #tpu.memory_space<semaphore_mem>>)
      %dma_wait3A_150 = arith.constant 0 : i32
      %dma_wait3A_151 = tpu.memref_slice %arg5[%arg0, %mul3A_143, %dma_wait3A_150] : memref<2x10240x16xf32, #tpu.memory_space<hbm>> -> memref<1x640x16xf32, #tpu.memory_space<hbm>>
      %dma_wait3A_152 = tpu.memref_squeeze %dma_wait3A_151 : memref<1x640x16xf32, #tpu.memory_space<hbm>> -> memref<640x16xf32, #tpu.memory_space<hbm>>
      %dma_wait3A_153 = arith.constant 0 : i32
      %dma_wait3A_154 = tpu.memref_slice %arg9[%mul3A_141, %dma_wait3A_153] : memref<10240x16xf32, #tpu.memory_space<vmem_shared>> -> memref<640x16xf32, #tpu.memory_space<vmem_shared>>
      tpu.wait_dma2 semaphore(%run_scoped3A_144 : memref<!tpu.dma_semaphore, #tpu.memory_space<semaphore_mem>>) src(%dma_wait3A_154 : memref<640x16xf32, #tpu.memory_space<vmem_shared>>) dst(%dma_wait3A_152 : memref<640x16xf32, #tpu.memory_space<hbm>>)
      tpu.yield
    }) : () -> ()
    return
  }
}

module attributes {stable_mosaic.version = 14 : i64} {
  func.func @_tc1_body(%arg0: i32, %arg1: memref<10240x128xf32, #tpu.memory_space<vmem>>, %arg2: memref<128x16xf32, #tpu.memory_space<vmem>>, %arg3: memref<2x10240xf32, #tpu.memory_space<vmem>>, %arg4: memref<10240x16xf32, #tpu.memory_space<vmem>>, %arg5: memref<10240x1xf32, #tpu.memory_space<vmem>>) attributes {dimension_semantics = [#tpu.dimension_semantics<arbitrary>], iteration_bounds = array<i64: 1>, scalar_prefetch = 0 : i64, scratch_operands = 0 : i64, tpu.core_type = #tpu.core_type<tc>, window_params = [{transform_indices = @transform_0, window_bounds = array<i64: 10240, 128>}, {pipeline_mode = #tpu.pipeline_mode<synchronous>, transform_indices = @transform_1, window_bounds = array<i64: 128, 16>}, {transform_indices = @transform_2, window_bounds = array<i64: 2, 10240>}, {transform_indices = @transform_3, window_bounds = array<i64: 10240, 16>}, {transform_indices = @transform_4, window_bounds = array<i64: 10240, 1>}]} {
    %get3A = arith.constant 0 : index
    %get3A_0 = arith.constant 0 : index
    %get3A_1 = vector.load %arg3[%get3A, %get3A_0] : memref<2x10240xf32, #tpu.memory_space<vmem>>, vector<1x10240xf32>
    %get3A_2 = arith.constant 1 : index
    %get3A_3 = arith.constant 0 : index
    %get3A_4 = vector.load %arg3[%get3A_2, %get3A_3] : memref<2x10240xf32, #tpu.memory_space<vmem>>, vector<1x10240xf32>
    %add3A = arith.addf %get3A_1, %get3A_4 : vector<1x10240xf32>
    %add3A_5 = arith.constant 1.000000e+00 : f32
    %add3A_6 = vector.broadcast %add3A_5 : f32 to vector<1x10240xf32>
    %add3A_7 = arith.addf %add3A, %add3A_6 : vector<1x10240xf32>
    %rsqrt3A = math.rsqrt %add3A_7 : vector<1x10240xf32>
    %transpose3A = tpu.transpose %rsqrt3A, [1, 0] : vector<1x10240xf32> -> vector<10240x1xf32>
    %get3A_8 = arith.constant 0 : index
    %get3A_9 = arith.constant 0 : index
    %get3A_10 = vector.load %arg1[%get3A_8, %get3A_9] : memref<10240x128xf32, #tpu.memory_space<vmem>>, vector<10240x128xf32>
    %get3A_11 = arith.constant 0 : index
    %get3A_12 = arith.constant 0 : index
    %get3A_13 = vector.load %arg2[%get3A_11, %get3A_12] : memref<128x16xf32, #tpu.memory_space<vmem>>, vector<128x16xf32>
    %dot_general3A = arith.constant dense<0.000000e+00> : vector<10240x16xf32>
    %dot_general3A_14 = tpu.matmul %get3A_10, %get3A_13, %dot_general3A {dimension_numbers = #tpu.dot_dimension_numbers<[1], [0], [0], [1], [0, 0, 1, 1], [], []>, transpose_lhs_hint = false} : vector<10240x128xf32>, vector<128x16xf32>, vector<10240x16xf32> -> vector<10240x16xf32>
    %mul3A = vector.broadcast %transpose3A : vector<10240x1xf32> to vector<10240x16xf32>
    %mul3A_15 = arith.mulf %dot_general3A_14, %mul3A : vector<10240x16xf32>
    %swap3A = arith.constant 0 : index
    %swap3A_16 = arith.constant 0 : index
    %swap3A_17 = vector.load %arg4[%swap3A, %swap3A_16] : memref<10240x16xf32, #tpu.memory_space<vmem>>, vector<10240x16xf32>
    tpu.vector_store %arg4[%swap3A, %swap3A_16], %mul3A_15 {strides = array<i32>} : memref<10240x16xf32, #tpu.memory_space<vmem>>, vector<10240x16xf32>,
    %swap3A_18 = arith.constant 0 : index
    %swap3A_19 = arith.constant 0 : index
    %swap3A_20 = vector.load %arg5[%swap3A_18, %swap3A_19] : memref<10240x1xf32, #tpu.memory_space<vmem>>, vector<10240x1xf32>
    tpu.vector_store %arg5[%swap3A_18, %swap3A_19], %transpose3A {strides = array<i32>} : memref<10240x1xf32, #tpu.memory_space<vmem>>, vector<10240x1xf32>,
    return
  }
  func.func @transform_0(%arg0: i32) -> (i32, i32) {
    %c0_i32 = arith.constant 0 : i32
    %c0_i32_0 = arith.constant 0 : i32
    return %arg0, %c0_i32 : i32, i32
  }
  func.func @transform_1(%arg0: i32) -> (i32, i32) {
    %c0_i32 = arith.constant 0 : i32
    %c0_i32_0 = arith.constant 0 : i32
    %c0_i32_1 = arith.constant 0 : i32
    return %c0_i32, %c0_i32_0 : i32, i32
  }
  func.func @transform_2(%arg0: i32) -> (i32, i32) {
    %c0_i32 = arith.constant 0 : i32
    %c0_i32_0 = arith.constant 0 : i32
    return %c0_i32, %arg0 : i32, i32
  }
  func.func @transform_3(%arg0: i32) -> (i32, i32) {
    %c0_i32 = arith.constant 0 : i32
    %c0_i32_0 = arith.constant 0 : i32
    return %arg0, %c0_i32 : i32, i32
  }
  func.func @transform_4(%arg0: i32) -> (i32, i32) {
    %c0_i32 = arith.constant 0 : i32
    %c0_i32_0 = arith.constant 0 : i32
    return %arg0, %c0_i32 : i32, i32
  }
}

module attributes {stable_mosaic.version = 14 : i64} {
  func.func @_tc_mid_body(%arg0: i32, %arg1: memref<2x10240x16xf32, #tpu.memory_space<vmem>>, %arg2: memref<10240x16xf32, #tpu.memory_space<vmem>>, %arg3: memref<10240x1xf32, #tpu.memory_space<vmem>>, %arg4: memref<16x32xf32, #tpu.memory_space<vmem>>, %arg5: memref<1x16xf32, #tpu.memory_space<vmem>>, %arg6: memref<10240x32xf32, #tpu.memory_space<vmem>>) attributes {dimension_semantics = [#tpu.dimension_semantics<arbitrary>], iteration_bounds = array<i64: 1>, scalar_prefetch = 0 : i64, scratch_operands = 0 : i64, tpu.core_type = #tpu.core_type<tc>, window_params = [{transform_indices = @transform_0, window_bounds = array<i64: 2, 10240, 16>}, {transform_indices = @transform_1, window_bounds = array<i64: 10240, 16>}, {transform_indices = @transform_2, window_bounds = array<i64: 10240, 1>}, {pipeline_mode = #tpu.pipeline_mode<synchronous>, transform_indices = @transform_3, window_bounds = array<i64: 16, 32>}, {pipeline_mode = #tpu.pipeline_mode<synchronous>, transform_indices = @transform_4, window_bounds = array<i64: 1, 16>}, {transform_indices = @transform_5, window_bounds = array<i64: 10240, 32>}]} {
    %get3A = arith.constant 0 : index
    %get3A_0 = arith.constant 0 : index
    %get3A_1 = vector.load %arg3[%get3A, %get3A_0] : memref<10240x1xf32, #tpu.memory_space<vmem>>, vector<10240x1xf32>
    %get3A_2 = arith.constant 0 : index
    %get3A_3 = arith.constant 0 : index
    %get3A_4 = arith.constant 0 : index
    %get3A_5 = vector.load %arg1[%get3A_2, %get3A_3, %get3A_4] : memref<2x10240x16xf32, #tpu.memory_space<vmem>>, vector<1x10240x16xf32>
    %get3A_6 = vector.shape_cast %get3A_5 : vector<1x10240x16xf32> to vector<10240x16xf32>
    %get3A_7 = arith.constant 1 : index
    %get3A_8 = arith.constant 0 : index
    %get3A_9 = arith.constant 0 : index
    %get3A_10 = vector.load %arg1[%get3A_7, %get3A_8, %get3A_9] : memref<2x10240x16xf32, #tpu.memory_space<vmem>>, vector<1x10240x16xf32>
    %get3A_11 = vector.shape_cast %get3A_10 : vector<1x10240x16xf32> to vector<10240x16xf32>
    %add3A = arith.addf %get3A_6, %get3A_11 : vector<10240x16xf32>
    %get3A_12 = arith.constant 0 : index
    %get3A_13 = arith.constant 0 : index
    %get3A_14 = vector.load %arg2[%get3A_12, %get3A_13] : memref<10240x16xf32, #tpu.memory_space<vmem>>, vector<10240x16xf32>
    %add3A_15 = arith.addf %add3A, %get3A_14 : vector<10240x16xf32>
    %mul3A = vector.broadcast %get3A_1 : vector<10240x1xf32> to vector<10240x16xf32>
    %mul3A_16 = arith.mulf %mul3A, %add3A_15 : vector<10240x16xf32>
    %get3A_17 = arith.constant 0 : index
    %get3A_18 = arith.constant 0 : index
    %get3A_19 = vector.load %arg5[%get3A_17, %get3A_18] : memref<1x16xf32, #tpu.memory_space<vmem>>, vector<1x16xf32>
    %add3A_20 = vector.broadcast %get3A_19 : vector<1x16xf32> to vector<10240x16xf32>
    %add3A_21 = arith.addf %mul3A_16, %add3A_20 : vector<10240x16xf32>
    %max3A = arith.constant 0.000000e+00 : f32
    %max3A_22 = vector.broadcast %max3A : f32 to vector<10240x16xf32>
    %max3A_23 = arith.maximumf %add3A_21, %max3A_22 : vector<10240x16xf32>
    %get3A_24 = arith.constant 0 : index
    %get3A_25 = arith.constant 0 : index
    %get3A_26 = vector.load %arg4[%get3A_24, %get3A_25] : memref<16x32xf32, #tpu.memory_space<vmem>>, vector<16x32xf32>
    %dot_general3A = arith.constant dense<0.000000e+00> : vector<10240x32xf32>
    %dot_general3A_27 = tpu.matmul %max3A_23, %get3A_26, %dot_general3A {dimension_numbers = #tpu.dot_dimension_numbers<[1], [0], [0], [1], [0, 0, 1, 1], [], []>, transpose_lhs_hint = false} : vector<10240x16xf32>, vector<16x32xf32>, vector<10240x32xf32> -> vector<10240x32xf32>
    %mul3A_28 = vector.broadcast %get3A_1 : vector<10240x1xf32> to vector<10240x32xf32>
    %mul3A_29 = arith.mulf %dot_general3A_27, %mul3A_28 : vector<10240x32xf32>
    %swap3A = arith.constant 0 : index
    %swap3A_30 = arith.constant 0 : index
    %swap3A_31 = vector.load %arg6[%swap3A, %swap3A_30] : memref<10240x32xf32, #tpu.memory_space<vmem>>, vector<10240x32xf32>
    tpu.vector_store %arg6[%swap3A, %swap3A_30], %mul3A_29 {strides = array<i32>} : memref<10240x32xf32, #tpu.memory_space<vmem>>, vector<10240x32xf32>,
    return
  }
  func.func @transform_0(%arg0: i32) -> (i32, i32, i32) {
    %c0_i32 = arith.constant 0 : i32
    %c0_i32_0 = arith.constant 0 : i32
    %c0_i32_1 = arith.constant 0 : i32
    return %c0_i32, %arg0, %c0_i32_0 : i32, i32, i32
  }
  func.func @transform_1(%arg0: i32) -> (i32, i32) {
    %c0_i32 = arith.constant 0 : i32
    %c0_i32_0 = arith.constant 0 : i32
    return %arg0, %c0_i32 : i32, i32
  }
  func.func @transform_2(%arg0: i32) -> (i32, i32) {
    %c0_i32 = arith.constant 0 : i32
    %c0_i32_0 = arith.constant 0 : i32
    return %arg0, %c0_i32 : i32, i32
  }
  func.func @transform_3(%arg0: i32) -> (i32, i32) {
    %c0_i32 = arith.constant 0 : i32
    %c0_i32_0 = arith.constant 0 : i32
    %c0_i32_1 = arith.constant 0 : i32
    return %c0_i32, %c0_i32_0 : i32, i32
  }
  func.func @transform_4(%arg0: i32) -> (i32, i32) {
    %c0_i32 = arith.constant 0 : i32
    %c0_i32_0 = arith.constant 0 : i32
    %c0_i32_1 = arith.constant 0 : i32
    return %c0_i32, %c0_i32_0 : i32, i32
  }
  func.func @transform_5(%arg0: i32) -> (i32, i32) {
    %c0_i32 = arith.constant 0 : i32
    %c0_i32_0 = arith.constant 0 : i32
    return %arg0, %c0_i32 : i32, i32
  }
}

module attributes {stable_mosaic.version = 14 : i64} {
  func.func @_tc_mid_body(%arg0: i32, %arg1: memref<2x10240x32xf32, #tpu.memory_space<vmem>>, %arg2: memref<10240x32xf32, #tpu.memory_space<vmem>>, %arg3: memref<10240x1xf32, #tpu.memory_space<vmem>>, %arg4: memref<32x64xf32, #tpu.memory_space<vmem>>, %arg5: memref<1x32xf32, #tpu.memory_space<vmem>>, %arg6: memref<10240x64xf32, #tpu.memory_space<vmem>>) attributes {dimension_semantics = [#tpu.dimension_semantics<arbitrary>], iteration_bounds = array<i64: 1>, scalar_prefetch = 0 : i64, scratch_operands = 0 : i64, tpu.core_type = #tpu.core_type<tc>, window_params = [{transform_indices = @transform_0, window_bounds = array<i64: 2, 10240, 32>}, {transform_indices = @transform_1, window_bounds = array<i64: 10240, 32>}, {transform_indices = @transform_2, window_bounds = array<i64: 10240, 1>}, {pipeline_mode = #tpu.pipeline_mode<synchronous>, transform_indices = @transform_3, window_bounds = array<i64: 32, 64>}, {pipeline_mode = #tpu.pipeline_mode<synchronous>, transform_indices = @transform_4, window_bounds = array<i64: 1, 32>}, {transform_indices = @transform_5, window_bounds = array<i64: 10240, 64>}]} {
    %get3A = arith.constant 0 : index
    %get3A_0 = arith.constant 0 : index
    %get3A_1 = vector.load %arg3[%get3A, %get3A_0] : memref<10240x1xf32, #tpu.memory_space<vmem>>, vector<10240x1xf32>
    %get3A_2 = arith.constant 0 : index
    %get3A_3 = arith.constant 0 : index
    %get3A_4 = arith.constant 0 : index
    %get3A_5 = vector.load %arg1[%get3A_2, %get3A_3, %get3A_4] : memref<2x10240x32xf32, #tpu.memory_space<vmem>>, vector<1x10240x32xf32>
    %get3A_6 = vector.shape_cast %get3A_5 : vector<1x10240x32xf32> to vector<10240x32xf32>
    %get3A_7 = arith.constant 1 : index
    %get3A_8 = arith.constant 0 : index
    %get3A_9 = arith.constant 0 : index
    %get3A_10 = vector.load %arg1[%get3A_7, %get3A_8, %get3A_9] : memref<2x10240x32xf32, #tpu.memory_space<vmem>>, vector<1x10240x32xf32>
    %get3A_11 = vector.shape_cast %get3A_10 : vector<1x10240x32xf32> to vector<10240x32xf32>
    %add3A = arith.addf %get3A_6, %get3A_11 : vector<10240x32xf32>
    %get3A_12 = arith.constant 0 : index
    %get3A_13 = arith.constant 0 : index
    %get3A_14 = vector.load %arg2[%get3A_12, %get3A_13] : memref<10240x32xf32, #tpu.memory_space<vmem>>, vector<10240x32xf32>
    %add3A_15 = arith.addf %add3A, %get3A_14 : vector<10240x32xf32>
    %mul3A = vector.broadcast %get3A_1 : vector<10240x1xf32> to vector<10240x32xf32>
    %mul3A_16 = arith.mulf %mul3A, %add3A_15 : vector<10240x32xf32>
    %get3A_17 = arith.constant 0 : index
    %get3A_18 = arith.constant 0 : index
    %get3A_19 = vector.load %arg5[%get3A_17, %get3A_18] : memref<1x32xf32, #tpu.memory_space<vmem>>, vector<1x32xf32>
    %add3A_20 = vector.broadcast %get3A_19 : vector<1x32xf32> to vector<10240x32xf32>
    %add3A_21 = arith.addf %mul3A_16, %add3A_20 : vector<10240x32xf32>
    %max3A = arith.constant 0.000000e+00 : f32
    %max3A_22 = vector.broadcast %max3A : f32 to vector<10240x32xf32>
    %max3A_23 = arith.maximumf %add3A_21, %max3A_22 : vector<10240x32xf32>
    %get3A_24 = arith.constant 0 : index
    %get3A_25 = arith.constant 0 : index
    %get3A_26 = vector.load %arg4[%get3A_24, %get3A_25] : memref<32x64xf32, #tpu.memory_space<vmem>>, vector<32x64xf32>
    %dot_general3A = arith.constant dense<0.000000e+00> : vector<10240x64xf32>
    %dot_general3A_27 = tpu.matmul %max3A_23, %get3A_26, %dot_general3A {dimension_numbers = #tpu.dot_dimension_numbers<[1], [0], [0], [1], [0, 0, 1, 1], [], []>, transpose_lhs_hint = false} : vector<10240x32xf32>, vector<32x64xf32>, vector<10240x64xf32> -> vector<10240x64xf32>
    %mul3A_28 = vector.broadcast %get3A_1 : vector<10240x1xf32> to vector<10240x64xf32>
    %mul3A_29 = arith.mulf %dot_general3A_27, %mul3A_28 : vector<10240x64xf32>
    %swap3A = arith.constant 0 : index
    %swap3A_30 = arith.constant 0 : index
    %swap3A_31 = vector.load %arg6[%swap3A, %swap3A_30] : memref<10240x64xf32, #tpu.memory_space<vmem>>, vector<10240x64xf32>
    tpu.vector_store %arg6[%swap3A, %swap3A_30], %mul3A_29 {strides = array<i32>} : memref<10240x64xf32, #tpu.memory_space<vmem>>, vector<10240x64xf32>,
    return
  }
  func.func @transform_0(%arg0: i32) -> (i32, i32, i32) {
    %c0_i32 = arith.constant 0 : i32
    %c0_i32_0 = arith.constant 0 : i32
    %c0_i32_1 = arith.constant 0 : i32
    return %c0_i32, %arg0, %c0_i32_0 : i32, i32, i32
  }
  func.func @transform_1(%arg0: i32) -> (i32, i32) {
    %c0_i32 = arith.constant 0 : i32
    %c0_i32_0 = arith.constant 0 : i32
    return %arg0, %c0_i32 : i32, i32
  }
  func.func @transform_2(%arg0: i32) -> (i32, i32) {
    %c0_i32 = arith.constant 0 : i32
    %c0_i32_0 = arith.constant 0 : i32
    return %arg0, %c0_i32 : i32, i32
  }
  func.func @transform_3(%arg0: i32) -> (i32, i32) {
    %c0_i32 = arith.constant 0 : i32
    %c0_i32_0 = arith.constant 0 : i32
    %c0_i32_1 = arith.constant 0 : i32
    return %c0_i32, %c0_i32_0 : i32, i32
  }
  func.func @transform_4(%arg0: i32) -> (i32, i32) {
    %c0_i32 = arith.constant 0 : i32
    %c0_i32_0 = arith.constant 0 : i32
    %c0_i32_1 = arith.constant 0 : i32
    return %c0_i32, %c0_i32_0 : i32, i32
  }
  func.func @transform_5(%arg0: i32) -> (i32, i32) {
    %c0_i32 = arith.constant 0 : i32
    %c0_i32_0 = arith.constant 0 : i32
    return %arg0, %c0_i32 : i32, i32
  }
}

module attributes {stable_mosaic.version = 14 : i64} {
  func.func @_tc_mid_body(%arg0: i32, %arg1: memref<2x10240x64xf32, #tpu.memory_space<vmem>>, %arg2: memref<10240x64xf32, #tpu.memory_space<vmem>>, %arg3: memref<10240x1xf32, #tpu.memory_space<vmem>>, %arg4: memref<64x16xf32, #tpu.memory_space<vmem>>, %arg5: memref<1x64xf32, #tpu.memory_space<vmem>>, %arg6: memref<10240x16xf32, #tpu.memory_space<vmem>>) attributes {dimension_semantics = [#tpu.dimension_semantics<arbitrary>], iteration_bounds = array<i64: 1>, scalar_prefetch = 0 : i64, scratch_operands = 0 : i64, tpu.core_type = #tpu.core_type<tc>, window_params = [{transform_indices = @transform_0, window_bounds = array<i64: 2, 10240, 64>}, {transform_indices = @transform_1, window_bounds = array<i64: 10240, 64>}, {transform_indices = @transform_2, window_bounds = array<i64: 10240, 1>}, {pipeline_mode = #tpu.pipeline_mode<synchronous>, transform_indices = @transform_3, window_bounds = array<i64: 64, 16>}, {pipeline_mode = #tpu.pipeline_mode<synchronous>, transform_indices = @transform_4, window_bounds = array<i64: 1, 64>}, {transform_indices = @transform_5, window_bounds = array<i64: 10240, 16>}]} {
    %get3A = arith.constant 0 : index
    %get3A_0 = arith.constant 0 : index
    %get3A_1 = vector.load %arg3[%get3A, %get3A_0] : memref<10240x1xf32, #tpu.memory_space<vmem>>, vector<10240x1xf32>
    %get3A_2 = arith.constant 0 : index
    %get3A_3 = arith.constant 0 : index
    %get3A_4 = arith.constant 0 : index
    %get3A_5 = vector.load %arg1[%get3A_2, %get3A_3, %get3A_4] : memref<2x10240x64xf32, #tpu.memory_space<vmem>>, vector<1x10240x64xf32>
    %get3A_6 = vector.shape_cast %get3A_5 : vector<1x10240x64xf32> to vector<10240x64xf32>
    %get3A_7 = arith.constant 1 : index
    %get3A_8 = arith.constant 0 : index
    %get3A_9 = arith.constant 0 : index
    %get3A_10 = vector.load %arg1[%get3A_7, %get3A_8, %get3A_9] : memref<2x10240x64xf32, #tpu.memory_space<vmem>>, vector<1x10240x64xf32>
    %get3A_11 = vector.shape_cast %get3A_10 : vector<1x10240x64xf32> to vector<10240x64xf32>
    %add3A = arith.addf %get3A_6, %get3A_11 : vector<10240x64xf32>
    %get3A_12 = arith.constant 0 : index
    %get3A_13 = arith.constant 0 : index
    %get3A_14 = vector.load %arg2[%get3A_12, %get3A_13] : memref<10240x64xf32, #tpu.memory_space<vmem>>, vector<10240x64xf32>
    %add3A_15 = arith.addf %add3A, %get3A_14 : vector<10240x64xf32>
    %mul3A = vector.broadcast %get3A_1 : vector<10240x1xf32> to vector<10240x64xf32>
    %mul3A_16 = arith.mulf %mul3A, %add3A_15 : vector<10240x64xf32>
    %get3A_17 = arith.constant 0 : index
    %get3A_18 = arith.constant 0 : index
    %get3A_19 = vector.load %arg5[%get3A_17, %get3A_18] : memref<1x64xf32, #tpu.memory_space<vmem>>, vector<1x64xf32>
    %add3A_20 = vector.broadcast %get3A_19 : vector<1x64xf32> to vector<10240x64xf32>
    %add3A_21 = arith.addf %mul3A_16, %add3A_20 : vector<10240x64xf32>
    %max3A = arith.constant 0.000000e+00 : f32
    %max3A_22 = vector.broadcast %max3A : f32 to vector<10240x64xf32>
    %max3A_23 = arith.maximumf %add3A_21, %max3A_22 : vector<10240x64xf32>
    %get3A_24 = arith.constant 0 : index
    %get3A_25 = arith.constant 0 : index
    %get3A_26 = vector.load %arg4[%get3A_24, %get3A_25] : memref<64x16xf32, #tpu.memory_space<vmem>>, vector<64x16xf32>
    %dot_general3A = arith.constant dense<0.000000e+00> : vector<10240x16xf32>
    %dot_general3A_27 = tpu.matmul %max3A_23, %get3A_26, %dot_general3A {dimension_numbers = #tpu.dot_dimension_numbers<[1], [0], [0], [1], [0, 0, 1, 1], [], []>, transpose_lhs_hint = false} : vector<10240x64xf32>, vector<64x16xf32>, vector<10240x16xf32> -> vector<10240x16xf32>
    %mul3A_28 = vector.broadcast %get3A_1 : vector<10240x1xf32> to vector<10240x16xf32>
    %mul3A_29 = arith.mulf %dot_general3A_27, %mul3A_28 : vector<10240x16xf32>
    %swap3A = arith.constant 0 : index
    %swap3A_30 = arith.constant 0 : index
    %swap3A_31 = vector.load %arg6[%swap3A, %swap3A_30] : memref<10240x16xf32, #tpu.memory_space<vmem>>, vector<10240x16xf32>
    tpu.vector_store %arg6[%swap3A, %swap3A_30], %mul3A_29 {strides = array<i32>} : memref<10240x16xf32, #tpu.memory_space<vmem>>, vector<10240x16xf32>,
    return
  }
  func.func @transform_0(%arg0: i32) -> (i32, i32, i32) {
    %c0_i32 = arith.constant 0 : i32
    %c0_i32_0 = arith.constant 0 : i32
    %c0_i32_1 = arith.constant 0 : i32
    return %c0_i32, %arg0, %c0_i32_0 : i32, i32, i32
  }
  func.func @transform_1(%arg0: i32) -> (i32, i32) {
    %c0_i32 = arith.constant 0 : i32
    %c0_i32_0 = arith.constant 0 : i32
    return %arg0, %c0_i32 : i32, i32
  }
  func.func @transform_2(%arg0: i32) -> (i32, i32) {
    %c0_i32 = arith.constant 0 : i32
    %c0_i32_0 = arith.constant 0 : i32
    return %arg0, %c0_i32 : i32, i32
  }
  func.func @transform_3(%arg0: i32) -> (i32, i32) {
    %c0_i32 = arith.constant 0 : i32
    %c0_i32_0 = arith.constant 0 : i32
    %c0_i32_1 = arith.constant 0 : i32
    return %c0_i32, %c0_i32_0 : i32, i32
  }
  func.func @transform_4(%arg0: i32) -> (i32, i32) {
    %c0_i32 = arith.constant 0 : i32
    %c0_i32_0 = arith.constant 0 : i32
    %c0_i32_1 = arith.constant 0 : i32
    return %c0_i32, %c0_i32_0 : i32, i32
  }
  func.func @transform_5(%arg0: i32) -> (i32, i32) {
    %c0_i32 = arith.constant 0 : i32
    %c0_i32_0 = arith.constant 0 : i32
    return %arg0, %c0_i32 : i32, i32
  }
}

module attributes {stable_mosaic.version = 14 : i64} {
  func.func @_tc_fin_body(%arg0: i32, %arg1: memref<2x10240x16xf32, #tpu.memory_space<vmem>>, %arg2: memref<10240x16xf32, #tpu.memory_space<vmem>>, %arg3: memref<10240x1xf32, #tpu.memory_space<vmem>>, %arg4: memref<1x16xf32, #tpu.memory_space<vmem>>, %arg5: memref<10240x3xf32, #tpu.memory_space<vmem>>) attributes {dimension_semantics = [#tpu.dimension_semantics<arbitrary>], iteration_bounds = array<i64: 1>, scalar_prefetch = 0 : i64, scratch_operands = 0 : i64, tpu.core_type = #tpu.core_type<tc>, window_params = [{transform_indices = @transform_0, window_bounds = array<i64: 2, 10240, 16>}, {transform_indices = @transform_1, window_bounds = array<i64: 10240, 16>}, {transform_indices = @transform_2, window_bounds = array<i64: 10240, 1>}, {pipeline_mode = #tpu.pipeline_mode<synchronous>, transform_indices = @transform_3, window_bounds = array<i64: 1, 16>}, {transform_indices = @transform_4, window_bounds = array<i64: 10240, 3>}]} {
    %get3A = arith.constant 0 : index
    %get3A_0 = arith.constant 0 : index
    %get3A_1 = vector.load %arg3[%get3A, %get3A_0] : memref<10240x1xf32, #tpu.memory_space<vmem>>, vector<10240x1xf32>
    %get3A_2 = arith.constant 0 : index
    %get3A_3 = arith.constant 0 : index
    %get3A_4 = arith.constant 0 : index
    %get3A_5 = vector.load %arg1[%get3A_2, %get3A_3, %get3A_4] : memref<2x10240x16xf32, #tpu.memory_space<vmem>>, vector<1x10240x16xf32>
    %get3A_6 = vector.shape_cast %get3A_5 : vector<1x10240x16xf32> to vector<10240x16xf32>
    %get3A_7 = arith.constant 1 : index
    %get3A_8 = arith.constant 0 : index
    %get3A_9 = arith.constant 0 : index
    %get3A_10 = vector.load %arg1[%get3A_7, %get3A_8, %get3A_9] : memref<2x10240x16xf32, #tpu.memory_space<vmem>>, vector<1x10240x16xf32>
    %get3A_11 = vector.shape_cast %get3A_10 : vector<1x10240x16xf32> to vector<10240x16xf32>
    %add3A = arith.addf %get3A_6, %get3A_11 : vector<10240x16xf32>
    %get3A_12 = arith.constant 0 : index
    %get3A_13 = arith.constant 0 : index
    %get3A_14 = vector.load %arg2[%get3A_12, %get3A_13] : memref<10240x16xf32, #tpu.memory_space<vmem>>, vector<10240x16xf32>
    %add3A_15 = arith.addf %add3A, %get3A_14 : vector<10240x16xf32>
    %mul3A = vector.broadcast %get3A_1 : vector<10240x1xf32> to vector<10240x16xf32>
    %mul3A_16 = arith.mulf %mul3A, %add3A_15 : vector<10240x16xf32>
    %get3A_17 = arith.constant 0 : index
    %get3A_18 = arith.constant 0 : index
    %get3A_19 = vector.load %arg4[%get3A_17, %get3A_18] : memref<1x16xf32, #tpu.memory_space<vmem>>, vector<1x16xf32>
    %add3A_20 = vector.broadcast %get3A_19 : vector<1x16xf32> to vector<10240x16xf32>
    %add3A_21 = arith.addf %mul3A_16, %add3A_20 : vector<10240x16xf32>
    %slice3A = vector.extract_strided_slice %add3A_21 {offsets = [0, 0], sizes = [10240, 3], strides = [1, 1]} : vector<10240x16xf32> to vector<10240x3xf32>
    %reduce_max3A = arith.constant dense<0xFF800000> : vector<10240xf32>
    %reduce_max3A_22 = vector.multi_reduction <maximumf>, %slice3A, %reduce_max3A [1] : vector<10240x3xf32> to vector<10240xf32>
    %broadcast_in_dim3A = vector.shape_cast %reduce_max3A_22 : vector<10240xf32> to vector<10240x1xf32>
    %sub3A = vector.broadcast %broadcast_in_dim3A : vector<10240x1xf32> to vector<10240x3xf32>
    %sub3A_23 = arith.subf %slice3A, %sub3A : vector<10240x3xf32>
    %exp3A = math.exp %sub3A_23 : vector<10240x3xf32>
    %reduce_sum3A = arith.constant dense<0.000000e+00> : vector<10240xf32>
    %reduce_sum3A_24 = vector.multi_reduction <add>, %exp3A, %reduce_sum3A [1] : vector<10240x3xf32> to vector<10240xf32>
    %broadcast_in_dim3A_25 = vector.shape_cast %reduce_sum3A_24 : vector<10240xf32> to vector<10240x1xf32>
    %sub3A_26 = vector.broadcast %broadcast_in_dim3A : vector<10240x1xf32> to vector<10240x3xf32>
    %sub3A_27 = arith.subf %slice3A, %sub3A_26 : vector<10240x3xf32>
    %log3A = math.log %broadcast_in_dim3A_25 : vector<10240x1xf32>
    %sub3A_28 = vector.broadcast %log3A : vector<10240x1xf32> to vector<10240x3xf32>
    %sub3A_29 = arith.subf %sub3A_27, %sub3A_28 : vector<10240x3xf32>
    %swap3A = arith.constant 0 : index
    %swap3A_30 = arith.constant 0 : index
    %swap3A_31 = vector.load %arg5[%swap3A, %swap3A_30] : memref<10240x3xf32, #tpu.memory_space<vmem>>, vector<10240x3xf32>
    tpu.vector_store %arg5[%swap3A, %swap3A_30], %sub3A_29 {strides = array<i32>} : memref<10240x3xf32, #tpu.memory_space<vmem>>, vector<10240x3xf32>,
    return
  }
  func.func @transform_0(%arg0: i32) -> (i32, i32, i32) {
    %c0_i32 = arith.constant 0 : i32
    %c0_i32_0 = arith.constant 0 : i32
    %c0_i32_1 = arith.constant 0 : i32
    return %c0_i32, %arg0, %c0_i32_0 : i32, i32, i32
  }
  func.func @transform_1(%arg0: i32) -> (i32, i32) {
    %c0_i32 = arith.constant 0 : i32
    %c0_i32_0 = arith.constant 0 : i32
    return %arg0, %c0_i32 : i32, i32
  }
  func.func @transform_2(%arg0: i32) -> (i32, i32) {
    %c0_i32 = arith.constant 0 : i32
    %c0_i32_0 = arith.constant 0 : i32
    return %arg0, %c0_i32 : i32, i32
  }
  func.func @transform_3(%arg0: i32) -> (i32, i32) {
    %c0_i32 = arith.constant 0 : i32
    %c0_i32_0 = arith.constant 0 : i32
    %c0_i32_1 = arith.constant 0 : i32
    return %c0_i32, %c0_i32_0 : i32, i32
  }
  func.func @transform_4(%arg0: i32) -> (i32, i32) {
    %c0_i32 = arith.constant 0 : i32
    %c0_i32_0 = arith.constant 0 : i32
    return %arg0, %c0_i32 : i32, i32
  }
}

</mosaic_0001>

<sc_bundles>
// kernel: kernel.12.cloned.1.call-start
scs
__scs_entry_jumppad:
0x0: {  	(pc) =	sbr.rel $0x88, $3  }
0x1: {  	(tag) =	ssettag $0x0;
	lr =	simm.s32 $0x1  }
0x2: {  	[smem:$0x3F97] =	sst lr;
	_ =	strace $0xD0000000  }
0x3: {  	_ = 	snop  }
0x4: {  	_ = 	snop  }
0x5: {  	_ = 	snop  }
0x6: {  	_ = 	snop  }
0x7: {  	_ = 	snop  }
__scs_overlays_trampoline_lowered:
0x8: {  	[smem:$0x3FA6] =	sst s0  }
0x9: {  	[smem:$0x3FA7] =	sst s1  }
0xa: {  	[smem:$0x3FA8] =	sst s2  }
0xb: {  	[smem:$0x3FA9] =	sst s3  }
0xc: {  	[smem:$0x3FAA] =	sst s4  }
0xd: {  	[smem:$0x3FAB] =	sst s5  }
0xe: {  	[smem:$0x3FAC] =	sst s6  }
0xf: {  	[smem:$0x3FAD] =	sst s7  }
0x10: {  	[smem:$0x3FAE] =	sst s8  }
0x11: {  	[smem:$0x3FAF] =	sst s9;
	s0 =	simm.s32 @!p0 $0x0  }
0x12: {  	s1 =	sld [smem:$0x3F95];
	s0 =	simm.s32 @p0 $0x1  }
0x13: {  	[smem:$0x3FB0] =	sst s0;
	s0 =	simm.s32 @!p1 $0x0  }
0x14: {  	s2 =	sld [smem:$0x3F94];
	s0 =	simm.s32 @p1 $0x1  }
0x15: {  	[smem:$0x3FB1] =	sst s0;
	s0 =	simm.s32 @!p2 $0x0  }
0x16: {  	s3 =	sld [smem:$0x3FDB];
	s0 =	simm.s32 @p2 $0x1  }
0x17: {  	s4 =	simm.s32 $0x1BF5;
	[smem:$0x3FB3] =	sst s0  }
0x18: {  	s0 =	sld [smem:$0x3F96];
	_ =	swait.ge [sflag:s4], $0x0  }
0x19: {  	s7 =	sld [smem:$0x3F97]  }
0x1a: {  	s8 =	sadd.s32 $0xFFFFE003, lr  }
0x1b: {  	s9 =	sadd.s32 $0xFFFFFEF7, lr;
	s5 =	simm.s32 $0xFFFFFFFF;
	p2 =	slt.u32 s8, $0xFFFFF086  }
0x1c: {  	p1 =	slt.u32 s9, $0xF7A;
	s5 =	simm.s32 @!p2 $0x0  }
0x1d: {  	s5 =	simm.s32 @p1 $0x1;
	p0 =	seq.s32 s7, s2  }
0x1e: {  	s7 =	smul.u32 @!p0 $0xF7A, s2;
	p2 =	seq.s32 @!p0 s5, $0x0  }
0x1f: {  	s9 =	smul.u32 $0xF7A, s1;
	s8 =	simm.s32 @!p0 $0x1BF5;
	p2 =	por !p2, p0  }
0x20: {  	[sflag:s8] =	ssyncset.s32 @!p0 $0xFFFFF086;
	s6 =	sadd.s32 @!p0 s3, s7;
	s7 =	simm.s32 @!p0 $0x108  }
0x21: {  	s3 =	sadd.s32 s3, s9;
	s6 =	sadd.s32 @!p0 $0x88, s6;
	s7 =	simm.s32 @p2 $0x1082  }
0x22: {  	[simem:s7], [sflag:s8] =	dma.local @!p0 [hbm:s6], $0xF7A  }
0x23: {  	s9 =	sor.u32 $0xD0000000, s2;
	s6 =	simm.s32 $0x108;
	_ =	swait.ge @!p0 [sflag:s8], $0x0  }
0x24: {  	s3 =	sadd.s32 $0x88, s3;
	s6 =	simm.s32 @!p1 $0x1082;
	[sflag:s4] =	ssyncset.s32 $0xFFFFF086  }
0x25: {  	[simem:s6], [sflag:s4] =	dma.local [hbm:s3], $0xF7A  }
0x26: {  	[smem:$0x3F97] =	sst s1;
	(tag) =	ssettag s2;
	_ =	strace s9  }
0x27: {  	s1 =	sld [smem:$0x3FA7]  }
0x28: {  	s2 =	sld [smem:$0x3FA8]  }
0x29: {  	s4 =	sld [smem:$0x3FAA]  }
0x2a: {  	p0 =	seq.s32 s5, $0x0;
	s5 =	sld [smem:$0x3FAB]  }
0x2b: {  	s6 =	sld [smem:$0x3FAC]  }
0x2c: {  	s7 =	sld [smem:$0x3FAD]  }
0x2d: {  	s3 =	simm.s32 $0x108;
	s8 =	sld [smem:$0x3FAE]  }
0x2e: {  	s3 =	simm.s32 @!p0 $0x1082;
	s9 =	sld [smem:$0x3FAF]  }
0x2f: {  	lr =	sadd.s32 s0, s3;
	s0 =	sld [smem:$0x3FA6]  }
0x30: {  	s3 =	sld [smem:$0x3FA9]  }
0x31: {  	[smem:$0x3FB2] =	sst s10  }
0x32: {  	s10 =	sld [smem:$0x3FB0];
	_ =	sdelay $0x3  }
0x33: {  	p0 =	seq.s32 s10, $0x1;
	s10 =	sld [smem:$0x3FB2];
	_ =	sdelay $0x3  }
0x34: {  	[smem:$0x3FB2] =	sst s10  }
0x35: {  	s10 =	sld [smem:$0x3FB1];
	_ =	sdelay $0x3  }
0x36: {  	p1 =	seq.s32 s10, $0x1;
	s10 =	sld [smem:$0x3FB2];
	_ =	sdelay $0x3  }
0x37: {  	[smem:$0x3FB2] =	sst s10  }
0x38: {  	s10 =	sld [smem:$0x3FB3]  }
0x39: {  	_ = 	snop;
	(pc) =	sbr.ind lr, $3  }
0x3a: {  	_ = 	snop  }
0x3b: {  	_ = 	snop  }
0x3c: {  	p2 =	seq.s32 s10, $0x1;
	s10 =	sld [smem:$0x3FB2]  }
0x3d: {  	_ =	shalt  }
0x3e: {  	_ =	shalt  }
0x3f: {  	_ =	shalt  }
0x40: {  	_ =	shalt  }
0x41: {  	_ =	shalt  }
0x42: {  	_ =	shalt  }
0x43: {  	_ =	shalt  }
0x44: {  	_ =	shalt  }
0x45: {  	_ =	shalt  }
0x46: {  	_ =	shalt  }
0x47: {  	_ =	shalt  }
0x48: {  	_ =	shalt  }
0x49: {  	_ =	shalt  }
0x4a: {  	_ =	shalt  }
0x4b: {  	_ =	shalt  }
0x4c: {  	_ =	shalt  }
0x4d: {  	_ =	shalt  }
0x4e: {  	_ =	shalt  }
0x4f: {  	_ =	shalt  }
0x50: {  	_ =	shalt  }
0x51: {  	_ =	shalt  }
0x52: {  	_ =	shalt  }
0x53: {  	_ =	shalt  }
0x54: {  	_ =	shalt  }
0x55: {  	_ =	shalt  }
0x56: {  	_ =	shalt  }
0x57: {  	_ =	shalt  }
0x58: {  	_ =	shalt  }
0x59: {  	_ =	shalt  }
0x5a: {  	_ =	shalt  }
0x5b: {  	_ =	shalt  }
0x5c: {  	_ =	shalt  }
0x5d: {  	_ =	shalt  }
0x5e: {  	_ =	shalt  }
0x5f: {  	_ =	shalt  }
0x60: {  	_ =	shalt  }
0x61: {  	_ =	shalt  }
0x62: {  	_ =	shalt  }
0x63: {  	_ =	shalt  }
0x64: {  	_ =	shalt  }
0x65: {  	_ =	shalt  }
0x66: {  	_ =	shalt  }
0x67: {  	_ =	shalt  }
0x68: {  	_ =	shalt  }
0x69: {  	_ =	shalt  }
0x6a: {  	_ =	shalt  }
0x6b: {  	_ =	shalt  }
0x6c: {  	_ =	shalt  }
0x6d: {  	_ =	shalt  }
0x6e: {  	_ =	shalt  }
0x6f: {  	_ =	shalt  }
0x70: {  	_ =	shalt  }
0x71: {  	_ =	shalt  }
0x72: {  	_ =	shalt  }
0x73: {  	_ =	shalt  }
0x74: {  	_ =	shalt  }
0x75: {  	_ =	shalt  }
0x76: {  	_ =	shalt  }
0x77: {  	_ =	shalt  }
0x78: {  	_ =	shalt  }
0x79: {  	_ =	shalt  }
0x7a: {  	_ =	shalt  }
0x7b: {  	_ =	shalt  }
0x7c: {  	_ =	shalt  }
0x7d: {  	_ =	shalt  }
0x7e: {  	_ =	shalt  }
0x7f: {  	_ =	shalt  }
0x80: {  	_ =	shalt  }
0x81: {  	_ =	shalt  }
0x82: {  	_ =	shalt  }
0x83: {  	_ =	shalt  }
0x84: {  	_ =	shalt  }
0x85: {  	_ =	shalt  }
0x86: {  	_ =	shalt  }
0x87: {  	_ =	shalt  }
.Lfunc_end0:
.L_simem_size_0:
called_computation_lowered:
.L_overlay_start_0:
0x88: {  	s2 =	sld [smem:$0x3FD9]  }
0x89: {  	s3 =	sld [smem:$0x3FFE];
	_ =	sdelay $0x1  }
0x8a: {  	s1 =	srdreg.scid  }
0x8b: {  	s0 =	sand.u32 $0x1, s1  }
0x8c: {  	s17 =	sshll.u32 s0, $0xA;
	s2 =	sadd.s32 s3, s2  }
0x8d: {  	s2 =	sadd.s32 s2, s17  }
0x8e: {  	[smem:$0x3FBE] =	sst s2  }
0x8f: {  	_ = 	snop  }
0x90: {  	s2 =	sld [smem:$0x3FD0];
	(tm) =	ssettm $0x1  }
0x91: {  	s18 =	sld [smem:$0x3FFB];
	_ =	sdelay $0x3  }
0x92: {  	_ =	strace s18  }
0x93: {  	s3 =	sld [smem:$0x3FFC];
	_ =	sdelay $0x3  }
0x94: {  	_ =	strace s3  }
0x95: {  	s3 =	sld [smem:$0x3FFD];
	_ =	sdelay $0x3  }
0x96: {  	_ =	strace s3  }
0x97: {  	_ =	strace $0x8FFFFFFF  }
0x98: {  	s19 =	sld [smem:$0x3FDB];
	_ =	sdelay $0x1  }
0x99: {  	s4 =	simm.s32 $_scs_section_size  }
0x9a: {  	s5 =	simm.s32 $_size__tile_overlayer_lowered;
	s6 =	simm.s32 $_tile_overlayer_lowered  }
0x9b: {  	s22 =	simm.s32 $0x1BFF;
	s21 =	sshll.u32 s6, $0x1;
	s3 =	sadd.s32 s4, s19  }
0x9c: {  	s7 =	simm.s32 $0x0;
	s20 =	sshll.u32 s5, $0x1;
	s5 =	sadd.s32 s21, s3  }
0x9d: {  	[timem:s7], [sflag:s22] =	dma.local [hbm:s5], s20  }
0x9e: {  	_ =	swait.ge [sflag:s22], s20  }
0x9f: {  	s4 =	ssub.s32 $0x0, s20;
	[sflag:s22] =	ssyncset.done $0x0  }
0xa0: {  	[sflag:s22] =	ssyncadd.s32 s4;
	_ =	sdelay $0x1  }
0xa1: {  	s23 =	simm.s32 $0x1B8B  }
0xa2: {  	_ =	swait.ge [sflag:s23], $0x1  }
0xa3: {  	[sflag:s23] =	ssyncset.done $0x0  }
0xa4: {  	s25 =	simm.s32 $0x1B8E;
	s24 =	sld [smem:$0x3FFE];
	[sflag:s23] =	ssyncadd.s32 $0xFFFFFFFF  }
0xa5: {  	s26 =	simm.s32 $execute0_lowered;
	[smem:$0x3FD2] =	sst s25  }
0xa6: {  	s5 =	sshll.u32 s26, $0x1;
	_ =	strace $0x80000046;
	[dreg:$0x1] =	wrdreg $0xFFFFFFFF  }
0xa7: {  	s28 =	simm.s32 $_size_execute0_lowered;
	s3 =	sadd.s32 s3, s5;
	[dreg:$0x0] =	wrdreg $0x0  }
0xa8: {  	s5 =	sshll.u32 s28, $0x1;
	[dreg:$0x2] =	wrdreg s3  }
0xa9: {  	[dreg:$0x3] =	wrdreg s5  }
0xaa: {  	[dreg:$0x4] =	wrdreg $0xC0  }
0xab: {  	_ =	task [dreg:s7], $0x5FFFF  }
0xac: {  	[dreg:$0x1] =	wrdreg $0xFFFFFFFF  }
0xad: {  	[dreg:$0x0] =	wrdreg $0x60  }
0xae: {  	[dreg:$0x2] =	wrdreg s24  }
0xaf: {  	[dreg:$0x3] =	wrdreg s2  }
0xb0: {  	[dreg:$0x4] =	wrdreg $0x40800  }
0xb1: {  	[dreg:$0x5] =	wrdreg $0x9  }
0xb2: {  	_ =	task.clear_ibuf [dreg:s7], $0x6FFFF;
	_ =	strace $0x90000046  }
0xb3: {  	s29 =	simm.s32 $0x9;
	_ =	strace $0x80000048  }
0xb4: {  	_ =	swait.ge [sflag:s29], $0x1  }
0xb5: {  	[sflag:s29] =	ssyncadd.s32 $0xFFFFFFFF  }
0xb6: {  	_ =	strace $0x90000048  }
0xb7: {  	_ =	sfence  }
0xb8: {  	s30 =	sld [smem:$0x0];
	_ =	sdelay $0x2  }
0xb9: {  	s31 =	sshll.u32 s1, $0xD;
	s1 =	sshrl.u32 s1, $0x2  }
0xba: {  	s3 =	sand.u32 $0x4000, s31;
	s1 =	sadd.s32 s1, s30  }
0xbb: {  	s0 =	sor.u32 s3, s0;
	s1 =	sshll.u32 s1, $0x11  }
0xbc: {  	s0 =	sor.u32 s1, s0  }
0xbd: {  	s0 =	sadd.s32 $0x8F2B, s0  }
0xbe: {  	[sflag:s0] =	ssyncadd.remote.s32 $0x1  }
0xbf: {  	_ =	sfence.sel $0xFFFF  }
0xc0: {  	[dreg:$0x0] =	wrdreg $0xFFFFFFFF;
	(pc) =	sbr.abs _section_cstart, $3  }
0xc1: {  	[dreg:$0x1] =	wrdreg $0xFFFFFFFF  }
0xc2: {  	_ =	task.clear_ibuf [dreg:s7], $0x2FFFF;
	_ =	strace $0x9FFFFFFF  }
0xc3: {  	(tm) =	ssettm $0x7FFFFFFF  }
tec
execute0_lowered:
.L_overlay_start_1:
0x0: {  	(tag) =	ssettag $0x1  }
0x1: {  	s4 =	rddreg [dreg:$0x0]  }
0x2: {  	s6 =	rddreg [dreg:$0x1]  }
0x3: {  	s2 =	rddreg [dreg:$0x2]  }
0x4: {  	s0 =	rddreg [dreg:$0x3];
	s3 =	simm.s32 $0x0  }
0x5: {  	s1 =	stileid.u32;
	s8 =	srdreg.scid;
	s13 =	simm.s32 $0x20  }
0x6: {  	s14 =	simm.s32 $0x10;
	s15 =	simm.s32 $0x0;
	[smem:$0x7FF] =	sst s3  }
0x7: {  	s5 =	smul.u32 $0x280, s1;
	s7 =	sshll.u32 s1, $0xB;
	s8 =	sand.u32 $0x1, s8  }
0x8: {  	s10 =	smul.u32 $0x500, s1;
	s31 =	sshll.u32 s1, $0x6;
	_ =	strace $0x80000047  }
0x9: {  	s7 =	sadd.s32 s7, s4;
	s26 =	ssub.s32 $0x2, s8;
	s12 =	sshll.u32 s8, $0xF  }
0xa: {  	s8 =	sshll.u32 s8, $0x7;
	s9 =	sshrl.u32 s5, $0x3;
	s11 =	sshrl.u32 s26, $0x1  }
0xb: {  	s28 =	sadd.s32 s12, s7;
	s29 =	sor.u32 s8, s10;
	s30 =	sadd.s32 s5, s2  }
0xc: {  	s8 =	simm.s32 $0x1;
	s12 =	simm.s32 $0x4000;
	s9 =	sadd.s32 s9, s4  }
0xd: {  	s11 =	ssub.s32 s26, s11;
	s4 =	sadd.s32 $0x12E00, s28;
	s7 =	sshrl.u32 s29, $0x3  }
0xe: {  	s10 =	sshrl.u32 s30, $0x3;
	s5 =	sadd.s32 $0x22E00, s9;
	s6 =	sadd.s32 s6, s7  }
0xf: {  	v0 =	vimm.f32 $1.000000000e+00;
	s7 =	smax.u32 s11, $0x1;
	s9 =	sor.u32 $0x1C01, s31;
	s11 =	simm.s32 $0x50  }
.LBB2_1:
0x10: {  	[tilespmem:s3], [sflag:$0x1] =	stream.linear.gather [hbm4b:s4+s3], $0x3E80, $0x38;
	[tilespmem:$0x4300] =	vst v63  }
0x11: {  	_ =	swait.ge [sflag:s8], $0x3E80  }
0x12: {  	[sflag:s8] =	ssyncset.done $0x0  }
0x13: {  	[sflag:s8] =	ssyncadd.s32 $0xFFFFC180  }
0x14: {  	[tilespmem:$0x4000] =	vst v0  }
0x15: {  	[tilespmem:$0x4010] =	vst v0  }
0x16: {  	[tilespmem:$0x4020] =	vst v0  }
0x17: {  	[tilespmem:$0x4030] =	vst v0  }
0x18: {  	[tilespmem:$0x4040] =	vst v0  }
0x19: {  	[spmem:s10], [sflag:s9] =	dma.local [hbm:s5], $0x50  }
0x1a: {  	_ =	swait.ge [sflag:s8], $0x50  }
0x1b: {  	[sflag:s8] =	ssyncset.done $0x0  }
0x1c: {  	[sflag:s8] =	ssyncadd.s32 $0xFFFFFFB0  }
0x1d: {  	s16 =	simm.s32 $0x0;
	[bflag:$0x0] =	sbarrier.arrive $0xFFFF  }
0x1e: {  	[spmem:s2] =	stream.indirect.scatter.add.f32 [tilespmem:s12], [sflag:$0x1], $0x1, s16, s11, $0xb8;
	[tilespmem:$0x4300] =	vst v63  }
0x1f: {  	_ =	swait.ge [sflag:s8], $0x50  }
0x20: {  	s16 =	simm.s32 $0x200;
	[sflag:s8] =	ssyncset.done $0x0  }
.LBB2_2:
0x21: {  	s17 =	sshra.s32 s16, $0x2;
	[sflag:s8] =	ssyncadd.s32 $0xFFFFFFB0;
	p0 =	sne.s32 s16, $0xF800  }
0x22: {  	[spmem:s2] =	stream.indirect.scatter.add.f32 [tilespmem:s12], [sflag:$0x1], $0x1, s17, s11, $0xb8;
	[tilespmem:$0x4300] =	vst v63  }
.Ltmp0:
0x23: {  	_ = 	snop;
	(pc) =	sbr.rel @p0 .LBB2_2-.Ltmp0, $4  }
0x24: {  	_ = 	snop  }
0x25: {  	s16 =	sadd.s32 $0x200, s16  }
0x26: {  	_ =	swait.ge [sflag:s8], $0x50  }
0x27: {  	[sflag:s8] =	ssyncset.done $0x0  }
0x28: {  	s15 =	sadd.s32 $0x1, s15  }
0x29: {  	[sflag:s8] =	ssyncadd.s32 $0xFFFFFFB0;
	p0 =	sne.s32 s15, s7  }
.Ltmp1:
0x2a: {  	[bflag:$0x0] =	sbarrier.arrive $0xFFFF;
	(pc) =	sbr.rel @p0 .LBB2_1-.Ltmp1, $4  }
0x2b: {  	[hbm:s6@s13], [sflag:s9] =	dma.strided [spmem:s10@s14], $0x50, s8, $0x10   }
0x2c: {  	_ =	swait.ge [sflag:s8], $0x50  }
0x2d: {  	[sflag:s8] =	ssyncset.done $0x0  }
0x2e: {  	[sflag:s8] =	ssyncadd.s32 $0xFFFFFFB0  }
0x2f: {  	_ =	sfence.sel $0x180000  }
0x30: {  	[bflag:$0x0] =	sbarrier.arrive $0xFFFF  }
0x31: {  	p0 =	sne.s32 s1, $0x0;
	_ =	strace $0x90000047  }
0x32: {  	s0 =	sadd.s32 @!p0 $0x100000, s0;
	[bflag:$0x2] =	sbarrier.arrive $0xFFFF  }
0x33: {  	[sflag:s0] =	ssyncadd.tile.s32 @!p0 $0x1;
	_ =	shalt  }
.Lfunc_end2:
_tile_overlayer_lowered:
.L_overlay_start_2:
0x34: {  	(tag) =	ssettag $0x2  }
0x35: {  	s0 =	rddreg [dreg:$0x0];
	s2 =	stileid.u32  }
0x36: {  	s1 =	rddreg [dreg:$0x1];
	p0 =	sne.s32 s2, $0x0  }
0x37: {  	s3 =	rddreg [dreg:$0x2];
	[bflag:$0x3] =	sbarrier.arrive $0xFFFF;
	s2 =	simm.s32 @!p0 $0x1C01  }
0x38: {  	[timem:s3], [sflag:s2] =	dma.local @!p0 [hbm:s0], s1  }
0x39: {  	s0 =	simm.s32 @!p0 $0x1  }
0x3a: {  	_ =	swait.ge @!p0 [sflag:s0], s1  }
0x3b: {  	s1 =	ssub.s32 @!p0 $0x0, s1;
	[sflag:s0] =	ssyncset.done @!p0 $0x0  }
0x3c: {  	[sflag:s0] =	ssyncadd.s32 @!p0 s1  }
0x3d: {  	[bflag:$0x3] =	sbarrier.arrive $0xFFFF  }
0x3e: {  	_ =	shalt  }

// kernel: kernel.15.cloned.1.call-start
scs
__scs_entry_jumppad:
0x0: {  	(pc) =	sbr.rel $0x88, $3  }
0x1: {  	(tag) =	ssettag $0x0;
	lr =	simm.s32 $0x1  }
0x2: {  	[smem:$0x3F97] =	sst lr;
	_ =	strace $0xD0000000  }
0x3: {  	_ = 	snop  }
0x4: {  	_ = 	snop  }
0x5: {  	_ = 	snop  }
0x6: {  	_ = 	snop  }
0x7: {  	_ = 	snop  }
__scs_overlays_trampoline_lowered:
0x8: {  	[smem:$0x3FA6] =	sst s0  }
0x9: {  	[smem:$0x3FA7] =	sst s1  }
0xa: {  	[smem:$0x3FA8] =	sst s2  }
0xb: {  	[smem:$0x3FA9] =	sst s3  }
0xc: {  	[smem:$0x3FAA] =	sst s4  }
0xd: {  	[smem:$0x3FAB] =	sst s5  }
0xe: {  	[smem:$0x3FAC] =	sst s6  }
0xf: {  	[smem:$0x3FAD] =	sst s7  }
0x10: {  	[smem:$0x3FAE] =	sst s8  }
0x11: {  	[smem:$0x3FAF] =	sst s9;
	s0 =	simm.s32 @!p0 $0x0  }
0x12: {  	s1 =	sld [smem:$0x3F95];
	s0 =	simm.s32 @p0 $0x1  }
0x13: {  	[smem:$0x3FB0] =	sst s0;
	s0 =	simm.s32 @!p1 $0x0  }
0x14: {  	s2 =	sld [smem:$0x3F94];
	s0 =	simm.s32 @p1 $0x1  }
0x15: {  	[smem:$0x3FB1] =	sst s0;
	s0 =	simm.s32 @!p2 $0x0  }
0x16: {  	s3 =	sld [smem:$0x3FDB];
	s0 =	simm.s32 @p2 $0x1  }
0x17: {  	s4 =	simm.s32 $0x1BF5;
	[smem:$0x3FB3] =	sst s0  }
0x18: {  	s0 =	sld [smem:$0x3F96];
	_ =	swait.ge [sflag:s4], $0x0  }
0x19: {  	s7 =	sld [smem:$0x3F97]  }
0x1a: {  	s8 =	sadd.s32 $0xFFFFE003, lr  }
0x1b: {  	s9 =	sadd.s32 $0xFFFFFEF7, lr;
	s5 =	simm.s32 $0xFFFFFFFF;
	p2 =	slt.u32 s8, $0xFFFFF086  }
0x1c: {  	p1 =	slt.u32 s9, $0xF7A;
	s5 =	simm.s32 @!p2 $0x0  }
0x1d: {  	s5 =	simm.s32 @p1 $0x1;
	p0 =	seq.s32 s7, s2  }
0x1e: {  	s7 =	smul.u32 @!p0 $0xF7A, s2;
	p2 =	seq.s32 @!p0 s5, $0x0  }
0x1f: {  	s9 =	smul.u32 $0xF7A, s1;
	s8 =	simm.s32 @!p0 $0x1BF5;
	p2 =	por !p2, p0  }
0x20: {  	[sflag:s8] =	ssyncset.s32 @!p0 $0xFFFFF086;
	s6 =	sadd.s32 @!p0 s3, s7;
	s7 =	simm.s32 @!p0 $0x108  }
0x21: {  	s3 =	sadd.s32 s3, s9;
	s6 =	sadd.s32 @!p0 $0x88, s6;
	s7 =	simm.s32 @p2 $0x1082  }
0x22: {  	[simem:s7], [sflag:s8] =	dma.local @!p0 [hbm:s6], $0xF7A  }
0x23: {  	s9 =	sor.u32 $0xD0000000, s2;
	s6 =	simm.s32 $0x108;
	_ =	swait.ge @!p0 [sflag:s8], $0x0  }
0x24: {  	s3 =	sadd.s32 $0x88, s3;
	s6 =	simm.s32 @!p1 $0x1082;
	[sflag:s4] =	ssyncset.s32 $0xFFFFF086  }
0x25: {  	[simem:s6], [sflag:s4] =	dma.local [hbm:s3], $0xF7A  }
0x26: {  	[smem:$0x3F97] =	sst s1;
	(tag) =	ssettag s2;
	_ =	strace s9  }
0x27: {  	s1 =	sld [smem:$0x3FA7]  }
0x28: {  	s2 =	sld [smem:$0x3FA8]  }
0x29: {  	s4 =	sld [smem:$0x3FAA]  }
0x2a: {  	p0 =	seq.s32 s5, $0x0;
	s5 =	sld [smem:$0x3FAB]  }
0x2b: {  	s6 =	sld [smem:$0x3FAC]  }
0x2c: {  	s7 =	sld [smem:$0x3FAD]  }
0x2d: {  	s3 =	simm.s32 $0x108;
	s8 =	sld [smem:$0x3FAE]  }
0x2e: {  	s3 =	simm.s32 @!p0 $0x1082;
	s9 =	sld [smem:$0x3FAF]  }
0x2f: {  	lr =	sadd.s32 s0, s3;
	s0 =	sld [smem:$0x3FA6]  }
0x30: {  	s3 =	sld [smem:$0x3FA9]  }
0x31: {  	[smem:$0x3FB2] =	sst s10  }
0x32: {  	s10 =	sld [smem:$0x3FB0];
	_ =	sdelay $0x3  }
0x33: {  	p0 =	seq.s32 s10, $0x1;
	s10 =	sld [smem:$0x3FB2];
	_ =	sdelay $0x3  }
0x34: {  	[smem:$0x3FB2] =	sst s10  }
0x35: {  	s10 =	sld [smem:$0x3FB1];
	_ =	sdelay $0x3  }
0x36: {  	p1 =	seq.s32 s10, $0x1;
	s10 =	sld [smem:$0x3FB2];
	_ =	sdelay $0x3  }
0x37: {  	[smem:$0x3FB2] =	sst s10  }
0x38: {  	s10 =	sld [smem:$0x3FB3]  }
0x39: {  	_ = 	snop;
	(pc) =	sbr.ind lr, $3  }
0x3a: {  	_ = 	snop  }
0x3b: {  	_ = 	snop  }
0x3c: {  	p2 =	seq.s32 s10, $0x1;
	s10 =	sld [smem:$0x3FB2]  }
0x3d: {  	_ =	shalt  }
0x3e: {  	_ =	shalt  }
0x3f: {  	_ =	shalt  }
0x40: {  	_ =	shalt  }
0x41: {  	_ =	shalt  }
0x42: {  	_ =	shalt  }
0x43: {  	_ =	shalt  }
0x44: {  	_ =	shalt  }
0x45: {  	_ =	shalt  }
0x46: {  	_ =	shalt  }
0x47: {  	_ =	shalt  }
0x48: {  	_ =	shalt  }
0x49: {  	_ =	shalt  }
0x4a: {  	_ =	shalt  }
0x4b: {  	_ =	shalt  }
0x4c: {  	_ =	shalt  }
0x4d: {  	_ =	shalt  }
0x4e: {  	_ =	shalt  }
0x4f: {  	_ =	shalt  }
0x50: {  	_ =	shalt  }
0x51: {  	_ =	shalt  }
0x52: {  	_ =	shalt  }
0x53: {  	_ =	shalt  }
0x54: {  	_ =	shalt  }
0x55: {  	_ =	shalt  }
0x56: {  	_ =	shalt  }
0x57: {  	_ =	shalt  }
0x58: {  	_ =	shalt  }
0x59: {  	_ =	shalt  }
0x5a: {  	_ =	shalt  }
0x5b: {  	_ =	shalt  }
0x5c: {  	_ =	shalt  }
0x5d: {  	_ =	shalt  }
0x5e: {  	_ =	shalt  }
0x5f: {  	_ =	shalt  }
0x60: {  	_ =	shalt  }
0x61: {  	_ =	shalt  }
0x62: {  	_ =	shalt  }
0x63: {  	_ =	shalt  }
0x64: {  	_ =	shalt  }
0x65: {  	_ =	shalt  }
0x66: {  	_ =	shalt  }
0x67: {  	_ =	shalt  }
0x68: {  	_ =	shalt  }
0x69: {  	_ =	shalt  }
0x6a: {  	_ =	shalt  }
0x6b: {  	_ =	shalt  }
0x6c: {  	_ =	shalt  }
0x6d: {  	_ =	shalt  }
0x6e: {  	_ =	shalt  }
0x6f: {  	_ =	shalt  }
0x70: {  	_ =	shalt  }
0x71: {  	_ =	shalt  }
0x72: {  	_ =	shalt  }
0x73: {  	_ =	shalt  }
0x74: {  	_ =	shalt  }
0x75: {  	_ =	shalt  }
0x76: {  	_ =	shalt  }
0x77: {  	_ =	shalt  }
0x78: {  	_ =	shalt  }
0x79: {  	_ =	shalt  }
0x7a: {  	_ =	shalt  }
0x7b: {  	_ =	shalt  }
0x7c: {  	_ =	shalt  }
0x7d: {  	_ =	shalt  }
0x7e: {  	_ =	shalt  }
0x7f: {  	_ =	shalt  }
0x80: {  	_ =	shalt  }
0x81: {  	_ =	shalt  }
0x82: {  	_ =	shalt  }
0x83: {  	_ =	shalt  }
0x84: {  	_ =	shalt  }
0x85: {  	_ =	shalt  }
0x86: {  	_ =	shalt  }
0x87: {  	_ =	shalt  }
.Lfunc_end0:
.L_simem_size_0:
called_computation.1_lowered:
.L_overlay_start_0:
0x88: {  	s2 =	sld [smem:$0x3FD9]  }
0x89: {  	s3 =	sld [smem:$0x3FFE];
	_ =	sdelay $0x1  }
0x8a: {  	s1 =	srdreg.scid  }
0x8b: {  	s0 =	sand.u32 $0x1, s1  }
0x8c: {  	s16 =	sshll.u32 s0, $0xA;
	s2 =	sadd.s32 s3, s2  }
0x8d: {  	s2 =	sadd.s32 s2, s16  }
0x8e: {  	[smem:$0x3FBE] =	sst s2  }
0x8f: {  	_ = 	snop  }
0x90: {  	(tm) =	ssettm $0x1  }
0x91: {  	s17 =	sld [smem:$0x3FFB];
	_ =	sdelay $0x3  }
0x92: {  	_ =	strace s17  }
0x93: {  	s2 =	sld [smem:$0x3FFC];
	_ =	sdelay $0x3  }
0x94: {  	_ =	strace s2  }
0x95: {  	s2 =	sld [smem:$0x3FFD];
	_ =	sdelay $0x3  }
0x96: {  	_ =	strace s2  }
0x97: {  	_ =	strace $0x8FFFFFFF  }
0x98: {  	s18 =	sld [smem:$0x3FDB];
	_ =	sdelay $0x1  }
0x99: {  	s19 =	simm.s32 $_scs_section_size  }
0x9a: {  	s4 =	simm.s32 $_size__tile_overlayer_lowered;
	s5 =	simm.s32 $_tile_overlayer_lowered  }
0x9b: {  	s22 =	simm.s32 $0x1BFF;
	s21 =	sshll.u32 s5, $0x1;
	s2 =	sadd.s32 s19, s18  }
0x9c: {  	s6 =	simm.s32 $0x0;
	s20 =	sshll.u32 s4, $0x1;
	s4 =	sadd.s32 s21, s2  }
0x9d: {  	[timem:s6], [sflag:s22] =	dma.local [hbm:s4], s20  }
0x9e: {  	_ =	swait.ge [sflag:s22], s20  }
0x9f: {  	s3 =	ssub.s32 $0x0, s20;
	[sflag:s22] =	ssyncset.done $0x0  }
0xa0: {  	[sflag:s22] =	ssyncadd.s32 s3;
	_ =	sdelay $0x1  }
0xa1: {  	s23 =	simm.s32 $0x1B8B  }
0xa2: {  	_ =	swait.ge [sflag:s23], $0x1  }
0xa3: {  	[sflag:s23] =	ssyncset.done $0x0  }
0xa4: {  	s25 =	simm.s32 $0x1B8E;
	s24 =	sld [smem:$0x3FFE];
	[sflag:s23] =	ssyncadd.s32 $0xFFFFFFFF  }
0xa5: {  	s26 =	simm.s32 $execute0_lowered;
	[smem:$0x3FD2] =	sst s25  }
0xa6: {  	s4 =	sshll.u32 s26, $0x1;
	_ =	strace $0x80000049;
	[dreg:$0x1] =	wrdreg $0xFFFFFFFF  }
0xa7: {  	s28 =	simm.s32 $_size_execute0_lowered;
	s2 =	sadd.s32 s2, s4;
	[dreg:$0x0] =	wrdreg $0x0  }
0xa8: {  	s4 =	sshll.u32 s28, $0x1;
	[dreg:$0x2] =	wrdreg s2  }
0xa9: {  	[dreg:$0x3] =	wrdreg s4  }
0xaa: {  	[dreg:$0x4] =	wrdreg $0xC0  }
0xab: {  	_ =	task [dreg:s6], $0x5FFFF  }
0xac: {  	[dreg:$0x1] =	wrdreg $0xFFFFFFFF  }
0xad: {  	[dreg:$0x0] =	wrdreg $0x60  }
0xae: {  	[dreg:$0x2] =	wrdreg s24  }
0xaf: {  	[dreg:$0x3] =	wrdreg $0x67200  }
0xb0: {  	[dreg:$0x4] =	wrdreg $0x9  }
0xb1: {  	_ =	task.clear_ibuf [dreg:s6], $0x5FFFF;
	_ =	strace $0x90000049  }
0xb2: {  	s29 =	simm.s32 $0x9;
	_ =	strace $0x8000004B  }
0xb3: {  	_ =	swait.ge [sflag:s29], $0x1  }
0xb4: {  	[sflag:s29] =	ssyncadd.s32 $0xFFFFFFFF  }
0xb5: {  	_ =	strace $0x9000004B  }
0xb6: {  	_ =	sfence  }
0xb7: {  	s30 =	sld [smem:$0x0];
	_ =	sdelay $0x2  }
0xb8: {  	s31 =	sshll.u32 s1, $0xD;
	s1 =	sshrl.u32 s1, $0x2  }
0xb9: {  	s3 =	sand.u32 $0x4000, s31;
	s1 =	sadd.s32 s1, s30  }
0xba: {  	s0 =	sor.u32 s3, s0;
	s1 =	sshll.u32 s1, $0x11  }
0xbb: {  	s0 =	sor.u32 s1, s0  }
0xbc: {  	s0 =	sadd.s32 $0x8F2B, s0  }
0xbd: {  	[sflag:s0] =	ssyncadd.remote.s32 $0x1  }
0xbe: {  	_ =	sfence.sel $0xFFFF  }
0xbf: {  	[dreg:$0x0] =	wrdreg $0xFFFFFFFF;
	(pc) =	sbr.abs _section_cstart, $3  }
0xc0: {  	[dreg:$0x1] =	wrdreg $0xFFFFFFFF  }
0xc1: {  	_ =	task.clear_ibuf [dreg:s6], $0x2FFFF;
	_ =	strace $0x9FFFFFFF  }
0xc2: {  	(tm) =	ssettm $0x7FFFFFFF  }
0xc3: {  	_ =	shalt  }
tec
execute0_lowered:
.L_overlay_start_1:
0x0: {  	(tag) =	ssettag $0x1  }
0x1: {  	s0 =	srdreg.scid  }
0x2: {  	s11 =	stileid.u32;
	s5 =	rddreg [dreg:$0x0]  }
0x3: {  	s2 =	rddreg [dreg:$0x1];
	s3 =	simm.s32 $0x0;
	s14 =	simm.s32 $0x50  }
0x4: {  	s15 =	simm.s32 $0x4E20;
	s16 =	simm.s32 $0x5320;
	s18 =	simm.s32 $0x5820  }
0x5: {  	s20 =	simm.s32 $0x5D20;
	s22 =	simm.s32 $0x6220;
	s23 =	simm.s32 $0x1  }
0x6: {  	s24 =	simm.s32 $0x2;
	s28 =	simm.s32 $0x5;
	s29 =	simm.s32 $0x4C90  }
0x7: {  	s30 =	simm.s32 $0x4CE0;
	s31 =	simm.s32 $0x4D30;
	s0 =	sand.u32 $0x1, s0  }
0x8: {  	s7 =	smul.u32 $0x2800, s11;
	[smem:$0x7FF] =	sst s3;
	s4 =	sadd.s32 $0x2E00, s5  }
0x9: {  	s26 =	sshll.u32 s11, $0x6;
	s1 =	sshll.u32 s0, $0x4;
	s6 =	smul.u32 $0x28000, s0  }
0xa: {  	_ =	strace $0x8000004A;
	s0 =	ssub.s32 $0x2, s0;
	s12 =	sor.u32 $0x1C06, s26  }
0xb: {  	s26 =	simm.s32 $0x4;
	s1 =	sor.u32 s11, s1;
	s8 =	sshrl.u32 s7, $0x3  }
0xc: {  	s9 =	sshrl.u32 s0, $0x1;
	s25 =	sadd.s32 s7, s2;
	s11 =	simm.s32 $0x0  }
0xd: {  	s1 =	smul.u32 $0x2710, s1;
	s6 =	sadd.s32 s7, s6;
	s8 =	sadd.s32 s8, s5  }
0xe: {  	s0 =	ssub.s32 s0, s9;
	s13 =	sshrl.u32 s25, $0x3;
	s25 =	simm.s32 $0x3  }
0xf: {  	s6 =	sshrl.u32 s6, $0x3;
	s7 =	sadd.s32 $0x7E00, s8;
	s9 =	smax.u32 s0, $0x1  }
0x10: {  	s0 =	simm.s32 $0x4DD0;
	s1 =	sshrl.u32 s1, $0x3;
	s10 =	sadd.s32 s6, s5  }
0x11: {  	s1 =	sadd.s32 s1, s5;
	s8 =	sadd.s32 $0xCE00, s10;
	s10 =	simm.s32 $0x6  }
0x12: {  	s5 =	sadd.s32 $0x23400, s1;
	s6 =	sadd.s32 $0x2D040, s1;
	s1 =	simm.s32 $0x4D80  }
.LBB2_1:
0x13: {  	[tilespmem:s3], [sflag:$0x6] =	stream.linear.gather [hbm4b:s5+s3], $0x2710, $0x38;
	[tilespmem:$0x8F20] =	vst v63  }
0x14: {  	_ =	swait.ge [sflag:s10], $0x2710  }
0x15: {  	[sflag:s10] =	ssyncset.done $0x0  }
0x16: {  	s17 =	simm.s32 $0x2710;
	[sflag:s10] =	ssyncadd.s32 $0xFFFFD8F0  }
0x17: {  	[tilespmem:s17], [sflag:$0x6] =	stream.linear.gather [hbm4b:s6+s3], $0x2710, $0x38;
	[tilespmem:$0x8F20] =	vst v63  }
0x18: {  	_ =	swait.ge [sflag:s10], $0x2710  }
0x19: {  	[sflag:s10] =	ssyncset.done $0x0  }
0x1a: {  	[sflag:s10] =	ssyncadd.s32 $0xFFFFD8F0  }
0x1b: {  	[spmem:s13], [sflag:s12] =	dma.local [hbm:s7], $0x500  }
0x1c: {  	_ =	swait.ge [sflag:s10], $0x500  }
0x1d: {  	[sflag:s10] =	ssyncset.done $0x0  }
0x1e: {  	[sflag:s10] =	ssyncadd.s32 $0xFFFFFB00  }
0x1f: {  	[bflag:$0x0] =	sbarrier.arrive $0xFFFF  }
0x20: {  	[tilespmem:s15], [sflag:$0x1] =	stream.indirect.gather [hbm4b:s4+s14], $0x10, s3, s14, $0xb8;
	[tilespmem:$0x8F20] =	vst v63  }
0x21: {  	_ = 	snop  }
0x22: {  	[tilespmem:s16], [sflag:$0x2] =	stream.indirect.gather [hbm4b:s4+s14], $0x10, s14, s14, $0xb8;
	[tilespmem:$0x8F20] =	vst v63  }
0x23: {  	s19 =	simm.s32 $0xA0  }
0x24: {  	[tilespmem:s18], [sflag:$0x3] =	stream.indirect.gather [hbm4b:s4+s14], $0x10, s19, s14, $0xb8;
	[tilespmem:$0x8F20] =	vst v63  }
0x25: {  	s21 =	simm.s32 $0xF0  }
0x26: {  	[tilespmem:s20], [sflag:$0x4] =	stream.indirect.gather [hbm4b:s4+s14], $0x10, s21, s14, $0xb8;
	[tilespmem:$0x8F20] =	vst v63  }
0x27: {  	s19 =	simm.s32 $0x140  }
0x28: {  	[tilespmem:s22], [sflag:$0x5] =	stream.indirect.gather [hbm4b:s4+s14], $0x10, s19, s14, $0xb8;
	[tilespmem:$0x8F20] =	vst v63  }
0x29: {  	_ =	swait.ge [sflag:s23], $0x500  }
0x2a: {  	[sflag:s23] =	ssyncset.done $0x0  }
0x2b: {  	s21 =	simm.s32 $0x2710;
	[sflag:s23] =	ssyncadd.s32 $0xFFFFFB00  }
0x2c: {  	[spmem:s2] =	stream.indirect.scatter.add.f32 [tilespmem:s15], [sflag:$0x6], $0x10, s21, s14, $0xb8;
	[tilespmem:$0x8F20] =	vst v63  }
0x2d: {  	_ =	swait.ge [sflag:s10], $0x500  }
0x2e: {  	[sflag:s10] =	ssyncset.done $0x0  }
0x2f: {  	s19 =	simm.s32 $0x190;
	[sflag:s10] =	ssyncadd.s32 $0xFFFFFB00  }
0x30: {  	[tilespmem:s15], [sflag:$0x1] =	stream.indirect.gather [hbm4b:s4+s14], $0x10, s19, s14, $0xb8;
	[tilespmem:$0x8F20] =	vst v63  }
0x31: {  	_ =	swait.ge [sflag:s24], $0x500  }
0x32: {  	[sflag:s24] =	ssyncset.done $0x0  }
0x33: {  	s21 =	simm.s32 $0x2760;
	[sflag:s24] =	ssyncadd.s32 $0xFFFFFB00  }
0x34: {  	[spmem:s2] =	stream.indirect.scatter.add.f32 [tilespmem:s16], [sflag:$0x6], $0x10, s21, s14, $0xb8;
	[tilespmem:$0x8F20] =	vst v63  }
0x35: {  	_ =	swait.ge [sflag:s10], $0x500  }
0x36: {  	[sflag:s10] =	ssyncset.done $0x0  }
0x37: {  	s19 =	simm.s32 $0x1E0;
	[sflag:s10] =	ssyncadd.s32 $0xFFFFFB00  }
0x38: {  	[tilespmem:s16], [sflag:$0x2] =	stream.indirect.gather [hbm4b:s4+s14], $0x10, s19, s14, $0xb8;
	[tilespmem:$0x8F20] =	vst v63  }
0x39: {  	_ =	swait.ge [sflag:s25], $0x500  }
0x3a: {  	[sflag:s25] =	ssyncset.done $0x0  }
0x3b: {  	s21 =	simm.s32 $0x27B0;
	[sflag:s25] =	ssyncadd.s32 $0xFFFFFB00  }
0x3c: {  	[spmem:s2] =	stream.indirect.scatter.add.f32 [tilespmem:s18], [sflag:$0x6], $0x10, s21, s14, $0xb8;
	[tilespmem:$0x8F20] =	vst v63  }
0x3d: {  	_ =	swait.ge [sflag:s10], $0x500  }
0x3e: {  	[sflag:s10] =	ssyncset.done $0x0  }
0x3f: {  	s19 =	simm.s32 $0x230;
	[sflag:s10] =	ssyncadd.s32 $0xFFFFFB00  }
0x40: {  	[tilespmem:s18], [sflag:$0x3] =	stream.indirect.gather [hbm4b:s4+s14], $0x10, s19, s14, $0xb8;
	[tilespmem:$0x8F20] =	vst v63  }
0x41: {  	_ =	swait.ge [sflag:s26], $0x500  }
0x42: {  	[sflag:s26] =	ssyncset.done $0x0  }
0x43: {  	s21 =	simm.s32 $0x2800;
	[sflag:s26] =	ssyncadd.s32 $0xFFFFFB00  }
0x44: {  	[spmem:s2] =	stream.indirect.scatter.add.f32 [tilespmem:s20], [sflag:$0x6], $0x10, s21, s14, $0xb8;
	[tilespmem:$0x8F20] =	vst v63  }
0x45: {  	_ =	swait.ge [sflag:s10], $0x500  }
0x46: {  	[sflag:s10] =	ssyncset.done $0x0  }
0x47: {  	s19 =	simm.s32 $0x280;
	[sflag:s10] =	ssyncadd.s32 $0xFFFFFB00  }
0x48: {  	[tilespmem:s20], [sflag:$0x4] =	stream.indirect.gather [hbm4b:s4+s14], $0x10, s19, s14, $0xb8;
	[tilespmem:$0x8F20] =	vst v63  }
0x49: {  	_ =	swait.ge [sflag:s28], $0x500  }
0x4a: {  	[sflag:s28] =	ssyncset.done $0x0  }
0x4b: {  	s21 =	simm.s32 $0x2850;
	[sflag:s28] =	ssyncadd.s32 $0xFFFFFB00  }
0x4c: {  	[spmem:s2] =	stream.indirect.scatter.add.f32 [tilespmem:s22], [sflag:$0x6], $0x10, s21, s14, $0xb8;
	[tilespmem:$0x8F20] =	vst v63  }
0x4d: {  	_ =	swait.ge [sflag:s10], $0x500  }
0x4e: {  	[sflag:s10] =	ssyncset.done $0x0  }
0x4f: {  	s17 =	simm.s32 $0x640;
	s19 =	simm.s32 $0x2D0;
	[sflag:s10] =	ssyncadd.s32 $0xFFFFFB00  }
.LBB2_2:
0x50: {  	[tilespmem:s22], [sflag:$0x5] =	stream.indirect.gather [hbm4b:s4+s14], $0x10, s19, s14, $0xb8;
	[tilespmem:$0x8F20] =	vst v63  }
0x51: {  	s19 =	smov.u32 s17  }
0x52: {  	p0 =	sne.s32 s17, $0x8FC0;
	s17 =	sadd.s32 $0x640, s17;
	_ =	swait.ge [sflag:s23], $0x500  }
0x53: {  	s19 =	sshra.s32 s19, $0x2;
	[sflag:s23] =	ssyncset.done $0x0  }
0x54: {  	s21 =	sadd.s32 $0x2710, s19;
	[sflag:s23] =	ssyncadd.s32 $0xFFFFFB00  }
0x55: {  	[spmem:s2] =	stream.indirect.scatter.add.f32 [tilespmem:s15], [sflag:$0x6], $0x10, s21, s14, $0xb8;
	[tilespmem:$0x8F20] =	vst v63  }
0x56: {  	_ =	swait.ge [sflag:s10], $0x500  }
0x57: {  	[sflag:s10] =	ssyncset.done $0x0  }
0x58: {  	s21 =	sadd.s32 $0x190, s19;
	[sflag:s10] =	ssyncadd.s32 $0xFFFFFB00  }
0x59: {  	[tilespmem:s15], [sflag:$0x1] =	stream.indirect.gather [hbm4b:s4+s14], $0x10, s21, s14, $0xb8;
	[tilespmem:$0x8F20] =	vst v63  }
0x5a: {  	_ =	swait.ge [sflag:s24], $0x500  }
0x5b: {  	[sflag:s24] =	ssyncset.done $0x0  }
0x5c: {  	s21 =	sadd.s32 $0x2760, s19;
	[sflag:s24] =	ssyncadd.s32 $0xFFFFFB00  }
0x5d: {  	[spmem:s2] =	stream.indirect.scatter.add.f32 [tilespmem:s16], [sflag:$0x6], $0x10, s21, s14, $0xb8;
	[tilespmem:$0x8F20] =	vst v63  }
0x5e: {  	_ =	swait.ge [sflag:s10], $0x500  }
0x5f: {  	[sflag:s10] =	ssyncset.done $0x0  }
0x60: {  	s21 =	sadd.s32 $0x1E0, s19;
	[sflag:s10] =	ssyncadd.s32 $0xFFFFFB00  }
0x61: {  	[tilespmem:s16], [sflag:$0x2] =	stream.indirect.gather [hbm4b:s4+s14], $0x10, s21, s14, $0xb8;
	[tilespmem:$0x8F20] =	vst v63  }
0x62: {  	_ =	swait.ge [sflag:s25], $0x500  }
0x63: {  	[sflag:s25] =	ssyncset.done $0x0  }
0x64: {  	s21 =	sadd.s32 $0x27B0, s19;
	[sflag:s25] =	ssyncadd.s32 $0xFFFFFB00  }
0x65: {  	[spmem:s2] =	stream.indirect.scatter.add.f32 [tilespmem:s18], [sflag:$0x6], $0x10, s21, s14, $0xb8;
	[tilespmem:$0x8F20] =	vst v63  }
0x66: {  	_ =	swait.ge [sflag:s10], $0x500  }
0x67: {  	[sflag:s10] =	ssyncset.done $0x0  }
0x68: {  	s21 =	sadd.s32 $0x230, s19;
	[sflag:s10] =	ssyncadd.s32 $0xFFFFFB00  }
0x69: {  	[tilespmem:s18], [sflag:$0x3] =	stream.indirect.gather [hbm4b:s4+s14], $0x10, s21, s14, $0xb8;
	[tilespmem:$0x8F20] =	vst v63  }
0x6a: {  	_ =	swait.ge [sflag:s26], $0x500  }
0x6b: {  	[sflag:s26] =	ssyncset.done $0x0  }
0x6c: {  	s21 =	sadd.s32 $0x2800, s19;
	[sflag:s26] =	ssyncadd.s32 $0xFFFFFB00  }
0x6d: {  	[spmem:s2] =	stream.indirect.scatter.add.f32 [tilespmem:s20], [sflag:$0x6], $0x10, s21, s14, $0xb8;
	[tilespmem:$0x8F20] =	vst v63  }
0x6e: {  	_ =	swait.ge [sflag:s10], $0x500  }
0x6f: {  	[sflag:s10] =	ssyncset.done $0x0  }
0x70: {  	s21 =	sadd.s32 $0x280, s19;
	[sflag:s10] =	ssyncadd.s32 $0xFFFFFB00  }
0x71: {  	[tilespmem:s20], [sflag:$0x4] =	stream.indirect.gather [hbm4b:s4+s14], $0x10, s21, s14, $0xb8;
	[tilespmem:$0x8F20] =	vst v63  }
0x72: {  	_ =	swait.ge [sflag:s28], $0x500  }
0x73: {  	[sflag:s28] =	ssyncset.done $0x0  }
.Ltmp0:
0x74: {  	s21 =	sadd.s32 $0x2850, s19;
	[sflag:s28] =	ssyncadd.s32 $0xFFFFFB00;
	(pc) =	sbr.rel @p0 .LBB2_2-.Ltmp0, $4  }
0x75: {  	[spmem:s2] =	stream.indirect.scatter.add.f32 [tilespmem:s22], [sflag:$0x6], $0x10, s21, s14, $0xb8;
	[tilespmem:$0x8F20] =	vst v63  }
0x76: {  	_ =	swait.ge [sflag:s10], $0x500  }
0x77: {  	[sflag:s10] =	ssyncset.done $0x0  }
0x78: {  	s19 =	sadd.s32 $0x2D0, s19;
	[sflag:s10] =	ssyncadd.s32 $0xFFFFFB00  }
0x79: {  	[tilespmem:s22], [sflag:$0x5] =	stream.indirect.gather [hbm4b:s4+s14], $0x10, s19, s14, $0xb8;
	[tilespmem:$0x8F20] =	vst v63  }
0x7a: {  	_ =	swait.ge [sflag:s23], $0x500  }
0x7b: {  	[sflag:s23] =	ssyncset.done $0x0  }
0x7c: {  	[sflag:s23] =	ssyncadd.s32 $0xFFFFFB00  }
0x7d: {  	[spmem:s2] =	stream.indirect.scatter.add.f32 [tilespmem:s15], [sflag:$0x6], $0x10, s29, s14, $0xb8;
	[tilespmem:$0x8F20] =	vst v63  }
0x7e: {  	_ =	swait.ge [sflag:s10], $0x500  }
0x7f: {  	[sflag:s10] =	ssyncset.done $0x0  }
0x80: {  	[sflag:s10] =	ssyncadd.s32 $0xFFFFFB00  }
0x81: {  	_ =	swait.ge [sflag:s24], $0x500  }
0x82: {  	[sflag:s24] =	ssyncset.done $0x0  }
0x83: {  	[sflag:s24] =	ssyncadd.s32 $0xFFFFFB00  }
0x84: {  	[spmem:s2] =	stream.indirect.scatter.add.f32 [tilespmem:s16], [sflag:$0x6], $0x10, s30, s14, $0xb8;
	[tilespmem:$0x8F20] =	vst v63  }
0x85: {  	_ =	swait.ge [sflag:s10], $0x500  }
0x86: {  	[sflag:s10] =	ssyncset.done $0x0  }
0x87: {  	[sflag:s10] =	ssyncadd.s32 $0xFFFFFB00  }
0x88: {  	_ =	swait.ge [sflag:s25], $0x500  }
0x89: {  	[sflag:s25] =	ssyncset.done $0x0  }
0x8a: {  	[sflag:s25] =	ssyncadd.s32 $0xFFFFFB00  }
0x8b: {  	[spmem:s2] =	stream.indirect.scatter.add.f32 [tilespmem:s18], [sflag:$0x6], $0x10, s31, s14, $0xb8;
	[tilespmem:$0x8F20] =	vst v63  }
0x8c: {  	_ =	swait.ge [sflag:s10], $0x500  }
0x8d: {  	[sflag:s10] =	ssyncset.done $0x0  }
0x8e: {  	[sflag:s10] =	ssyncadd.s32 $0xFFFFFB00  }
0x8f: {  	_ =	swait.ge [sflag:s26], $0x500  }
0x90: {  	[sflag:s26] =	ssyncset.done $0x0  }
0x91: {  	[sflag:s26] =	ssyncadd.s32 $0xFFFFFB00  }
0x92: {  	[spmem:s2] =	stream.indirect.scatter.add.f32 [tilespmem:s20], [sflag:$0x6], $0x10, s1, s14, $0xb8;
	[tilespmem:$0x8F20] =	vst v63  }
0x93: {  	_ =	swait.ge [sflag:s10], $0x500  }
0x94: {  	[sflag:s10] =	ssyncset.done $0x0  }
0x95: {  	[sflag:s10] =	ssyncadd.s32 $0xFFFFFB00  }
0x96: {  	_ =	swait.ge [sflag:s28], $0x500  }
0x97: {  	[sflag:s28] =	ssyncset.done $0x0  }
0x98: {  	[sflag:s28] =	ssyncadd.s32 $0xFFFFFB00  }
0x99: {  	[spmem:s2] =	stream.indirect.scatter.add.f32 [tilespmem:s22], [sflag:$0x6], $0x10, s0, s14, $0xb8;
	[tilespmem:$0x8F20] =	vst v63  }
0x9a: {  	_ =	swait.ge [sflag:s10], $0x500  }
0x9b: {  	s11 =	sadd.s32 $0x1, s11;
	[sflag:s10] =	ssyncset.done $0x0  }
0x9c: {  	p0 =	sne.s32 s11, s9;
	[sflag:s10] =	ssyncadd.s32 $0xFFFFFB00  }
.Ltmp1:
0x9d: {  	[bflag:$0x0] =	sbarrier.arrive $0xFFFF;
	(pc) =	sbr.rel @p0 .LBB2_1-.Ltmp1, $4  }
0x9e: {  	[hbm:s8], [sflag:s12] =	dma.local [spmem:s13], $0x500  }
0x9f: {  	_ =	swait.ge [sflag:s10], $0x500  }
0xa0: {  	[sflag:s10] =	ssyncset.done $0x0  }
0xa1: {  	[sflag:s10] =	ssyncadd.s32 $0xFFFFFB00  }
0xa2: {  	_ =	sfence.sel $0x180000  }
0xa3: {  	[bflag:$0x0] =	sbarrier.arrive $0xFFFF  }
0xa4: {  	_ =	strace $0x9000004A  }
0xa5: {  	s0 =	stileid.u32;
	[bflag:$0x2] =	sbarrier.arrive $0xFFFF  }
0xa6: {  	p0 =	sne.s32 s0, $0x0;
	s0 =	rddreg [dreg:$0x2]  }
0xa7: {  	s0 =	sadd.s32 @!p0 $0x100000, s0  }
0xa8: {  	[sflag:s0] =	ssyncadd.tile.s32 @!p0 $0x1;
	_ =	shalt  }
.Lfunc_end2:
_tile_overlayer_lowered:
.L_overlay_start_2:
0xa9: {  	(tag) =	ssettag $0x2  }
0xaa: {  	s0 =	rddreg [dreg:$0x0];
	s2 =	stileid.u32  }
0xab: {  	s1 =	rddreg [dreg:$0x1];
	p0 =	sne.s32 s2, $0x0  }
0xac: {  	s3 =	rddreg [dreg:$0x2];
	[bflag:$0x3] =	sbarrier.arrive $0xFFFF;
	s2 =	simm.s32 @!p0 $0x1C06  }
0xad: {  	[timem:s3], [sflag:s2] =	dma.local @!p0 [hbm:s0], s1  }
0xae: {  	s0 =	simm.s32 @!p0 $0x6  }
0xaf: {  	_ =	swait.ge @!p0 [sflag:s0], s1  }
0xb0: {  	s1 =	ssub.s32 @!p0 $0x0, s1;
	[sflag:s0] =	ssyncset.done @!p0 $0x0  }
0xb1: {  	[sflag:s0] =	ssyncadd.s32 @!p0 s1  }
0xb2: {  	[bflag:$0x3] =	sbarrier.arrive $0xFFFF  }
0xb3: {  	_ =	shalt  }

// kernel: kernel.18.cloned.1.call-start
scs
__scs_entry_jumppad:
0x0: {  	(pc) =	sbr.rel $0x88, $3  }
0x1: {  	(tag) =	ssettag $0x0;
	lr =	simm.s32 $0x1  }
0x2: {  	[smem:$0x3F97] =	sst lr;
	_ =	strace $0xD0000000  }
0x3: {  	_ = 	snop  }
0x4: {  	_ = 	snop  }
0x5: {  	_ = 	snop  }
0x6: {  	_ = 	snop  }
0x7: {  	_ = 	snop  }
__scs_overlays_trampoline_lowered:
0x8: {  	[smem:$0x3FA6] =	sst s0  }
0x9: {  	[smem:$0x3FA7] =	sst s1  }
0xa: {  	[smem:$0x3FA8] =	sst s2  }
0xb: {  	[smem:$0x3FA9] =	sst s3  }
0xc: {  	[smem:$0x3FAA] =	sst s4  }
0xd: {  	[smem:$0x3FAB] =	sst s5  }
0xe: {  	[smem:$0x3FAC] =	sst s6  }
0xf: {  	[smem:$0x3FAD] =	sst s7  }
0x10: {  	[smem:$0x3FAE] =	sst s8  }
0x11: {  	[smem:$0x3FAF] =	sst s9;
	s0 =	simm.s32 @!p0 $0x0  }
0x12: {  	s1 =	sld [smem:$0x3F95];
	s0 =	simm.s32 @p0 $0x1  }
0x13: {  	[smem:$0x3FB0] =	sst s0;
	s0 =	simm.s32 @!p1 $0x0  }
0x14: {  	s2 =	sld [smem:$0x3F94];
	s0 =	simm.s32 @p1 $0x1  }
0x15: {  	[smem:$0x3FB1] =	sst s0;
	s0 =	simm.s32 @!p2 $0x0  }
0x16: {  	s3 =	sld [smem:$0x3FDB];
	s0 =	simm.s32 @p2 $0x1  }
0x17: {  	s4 =	simm.s32 $0x1BF5;
	[smem:$0x3FB3] =	sst s0  }
0x18: {  	s0 =	sld [smem:$0x3F96];
	_ =	swait.ge [sflag:s4], $0x0  }
0x19: {  	s7 =	sld [smem:$0x3F97]  }
0x1a: {  	s8 =	sadd.s32 $0xFFFFE003, lr  }
0x1b: {  	s9 =	sadd.s32 $0xFFFFFEF7, lr;
	s5 =	simm.s32 $0xFFFFFFFF;
	p2 =	slt.u32 s8, $0xFFFFF086  }
0x1c: {  	p1 =	slt.u32 s9, $0xF7A;
	s5 =	simm.s32 @!p2 $0x0  }
0x1d: {  	s5 =	simm.s32 @p1 $0x1;
	p0 =	seq.s32 s7, s2  }
0x1e: {  	s7 =	smul.u32 @!p0 $0xF7A, s2;
	p2 =	seq.s32 @!p0 s5, $0x0  }
0x1f: {  	s9 =	smul.u32 $0xF7A, s1;
	s8 =	simm.s32 @!p0 $0x1BF5;
	p2 =	por !p2, p0  }
0x20: {  	[sflag:s8] =	ssyncset.s32 @!p0 $0xFFFFF086;
	s6 =	sadd.s32 @!p0 s3, s7;
	s7 =	simm.s32 @!p0 $0x108  }
0x21: {  	s3 =	sadd.s32 s3, s9;
	s6 =	sadd.s32 @!p0 $0x88, s6;
	s7 =	simm.s32 @p2 $0x1082  }
0x22: {  	[simem:s7], [sflag:s8] =	dma.local @!p0 [hbm:s6], $0xF7A  }
0x23: {  	s9 =	sor.u32 $0xD0000000, s2;
	s6 =	simm.s32 $0x108;
	_ =	swait.ge @!p0 [sflag:s8], $0x0  }
0x24: {  	s3 =	sadd.s32 $0x88, s3;
	s6 =	simm.s32 @!p1 $0x1082;
	[sflag:s4] =	ssyncset.s32 $0xFFFFF086  }
0x25: {  	[simem:s6], [sflag:s4] =	dma.local [hbm:s3], $0xF7A  }
0x26: {  	[smem:$0x3F97] =	sst s1;
	(tag) =	ssettag s2;
	_ =	strace s9  }
0x27: {  	s1 =	sld [smem:$0x3FA7]  }
0x28: {  	s2 =	sld [smem:$0x3FA8]  }
0x29: {  	s4 =	sld [smem:$0x3FAA]  }
0x2a: {  	p0 =	seq.s32 s5, $0x0;
	s5 =	sld [smem:$0x3FAB]  }
0x2b: {  	s6 =	sld [smem:$0x3FAC]  }
0x2c: {  	s7 =	sld [smem:$0x3FAD]  }
0x2d: {  	s3 =	simm.s32 $0x108;
	s8 =	sld [smem:$0x3FAE]  }
0x2e: {  	s3 =	simm.s32 @!p0 $0x1082;
	s9 =	sld [smem:$0x3FAF]  }
0x2f: {  	lr =	sadd.s32 s0, s3;
	s0 =	sld [smem:$0x3FA6]  }
0x30: {  	s3 =	sld [smem:$0x3FA9]  }
0x31: {  	[smem:$0x3FB2] =	sst s10  }
0x32: {  	s10 =	sld [smem:$0x3FB0];
	_ =	sdelay $0x3  }
0x33: {  	p0 =	seq.s32 s10, $0x1;
	s10 =	sld [smem:$0x3FB2];
	_ =	sdelay $0x3  }
0x34: {  	[smem:$0x3FB2] =	sst s10  }
0x35: {  	s10 =	sld [smem:$0x3FB1];
	_ =	sdelay $0x3  }
0x36: {  	p1 =	seq.s32 s10, $0x1;
	s10 =	sld [smem:$0x3FB2];
	_ =	sdelay $0x3  }
0x37: {  	[smem:$0x3FB2] =	sst s10  }
0x38: {  	s10 =	sld [smem:$0x3FB3]  }
0x39: {  	_ = 	snop;
	(pc) =	sbr.ind lr, $3  }
0x3a: {  	_ = 	snop  }
0x3b: {  	_ = 	snop  }
0x3c: {  	p2 =	seq.s32 s10, $0x1;
	s10 =	sld [smem:$0x3FB2]  }
0x3d: {  	_ =	shalt  }
0x3e: {  	_ =	shalt  }
0x3f: {  	_ =	shalt  }
0x40: {  	_ =	shalt  }
0x41: {  	_ =	shalt  }
0x42: {  	_ =	shalt  }
0x43: {  	_ =	shalt  }
0x44: {  	_ =	shalt  }
0x45: {  	_ =	shalt  }
0x46: {  	_ =	shalt  }
0x47: {  	_ =	shalt  }
0x48: {  	_ =	shalt  }
0x49: {  	_ =	shalt  }
0x4a: {  	_ =	shalt  }
0x4b: {  	_ =	shalt  }
0x4c: {  	_ =	shalt  }
0x4d: {  	_ =	shalt  }
0x4e: {  	_ =	shalt  }
0x4f: {  	_ =	shalt  }
0x50: {  	_ =	shalt  }
0x51: {  	_ =	shalt  }
0x52: {  	_ =	shalt  }
0x53: {  	_ =	shalt  }
0x54: {  	_ =	shalt  }
0x55: {  	_ =	shalt  }
0x56: {  	_ =	shalt  }
0x57: {  	_ =	shalt  }
0x58: {  	_ =	shalt  }
0x59: {  	_ =	shalt  }
0x5a: {  	_ =	shalt  }
0x5b: {  	_ =	shalt  }
0x5c: {  	_ =	shalt  }
0x5d: {  	_ =	shalt  }
0x5e: {  	_ =	shalt  }
0x5f: {  	_ =	shalt  }
0x60: {  	_ =	shalt  }
0x61: {  	_ =	shalt  }
0x62: {  	_ =	shalt  }
0x63: {  	_ =	shalt  }
0x64: {  	_ =	shalt  }
0x65: {  	_ =	shalt  }
0x66: {  	_ =	shalt  }
0x67: {  	_ =	shalt  }
0x68: {  	_ =	shalt  }
0x69: {  	_ =	shalt  }
0x6a: {  	_ =	shalt  }
0x6b: {  	_ =	shalt  }
0x6c: {  	_ =	shalt  }
0x6d: {  	_ =	shalt  }
0x6e: {  	_ =	shalt  }
0x6f: {  	_ =	shalt  }
0x70: {  	_ =	shalt  }
0x71: {  	_ =	shalt  }
0x72: {  	_ =	shalt  }
0x73: {  	_ =	shalt  }
0x74: {  	_ =	shalt  }
0x75: {  	_ =	shalt  }
0x76: {  	_ =	shalt  }
0x77: {  	_ =	shalt  }
0x78: {  	_ =	shalt  }
0x79: {  	_ =	shalt  }
0x7a: {  	_ =	shalt  }
0x7b: {  	_ =	shalt  }
0x7c: {  	_ =	shalt  }
0x7d: {  	_ =	shalt  }
0x7e: {  	_ =	shalt  }
0x7f: {  	_ =	shalt  }
0x80: {  	_ =	shalt  }
0x81: {  	_ =	shalt  }
0x82: {  	_ =	shalt  }
0x83: {  	_ =	shalt  }
0x84: {  	_ =	shalt  }
0x85: {  	_ =	shalt  }
0x86: {  	_ =	shalt  }
0x87: {  	_ =	shalt  }
.Lfunc_end0:
.L_simem_size_0:
called_computation.2_lowered:
.L_overlay_start_0:
0x88: {  	s2 =	sld [smem:$0x3FD9]  }
0x89: {  	s3 =	sld [smem:$0x3FFE];
	_ =	sdelay $0x1  }
0x8a: {  	s1 =	srdreg.scid  }
0x8b: {  	s0 =	sand.u32 $0x1, s1  }
0x8c: {  	s16 =	sshll.u32 s0, $0xA;
	s2 =	sadd.s32 s3, s2  }
0x8d: {  	s2 =	sadd.s32 s2, s16  }
0x8e: {  	[smem:$0x3FBE] =	sst s2  }
0x8f: {  	_ = 	snop  }
0x90: {  	(tm) =	ssettm $0x1  }
0x91: {  	s17 =	sld [smem:$0x3FFB];
	_ =	sdelay $0x3  }
0x92: {  	_ =	strace s17  }
0x93: {  	s2 =	sld [smem:$0x3FFC];
	_ =	sdelay $0x3  }
0x94: {  	_ =	strace s2  }
0x95: {  	s2 =	sld [smem:$0x3FFD];
	_ =	sdelay $0x3  }
0x96: {  	_ =	strace s2  }
0x97: {  	_ =	strace $0x8FFFFFFF  }
0x98: {  	s18 =	sld [smem:$0x3FDB];
	_ =	sdelay $0x1  }
0x99: {  	s19 =	simm.s32 $_scs_section_size  }
0x9a: {  	s4 =	simm.s32 $_size__tile_overlayer_lowered;
	s5 =	simm.s32 $_tile_overlayer_lowered  }
0x9b: {  	s22 =	simm.s32 $0x1BFF;
	s21 =	sshll.u32 s5, $0x1;
	s2 =	sadd.s32 s19, s18  }
0x9c: {  	s6 =	simm.s32 $0x0;
	s20 =	sshll.u32 s4, $0x1;
	s4 =	sadd.s32 s21, s2  }
0x9d: {  	[timem:s6], [sflag:s22] =	dma.local [hbm:s4], s20  }
0x9e: {  	_ =	swait.ge [sflag:s22], s20  }
0x9f: {  	s3 =	ssub.s32 $0x0, s20;
	[sflag:s22] =	ssyncset.done $0x0  }
0xa0: {  	[sflag:s22] =	ssyncadd.s32 s3;
	_ =	sdelay $0x1  }
0xa1: {  	s23 =	simm.s32 $0x1B8B  }
0xa2: {  	_ =	swait.ge [sflag:s23], $0x1  }
0xa3: {  	[sflag:s23] =	ssyncset.done $0x0  }
0xa4: {  	s25 =	simm.s32 $0x1B8E;
	s24 =	sld [smem:$0x3FFE];
	[sflag:s23] =	ssyncadd.s32 $0xFFFFFFFF  }
0xa5: {  	s26 =	simm.s32 $execute0_lowered;
	[smem:$0x3FD2] =	sst s25  }
0xa6: {  	s4 =	sshll.u32 s26, $0x1;
	_ =	strace $0x8000004C;
	[dreg:$0x1] =	wrdreg $0xFFFFFFFF  }
0xa7: {  	s28 =	simm.s32 $_size_execute0_lowered;
	s2 =	sadd.s32 s2, s4;
	[dreg:$0x0] =	wrdreg $0x0  }
0xa8: {  	s4 =	sshll.u32 s28, $0x1;
	[dreg:$0x2] =	wrdreg s2  }
0xa9: {  	[dreg:$0x3] =	wrdreg s4  }
0xaa: {  	[dreg:$0x4] =	wrdreg $0xC0  }
0xab: {  	_ =	task [dreg:s6], $0x5FFFF  }
0xac: {  	[dreg:$0x1] =	wrdreg $0xFFFFFFFF  }
0xad: {  	[dreg:$0x0] =	wrdreg $0x60  }
0xae: {  	[dreg:$0x2] =	wrdreg s24  }
0xaf: {  	[dreg:$0x3] =	wrdreg $0x80200  }
0xb0: {  	[dreg:$0x4] =	wrdreg $0x9  }
0xb1: {  	_ =	task.clear_ibuf [dreg:s6], $0x5FFFF;
	_ =	strace $0x9000004C  }
0xb2: {  	s29 =	simm.s32 $0x9;
	_ =	strace $0x8000004E  }
0xb3: {  	_ =	swait.ge [sflag:s29], $0x1  }
0xb4: {  	[sflag:s29] =	ssyncadd.s32 $0xFFFFFFFF  }
0xb5: {  	_ =	strace $0x9000004E  }
0xb6: {  	_ =	sfence  }
0xb7: {  	s30 =	sld [smem:$0x0];
	_ =	sdelay $0x2  }
0xb8: {  	s31 =	sshll.u32 s1, $0xD;
	s1 =	sshrl.u32 s1, $0x2  }
0xb9: {  	s3 =	sand.u32 $0x4000, s31;
	s1 =	sadd.s32 s1, s30  }
0xba: {  	s0 =	sor.u32 s3, s0;
	s1 =	sshll.u32 s1, $0x11  }
0xbb: {  	s0 =	sor.u32 s1, s0  }
0xbc: {  	s0 =	sadd.s32 $0x8F2B, s0  }
0xbd: {  	[sflag:s0] =	ssyncadd.remote.s32 $0x1  }
0xbe: {  	_ =	sfence.sel $0xFFFF  }
0xbf: {  	[dreg:$0x0] =	wrdreg $0xFFFFFFFF;
	(pc) =	sbr.abs _section_cstart, $3  }
0xc0: {  	[dreg:$0x1] =	wrdreg $0xFFFFFFFF  }
0xc1: {  	_ =	task.clear_ibuf [dreg:s6], $0x2FFFF;
	_ =	strace $0x9FFFFFFF  }
0xc2: {  	(tm) =	ssettm $0x7FFFFFFF  }
0xc3: {  	_ =	shalt  }
tec
execute0_lowered:
.L_overlay_start_1:
0x0: {  	(tag) =	ssettag $0x1  }
0x1: {  	s0 =	srdreg.scid  }
0x2: {  	s11 =	stileid.u32;
	s5 =	rddreg [dreg:$0x0]  }
0x3: {  	s2 =	rddreg [dreg:$0x1];
	s3 =	simm.s32 $0x0;
	s14 =	simm.s32 $0x50  }
0x4: {  	s15 =	simm.s32 $0x4E20;
	s16 =	simm.s32 $0x5820;
	s18 =	simm.s32 $0x6220  }
0x5: {  	s20 =	simm.s32 $0x6C20;
	s22 =	simm.s32 $0x7620;
	s23 =	simm.s32 $0x1  }
0x6: {  	s24 =	simm.s32 $0x2;
	s28 =	simm.s32 $0x5;
	s29 =	simm.s32 $0x4C90  }
0x7: {  	s30 =	simm.s32 $0x4CE0;
	s31 =	simm.s32 $0x4D30;
	s0 =	sand.u32 $0x1, s0  }
0x8: {  	s7 =	smul.u32 $0x5000, s11;
	[smem:$0x7FF] =	sst s3;
	s4 =	sadd.s32 $0xCE00, s5  }
0x9: {  	s26 =	sshll.u32 s11, $0x6;
	s1 =	sshll.u32 s0, $0x4;
	s6 =	smul.u32 $0x50000, s0  }
0xa: {  	_ =	strace $0x8000004D;
	s0 =	ssub.s32 $0x2, s0;
	s12 =	sor.u32 $0x1C06, s26  }
0xb: {  	s26 =	simm.s32 $0x4;
	s1 =	sor.u32 s11, s1;
	s8 =	sshrl.u32 s7, $0x3  }
0xc: {  	s9 =	sshrl.u32 s0, $0x1;
	s25 =	sadd.s32 s7, s2;
	s11 =	simm.s32 $0x0  }
0xd: {  	s1 =	smul.u32 $0x2710, s1;
	s6 =	sadd.s32 s7, s6;
	s8 =	sadd.s32 s8, s5  }
0xe: {  	s0 =	ssub.s32 s0, s9;
	s13 =	sshrl.u32 s25, $0x3;
	s25 =	simm.s32 $0x3  }
0xf: {  	s6 =	sshrl.u32 s6, $0x3;
	s7 =	sadd.s32 $0x16E00, s8;
	s9 =	smax.u32 s0, $0x1  }
0x10: {  	s0 =	simm.s32 $0x4DD0;
	s1 =	sshrl.u32 s1, $0x3;
	s10 =	sadd.s32 s6, s5  }
0x11: {  	s1 =	sadd.s32 s1, s5;
	s8 =	sadd.s32 $0x36E00, s10;
	s10 =	simm.s32 $0x6  }
0x12: {  	s5 =	sadd.s32 $0x23400, s1;
	s6 =	sadd.s32 $0x2D040, s1;
	s1 =	simm.s32 $0x4D80  }
.LBB2_1:
0x13: {  	[tilespmem:s3], [sflag:$0x6] =	stream.linear.gather [hbm4b:s5+s3], $0x2710, $0x38;
	[tilespmem:$0xD020] =	vst v63  }
0x14: {  	_ =	swait.ge [sflag:s10], $0x2710  }
0x15: {  	[sflag:s10] =	ssyncset.done $0x0  }
0x16: {  	s17 =	simm.s32 $0x2710;
	[sflag:s10] =	ssyncadd.s32 $0xFFFFD8F0  }
0x17: {  	[tilespmem:s17], [sflag:$0x6] =	stream.linear.gather [hbm4b:s6+s3], $0x2710, $0x38;
	[tilespmem:$0xD020] =	vst v63  }
0x18: {  	_ =	swait.ge [sflag:s10], $0x2710  }
0x19: {  	[sflag:s10] =	ssyncset.done $0x0  }
0x1a: {  	[sflag:s10] =	ssyncadd.s32 $0xFFFFD8F0  }
0x1b: {  	[spmem:s13], [sflag:s12] =	dma.local [hbm:s7], $0xA00  }
0x1c: {  	_ =	swait.ge [sflag:s10], $0xA00  }
0x1d: {  	[sflag:s10] =	ssyncset.done $0x0  }
0x1e: {  	[sflag:s10] =	ssyncadd.s32 $0xFFFFF600  }
0x1f: {  	[bflag:$0x0] =	sbarrier.arrive $0xFFFF  }
0x20: {  	[tilespmem:s15], [sflag:$0x1] =	stream.indirect.gather [hbm4b:s4+s14], $0x20, s3, s14, $0xb8;
	[tilespmem:$0xD020] =	vst v63  }
0x21: {  	_ = 	snop  }
0x22: {  	[tilespmem:s16], [sflag:$0x2] =	stream.indirect.gather [hbm4b:s4+s14], $0x20, s14, s14, $0xb8;
	[tilespmem:$0xD020] =	vst v63  }
0x23: {  	s19 =	simm.s32 $0xA0  }
0x24: {  	[tilespmem:s18], [sflag:$0x3] =	stream.indirect.gather [hbm4b:s4+s14], $0x20, s19, s14, $0xb8;
	[tilespmem:$0xD020] =	vst v63  }
0x25: {  	s21 =	simm.s32 $0xF0  }
0x26: {  	[tilespmem:s20], [sflag:$0x4] =	stream.indirect.gather [hbm4b:s4+s14], $0x20, s21, s14, $0xb8;
	[tilespmem:$0xD020] =	vst v63  }
0x27: {  	s19 =	simm.s32 $0x140  }
0x28: {  	[tilespmem:s22], [sflag:$0x5] =	stream.indirect.gather [hbm4b:s4+s14], $0x20, s19, s14, $0xb8;
	[tilespmem:$0xD020] =	vst v63  }
0x29: {  	_ =	swait.ge [sflag:s23], $0xA00  }
0x2a: {  	[sflag:s23] =	ssyncset.done $0x0  }
0x2b: {  	s21 =	simm.s32 $0x2710;
	[sflag:s23] =	ssyncadd.s32 $0xFFFFF600  }
0x2c: {  	[spmem:s2] =	stream.indirect.scatter.add.f32 [tilespmem:s15], [sflag:$0x6], $0x20, s21, s14, $0xb8;
	[tilespmem:$0xD020] =	vst v63  }
0x2d: {  	_ =	swait.ge [sflag:s10], $0xA00  }
0x2e: {  	[sflag:s10] =	ssyncset.done $0x0  }
0x2f: {  	s19 =	simm.s32 $0x190;
	[sflag:s10] =	ssyncadd.s32 $0xFFFFF600  }
0x30: {  	[tilespmem:s15], [sflag:$0x1] =	stream.indirect.gather [hbm4b:s4+s14], $0x20, s19, s14, $0xb8;
	[tilespmem:$0xD020] =	vst v63  }
0x31: {  	_ =	swait.ge [sflag:s24], $0xA00  }
0x32: {  	[sflag:s24] =	ssyncset.done $0x0  }
0x33: {  	s21 =	simm.s32 $0x2760;
	[sflag:s24] =	ssyncadd.s32 $0xFFFFF600  }
0x34: {  	[spmem:s2] =	stream.indirect.scatter.add.f32 [tilespmem:s16], [sflag:$0x6], $0x20, s21, s14, $0xb8;
	[tilespmem:$0xD020] =	vst v63  }
0x35: {  	_ =	swait.ge [sflag:s10], $0xA00  }
0x36: {  	[sflag:s10] =	ssyncset.done $0x0  }
0x37: {  	s19 =	simm.s32 $0x1E0;
	[sflag:s10] =	ssyncadd.s32 $0xFFFFF600  }
0x38: {  	[tilespmem:s16], [sflag:$0x2] =	stream.indirect.gather [hbm4b:s4+s14], $0x20, s19, s14, $0xb8;
	[tilespmem:$0xD020] =	vst v63  }
0x39: {  	_ =	swait.ge [sflag:s25], $0xA00  }
0x3a: {  	[sflag:s25] =	ssyncset.done $0x0  }
0x3b: {  	s21 =	simm.s32 $0x27B0;
	[sflag:s25] =	ssyncadd.s32 $0xFFFFF600  }
0x3c: {  	[spmem:s2] =	stream.indirect.scatter.add.f32 [tilespmem:s18], [sflag:$0x6], $0x20, s21, s14, $0xb8;
	[tilespmem:$0xD020] =	vst v63  }
0x3d: {  	_ =	swait.ge [sflag:s10], $0xA00  }
0x3e: {  	[sflag:s10] =	ssyncset.done $0x0  }
0x3f: {  	s19 =	simm.s32 $0x230;
	[sflag:s10] =	ssyncadd.s32 $0xFFFFF600  }
0x40: {  	[tilespmem:s18], [sflag:$0x3] =	stream.indirect.gather [hbm4b:s4+s14], $0x20, s19, s14, $0xb8;
	[tilespmem:$0xD020] =	vst v63  }
0x41: {  	_ =	swait.ge [sflag:s26], $0xA00  }
0x42: {  	[sflag:s26] =	ssyncset.done $0x0  }
0x43: {  	s21 =	simm.s32 $0x2800;
	[sflag:s26] =	ssyncadd.s32 $0xFFFFF600  }
0x44: {  	[spmem:s2] =	stream.indirect.scatter.add.f32 [tilespmem:s20], [sflag:$0x6], $0x20, s21, s14, $0xb8;
	[tilespmem:$0xD020] =	vst v63  }
0x45: {  	_ =	swait.ge [sflag:s10], $0xA00  }
0x46: {  	[sflag:s10] =	ssyncset.done $0x0  }
0x47: {  	s19 =	simm.s32 $0x280;
	[sflag:s10] =	ssyncadd.s32 $0xFFFFF600  }
0x48: {  	[tilespmem:s20], [sflag:$0x4] =	stream.indirect.gather [hbm4b:s4+s14], $0x20, s19, s14, $0xb8;
	[tilespmem:$0xD020] =	vst v63  }
0x49: {  	_ =	swait.ge [sflag:s28], $0xA00  }
0x4a: {  	[sflag:s28] =	ssyncset.done $0x0  }
0x4b: {  	s21 =	simm.s32 $0x2850;
	[sflag:s28] =	ssyncadd.s32 $0xFFFFF600  }
0x4c: {  	[spmem:s2] =	stream.indirect.scatter.add.f32 [tilespmem:s22], [sflag:$0x6], $0x20, s21, s14, $0xb8;
	[tilespmem:$0xD020] =	vst v63  }
0x4d: {  	_ =	swait.ge [sflag:s10], $0xA00  }
0x4e: {  	[sflag:s10] =	ssyncset.done $0x0  }
0x4f: {  	s17 =	simm.s32 $0x640;
	s19 =	simm.s32 $0x2D0;
	[sflag:s10] =	ssyncadd.s32 $0xFFFFF600  }
.LBB2_2:
0x50: {  	[tilespmem:s22], [sflag:$0x5] =	stream.indirect.gather [hbm4b:s4+s14], $0x20, s19, s14, $0xb8;
	[tilespmem:$0xD020] =	vst v63  }
0x51: {  	s19 =	smov.u32 s17  }
0x52: {  	p0 =	sne.s32 s17, $0x8FC0;
	s17 =	sadd.s32 $0x640, s17;
	_ =	swait.ge [sflag:s23], $0xA00  }
0x53: {  	s19 =	sshra.s32 s19, $0x2;
	[sflag:s23] =	ssyncset.done $0x0  }
0x54: {  	s21 =	sadd.s32 $0x2710, s19;
	[sflag:s23] =	ssyncadd.s32 $0xFFFFF600  }
0x55: {  	[spmem:s2] =	stream.indirect.scatter.add.f32 [tilespmem:s15], [sflag:$0x6], $0x20, s21, s14, $0xb8;
	[tilespmem:$0xD020] =	vst v63  }
0x56: {  	_ =	swait.ge [sflag:s10], $0xA00  }
0x57: {  	[sflag:s10] =	ssyncset.done $0x0  }
0x58: {  	s21 =	sadd.s32 $0x190, s19;
	[sflag:s10] =	ssyncadd.s32 $0xFFFFF600  }
0x59: {  	[tilespmem:s15], [sflag:$0x1] =	stream.indirect.gather [hbm4b:s4+s14], $0x20, s21, s14, $0xb8;
	[tilespmem:$0xD020] =	vst v63  }
0x5a: {  	_ =	swait.ge [sflag:s24], $0xA00  }
0x5b: {  	[sflag:s24] =	ssyncset.done $0x0  }
0x5c: {  	s21 =	sadd.s32 $0x2760, s19;
	[sflag:s24] =	ssyncadd.s32 $0xFFFFF600  }
0x5d: {  	[spmem:s2] =	stream.indirect.scatter.add.f32 [tilespmem:s16], [sflag:$0x6], $0x20, s21, s14, $0xb8;
	[tilespmem:$0xD020] =	vst v63  }
0x5e: {  	_ =	swait.ge [sflag:s10], $0xA00  }
0x5f: {  	[sflag:s10] =	ssyncset.done $0x0  }
0x60: {  	s21 =	sadd.s32 $0x1E0, s19;
	[sflag:s10] =	ssyncadd.s32 $0xFFFFF600  }
0x61: {  	[tilespmem:s16], [sflag:$0x2] =	stream.indirect.gather [hbm4b:s4+s14], $0x20, s21, s14, $0xb8;
	[tilespmem:$0xD020] =	vst v63  }
0x62: {  	_ =	swait.ge [sflag:s25], $0xA00  }
0x63: {  	[sflag:s25] =	ssyncset.done $0x0  }
0x64: {  	s21 =	sadd.s32 $0x27B0, s19;
	[sflag:s25] =	ssyncadd.s32 $0xFFFFF600  }
0x65: {  	[spmem:s2] =	stream.indirect.scatter.add.f32 [tilespmem:s18], [sflag:$0x6], $0x20, s21, s14, $0xb8;
	[tilespmem:$0xD020] =	vst v63  }
0x66: {  	_ =	swait.ge [sflag:s10], $0xA00  }
0x67: {  	[sflag:s10] =	ssyncset.done $0x0  }
0x68: {  	s21 =	sadd.s32 $0x230, s19;
	[sflag:s10] =	ssyncadd.s32 $0xFFFFF600  }
0x69: {  	[tilespmem:s18], [sflag:$0x3] =	stream.indirect.gather [hbm4b:s4+s14], $0x20, s21, s14, $0xb8;
	[tilespmem:$0xD020] =	vst v63  }
0x6a: {  	_ =	swait.ge [sflag:s26], $0xA00  }
0x6b: {  	[sflag:s26] =	ssyncset.done $0x0  }
0x6c: {  	s21 =	sadd.s32 $0x2800, s19;
	[sflag:s26] =	ssyncadd.s32 $0xFFFFF600  }
0x6d: {  	[spmem:s2] =	stream.indirect.scatter.add.f32 [tilespmem:s20], [sflag:$0x6], $0x20, s21, s14, $0xb8;
	[tilespmem:$0xD020] =	vst v63  }
0x6e: {  	_ =	swait.ge [sflag:s10], $0xA00  }
0x6f: {  	[sflag:s10] =	ssyncset.done $0x0  }
0x70: {  	s21 =	sadd.s32 $0x280, s19;
	[sflag:s10] =	ssyncadd.s32 $0xFFFFF600  }
0x71: {  	[tilespmem:s20], [sflag:$0x4] =	stream.indirect.gather [hbm4b:s4+s14], $0x20, s21, s14, $0xb8;
	[tilespmem:$0xD020] =	vst v63  }
0x72: {  	_ =	swait.ge [sflag:s28], $0xA00  }
0x73: {  	[sflag:s28] =	ssyncset.done $0x0  }
.Ltmp0:
0x74: {  	s21 =	sadd.s32 $0x2850, s19;
	[sflag:s28] =	ssyncadd.s32 $0xFFFFF600;
	(pc) =	sbr.rel @p0 .LBB2_2-.Ltmp0, $4  }
0x75: {  	[spmem:s2] =	stream.indirect.scatter.add.f32 [tilespmem:s22], [sflag:$0x6], $0x20, s21, s14, $0xb8;
	[tilespmem:$0xD020] =	vst v63  }
0x76: {  	_ =	swait.ge [sflag:s10], $0xA00  }
0x77: {  	[sflag:s10] =	ssyncset.done $0x0  }
0x78: {  	s19 =	sadd.s32 $0x2D0, s19;
	[sflag:s10] =	ssyncadd.s32 $0xFFFFF600  }
0x79: {  	[tilespmem:s22], [sflag:$0x5] =	stream.indirect.gather [hbm4b:s4+s14], $0x20, s19, s14, $0xb8;
	[tilespmem:$0xD020] =	vst v63  }
0x7a: {  	_ =	swait.ge [sflag:s23], $0xA00  }
0x7b: {  	[sflag:s23] =	ssyncset.done $0x0  }
0x7c: {  	[sflag:s23] =	ssyncadd.s32 $0xFFFFF600  }
0x7d: {  	[spmem:s2] =	stream.indirect.scatter.add.f32 [tilespmem:s15], [sflag:$0x6], $0x20, s29, s14, $0xb8;
	[tilespmem:$0xD020] =	vst v63  }
0x7e: {  	_ =	swait.ge [sflag:s10], $0xA00  }
0x7f: {  	[sflag:s10] =	ssyncset.done $0x0  }
0x80: {  	[sflag:s10] =	ssyncadd.s32 $0xFFFFF600  }
0x81: {  	_ =	swait.ge [sflag:s24], $0xA00  }
0x82: {  	[sflag:s24] =	ssyncset.done $0x0  }
0x83: {  	[sflag:s24] =	ssyncadd.s32 $0xFFFFF600  }
0x84: {  	[spmem:s2] =	stream.indirect.scatter.add.f32 [tilespmem:s16], [sflag:$0x6], $0x20, s30, s14, $0xb8;
	[tilespmem:$0xD020] =	vst v63  }
0x85: {  	_ =	swait.ge [sflag:s10], $0xA00  }
0x86: {  	[sflag:s10] =	ssyncset.done $0x0  }
0x87: {  	[sflag:s10] =	ssyncadd.s32 $0xFFFFF600  }
0x88: {  	_ =	swait.ge [sflag:s25], $0xA00  }
0x89: {  	[sflag:s25] =	ssyncset.done $0x0  }
0x8a: {  	[sflag:s25] =	ssyncadd.s32 $0xFFFFF600  }
0x8b: {  	[spmem:s2] =	stream.indirect.scatter.add.f32 [tilespmem:s18], [sflag:$0x6], $0x20, s31, s14, $0xb8;
	[tilespmem:$0xD020] =	vst v63  }
0x8c: {  	_ =	swait.ge [sflag:s10], $0xA00  }
0x8d: {  	[sflag:s10] =	ssyncset.done $0x0  }
0x8e: {  	[sflag:s10] =	ssyncadd.s32 $0xFFFFF600  }
0x8f: {  	_ =	swait.ge [sflag:s26], $0xA00  }
0x90: {  	[sflag:s26] =	ssyncset.done $0x0  }
0x91: {  	[sflag:s26] =	ssyncadd.s32 $0xFFFFF600  }
0x92: {  	[spmem:s2] =	stream.indirect.scatter.add.f32 [tilespmem:s20], [sflag:$0x6], $0x20, s1, s14, $0xb8;
	[tilespmem:$0xD020] =	vst v63  }
0x93: {  	_ =	swait.ge [sflag:s10], $0xA00  }
0x94: {  	[sflag:s10] =	ssyncset.done $0x0  }
0x95: {  	[sflag:s10] =	ssyncadd.s32 $0xFFFFF600  }
0x96: {  	_ =	swait.ge [sflag:s28], $0xA00  }
0x97: {  	[sflag:s28] =	ssyncset.done $0x0  }
0x98: {  	[sflag:s28] =	ssyncadd.s32 $0xFFFFF600  }
0x99: {  	[spmem:s2] =	stream.indirect.scatter.add.f32 [tilespmem:s22], [sflag:$0x6], $0x20, s0, s14, $0xb8;
	[tilespmem:$0xD020] =	vst v63  }
0x9a: {  	_ =	swait.ge [sflag:s10], $0xA00  }
0x9b: {  	s11 =	sadd.s32 $0x1, s11;
	[sflag:s10] =	ssyncset.done $0x0  }
0x9c: {  	p0 =	sne.s32 s11, s9;
	[sflag:s10] =	ssyncadd.s32 $0xFFFFF600  }
.Ltmp1:
0x9d: {  	[bflag:$0x0] =	sbarrier.arrive $0xFFFF;
	(pc) =	sbr.rel @p0 .LBB2_1-.Ltmp1, $4  }
0x9e: {  	[hbm:s8], [sflag:s12] =	dma.local [spmem:s13], $0xA00  }
0x9f: {  	_ =	swait.ge [sflag:s10], $0xA00  }
0xa0: {  	[sflag:s10] =	ssyncset.done $0x0  }
0xa1: {  	[sflag:s10] =	ssyncadd.s32 $0xFFFFF600  }
0xa2: {  	_ =	sfence.sel $0x180000  }
0xa3: {  	[bflag:$0x0] =	sbarrier.arrive $0xFFFF  }
0xa4: {  	_ =	strace $0x9000004D  }
0xa5: {  	s0 =	stileid.u32;
	[bflag:$0x2] =	sbarrier.arrive $0xFFFF  }
0xa6: {  	p0 =	sne.s32 s0, $0x0;
	s0 =	rddreg [dreg:$0x2]  }
0xa7: {  	s0 =	sadd.s32 @!p0 $0x100000, s0  }
0xa8: {  	[sflag:s0] =	ssyncadd.tile.s32 @!p0 $0x1;
	_ =	shalt  }
.Lfunc_end2:
_tile_overlayer_lowered:
.L_overlay_start_2:
0xa9: {  	(tag) =	ssettag $0x2  }
0xaa: {  	s0 =	rddreg [dreg:$0x0];
	s2 =	stileid.u32  }
0xab: {  	s1 =	rddreg [dreg:$0x1];
	p0 =	sne.s32 s2, $0x0  }
0xac: {  	s3 =	rddreg [dreg:$0x2];
	[bflag:$0x3] =	sbarrier.arrive $0xFFFF;
	s2 =	simm.s32 @!p0 $0x1C06  }
0xad: {  	[timem:s3], [sflag:s2] =	dma.local @!p0 [hbm:s0], s1  }
0xae: {  	s0 =	simm.s32 @!p0 $0x6  }
0xaf: {  	_ =	swait.ge @!p0 [sflag:s0], s1  }
0xb0: {  	s1 =	ssub.s32 @!p0 $0x0, s1;
	[sflag:s0] =	ssyncset.done @!p0 $0x0  }
0xb1: {  	[sflag:s0] =	ssyncadd.s32 @!p0 s1  }
0xb2: {  	[bflag:$0x3] =	sbarrier.arrive $0xFFFF  }
0xb3: {  	_ =	shalt  }

// kernel: kernel.21.cloned.1.call-start
scs
__scs_entry_jumppad:
0x0: {  	(pc) =	sbr.rel $0x88, $3  }
0x1: {  	(tag) =	ssettag $0x0;
	lr =	simm.s32 $0x1  }
0x2: {  	[smem:$0x3F97] =	sst lr;
	_ =	strace $0xD0000000  }
0x3: {  	_ = 	snop  }
0x4: {  	_ = 	snop  }
0x5: {  	_ = 	snop  }
0x6: {  	_ = 	snop  }
0x7: {  	_ = 	snop  }
__scs_overlays_trampoline_lowered:
0x8: {  	[smem:$0x3FA6] =	sst s0  }
0x9: {  	[smem:$0x3FA7] =	sst s1  }
0xa: {  	[smem:$0x3FA8] =	sst s2  }
0xb: {  	[smem:$0x3FA9] =	sst s3  }
0xc: {  	[smem:$0x3FAA] =	sst s4  }
0xd: {  	[smem:$0x3FAB] =	sst s5  }
0xe: {  	[smem:$0x3FAC] =	sst s6  }
0xf: {  	[smem:$0x3FAD] =	sst s7  }
0x10: {  	[smem:$0x3FAE] =	sst s8  }
0x11: {  	[smem:$0x3FAF] =	sst s9;
	s0 =	simm.s32 @!p0 $0x0  }
0x12: {  	s1 =	sld [smem:$0x3F95];
	s0 =	simm.s32 @p0 $0x1  }
0x13: {  	[smem:$0x3FB0] =	sst s0;
	s0 =	simm.s32 @!p1 $0x0  }
0x14: {  	s2 =	sld [smem:$0x3F94];
	s0 =	simm.s32 @p1 $0x1  }
0x15: {  	[smem:$0x3FB1] =	sst s0;
	s0 =	simm.s32 @!p2 $0x0  }
0x16: {  	s3 =	sld [smem:$0x3FDB];
	s0 =	simm.s32 @p2 $0x1  }
0x17: {  	s4 =	simm.s32 $0x1BF5;
	[smem:$0x3FB3] =	sst s0  }
0x18: {  	s0 =	sld [smem:$0x3F96];
	_ =	swait.ge [sflag:s4], $0x0  }
0x19: {  	s7 =	sld [smem:$0x3F97]  }
0x1a: {  	s8 =	sadd.s32 $0xFFFFE003, lr  }
0x1b: {  	s9 =	sadd.s32 $0xFFFFFEF7, lr;
	s5 =	simm.s32 $0xFFFFFFFF;
	p2 =	slt.u32 s8, $0xFFFFF086  }
0x1c: {  	p1 =	slt.u32 s9, $0xF7A;
	s5 =	simm.s32 @!p2 $0x0  }
0x1d: {  	s5 =	simm.s32 @p1 $0x1;
	p0 =	seq.s32 s7, s2  }
0x1e: {  	s7 =	smul.u32 @!p0 $0xF7A, s2;
	p2 =	seq.s32 @!p0 s5, $0x0  }
0x1f: {  	s9 =	smul.u32 $0xF7A, s1;
	s8 =	simm.s32 @!p0 $0x1BF5;
	p2 =	por !p2, p0  }
0x20: {  	[sflag:s8] =	ssyncset.s32 @!p0 $0xFFFFF086;
	s6 =	sadd.s32 @!p0 s3, s7;
	s7 =	simm.s32 @!p0 $0x108  }
0x21: {  	s3 =	sadd.s32 s3, s9;
	s6 =	sadd.s32 @!p0 $0x88, s6;
	s7 =	simm.s32 @p2 $0x1082  }
0x22: {  	[simem:s7], [sflag:s8] =	dma.local @!p0 [hbm:s6], $0xF7A  }
0x23: {  	s9 =	sor.u32 $0xD0000000, s2;
	s6 =	simm.s32 $0x108;
	_ =	swait.ge @!p0 [sflag:s8], $0x0  }
0x24: {  	s3 =	sadd.s32 $0x88, s3;
	s6 =	simm.s32 @!p1 $0x1082;
	[sflag:s4] =	ssyncset.s32 $0xFFFFF086  }
0x25: {  	[simem:s6], [sflag:s4] =	dma.local [hbm:s3], $0xF7A  }
0x26: {  	[smem:$0x3F97] =	sst s1;
	(tag) =	ssettag s2;
	_ =	strace s9  }
0x27: {  	s1 =	sld [smem:$0x3FA7]  }
0x28: {  	s2 =	sld [smem:$0x3FA8]  }
0x29: {  	s4 =	sld [smem:$0x3FAA]  }
0x2a: {  	p0 =	seq.s32 s5, $0x0;
	s5 =	sld [smem:$0x3FAB]  }
0x2b: {  	s6 =	sld [smem:$0x3FAC]  }
0x2c: {  	s7 =	sld [smem:$0x3FAD]  }
0x2d: {  	s3 =	simm.s32 $0x108;
	s8 =	sld [smem:$0x3FAE]  }
0x2e: {  	s3 =	simm.s32 @!p0 $0x1082;
	s9 =	sld [smem:$0x3FAF]  }
0x2f: {  	lr =	sadd.s32 s0, s3;
	s0 =	sld [smem:$0x3FA6]  }
0x30: {  	s3 =	sld [smem:$0x3FA9]  }
0x31: {  	[smem:$0x3FB2] =	sst s10  }
0x32: {  	s10 =	sld [smem:$0x3FB0];
	_ =	sdelay $0x3  }
0x33: {  	p0 =	seq.s32 s10, $0x1;
	s10 =	sld [smem:$0x3FB2];
	_ =	sdelay $0x3  }
0x34: {  	[smem:$0x3FB2] =	sst s10  }
0x35: {  	s10 =	sld [smem:$0x3FB1];
	_ =	sdelay $0x3  }
0x36: {  	p1 =	seq.s32 s10, $0x1;
	s10 =	sld [smem:$0x3FB2];
	_ =	sdelay $0x3  }
0x37: {  	[smem:$0x3FB2] =	sst s10  }
0x38: {  	s10 =	sld [smem:$0x3FB3]  }
0x39: {  	_ = 	snop;
	(pc) =	sbr.ind lr, $3  }
0x3a: {  	_ = 	snop  }
0x3b: {  	_ = 	snop  }
0x3c: {  	p2 =	seq.s32 s10, $0x1;
	s10 =	sld [smem:$0x3FB2]  }
0x3d: {  	_ =	shalt  }
0x3e: {  	_ =	shalt  }
0x3f: {  	_ =	shalt  }
0x40: {  	_ =	shalt  }
0x41: {  	_ =	shalt  }
0x42: {  	_ =	shalt  }
0x43: {  	_ =	shalt  }
0x44: {  	_ =	shalt  }
0x45: {  	_ =	shalt  }
0x46: {  	_ =	shalt  }
0x47: {  	_ =	shalt  }
0x48: {  	_ =	shalt  }
0x49: {  	_ =	shalt  }
0x4a: {  	_ =	shalt  }
0x4b: {  	_ =	shalt  }
0x4c: {  	_ =	shalt  }
0x4d: {  	_ =	shalt  }
0x4e: {  	_ =	shalt  }
0x4f: {  	_ =	shalt  }
0x50: {  	_ =	shalt  }
0x51: {  	_ =	shalt  }
0x52: {  	_ =	shalt  }
0x53: {  	_ =	shalt  }
0x54: {  	_ =	shalt  }
0x55: {  	_ =	shalt  }
0x56: {  	_ =	shalt  }
0x57: {  	_ =	shalt  }
0x58: {  	_ =	shalt  }
0x59: {  	_ =	shalt  }
0x5a: {  	_ =	shalt  }
0x5b: {  	_ =	shalt  }
0x5c: {  	_ =	shalt  }
0x5d: {  	_ =	shalt  }
0x5e: {  	_ =	shalt  }
0x5f: {  	_ =	shalt  }
0x60: {  	_ =	shalt  }
0x61: {  	_ =	shalt  }
0x62: {  	_ =	shalt  }
0x63: {  	_ =	shalt  }
0x64: {  	_ =	shalt  }
0x65: {  	_ =	shalt  }
0x66: {  	_ =	shalt  }
0x67: {  	_ =	shalt  }
0x68: {  	_ =	shalt  }
0x69: {  	_ =	shalt  }
0x6a: {  	_ =	shalt  }
0x6b: {  	_ =	shalt  }
0x6c: {  	_ =	shalt  }
0x6d: {  	_ =	shalt  }
0x6e: {  	_ =	shalt  }
0x6f: {  	_ =	shalt  }
0x70: {  	_ =	shalt  }
0x71: {  	_ =	shalt  }
0x72: {  	_ =	shalt  }
0x73: {  	_ =	shalt  }
0x74: {  	_ =	shalt  }
0x75: {  	_ =	shalt  }
0x76: {  	_ =	shalt  }
0x77: {  	_ =	shalt  }
0x78: {  	_ =	shalt  }
0x79: {  	_ =	shalt  }
0x7a: {  	_ =	shalt  }
0x7b: {  	_ =	shalt  }
0x7c: {  	_ =	shalt  }
0x7d: {  	_ =	shalt  }
0x7e: {  	_ =	shalt  }
0x7f: {  	_ =	shalt  }
0x80: {  	_ =	shalt  }
0x81: {  	_ =	shalt  }
0x82: {  	_ =	shalt  }
0x83: {  	_ =	shalt  }
0x84: {  	_ =	shalt  }
0x85: {  	_ =	shalt  }
0x86: {  	_ =	shalt  }
0x87: {  	_ =	shalt  }
.Lfunc_end0:
.L_simem_size_0:
called_computation.3_lowered:
.L_overlay_start_0:
0x88: {  	s2 =	sld [smem:$0x3FD9]  }
0x89: {  	s3 =	sld [smem:$0x3FFE];
	_ =	sdelay $0x1  }
0x8a: {  	s1 =	srdreg.scid  }
0x8b: {  	s0 =	sand.u32 $0x1, s1  }
0x8c: {  	s16 =	sshll.u32 s0, $0xA;
	s2 =	sadd.s32 s3, s2  }
0x8d: {  	s2 =	sadd.s32 s2, s16  }
0x8e: {  	[smem:$0x3FBE] =	sst s2  }
0x8f: {  	_ = 	snop  }
0x90: {  	(tm) =	ssettm $0x1  }
0x91: {  	s17 =	sld [smem:$0x3FFB];
	_ =	sdelay $0x3  }
0x92: {  	_ =	strace s17  }
0x93: {  	s2 =	sld [smem:$0x3FFC];
	_ =	sdelay $0x3  }
0x94: {  	_ =	strace s2  }
0x95: {  	s2 =	sld [smem:$0x3FFD];
	_ =	sdelay $0x3  }
0x96: {  	_ =	strace s2  }
0x97: {  	_ =	strace $0x8FFFFFFF  }
0x98: {  	s18 =	sld [smem:$0x3FDB];
	_ =	sdelay $0x1  }
0x99: {  	s19 =	simm.s32 $_scs_section_size  }
0x9a: {  	s4 =	simm.s32 $_size__tile_overlayer_lowered;
	s5 =	simm.s32 $_tile_overlayer_lowered  }
0x9b: {  	s22 =	simm.s32 $0x1BFF;
	s21 =	sshll.u32 s5, $0x1;
	s2 =	sadd.s32 s19, s18  }
0x9c: {  	s6 =	simm.s32 $0x0;
	s20 =	sshll.u32 s4, $0x1;
	s4 =	sadd.s32 s21, s2  }
0x9d: {  	[timem:s6], [sflag:s22] =	dma.local [hbm:s4], s20  }
0x9e: {  	_ =	swait.ge [sflag:s22], s20  }
0x9f: {  	s3 =	ssub.s32 $0x0, s20;
	[sflag:s22] =	ssyncset.done $0x0  }
0xa0: {  	[sflag:s22] =	ssyncadd.s32 s3;
	_ =	sdelay $0x1  }
0xa1: {  	s23 =	simm.s32 $0x1B8B  }
0xa2: {  	_ =	swait.ge [sflag:s23], $0x1  }
0xa3: {  	[sflag:s23] =	ssyncset.done $0x0  }
0xa4: {  	s25 =	simm.s32 $0x1B8E;
	s24 =	sld [smem:$0x3FFE];
	[sflag:s23] =	ssyncadd.s32 $0xFFFFFFFF  }
0xa5: {  	s26 =	simm.s32 $execute0_lowered;
	[smem:$0x3FD2] =	sst s25  }
0xa6: {  	s4 =	sshll.u32 s26, $0x1;
	_ =	strace $0x8000004F;
	[dreg:$0x1] =	wrdreg $0xFFFFFFFF  }
0xa7: {  	s28 =	simm.s32 $_size_execute0_lowered;
	s2 =	sadd.s32 s2, s4;
	[dreg:$0x0] =	wrdreg $0x0  }
0xa8: {  	s4 =	sshll.u32 s28, $0x1;
	[dreg:$0x2] =	wrdreg s2  }
0xa9: {  	[dreg:$0x3] =	wrdreg s4  }
0xaa: {  	[dreg:$0x4] =	wrdreg $0xC0  }
0xab: {  	_ =	task [dreg:s6], $0x5FFFF  }
0xac: {  	[dreg:$0x1] =	wrdreg $0xFFFFFFFF  }
0xad: {  	[dreg:$0x0] =	wrdreg $0x60  }
0xae: {  	[dreg:$0x2] =	wrdreg s24  }
0xaf: {  	[dreg:$0x3] =	wrdreg $0xB2200  }
0xb0: {  	[dreg:$0x4] =	wrdreg $0x9  }
0xb1: {  	_ =	task.clear_ibuf [dreg:s6], $0x5FFFF;
	_ =	strace $0x9000004F  }
0xb2: {  	s29 =	simm.s32 $0x9;
	_ =	strace $0x80000051  }
0xb3: {  	_ =	swait.ge [sflag:s29], $0x1  }
0xb4: {  	[sflag:s29] =	ssyncadd.s32 $0xFFFFFFFF  }
0xb5: {  	_ =	strace $0x90000051  }
0xb6: {  	_ =	sfence  }
0xb7: {  	s30 =	sld [smem:$0x0];
	_ =	sdelay $0x2  }
0xb8: {  	s31 =	sshll.u32 s1, $0xD;
	s1 =	sshrl.u32 s1, $0x2  }
0xb9: {  	s3 =	sand.u32 $0x4000, s31;
	s1 =	sadd.s32 s1, s30  }
0xba: {  	s0 =	sor.u32 s3, s0;
	s1 =	sshll.u32 s1, $0x11  }
0xbb: {  	s0 =	sor.u32 s1, s0  }
0xbc: {  	s0 =	sadd.s32 $0x8F2B, s0  }
0xbd: {  	[sflag:s0] =	ssyncadd.remote.s32 $0x1  }
0xbe: {  	_ =	sfence.sel $0xFFFF  }
0xbf: {  	[dreg:$0x0] =	wrdreg $0xFFFFFFFF;
	(pc) =	sbr.abs _section_cstart, $3  }
0xc0: {  	[dreg:$0x1] =	wrdreg $0xFFFFFFFF  }
0xc1: {  	_ =	task.clear_ibuf [dreg:s6], $0x2FFFF;
	_ =	strace $0x9FFFFFFF  }
0xc2: {  	(tm) =	ssettm $0x7FFFFFFF  }
0xc3: {  	_ =	shalt  }
tec
execute0_lowered:
.L_overlay_start_1:
0x0: {  	(tag) =	ssettag $0x1  }
0x1: {  	s0 =	srdreg.scid  }
0x2: {  	s11 =	stileid.u32;
	s5 =	rddreg [dreg:$0x0]  }
0x3: {  	s2 =	rddreg [dreg:$0x1];
	s3 =	simm.s32 $0x0;
	s14 =	simm.s32 $0x50  }
0x4: {  	s15 =	simm.s32 $0x4E20;
	s16 =	simm.s32 $0x6220;
	s18 =	simm.s32 $0x7620  }
0x5: {  	s20 =	simm.s32 $0x8A20;
	s22 =	simm.s32 $0x9E20;
	s23 =	simm.s32 $0x1  }
0x6: {  	s24 =	simm.s32 $0x2;
	s28 =	simm.s32 $0x5;
	s29 =	simm.s32 $0x4C90  }
0x7: {  	s30 =	simm.s32 $0x4CE0;
	s31 =	simm.s32 $0x4D30;
	s0 =	sand.u32 $0x1, s0  }
0x8: {  	s7 =	smul.u32 $0xA000, s11;
	[smem:$0x7FF] =	sst s3;
	s4 =	sadd.s32 $0xCE00, s5  }
0x9: {  	s26 =	sshll.u32 s11, $0x6;
	s1 =	sshll.u32 s0, $0x4;
	s6 =	smul.u32 $0xA0000, s0  }
0xa: {  	_ =	strace $0x80000050;
	s0 =	ssub.s32 $0x2, s0;
	s12 =	sor.u32 $0x1C06, s26  }
0xb: {  	s26 =	simm.s32 $0x4;
	s1 =	sor.u32 s11, s1;
	s8 =	sshrl.u32 s7, $0x3  }
0xc: {  	s9 =	sshrl.u32 s0, $0x1;
	s25 =	sadd.s32 s7, s2;
	s11 =	simm.s32 $0x0  }
0xd: {  	s1 =	smul.u32 $0x2710, s1;
	s6 =	sadd.s32 s7, s6;
	s8 =	sadd.s32 s8, s5  }
0xe: {  	s0 =	ssub.s32 s0, s9;
	s13 =	sshrl.u32 s25, $0x3;
	s25 =	simm.s32 $0x3  }
0xf: {  	s6 =	sshrl.u32 s6, $0x3;
	s7 =	sadd.s32 $0x36E00, s8;
	s9 =	smax.u32 s0, $0x1  }
0x10: {  	s0 =	simm.s32 $0x4DD0;
	s1 =	sshrl.u32 s1, $0x3;
	s10 =	sadd.s32 s6, s5  }
0x11: {  	s1 =	sadd.s32 s1, s5;
	s8 =	sadd.s32 $0x4AE00, s10;
	s10 =	simm.s32 $0x6  }
0x12: {  	s5 =	sadd.s32 $0x23400, s1;
	s6 =	sadd.s32 $0x2D040, s1;
	s1 =	simm.s32 $0x4D80  }
.LBB2_1:
0x13: {  	[tilespmem:s3], [sflag:$0x6] =	stream.linear.gather [hbm4b:s5+s3], $0x2710, $0x38;
	[tilespmem:$0x15220] =	vst v63  }
0x14: {  	_ =	swait.ge [sflag:s10], $0x2710  }
0x15: {  	[sflag:s10] =	ssyncset.done $0x0  }
0x16: {  	s17 =	simm.s32 $0x2710;
	[sflag:s10] =	ssyncadd.s32 $0xFFFFD8F0  }
0x17: {  	[tilespmem:s17], [sflag:$0x6] =	stream.linear.gather [hbm4b:s6+s3], $0x2710, $0x38;
	[tilespmem:$0x15220] =	vst v63  }
0x18: {  	_ =	swait.ge [sflag:s10], $0x2710  }
0x19: {  	[sflag:s10] =	ssyncset.done $0x0  }
0x1a: {  	[sflag:s10] =	ssyncadd.s32 $0xFFFFD8F0  }
0x1b: {  	[spmem:s13], [sflag:s12] =	dma.local [hbm:s7], $0x1400  }
0x1c: {  	_ =	swait.ge [sflag:s10], $0x1400  }
0x1d: {  	[sflag:s10] =	ssyncset.done $0x0  }
0x1e: {  	[sflag:s10] =	ssyncadd.s32 $0xFFFFEC00  }
0x1f: {  	[bflag:$0x0] =	sbarrier.arrive $0xFFFF  }
0x20: {  	[tilespmem:s15], [sflag:$0x1] =	stream.indirect.gather [hbm4b:s4+s14], $0x40, s3, s14, $0xb8;
	[tilespmem:$0x15220] =	vst v63  }
0x21: {  	_ = 	snop  }
0x22: {  	[tilespmem:s16], [sflag:$0x2] =	stream.indirect.gather [hbm4b:s4+s14], $0x40, s14, s14, $0xb8;
	[tilespmem:$0x15220] =	vst v63  }
0x23: {  	s19 =	simm.s32 $0xA0  }
0x24: {  	[tilespmem:s18], [sflag:$0x3] =	stream.indirect.gather [hbm4b:s4+s14], $0x40, s19, s14, $0xb8;
	[tilespmem:$0x15220] =	vst v63  }
0x25: {  	s21 =	simm.s32 $0xF0  }
0x26: {  	[tilespmem:s20], [sflag:$0x4] =	stream.indirect.gather [hbm4b:s4+s14], $0x40, s21, s14, $0xb8;
	[tilespmem:$0x15220] =	vst v63  }
0x27: {  	s19 =	simm.s32 $0x140  }
0x28: {  	[tilespmem:s22], [sflag:$0x5] =	stream.indirect.gather [hbm4b:s4+s14], $0x40, s19, s14, $0xb8;
	[tilespmem:$0x15220] =	vst v63  }
0x29: {  	_ =	swait.ge [sflag:s23], $0x1400  }
0x2a: {  	[sflag:s23] =	ssyncset.done $0x0  }
0x2b: {  	s21 =	simm.s32 $0x2710;
	[sflag:s23] =	ssyncadd.s32 $0xFFFFEC00  }
0x2c: {  	[spmem:s2] =	stream.indirect.scatter.add.f32 [tilespmem:s15], [sflag:$0x6], $0x40, s21, s14, $0xb8;
	[tilespmem:$0x15220] =	vst v63  }
0x2d: {  	_ =	swait.ge [sflag:s10], $0x1400  }
0x2e: {  	[sflag:s10] =	ssyncset.done $0x0  }
0x2f: {  	s19 =	simm.s32 $0x190;
	[sflag:s10] =	ssyncadd.s32 $0xFFFFEC00  }
0x30: {  	[tilespmem:s15], [sflag:$0x1] =	stream.indirect.gather [hbm4b:s4+s14], $0x40, s19, s14, $0xb8;
	[tilespmem:$0x15220] =	vst v63  }
0x31: {  	_ =	swait.ge [sflag:s24], $0x1400  }
0x32: {  	[sflag:s24] =	ssyncset.done $0x0  }
0x33: {  	s21 =	simm.s32 $0x2760;
	[sflag:s24] =	ssyncadd.s32 $0xFFFFEC00  }
0x34: {  	[spmem:s2] =	stream.indirect.scatter.add.f32 [tilespmem:s16], [sflag:$0x6], $0x40, s21, s14, $0xb8;
	[tilespmem:$0x15220] =	vst v63  }
0x35: {  	_ =	swait.ge [sflag:s10], $0x1400  }
0x36: {  	[sflag:s10] =	ssyncset.done $0x0  }
0x37: {  	s19 =	simm.s32 $0x1E0;
	[sflag:s10] =	ssyncadd.s32 $0xFFFFEC00  }
0x38: {  	[tilespmem:s16], [sflag:$0x2] =	stream.indirect.gather [hbm4b:s4+s14], $0x40, s19, s14, $0xb8;
	[tilespmem:$0x15220] =	vst v63  }
0x39: {  	_ =	swait.ge [sflag:s25], $0x1400  }
0x3a: {  	[sflag:s25] =	ssyncset.done $0x0  }
0x3b: {  	s21 =	simm.s32 $0x27B0;
	[sflag:s25] =	ssyncadd.s32 $0xFFFFEC00  }
0x3c: {  	[spmem:s2] =	stream.indirect.scatter.add.f32 [tilespmem:s18], [sflag:$0x6], $0x40, s21, s14, $0xb8;
	[tilespmem:$0x15220] =	vst v63  }
0x3d: {  	_ =	swait.ge [sflag:s10], $0x1400  }
0x3e: {  	[sflag:s10] =	ssyncset.done $0x0  }
0x3f: {  	s19 =	simm.s32 $0x230;
	[sflag:s10] =	ssyncadd.s32 $0xFFFFEC00  }
0x40: {  	[tilespmem:s18], [sflag:$0x3] =	stream.indirect.gather [hbm4b:s4+s14], $0x40, s19, s14, $0xb8;
	[tilespmem:$0x15220] =	vst v63  }
0x41: {  	_ =	swait.ge [sflag:s26], $0x1400  }
0x42: {  	[sflag:s26] =	ssyncset.done $0x0  }
0x43: {  	s21 =	simm.s32 $0x2800;
	[sflag:s26] =	ssyncadd.s32 $0xFFFFEC00  }
0x44: {  	[spmem:s2] =	stream.indirect.scatter.add.f32 [tilespmem:s20], [sflag:$0x6], $0x40, s21, s14, $0xb8;
	[tilespmem:$0x15220] =	vst v63  }
0x45: {  	_ =	swait.ge [sflag:s10], $0x1400  }
0x46: {  	[sflag:s10] =	ssyncset.done $0x0  }
0x47: {  	s19 =	simm.s32 $0x280;
	[sflag:s10] =	ssyncadd.s32 $0xFFFFEC00  }
0x48: {  	[tilespmem:s20], [sflag:$0x4] =	stream.indirect.gather [hbm4b:s4+s14], $0x40, s19, s14, $0xb8;
	[tilespmem:$0x15220] =	vst v63  }
0x49: {  	_ =	swait.ge [sflag:s28], $0x1400  }
0x4a: {  	[sflag:s28] =	ssyncset.done $0x0  }
0x4b: {  	s21 =	simm.s32 $0x2850;
	[sflag:s28] =	ssyncadd.s32 $0xFFFFEC00  }
0x4c: {  	[spmem:s2] =	stream.indirect.scatter.add.f32 [tilespmem:s22], [sflag:$0x6], $0x40, s21, s14, $0xb8;
	[tilespmem:$0x15220] =	vst v63  }
0x4d: {  	_ =	swait.ge [sflag:s10], $0x1400  }
0x4e: {  	[sflag:s10] =	ssyncset.done $0x0  }
0x4f: {  	s17 =	simm.s32 $0x640;
	s19 =	simm.s32 $0x2D0;
	[sflag:s10] =	ssyncadd.s32 $0xFFFFEC00  }
.LBB2_2:
0x50: {  	[tilespmem:s22], [sflag:$0x5] =	stream.indirect.gather [hbm4b:s4+s14], $0x40, s19, s14, $0xb8;
	[tilespmem:$0x15220] =	vst v63  }
0x51: {  	s19 =	smov.u32 s17  }
0x52: {  	p0 =	sne.s32 s17, $0x8FC0;
	s17 =	sadd.s32 $0x640, s17;
	_ =	swait.ge [sflag:s23], $0x1400  }
0x53: {  	s19 =	sshra.s32 s19, $0x2;
	[sflag:s23] =	ssyncset.done $0x0  }
0x54: {  	s21 =	sadd.s32 $0x2710, s19;
	[sflag:s23] =	ssyncadd.s32 $0xFFFFEC00  }
0x55: {  	[spmem:s2] =	stream.indirect.scatter.add.f32 [tilespmem:s15], [sflag:$0x6], $0x40, s21, s14, $0xb8;
	[tilespmem:$0x15220] =	vst v63  }
0x56: {  	_ =	swait.ge [sflag:s10], $0x1400  }
0x57: {  	[sflag:s10] =	ssyncset.done $0x0  }
0x58: {  	s21 =	sadd.s32 $0x190, s19;
	[sflag:s10] =	ssyncadd.s32 $0xFFFFEC00  }
0x59: {  	[tilespmem:s15], [sflag:$0x1] =	stream.indirect.gather [hbm4b:s4+s14], $0x40, s21, s14, $0xb8;
	[tilespmem:$0x15220] =	vst v63  }
0x5a: {  	_ =	swait.ge [sflag:s24], $0x1400  }
0x5b: {  	[sflag:s24] =	ssyncset.done $0x0  }
0x5c: {  	s21 =	sadd.s32 $0x2760, s19;
	[sflag:s24] =	ssyncadd.s32 $0xFFFFEC00  }
0x5d: {  	[spmem:s2] =	stream.indirect.scatter.add.f32 [tilespmem:s16], [sflag:$0x6], $0x40, s21, s14, $0xb8;
	[tilespmem:$0x15220] =	vst v63  }
0x5e: {  	_ =	swait.ge [sflag:s10], $0x1400  }
0x5f: {  	[sflag:s10] =	ssyncset.done $0x0  }
0x60: {  	s21 =	sadd.s32 $0x1E0, s19;
	[sflag:s10] =	ssyncadd.s32 $0xFFFFEC00  }
0x61: {  	[tilespmem:s16], [sflag:$0x2] =	stream.indirect.gather [hbm4b:s4+s14], $0x40, s21, s14, $0xb8;
	[tilespmem:$0x15220] =	vst v63  }
0x62: {  	_ =	swait.ge [sflag:s25], $0x1400  }
0x63: {  	[sflag:s25] =	ssyncset.done $0x0  }
0x64: {  	s21 =	sadd.s32 $0x27B0, s19;
	[sflag:s25] =	ssyncadd.s32 $0xFFFFEC00  }
0x65: {  	[spmem:s2] =	stream.indirect.scatter.add.f32 [tilespmem:s18], [sflag:$0x6], $0x40, s21, s14, $0xb8;
	[tilespmem:$0x15220] =	vst v63  }
0x66: {  	_ =	swait.ge [sflag:s10], $0x1400  }
0x67: {  	[sflag:s10] =	ssyncset.done $0x0  }
0x68: {  	s21 =	sadd.s32 $0x230, s19;
	[sflag:s10] =	ssyncadd.s32 $0xFFFFEC00  }
0x69: {  	[tilespmem:s18], [sflag:$0x3] =	stream.indirect.gather [hbm4b:s4+s14], $0x40, s21, s14, $0xb8;
	[tilespmem:$0x15220] =	vst v63  }
0x6a: {  	_ =	swait.ge [sflag:s26], $0x1400  }
0x6b: {  	[sflag:s26] =	ssyncset.done $0x0  }
0x6c: {  	s21 =	sadd.s32 $0x2800, s19;
	[sflag:s26] =	ssyncadd.s32 $0xFFFFEC00  }
0x6d: {  	[spmem:s2] =	stream.indirect.scatter.add.f32 [tilespmem:s20], [sflag:$0x6], $0x40, s21, s14, $0xb8;
	[tilespmem:$0x15220] =	vst v63  }
0x6e: {  	_ =	swait.ge [sflag:s10], $0x1400  }
0x6f: {  	[sflag:s10] =	ssyncset.done $0x0  }
0x70: {  	s21 =	sadd.s32 $0x280, s19;
	[sflag:s10] =	ssyncadd.s32 $0xFFFFEC00  }
0x71: {  	[tilespmem:s20], [sflag:$0x4] =	stream.indirect.gather [hbm4b:s4+s14], $0x40, s21, s14, $0xb8;
	[tilespmem:$0x15220] =	vst v63  }
0x72: {  	_ =	swait.ge [sflag:s28], $0x1400  }
0x73: {  	[sflag:s28] =	ssyncset.done $0x0  }
.Ltmp0:
0x74: {  	s21 =	sadd.s32 $0x2850, s19;
	[sflag:s28] =	ssyncadd.s32 $0xFFFFEC00;
	(pc) =	sbr.rel @p0 .LBB2_2-.Ltmp0, $4  }
0x75: {  	[spmem:s2] =	stream.indirect.scatter.add.f32 [tilespmem:s22], [sflag:$0x6], $0x40, s21, s14, $0xb8;
	[tilespmem:$0x15220] =	vst v63  }
0x76: {  	_ =	swait.ge [sflag:s10], $0x1400  }
0x77: {  	[sflag:s10] =	ssyncset.done $0x0  }
0x78: {  	s19 =	sadd.s32 $0x2D0, s19;
	[sflag:s10] =	ssyncadd.s32 $0xFFFFEC00  }
0x79: {  	[tilespmem:s22], [sflag:$0x5] =	stream.indirect.gather [hbm4b:s4+s14], $0x40, s19, s14, $0xb8;
	[tilespmem:$0x15220] =	vst v63  }
0x7a: {  	_ =	swait.ge [sflag:s23], $0x1400  }
0x7b: {  	[sflag:s23] =	ssyncset.done $0x0  }
0x7c: {  	[sflag:s23] =	ssyncadd.s32 $0xFFFFEC00  }
0x7d: {  	[spmem:s2] =	stream.indirect.scatter.add.f32 [tilespmem:s15], [sflag:$0x6], $0x40, s29, s14, $0xb8;
	[tilespmem:$0x15220] =	vst v63  }
0x7e: {  	_ =	swait.ge [sflag:s10], $0x1400  }
0x7f: {  	[sflag:s10] =	ssyncset.done $0x0  }
0x80: {  	[sflag:s10] =	ssyncadd.s32 $0xFFFFEC00  }
0x81: {  	_ =	swait.ge [sflag:s24], $0x1400  }
0x82: {  	[sflag:s24] =	ssyncset.done $0x0  }
0x83: {  	[sflag:s24] =	ssyncadd.s32 $0xFFFFEC00  }
0x84: {  	[spmem:s2] =	stream.indirect.scatter.add.f32 [tilespmem:s16], [sflag:$0x6], $0x40, s30, s14, $0xb8;
	[tilespmem:$0x15220] =	vst v63  }
0x85: {  	_ =	swait.ge [sflag:s10], $0x1400  }
0x86: {  	[sflag:s10] =	ssyncset.done $0x0  }
0x87: {  	[sflag:s10] =	ssyncadd.s32 $0xFFFFEC00  }
0x88: {  	_ =	swait.ge [sflag:s25], $0x1400  }
0x89: {  	[sflag:s25] =	ssyncset.done $0x0  }
0x8a: {  	[sflag:s25] =	ssyncadd.s32 $0xFFFFEC00  }
0x8b: {  	[spmem:s2] =	stream.indirect.scatter.add.f32 [tilespmem:s18], [sflag:$0x6], $0x40, s31, s14, $0xb8;
	[tilespmem:$0x15220] =	vst v63  }
0x8c: {  	_ =	swait.ge [sflag:s10], $0x1400  }
0x8d: {  	[sflag:s10] =	ssyncset.done $0x0  }
0x8e: {  	[sflag:s10] =	ssyncadd.s32 $0xFFFFEC00  }
0x8f: {  	_ =	swait.ge [sflag:s26], $0x1400  }
0x90: {  	[sflag:s26] =	ssyncset.done $0x0  }
0x91: {  	[sflag:s26] =	ssyncadd.s32 $0xFFFFEC00  }
0x92: {  	[spmem:s2] =	stream.indirect.scatter.add.f32 [tilespmem:s20], [sflag:$0x6], $0x40, s1, s14, $0xb8;
	[tilespmem:$0x15220] =	vst v63  }
0x93: {  	_ =	swait.ge [sflag:s10], $0x1400  }
0x94: {  	[sflag:s10] =	ssyncset.done $0x0  }
0x95: {  	[sflag:s10] =	ssyncadd.s32 $0xFFFFEC00  }
0x96: {  	_ =	swait.ge [sflag:s28], $0x1400  }
0x97: {  	[sflag:s28] =	ssyncset.done $0x0  }
0x98: {  	[sflag:s28] =	ssyncadd.s32 $0xFFFFEC00  }
0x99: {  	[spmem:s2] =	stream.indirect.scatter.add.f32 [tilespmem:s22], [sflag:$0x6], $0x40, s0, s14, $0xb8;
	[tilespmem:$0x15220] =	vst v63  }
0x9a: {  	_ =	swait.ge [sflag:s10], $0x1400  }
0x9b: {  	s11 =	sadd.s32 $0x1, s11;
	[sflag:s10] =	ssyncset.done $0x0  }
0x9c: {  	p0 =	sne.s32 s11, s9;
	[sflag:s10] =	ssyncadd.s32 $0xFFFFEC00  }
.Ltmp1:
0x9d: {  	[bflag:$0x0] =	sbarrier.arrive $0xFFFF;
	(pc) =	sbr.rel @p0 .LBB2_1-.Ltmp1, $4  }
0x9e: {  	[hbm:s8], [sflag:s12] =	dma.local [spmem:s13], $0x1400  }
0x9f: {  	_ =	swait.ge [sflag:s10], $0x1400  }
0xa0: {  	[sflag:s10] =	ssyncset.done $0x0  }
0xa1: {  	[sflag:s10] =	ssyncadd.s32 $0xFFFFEC00  }
0xa2: {  	_ =	sfence.sel $0x180000  }
0xa3: {  	[bflag:$0x0] =	sbarrier.arrive $0xFFFF  }
0xa4: {  	_ =	strace $0x90000050  }
0xa5: {  	s0 =	stileid.u32;
	[bflag:$0x2] =	sbarrier.arrive $0xFFFF  }
0xa6: {  	p0 =	sne.s32 s0, $0x0;
	s0 =	rddreg [dreg:$0x2]  }
0xa7: {  	s0 =	sadd.s32 @!p0 $0x100000, s0  }
0xa8: {  	[sflag:s0] =	ssyncadd.tile.s32 @!p0 $0x1;
	_ =	shalt  }
.Lfunc_end2:
_tile_overlayer_lowered:
.L_overlay_start_2:
0xa9: {  	(tag) =	ssettag $0x2  }
0xaa: {  	s0 =	rddreg [dreg:$0x0];
	s2 =	stileid.u32  }
0xab: {  	s1 =	rddreg [dreg:$0x1];
	p0 =	sne.s32 s2, $0x0  }
0xac: {  	s3 =	rddreg [dreg:$0x2];
	[bflag:$0x3] =	sbarrier.arrive $0xFFFF;
	s2 =	simm.s32 @!p0 $0x1C06  }
0xad: {  	[timem:s3], [sflag:s2] =	dma.local @!p0 [hbm:s0], s1  }
0xae: {  	s0 =	simm.s32 @!p0 $0x6  }
0xaf: {  	_ =	swait.ge @!p0 [sflag:s0], s1  }
0xb0: {  	s1 =	ssub.s32 @!p0 $0x0, s1;
	[sflag:s0] =	ssyncset.done @!p0 $0x0  }
0xb1: {  	[sflag:s0] =	ssyncadd.s32 @!p0 s1  }
0xb2: {  	[bflag:$0x3] =	sbarrier.arrive $0xFFFF  }
0xb3: {  	_ =	shalt  }

// kernel: kernel.24.cloned.1.call-start
scs
__scs_entry_jumppad:
0x0: {  	(pc) =	sbr.rel $0x88, $3  }
0x1: {  	(tag) =	ssettag $0x0;
	lr =	simm.s32 $0x1  }
0x2: {  	[smem:$0x3F97] =	sst lr;
	_ =	strace $0xD0000000  }
0x3: {  	_ = 	snop  }
0x4: {  	_ = 	snop  }
0x5: {  	_ = 	snop  }
0x6: {  	_ = 	snop  }
0x7: {  	_ = 	snop  }
__scs_overlays_trampoline_lowered:
0x8: {  	[smem:$0x3FA6] =	sst s0  }
0x9: {  	[smem:$0x3FA7] =	sst s1  }
0xa: {  	[smem:$0x3FA8] =	sst s2  }
0xb: {  	[smem:$0x3FA9] =	sst s3  }
0xc: {  	[smem:$0x3FAA] =	sst s4  }
0xd: {  	[smem:$0x3FAB] =	sst s5  }
0xe: {  	[smem:$0x3FAC] =	sst s6  }
0xf: {  	[smem:$0x3FAD] =	sst s7  }
0x10: {  	[smem:$0x3FAE] =	sst s8  }
0x11: {  	[smem:$0x3FAF] =	sst s9;
	s0 =	simm.s32 @!p0 $0x0  }
0x12: {  	s1 =	sld [smem:$0x3F95];
	s0 =	simm.s32 @p0 $0x1  }
0x13: {  	[smem:$0x3FB0] =	sst s0;
	s0 =	simm.s32 @!p1 $0x0  }
0x14: {  	s2 =	sld [smem:$0x3F94];
	s0 =	simm.s32 @p1 $0x1  }
0x15: {  	[smem:$0x3FB1] =	sst s0;
	s0 =	simm.s32 @!p2 $0x0  }
0x16: {  	s3 =	sld [smem:$0x3FDB];
	s0 =	simm.s32 @p2 $0x1  }
0x17: {  	s4 =	simm.s32 $0x1BF5;
	[smem:$0x3FB3] =	sst s0  }
0x18: {  	s0 =	sld [smem:$0x3F96];
	_ =	swait.ge [sflag:s4], $0x0  }
0x19: {  	s7 =	sld [smem:$0x3F97]  }
0x1a: {  	s8 =	sadd.s32 $0xFFFFE003, lr  }
0x1b: {  	s9 =	sadd.s32 $0xFFFFFEF7, lr;
	s5 =	simm.s32 $0xFFFFFFFF;
	p2 =	slt.u32 s8, $0xFFFFF086  }
0x1c: {  	p1 =	slt.u32 s9, $0xF7A;
	s5 =	simm.s32 @!p2 $0x0  }
0x1d: {  	s5 =	simm.s32 @p1 $0x1;
	p0 =	seq.s32 s7, s2  }
0x1e: {  	s7 =	smul.u32 @!p0 $0xF7A, s2;
	p2 =	seq.s32 @!p0 s5, $0x0  }
0x1f: {  	s9 =	smul.u32 $0xF7A, s1;
	s8 =	simm.s32 @!p0 $0x1BF5;
	p2 =	por !p2, p0  }
0x20: {  	[sflag:s8] =	ssyncset.s32 @!p0 $0xFFFFF086;
	s6 =	sadd.s32 @!p0 s3, s7;
	s7 =	simm.s32 @!p0 $0x108  }
0x21: {  	s3 =	sadd.s32 s3, s9;
	s6 =	sadd.s32 @!p0 $0x88, s6;
	s7 =	simm.s32 @p2 $0x1082  }
0x22: {  	[simem:s7], [sflag:s8] =	dma.local @!p0 [hbm:s6], $0xF7A  }
0x23: {  	s9 =	sor.u32 $0xD0000000, s2;
	s6 =	simm.s32 $0x108;
	_ =	swait.ge @!p0 [sflag:s8], $0x0  }
0x24: {  	s3 =	sadd.s32 $0x88, s3;
	s6 =	simm.s32 @!p1 $0x1082;
	[sflag:s4] =	ssyncset.s32 $0xFFFFF086  }
0x25: {  	[simem:s6], [sflag:s4] =	dma.local [hbm:s3], $0xF7A  }
0x26: {  	[smem:$0x3F97] =	sst s1;
	(tag) =	ssettag s2;
	_ =	strace s9  }
0x27: {  	s1 =	sld [smem:$0x3FA7]  }
0x28: {  	s2 =	sld [smem:$0x3FA8]  }
0x29: {  	s4 =	sld [smem:$0x3FAA]  }
0x2a: {  	p0 =	seq.s32 s5, $0x0;
	s5 =	sld [smem:$0x3FAB]  }
0x2b: {  	s6 =	sld [smem:$0x3FAC]  }
0x2c: {  	s7 =	sld [smem:$0x3FAD]  }
0x2d: {  	s3 =	simm.s32 $0x108;
	s8 =	sld [smem:$0x3FAE]  }
0x2e: {  	s3 =	simm.s32 @!p0 $0x1082;
	s9 =	sld [smem:$0x3FAF]  }
0x2f: {  	lr =	sadd.s32 s0, s3;
	s0 =	sld [smem:$0x3FA6]  }
0x30: {  	s3 =	sld [smem:$0x3FA9]  }
0x31: {  	[smem:$0x3FB2] =	sst s10  }
0x32: {  	s10 =	sld [smem:$0x3FB0];
	_ =	sdelay $0x3  }
0x33: {  	p0 =	seq.s32 s10, $0x1;
	s10 =	sld [smem:$0x3FB2];
	_ =	sdelay $0x3  }
0x34: {  	[smem:$0x3FB2] =	sst s10  }
0x35: {  	s10 =	sld [smem:$0x3FB1];
	_ =	sdelay $0x3  }
0x36: {  	p1 =	seq.s32 s10, $0x1;
	s10 =	sld [smem:$0x3FB2];
	_ =	sdelay $0x3  }
0x37: {  	[smem:$0x3FB2] =	sst s10  }
0x38: {  	s10 =	sld [smem:$0x3FB3]  }
0x39: {  	_ = 	snop;
	(pc) =	sbr.ind lr, $3  }
0x3a: {  	_ = 	snop  }
0x3b: {  	_ = 	snop  }
0x3c: {  	p2 =	seq.s32 s10, $0x1;
	s10 =	sld [smem:$0x3FB2]  }
0x3d: {  	_ =	shalt  }
0x3e: {  	_ =	shalt  }
0x3f: {  	_ =	shalt  }
0x40: {  	_ =	shalt  }
0x41: {  	_ =	shalt  }
0x42: {  	_ =	shalt  }
0x43: {  	_ =	shalt  }
0x44: {  	_ =	shalt  }
0x45: {  	_ =	shalt  }
0x46: {  	_ =	shalt  }
0x47: {  	_ =	shalt  }
0x48: {  	_ =	shalt  }
0x49: {  	_ =	shalt  }
0x4a: {  	_ =	shalt  }
0x4b: {  	_ =	shalt  }
0x4c: {  	_ =	shalt  }
0x4d: {  	_ =	shalt  }
0x4e: {  	_ =	shalt  }
0x4f: {  	_ =	shalt  }
0x50: {  	_ =	shalt  }
0x51: {  	_ =	shalt  }
0x52: {  	_ =	shalt  }
0x53: {  	_ =	shalt  }
0x54: {  	_ =	shalt  }
0x55: {  	_ =	shalt  }
0x56: {  	_ =	shalt  }
0x57: {  	_ =	shalt  }
0x58: {  	_ =	shalt  }
0x59: {  	_ =	shalt  }
0x5a: {  	_ =	shalt  }
0x5b: {  	_ =	shalt  }
0x5c: {  	_ =	shalt  }
0x5d: {  	_ =	shalt  }
0x5e: {  	_ =	shalt  }
0x5f: {  	_ =	shalt  }
0x60: {  	_ =	shalt  }
0x61: {  	_ =	shalt  }
0x62: {  	_ =	shalt  }
0x63: {  	_ =	shalt  }
0x64: {  	_ =	shalt  }
0x65: {  	_ =	shalt  }
0x66: {  	_ =	shalt  }
0x67: {  	_ =	shalt  }
0x68: {  	_ =	shalt  }
0x69: {  	_ =	shalt  }
0x6a: {  	_ =	shalt  }
0x6b: {  	_ =	shalt  }
0x6c: {  	_ =	shalt  }
0x6d: {  	_ =	shalt  }
0x6e: {  	_ =	shalt  }
0x6f: {  	_ =	shalt  }
0x70: {  	_ =	shalt  }
0x71: {  	_ =	shalt  }
0x72: {  	_ =	shalt  }
0x73: {  	_ =	shalt  }
0x74: {  	_ =	shalt  }
0x75: {  	_ =	shalt  }
0x76: {  	_ =	shalt  }
0x77: {  	_ =	shalt  }
0x78: {  	_ =	shalt  }
0x79: {  	_ =	shalt  }
0x7a: {  	_ =	shalt  }
0x7b: {  	_ =	shalt  }
0x7c: {  	_ =	shalt  }
0x7d: {  	_ =	shalt  }
0x7e: {  	_ =	shalt  }
0x7f: {  	_ =	shalt  }
0x80: {  	_ =	shalt  }
0x81: {  	_ =	shalt  }
0x82: {  	_ =	shalt  }
0x83: {  	_ =	shalt  }
0x84: {  	_ =	shalt  }
0x85: {  	_ =	shalt  }
0x86: {  	_ =	shalt  }
0x87: {  	_ =	shalt  }
.Lfunc_end0:
.L_simem_size_0:
called_computation.4_lowered:
.L_overlay_start_0:
0x88: {  	s2 =	sld [smem:$0x3FD9]  }
0x89: {  	s3 =	sld [smem:$0x3FFE];
	_ =	sdelay $0x1  }
0x8a: {  	s1 =	srdreg.scid  }
0x8b: {  	s0 =	sand.u32 $0x1, s1  }
0x8c: {  	s16 =	sshll.u32 s0, $0xA;
	s2 =	sadd.s32 s3, s2  }
0x8d: {  	s2 =	sadd.s32 s2, s16  }
0x8e: {  	[smem:$0x3FBE] =	sst s2  }
0x8f: {  	_ = 	snop  }
0x90: {  	(tm) =	ssettm $0x1  }
0x91: {  	s17 =	sld [smem:$0x3FFB];
	_ =	sdelay $0x3  }
0x92: {  	_ =	strace s17  }
0x93: {  	s2 =	sld [smem:$0x3FFC];
	_ =	sdelay $0x3  }
0x94: {  	_ =	strace s2  }
0x95: {  	s2 =	sld [smem:$0x3FFD];
	_ =	sdelay $0x3  }
0x96: {  	_ =	strace s2  }
0x97: {  	_ =	strace $0x8FFFFFFF  }
0x98: {  	s18 =	sld [smem:$0x3FDB];
	_ =	sdelay $0x1  }
0x99: {  	s19 =	simm.s32 $_scs_section_size  }
0x9a: {  	s4 =	simm.s32 $_size__tile_overlayer_lowered;
	s5 =	simm.s32 $_tile_overlayer_lowered  }
0x9b: {  	s22 =	simm.s32 $0x1BFF;
	s21 =	sshll.u32 s5, $0x1;
	s2 =	sadd.s32 s19, s18  }
0x9c: {  	s6 =	simm.s32 $0x0;
	s20 =	sshll.u32 s4, $0x1;
	s4 =	sadd.s32 s21, s2  }
0x9d: {  	[timem:s6], [sflag:s22] =	dma.local [hbm:s4], s20  }
0x9e: {  	_ =	swait.ge [sflag:s22], s20  }
0x9f: {  	s3 =	ssub.s32 $0x0, s20;
	[sflag:s22] =	ssyncset.done $0x0  }
0xa0: {  	[sflag:s22] =	ssyncadd.s32 s3;
	_ =	sdelay $0x1  }
0xa1: {  	s23 =	simm.s32 $0x1B8B  }
0xa2: {  	_ =	swait.ge [sflag:s23], $0x1  }
0xa3: {  	[sflag:s23] =	ssyncset.done $0x0  }
0xa4: {  	s25 =	simm.s32 $0x1B8E;
	s24 =	sld [smem:$0x3FFE];
	[sflag:s23] =	ssyncadd.s32 $0xFFFFFFFF  }
0xa5: {  	s26 =	simm.s32 $execute0_lowered;
	[smem:$0x3FD2] =	sst s25  }
0xa6: {  	s4 =	sshll.u32 s26, $0x1;
	_ =	strace $0x80000052;
	[dreg:$0x1] =	wrdreg $0xFFFFFFFF  }
0xa7: {  	s28 =	simm.s32 $_size_execute0_lowered;
	s2 =	sadd.s32 s2, s4;
	[dreg:$0x0] =	wrdreg $0x0  }
0xa8: {  	s4 =	sshll.u32 s28, $0x1;
	[dreg:$0x2] =	wrdreg s2  }
0xa9: {  	[dreg:$0x3] =	wrdreg s4  }
0xaa: {  	[dreg:$0x4] =	wrdreg $0xC0  }
0xab: {  	_ =	task [dreg:s6], $0x5FFFF  }
0xac: {  	[dreg:$0x1] =	wrdreg $0xFFFFFFFF  }
0xad: {  	[dreg:$0x0] =	wrdreg $0x60  }
0xae: {  	[dreg:$0x2] =	wrdreg s24  }
0xaf: {  	[dreg:$0x3] =	wrdreg $0x67200  }
0xb0: {  	[dreg:$0x4] =	wrdreg $0x9  }
0xb1: {  	_ =	task.clear_ibuf [dreg:s6], $0x5FFFF;
	_ =	strace $0x90000052  }
0xb2: {  	s29 =	simm.s32 $0x9;
	_ =	strace $0x80000054  }
0xb3: {  	_ =	swait.ge [sflag:s29], $0x1  }
0xb4: {  	[sflag:s29] =	ssyncadd.s32 $0xFFFFFFFF  }
0xb5: {  	_ =	strace $0x90000054  }
0xb6: {  	_ =	sfence  }
0xb7: {  	s30 =	sld [smem:$0x0];
	_ =	sdelay $0x2  }
0xb8: {  	s31 =	sshll.u32 s1, $0xD;
	s1 =	sshrl.u32 s1, $0x2  }
0xb9: {  	s3 =	sand.u32 $0x4000, s31;
	s1 =	sadd.s32 s1, s30  }
0xba: {  	s0 =	sor.u32 s3, s0;
	s1 =	sshll.u32 s1, $0x11  }
0xbb: {  	s0 =	sor.u32 s1, s0  }
0xbc: {  	s0 =	sadd.s32 $0x8F2B, s0  }
0xbd: {  	[sflag:s0] =	ssyncadd.remote.s32 $0x1  }
0xbe: {  	_ =	sfence.sel $0xFFFF  }
0xbf: {  	[dreg:$0x0] =	wrdreg $0xFFFFFFFF;
	(pc) =	sbr.abs _section_cstart, $3  }
0xc0: {  	[dreg:$0x1] =	wrdreg $0xFFFFFFFF  }
0xc1: {  	_ =	task.clear_ibuf [dreg:s6], $0x2FFFF;
	_ =	strace $0x9FFFFFFF  }
0xc2: {  	(tm) =	ssettm $0x7FFFFFFF  }
0xc3: {  	_ =	shalt  }
tec
execute0_lowered:
.L_overlay_start_1:
0x0: {  	(tag) =	ssettag $0x1  }
0x1: {  	s0 =	srdreg.scid  }
0x2: {  	s11 =	stileid.u32;
	s5 =	rddreg [dreg:$0x0]  }
0x3: {  	s2 =	rddreg [dreg:$0x1];
	s3 =	simm.s32 $0x0;
	s14 =	simm.s32 $0x50  }
0x4: {  	s15 =	simm.s32 $0x4E20;
	s16 =	simm.s32 $0x5320;
	s18 =	simm.s32 $0x5820  }
0x5: {  	s20 =	simm.s32 $0x5D20;
	s22 =	simm.s32 $0x6220;
	s23 =	simm.s32 $0x1  }
0x6: {  	s24 =	simm.s32 $0x2;
	s28 =	simm.s32 $0x5;
	s29 =	simm.s32 $0x4C90  }
0x7: {  	s30 =	simm.s32 $0x4CE0;
	s31 =	simm.s32 $0x4D30;
	s0 =	sand.u32 $0x1, s0  }
0x8: {  	s7 =	smul.u32 $0x2800, s11;
	[smem:$0x7FF] =	sst s3;
	s4 =	sadd.s32 $0x2E00, s5  }
0x9: {  	s26 =	sshll.u32 s11, $0x6;
	s1 =	sshll.u32 s0, $0x4;
	s6 =	smul.u32 $0x28000, s0  }
0xa: {  	_ =	strace $0x80000053;
	s0 =	ssub.s32 $0x2, s0;
	s12 =	sor.u32 $0x1C06, s26  }
0xb: {  	s26 =	simm.s32 $0x4;
	s1 =	sor.u32 s11, s1;
	s8 =	sshrl.u32 s7, $0x3  }
0xc: {  	s9 =	sshrl.u32 s0, $0x1;
	s25 =	sadd.s32 s7, s2;
	s11 =	simm.s32 $0x0  }
0xd: {  	s1 =	smul.u32 $0x2710, s1;
	s6 =	sadd.s32 s7, s6;
	s8 =	sadd.s32 s8, s5  }
0xe: {  	s0 =	ssub.s32 s0, s9;
	s13 =	sshrl.u32 s25, $0x3;
	s25 =	simm.s32 $0x3  }
0xf: {  	s6 =	sshrl.u32 s6, $0x3;
	s7 =	sadd.s32 $0x7E00, s8;
	s9 =	smax.u32 s0, $0x1  }
0x10: {  	s0 =	simm.s32 $0x4DD0;
	s1 =	sshrl.u32 s1, $0x3;
	s10 =	sadd.s32 s6, s5  }
0x11: {  	s1 =	sadd.s32 s1, s5;
	s8 =	sadd.s32 $0xCE00, s10;
	s10 =	simm.s32 $0x6  }
0x12: {  	s5 =	sadd.s32 $0x23400, s1;
	s6 =	sadd.s32 $0x2D040, s1;
	s1 =	simm.s32 $0x4D80  }
.LBB2_1:
0x13: {  	[tilespmem:s3], [sflag:$0x6] =	stream.linear.gather [hbm4b:s5+s3], $0x2710, $0x38;
	[tilespmem:$0x8F20] =	vst v63  }
0x14: {  	_ =	swait.ge [sflag:s10], $0x2710  }
0x15: {  	[sflag:s10] =	ssyncset.done $0x0  }
0x16: {  	s17 =	simm.s32 $0x2710;
	[sflag:s10] =	ssyncadd.s32 $0xFFFFD8F0  }
0x17: {  	[tilespmem:s17], [sflag:$0x6] =	stream.linear.gather [hbm4b:s6+s3], $0x2710, $0x38;
	[tilespmem:$0x8F20] =	vst v63  }
0x18: {  	_ =	swait.ge [sflag:s10], $0x2710  }
0x19: {  	[sflag:s10] =	ssyncset.done $0x0  }
0x1a: {  	[sflag:s10] =	ssyncadd.s32 $0xFFFFD8F0  }
0x1b: {  	[spmem:s13], [sflag:s12] =	dma.local [hbm:s7], $0x500  }
0x1c: {  	_ =	swait.ge [sflag:s10], $0x500  }
0x1d: {  	[sflag:s10] =	ssyncset.done $0x0  }
0x1e: {  	[sflag:s10] =	ssyncadd.s32 $0xFFFFFB00  }
0x1f: {  	[bflag:$0x0] =	sbarrier.arrive $0xFFFF  }
0x20: {  	[tilespmem:s15], [sflag:$0x1] =	stream.indirect.gather [hbm4b:s4+s14], $0x10, s3, s14, $0xb8;
	[tilespmem:$0x8F20] =	vst v63  }
0x21: {  	_ = 	snop  }
0x22: {  	[tilespmem:s16], [sflag:$0x2] =	stream.indirect.gather [hbm4b:s4+s14], $0x10, s14, s14, $0xb8;
	[tilespmem:$0x8F20] =	vst v63  }
0x23: {  	s19 =	simm.s32 $0xA0  }
0x24: {  	[tilespmem:s18], [sflag:$0x3] =	stream.indirect.gather [hbm4b:s4+s14], $0x10, s19, s14, $0xb8;
	[tilespmem:$0x8F20] =	vst v63  }
0x25: {  	s21 =	simm.s32 $0xF0  }
0x26: {  	[tilespmem:s20], [sflag:$0x4] =	stream.indirect.gather [hbm4b:s4+s14], $0x10, s21, s14, $0xb8;
	[tilespmem:$0x8F20] =	vst v63  }
0x27: {  	s19 =	simm.s32 $0x140  }
0x28: {  	[tilespmem:s22], [sflag:$0x5] =	stream.indirect.gather [hbm4b:s4+s14], $0x10, s19, s14, $0xb8;
	[tilespmem:$0x8F20] =	vst v63  }
0x29: {  	_ =	swait.ge [sflag:s23], $0x500  }
0x2a: {  	[sflag:s23] =	ssyncset.done $0x0  }
0x2b: {  	s21 =	simm.s32 $0x2710;
	[sflag:s23] =	ssyncadd.s32 $0xFFFFFB00  }
0x2c: {  	[spmem:s2] =	stream.indirect.scatter.add.f32 [tilespmem:s15], [sflag:$0x6], $0x10, s21, s14, $0xb8;
	[tilespmem:$0x8F20] =	vst v63  }
0x2d: {  	_ =	swait.ge [sflag:s10], $0x500  }
0x2e: {  	[sflag:s10] =	ssyncset.done $0x0  }
0x2f: {  	s19 =	simm.s32 $0x190;
	[sflag:s10] =	ssyncadd.s32 $0xFFFFFB00  }
0x30: {  	[tilespmem:s15], [sflag:$0x1] =	stream.indirect.gather [hbm4b:s4+s14], $0x10, s19, s14, $0xb8;
	[tilespmem:$0x8F20] =	vst v63  }
0x31: {  	_ =	swait.ge [sflag:s24], $0x500  }
0x32: {  	[sflag:s24] =	ssyncset.done $0x0  }
0x33: {  	s21 =	simm.s32 $0x2760;
	[sflag:s24] =	ssyncadd.s32 $0xFFFFFB00  }
0x34: {  	[spmem:s2] =	stream.indirect.scatter.add.f32 [tilespmem:s16], [sflag:$0x6], $0x10, s21, s14, $0xb8;
	[tilespmem:$0x8F20] =	vst v63  }
0x35: {  	_ =	swait.ge [sflag:s10], $0x500  }
0x36: {  	[sflag:s10] =	ssyncset.done $0x0  }
0x37: {  	s19 =	simm.s32 $0x1E0;
	[sflag:s10] =	ssyncadd.s32 $0xFFFFFB00  }
0x38: {  	[tilespmem:s16], [sflag:$0x2] =	stream.indirect.gather [hbm4b:s4+s14], $0x10, s19, s14, $0xb8;
	[tilespmem:$0x8F20] =	vst v63  }
0x39: {  	_ =	swait.ge [sflag:s25], $0x500  }
0x3a: {  	[sflag:s25] =	ssyncset.done $0x0  }
0x3b: {  	s21 =	simm.s32 $0x27B0;
	[sflag:s25] =	ssyncadd.s32 $0xFFFFFB00  }
0x3c: {  	[spmem:s2] =	stream.indirect.scatter.add.f32 [tilespmem:s18], [sflag:$0x6], $0x10, s21, s14, $0xb8;
	[tilespmem:$0x8F20] =	vst v63  }
0x3d: {  	_ =	swait.ge [sflag:s10], $0x500  }
0x3e: {  	[sflag:s10] =	ssyncset.done $0x0  }
0x3f: {  	s19 =	simm.s32 $0x230;
	[sflag:s10] =	ssyncadd.s32 $0xFFFFFB00  }
0x40: {  	[tilespmem:s18], [sflag:$0x3] =	stream.indirect.gather [hbm4b:s4+s14], $0x10, s19, s14, $0xb8;
	[tilespmem:$0x8F20] =	vst v63  }
0x41: {  	_ =	swait.ge [sflag:s26], $0x500  }
0x42: {  	[sflag:s26] =	ssyncset.done $0x0  }
0x43: {  	s21 =	simm.s32 $0x2800;
	[sflag:s26] =	ssyncadd.s32 $0xFFFFFB00  }
0x44: {  	[spmem:s2] =	stream.indirect.scatter.add.f32 [tilespmem:s20], [sflag:$0x6], $0x10, s21, s14, $0xb8;
	[tilespmem:$0x8F20] =	vst v63  }
0x45: {  	_ =	swait.ge [sflag:s10], $0x500  }
0x46: {  	[sflag:s10] =	ssyncset.done $0x0  }
0x47: {  	s19 =	simm.s32 $0x280;
	[sflag:s10] =	ssyncadd.s32 $0xFFFFFB00  }
0x48: {  	[tilespmem:s20], [sflag:$0x4] =	stream.indirect.gather [hbm4b:s4+s14], $0x10, s19, s14, $0xb8;
	[tilespmem:$0x8F20] =	vst v63  }
0x49: {  	_ =	swait.ge [sflag:s28], $0x500  }
0x4a: {  	[sflag:s28] =	ssyncset.done $0x0  }
0x4b: {  	s21 =	simm.s32 $0x2850;
	[sflag:s28] =	ssyncadd.s32 $0xFFFFFB00  }
0x4c: {  	[spmem:s2] =	stream.indirect.scatter.add.f32 [tilespmem:s22], [sflag:$0x6], $0x10, s21, s14, $0xb8;
	[tilespmem:$0x8F20] =	vst v63  }
0x4d: {  	_ =	swait.ge [sflag:s10], $0x500  }
0x4e: {  	[sflag:s10] =	ssyncset.done $0x0  }
0x4f: {  	s17 =	simm.s32 $0x640;
	s19 =	simm.s32 $0x2D0;
	[sflag:s10] =	ssyncadd.s32 $0xFFFFFB00  }
.LBB2_2:
0x50: {  	[tilespmem:s22], [sflag:$0x5] =	stream.indirect.gather [hbm4b:s4+s14], $0x10, s19, s14, $0xb8;
	[tilespmem:$0x8F20] =	vst v63  }
0x51: {  	s19 =	smov.u32 s17  }
0x52: {  	p0 =	sne.s32 s17, $0x8FC0;
	s17 =	sadd.s32 $0x640, s17;
	_ =	swait.ge [sflag:s23], $0x500  }
0x53: {  	s19 =	sshra.s32 s19, $0x2;
	[sflag:s23] =	ssyncset.done $0x0  }
0x54: {  	s21 =	sadd.s32 $0x2710, s19;
	[sflag:s23] =	ssyncadd.s32 $0xFFFFFB00  }
0x55: {  	[spmem:s2] =	stream.indirect.scatter.add.f32 [tilespmem:s15], [sflag:$0x6], $0x10, s21, s14, $0xb8;
	[tilespmem:$0x8F20] =	vst v63  }
0x56: {  	_ =	swait.ge [sflag:s10], $0x500  }
0x57: {  	[sflag:s10] =	ssyncset.done $0x0  }
0x58: {  	s21 =	sadd.s32 $0x190, s19;
	[sflag:s10] =	ssyncadd.s32 $0xFFFFFB00  }
0x59: {  	[tilespmem:s15], [sflag:$0x1] =	stream.indirect.gather [hbm4b:s4+s14], $0x10, s21, s14, $0xb8;
	[tilespmem:$0x8F20] =	vst v63  }
0x5a: {  	_ =	swait.ge [sflag:s24], $0x500  }
0x5b: {  	[sflag:s24] =	ssyncset.done $0x0  }
0x5c: {  	s21 =	sadd.s32 $0x2760, s19;
	[sflag:s24] =	ssyncadd.s32 $0xFFFFFB00  }
0x5d: {  	[spmem:s2] =	stream.indirect.scatter.add.f32 [tilespmem:s16], [sflag:$0x6], $0x10, s21, s14, $0xb8;
	[tilespmem:$0x8F20] =	vst v63  }
0x5e: {  	_ =	swait.ge [sflag:s10], $0x500  }
0x5f: {  	[sflag:s10] =	ssyncset.done $0x0  }
0x60: {  	s21 =	sadd.s32 $0x1E0, s19;
	[sflag:s10] =	ssyncadd.s32 $0xFFFFFB00  }
0x61: {  	[tilespmem:s16], [sflag:$0x2] =	stream.indirect.gather [hbm4b:s4+s14], $0x10, s21, s14, $0xb8;
	[tilespmem:$0x8F20] =	vst v63  }
0x62: {  	_ =	swait.ge [sflag:s25], $0x500  }
0x63: {  	[sflag:s25] =	ssyncset.done $0x0  }
0x64: {  	s21 =	sadd.s32 $0x27B0, s19;
	[sflag:s25] =	ssyncadd.s32 $0xFFFFFB00  }
0x65: {  	[spmem:s2] =	stream.indirect.scatter.add.f32 [tilespmem:s18], [sflag:$0x6], $0x10, s21, s14, $0xb8;
	[tilespmem:$0x8F20] =	vst v63  }
0x66: {  	_ =	swait.ge [sflag:s10], $0x500  }
0x67: {  	[sflag:s10] =	ssyncset.done $0x0  }
0x68: {  	s21 =	sadd.s32 $0x230, s19;
	[sflag:s10] =	ssyncadd.s32 $0xFFFFFB00  }
0x69: {  	[tilespmem:s18], [sflag:$0x3] =	stream.indirect.gather [hbm4b:s4+s14], $0x10, s21, s14, $0xb8;
	[tilespmem:$0x8F20] =	vst v63  }
0x6a: {  	_ =	swait.ge [sflag:s26], $0x500  }
0x6b: {  	[sflag:s26] =	ssyncset.done $0x0  }
0x6c: {  	s21 =	sadd.s32 $0x2800, s19;
	[sflag:s26] =	ssyncadd.s32 $0xFFFFFB00  }
0x6d: {  	[spmem:s2] =	stream.indirect.scatter.add.f32 [tilespmem:s20], [sflag:$0x6], $0x10, s21, s14, $0xb8;
	[tilespmem:$0x8F20] =	vst v63  }
0x6e: {  	_ =	swait.ge [sflag:s10], $0x500  }
0x6f: {  	[sflag:s10] =	ssyncset.done $0x0  }
0x70: {  	s21 =	sadd.s32 $0x280, s19;
	[sflag:s10] =	ssyncadd.s32 $0xFFFFFB00  }
0x71: {  	[tilespmem:s20], [sflag:$0x4] =	stream.indirect.gather [hbm4b:s4+s14], $0x10, s21, s14, $0xb8;
	[tilespmem:$0x8F20] =	vst v63  }
0x72: {  	_ =	swait.ge [sflag:s28], $0x500  }
0x73: {  	[sflag:s28] =	ssyncset.done $0x0  }
.Ltmp0:
0x74: {  	s21 =	sadd.s32 $0x2850, s19;
	[sflag:s28] =	ssyncadd.s32 $0xFFFFFB00;
	(pc) =	sbr.rel @p0 .LBB2_2-.Ltmp0, $4  }
0x75: {  	[spmem:s2] =	stream.indirect.scatter.add.f32 [tilespmem:s22], [sflag:$0x6], $0x10, s21, s14, $0xb8;
	[tilespmem:$0x8F20] =	vst v63  }
0x76: {  	_ =	swait.ge [sflag:s10], $0x500  }
0x77: {  	[sflag:s10] =	ssyncset.done $0x0  }
0x78: {  	s19 =	sadd.s32 $0x2D0, s19;
	[sflag:s10] =	ssyncadd.s32 $0xFFFFFB00  }
0x79: {  	[tilespmem:s22], [sflag:$0x5] =	stream.indirect.gather [hbm4b:s4+s14], $0x10, s19, s14, $0xb8;
	[tilespmem:$0x8F20] =	vst v63  }
0x7a: {  	_ =	swait.ge [sflag:s23], $0x500  }
0x7b: {  	[sflag:s23] =	ssyncset.done $0x0  }
0x7c: {  	[sflag:s23] =	ssyncadd.s32 $0xFFFFFB00  }
0x7d: {  	[spmem:s2] =	stream.indirect.scatter.add.f32 [tilespmem:s15], [sflag:$0x6], $0x10, s29, s14, $0xb8;
	[tilespmem:$0x8F20] =	vst v63  }
0x7e: {  	_ =	swait.ge [sflag:s10], $0x500  }
0x7f: {  	[sflag:s10] =	ssyncset.done $0x0  }
0x80: {  	[sflag:s10] =	ssyncadd.s32 $0xFFFFFB00  }
0x81: {  	_ =	swait.ge [sflag:s24], $0x500  }
0x82: {  	[sflag:s24] =	ssyncset.done $0x0  }
0x83: {  	[sflag:s24] =	ssyncadd.s32 $0xFFFFFB00  }
0x84: {  	[spmem:s2] =	stream.indirect.scatter.add.f32 [tilespmem:s16], [sflag:$0x6], $0x10, s30, s14, $0xb8;
	[tilespmem:$0x8F20] =	vst v63  }
0x85: {  	_ =	swait.ge [sflag:s10], $0x500  }
0x86: {  	[sflag:s10] =	ssyncset.done $0x0  }
0x87: {  	[sflag:s10] =	ssyncadd.s32 $0xFFFFFB00  }
0x88: {  	_ =	swait.ge [sflag:s25], $0x500  }
0x89: {  	[sflag:s25] =	ssyncset.done $0x0  }
0x8a: {  	[sflag:s25] =	ssyncadd.s32 $0xFFFFFB00  }
0x8b: {  	[spmem:s2] =	stream.indirect.scatter.add.f32 [tilespmem:s18], [sflag:$0x6], $0x10, s31, s14, $0xb8;
	[tilespmem:$0x8F20] =	vst v63  }
0x8c: {  	_ =	swait.ge [sflag:s10], $0x500  }
0x8d: {  	[sflag:s10] =	ssyncset.done $0x0  }
0x8e: {  	[sflag:s10] =	ssyncadd.s32 $0xFFFFFB00  }
0x8f: {  	_ =	swait.ge [sflag:s26], $0x500  }
0x90: {  	[sflag:s26] =	ssyncset.done $0x0  }
0x91: {  	[sflag:s26] =	ssyncadd.s32 $0xFFFFFB00  }
0x92: {  	[spmem:s2] =	stream.indirect.scatter.add.f32 [tilespmem:s20], [sflag:$0x6], $0x10, s1, s14, $0xb8;
	[tilespmem:$0x8F20] =	vst v63  }
0x93: {  	_ =	swait.ge [sflag:s10], $0x500  }
0x94: {  	[sflag:s10] =	ssyncset.done $0x0  }
0x95: {  	[sflag:s10] =	ssyncadd.s32 $0xFFFFFB00  }
0x96: {  	_ =	swait.ge [sflag:s28], $0x500  }
0x97: {  	[sflag:s28] =	ssyncset.done $0x0  }
0x98: {  	[sflag:s28] =	ssyncadd.s32 $0xFFFFFB00  }
0x99: {  	[spmem:s2] =	stream.indirect.scatter.add.f32 [tilespmem:s22], [sflag:$0x6], $0x10, s0, s14, $0xb8;
	[tilespmem:$0x8F20] =	vst v63  }
0x9a: {  	_ =	swait.ge [sflag:s10], $0x500  }
0x9b: {  	s11 =	sadd.s32 $0x1, s11;
	[sflag:s10] =	ssyncset.done $0x0  }
0x9c: {  	p0 =	sne.s32 s11, s9;
	[sflag:s10] =	ssyncadd.s32 $0xFFFFFB00  }
.Ltmp1:
0x9d: {  	[bflag:$0x0] =	sbarrier.arrive $0xFFFF;
	(pc) =	sbr.rel @p0 .LBB2_1-.Ltmp1, $4  }
0x9e: {  	[hbm:s8], [sflag:s12] =	dma.local [spmem:s13], $0x500  }
0x9f: {  	_ =	swait.ge [sflag:s10], $0x500  }
0xa0: {  	[sflag:s10] =	ssyncset.done $0x0  }
0xa1: {  	[sflag:s10] =	ssyncadd.s32 $0xFFFFFB00  }
0xa2: {  	_ =	sfence.sel $0x180000  }
0xa3: {  	[bflag:$0x0] =	sbarrier.arrive $0xFFFF  }
0xa4: {  	_ =	strace $0x90000053  }
0xa5: {  	s0 =	stileid.u32;
	[bflag:$0x2] =	sbarrier.arrive $0xFFFF  }
0xa6: {  	p0 =	sne.s32 s0, $0x0;
	s0 =	rddreg [dreg:$0x2]  }
0xa7: {  	s0 =	sadd.s32 @!p0 $0x100000, s0  }
0xa8: {  	[sflag:s0] =	ssyncadd.tile.s32 @!p0 $0x1;
	_ =	shalt  }
.Lfunc_end2:
_tile_overlayer_lowered:
.L_overlay_start_2:
0xa9: {  	(tag) =	ssettag $0x2  }
0xaa: {  	s0 =	rddreg [dreg:$0x0];
	s2 =	stileid.u32  }
0xab: {  	s1 =	rddreg [dreg:$0x1];
	p0 =	sne.s32 s2, $0x0  }
0xac: {  	s3 =	rddreg [dreg:$0x2];
	[bflag:$0x3] =	sbarrier.arrive $0xFFFF;
	s2 =	simm.s32 @!p0 $0x1C06  }
0xad: {  	[timem:s3], [sflag:s2] =	dma.local @!p0 [hbm:s0], s1  }
0xae: {  	s0 =	simm.s32 @!p0 $0x6  }
0xaf: {  	_ =	swait.ge @!p0 [sflag:s0], s1  }
0xb0: {  	s1 =	ssub.s32 @!p0 $0x0, s1;
	[sflag:s0] =	ssyncset.done @!p0 $0x0  }
0xb1: {  	[sflag:s0] =	ssyncadd.s32 @!p0 s1  }
0xb2: {  	[bflag:$0x3] =	sbarrier.arrive $0xFFFF  }
0xb3: {  	_ =	shalt  }

</sc_bundles>
